<compile_context>
chip_gen: v7x
topology: tpu7x:2x2x1
jax: 0.10.2.dev20260603
libtpu: 0.0.44.dev20260713+nightly
codegen_flags: <defaults>
</compile_context>

<pallas_src>
import functools
import math

import jax
import jax.numpy as jnp
from jax import lax
from jax.experimental import pallas as pl
from jax.experimental.pallas import tpu as pltpu
from jax.experimental.pallas import tpu_sc as plsc

B, N, KNN = 4, 4096, 9
NG = 8
C = 10
QB = 512
NTILES = 32
QPT = (B * N) // NTILES
BIGF = 3.0e38



def _knn_body(q_ref, d_ref, out_ref):
    q = q_ref[0]
    d = d_ref[0]
    qx, qy, qz = q[:, 0:1], q[:, 1:2], q[:, 2:3]
    dx, dy, dz = d[0:1, :], d[1:2, :], d[2:3, :]
    t = jax.lax.dot_general(q.astype(jnp.bfloat16), d.astype(jnp.bfloat16),
                            (((1,), (0,)), ((), ())),
                            preferred_element_type=jnp.float32)
    qn = qx * qx + qy * qy + qz * qz
    dn = dx * dx + dy * dy + dz * dz
    dist = -2.0 * t + qn + dn
    iota = lax.broadcasted_iota(jnp.int32, (QB, N), 1).astype(jnp.float32)
    lane16 = lax.broadcasted_iota(jnp.int32, (QB, 16), 1)
    outv = jnp.zeros((QB, 16), jnp.int32)
    for j in range(KNN):
        m = jnp.min(dist, axis=1, keepdims=True)
        cand = jnp.where(dist == m, iota, jnp.float32(N))
        idx = jnp.min(cand, axis=1, keepdims=True)
        outv = jnp.where(lane16 == j, idx.astype(jnp.int32), outv)
        if j + 1 < KNN:
            dist = jnp.where(iota == idx, BIGF, dist)
    out_ref[0] = outv


def _knn_call(center, center_t):
    return pl.pallas_call(
        _knn_body,
        grid=(B, N // QB),
        in_specs=[
            pl.BlockSpec((1, QB, 3), lambda b, q: (b, q, 0)),
            pl.BlockSpec((1, 3, N), lambda b, q: (b, 0, 0)),
        ],
        out_specs=pl.BlockSpec((1, QB, 16), lambda b, q: (b, q, 0)),
        out_shape=jax.ShapeDtypeStruct((B, N, 16), jnp.int32),
    )(center, center_t)



def _sc_gather_body(tab_hbm, idx_hbm, out_hbm, tab_v, idx_v, out_v):
    wid = lax.axis_index("s") * 2 + lax.axis_index("c")
    b = wid // (N // QPT)
    pltpu.sync_copy(tab_hbm.at[b], tab_v)
    pltpu.sync_copy(idx_hbm.at[wid], idx_v)

    def chunk(i, _):
        for j in range(NG):
            iv = idx_v[j, pl.ds(i * 16, 16)]
            for c in range(3):
                out_v[c, j, pl.ds(i * 16, 16)] = plsc.load_gather(
                    tab_v, [iv + c])
        return _

    lax.fori_loop(0, QPT // 16, chunk, 0)
    pltpu.sync_copy(out_v, out_hbm.at[wid])


def _sc_gather_call(tab, gidx3):
    kfn = functools.partial(
        pl.kernel,
        mesh=plsc.VectorSubcoreMesh(core_axis_name="c", subcore_axis_name="s"),
        compiler_params=pltpu.CompilerParams(needs_layout_passes=False),
        out_type=jax.ShapeDtypeStruct((NTILES, 3, NG, QPT), jnp.float32),
        scratch_types=[
            pltpu.VMEM((3 * N,), jnp.float32),
            pltpu.VMEM((NG, QPT), jnp.int32),
            pltpu.VMEM((3, NG, QPT), jnp.float32),
        ],
    )(_sc_gather_body)
    return kfn(tab, gidx3)



_EPS = 1e-10
_CE_PAIRS = [(0, 1), (2, 3), (4, 5), (6, 7),
             (0, 2), (1, 3), (4, 6), (5, 7),
             (1, 2), (5, 6),
             (0, 4), (1, 5), (2, 6), (3, 7),
             (2, 4), (3, 5),
             (1, 2), (3, 4), (5, 6)]


def _atan2_phi(y, x):
    xa = x + 1e-10 * (jnp.abs(x) < 1e-10).astype(jnp.float32)
    ya = y + 1e-10 * (jnp.abs(y) < 1e-10).astype(jnp.float32)
    return jnp.arctan2(ya, xa) / (2.0 * math.pi) + 0.5


def _geom_body(xg_ref, c_ref, feat_ref):
    cx, cy, cz = c_ref[0, 0], c_ref[0, 1], c_ref[0, 2]
    phis, js, xs, ys, zs = [], [], [], [], []
    for j in range(NG):
        x = xg_ref[0, j, 0] - cx
        y = xg_ref[1, j, 0] - cy
        z = xg_ref[2, j, 0] - cz
        xs.append(x); ys.append(y); zs.append(z)
        phis.append(_atan2_phi(y, x))
        js.append(jnp.full(x.shape, j, jnp.int32))
    for (a, b) in _CE_PAIRS:
        swap = (phis[a] > phis[b]) | ((phis[a] == phis[b]) & (js[a] > js[b]))
        for arr in (phis, js, xs, ys, zs):
            na = jnp.where(swap, arr[b], arr[a])
            nb = jnp.where(swap, arr[a], arr[b])
            arr[a], arr[b] = na, nb

    sq3 = jnp.float32(math.sqrt(3.0) + 1e-6)
    smask = None
    feats = []
    for i in range(NG):
        k = (i + 1) % NG
        sx, sy, sz = xs[i], ys[i], zs[i]
        rx, ry, rz = xs[k], ys[k], zs[k]
        nx = sy * rz - sz * ry
        ny = sz * rx - sx * rz
        nz = sx * ry - sy * rx
        norm = jnp.sqrt(nx * nx + ny * ny + nz * nz)
        safe = jnp.where(norm < 1e-6, jnp.float32(1.0), norm)
        ux, uy, uz = nx / safe, ny / safe, nz / safe
        if i == 0:
            smask = jnp.where(ux > 0, jnp.float32(1.0), jnp.float32(-1.0))
        feats.append((ux, uy, uz, sx, sy, sz, rx, ry, rz))

    for i in range(NG):
        ux, uy, uz, sx, sy, sz, rx, ry, rz = feats[i]
        ux, uy, uz = ux * smask, uy * smask, uz * smask
        gx, gy, gz = (sx + rx) / 3.0, (sy + ry) / 3.0, (sz + rz) / 3.0
        rho = jnp.sqrt(gx * gx + gy * gy + gz * gz + _EPS)
        zdr = gz / jnp.maximum(rho, _EPS)
        zdr = jnp.clip(zdr, -1.0 + _EPS, 1.0 - _EPS)
        theta = jnp.arctan2(jnp.sqrt((1.0 - zdr) * (1.0 + zdr)), zdr) / math.pi
        phi = _atan2_phi(gy, gx)
        nn = jnp.sqrt(ux * ux + uy * uy + uz * uz)
        nsafe = jnp.maximum(nn, 1e-6)
        small = nn < 1e-6
        snx = jnp.where(small, jnp.float32(1.0), ux / nsafe)
        sny = jnp.where(small, jnp.float32(0.0), uy / nsafe)
        snz = jnp.where(small, jnp.float32(0.0), uz / nsafe)
        ccx = jnp.clip(gx, -1e6, 1e6)
        ccy = jnp.clip(gy, -1e6, 1e6)
        ccz = jnp.clip(gz, -1e6, 1e6)
        pos = (snx * ccx + sny * ccy + snz * ccz) / sq3
        for ch, val in enumerate((rho, theta, phi, ux, uy, uz, pos,
                                  gx, gy, gz)):
            feat_ref[ch, 0, i] = val


def _geom_call(xg, carr):
    return pl.pallas_call(
        _geom_body,
        grid=(B,),
        in_specs=[
            pl.BlockSpec((3, NG, 1, 32, 128), lambda b: (0, 0, b, 0, 0)),
            pl.BlockSpec((1, 3, 32, 128), lambda b: (b, 0, 0, 0)),
        ],
        out_specs=pl.BlockSpec((C, 1, NG, 32, 128), lambda b: (0, b, 0, 0, 0)),
        out_shape=jax.ShapeDtypeStruct((C, B, NG, 32, 128), jnp.float32),
    )(xg, carr)



_M = B * NG * N
_MS = _M // 128


def _mlp_body(f_ref, w1_ref, g1_ref, be1_ref, w2_ref, cb2_ref, g2_ref,
              be2_ref, w3_ref, cb3_ref, out_ref):
    inv_m = jnp.float32(1.0 / _M)

    def matmul(w_ref, src, bias_ref=None):
        out = []
        for d in range(C):
            acc = w_ref[d, 0] * src[0]
            for c in range(1, C):
                acc = acc + w_ref[d, c] * src[c]
            if bias_ref is not None:
                acc = acc + bias_ref[d]
            out.append(acc)
        return out

    def bn_relu(xs, g_ref, be_ref):
        out = []
        for d in range(C):
            x = xs[d]
            s = jnp.sum(jnp.sum(x, axis=1, keepdims=True), axis=0,
                        keepdims=True)
            s2 = jnp.sum(jnp.sum(x * x, axis=1, keepdims=True), axis=0,
                         keepdims=True)
            mean = s * inv_m
            var = s2 * inv_m - mean * mean
            xh = (x - mean) / jnp.sqrt(var + 1e-5)
            out.append(jnp.maximum(xh * g_ref[d] + be_ref[d], 0.0))
        return out

    feats = [f_ref[c] for c in range(C)]
    x = matmul(w1_ref, feats)
    x = bn_relu(x, g1_ref, be1_ref)
    x = matmul(w2_ref, x, cb2_ref)
    x = bn_relu(x, g2_ref, be2_ref)
    x = matmul(w3_ref, x, cb3_ref)
    for d in range(C):
        v = x[d].reshape(B, NG, 32, 128)
        out_ref[d] = jnp.sum(v, axis=1)


def _mlp_call(feat, W1, g1, be1, W2, cb2, g2, be2, W3, cb3):
    smem = pl.BlockSpec(memory_space=pltpu.MemorySpace.SMEM)
    return pl.pallas_call(
        _mlp_body,
        in_specs=[pl.BlockSpec((C, _MS, 128), lambda: (0, 0, 0)),
                  smem, smem, smem, smem, smem, smem, smem, smem, smem],
        out_specs=pl.BlockSpec((C, B, 32, 128), lambda: (0, 0, 0, 0)),
        out_shape=jax.ShapeDtypeStruct((C, B, 32, 128), jnp.float32),
    )(feat, W1, g1, be1, W2, cb2, g2, be2, W3, cb3)



def kernel(center, W1, g1, be1, W2, cb2, g2, be2, W3, cb3):
    center_t = center.transpose(0, 2, 1)
    knn = _knn_call(center, center_t)

    nbr = knn[:, :, 1:KNN]
    gidx3 = (nbr * 3).transpose(0, 2, 1)
    gidx3 = gidx3.reshape(B, NG, N // QPT, QPT)
    gidx3 = gidx3.transpose(0, 2, 1, 3).reshape(NTILES, NG, QPT)
    tab = center.reshape(B, 3 * N)
    gath = _sc_gather_call(tab, gidx3)

    xg = gath.reshape(B, N // QPT, 3, NG, QPT)
    xg = xg.transpose(2, 3, 0, 1, 4).reshape(3, NG, B, 32, 128)
    carr = center_t.reshape(B, 3, 32, 128)
    feat = _geom_call(xg, carr)

    featm = feat.reshape(C, _MS, 128)
    out = _mlp_call(featm, W1, g1, be1, W2, cb2, g2, be2, W3, cb3)
    return out.reshape(C, B, N).transpose(1, 0, 2)

# --- scband reference (transcript-rebuilt; emitter-appended) ---
"""Pipeline reference for scband-umbrella-surface-constructor-26104811225238 (READ-ONLY COPY).

The authoritative reference and input builder live on the scoring server;
editing this copy changes nothing except your own understanding.
"""

import jax, jax.numpy as jnp
import numpy as np

K = 9
B, N, C = 4, 4096, 10


def square_distance(src, dst):
    dist = -2.0 * jnp.matmul(src, jnp.swapaxes(dst, 1, 2))
    dist = dist + jnp.sum(src ** 2, -1)[:, :, None]
    dist = dist + jnp.sum(dst ** 2, -1)[:, None, :]
    return dist


def xyz2sphere(xyz, normalize=True):
    eps = 1e-10
    rho = jnp.sqrt(jnp.sum(xyz ** 2, axis=-1, keepdims=True) + eps)
    z_div_rho = xyz[..., 2:3] / jnp.maximum(rho, eps)
    theta = jnp.arccos(jnp.clip(z_div_rho, -1.0 + eps, 1.0 - eps))
    x = xyz[..., 0:1] + eps * (jnp.abs(xyz[..., 0:1]) < eps)
    y = xyz[..., 1:2] + eps * (jnp.abs(xyz[..., 1:2]) < eps)
    phi = jnp.arctan2(y, x)
    if normalize:
        theta = theta / np.pi
        phi = phi / (2 * np.pi) + 0.5
    return jnp.concatenate([rho, theta, phi], axis=-1)


def group_by_umbrella(xyz, new_xyz, k):
    dist = square_distance(new_xyz, xyz)
    idx = jnp.argsort(dist, axis=-1)[:, :, :k]
    grouped = jax.vmap(lambda p, i: p[i])(xyz, idx)
    group_xyz = grouped[:, :, 1:]
    group_xyz_norm = group_xyz - new_xyz[:, :, None, :]
    group_phi = xyz2sphere(group_xyz_norm)[..., 2]
    sort_idx = jnp.argsort(group_phi, axis=-1)
    sorted_g = jnp.take_along_axis(group_xyz_norm, sort_idx[..., None], axis=2)[..., None, :]
    rolled = jnp.roll(sorted_g, -1, axis=2)
    centroid = jnp.zeros_like(sorted_g)
    return jnp.concatenate([centroid, sorted_g, rolled], axis=-2)


def cal_normal(group_xyz):
    e1 = group_xyz[..., 1, :] - group_xyz[..., 0, :]
    e2 = group_xyz[..., 2, :] - group_xyz[..., 0, :]
    nor = jnp.cross(e1, e2)
    norm = jnp.linalg.norm(nor, axis=-1, keepdims=True)
    safe = jnp.where(norm < 1e-06, jnp.ones_like(norm), norm)
    unit = nor / safe
    pos_mask = (unit[..., 0:1, 0] > 0).astype(jnp.float32) * 2.0 - 1.0
    return unit * pos_mask[..., None]


def cal_center(group_xyz):
    return jnp.mean(group_xyz, axis=-2)


def cal_const(normal, center):
    eps = 1e-06
    max_val = 1000000.0
    nn_ = jnp.linalg.norm(normal, axis=-1, keepdims=True)
    safe_normal = jnp.where(nn_ < eps, jnp.array([1.0, 0.0, 0.0], dtype=normal.dtype), normal / jnp.maximum(nn_, eps))
    safe_center = jnp.clip(center, -max_val, max_val)
    dot = jnp.sum(safe_normal * safe_center, axis=-1, keepdims=True)
    return dot / (jnp.sqrt(3.0) + eps)


def check_nan_umb(normal, center, pos):
    mask = jnp.sum(jnp.isnan(normal), axis=-1) > 0
    mask_first = jnp.argmax((~mask).astype(jnp.int32), axis=-1)
    idx = mask_first[:, :, None, None]

    def repl(t):
        first = jnp.take_along_axis(t, jnp.broadcast_to(idx, t.shape[:2] + (1, t.shape[-1])), axis=2)
        return jnp.where(mask[..., None], jnp.broadcast_to(first, t.shape), t)

    return repl(normal), repl(center), repl(pos)


def batchnorm(x, gamma, beta):
    mean = jnp.mean(x, axis=(0, 2, 3), keepdims=True)
    var = jnp.mean((x - mean) ** 2, axis=(0, 2, 3), keepdims=True)
    xh = (x - mean) / jnp.sqrt(var + 1e-05)
    return xh * gamma[None, :, None, None] + beta[None, :, None, None]


def setup_inputs(seed: int = 0):
    key = jax.random.key(seed)
    ks = jax.random.split(key, 6)
    center = jax.random.normal(ks[0], (B, N, 3), dtype=jnp.float32)
    W1 = jax.random.normal(ks[1], (C, C), dtype=jnp.float32) * 0.1
    g1 = jnp.ones((C,), dtype=jnp.float32)
    be1 = jnp.zeros((C,), dtype=jnp.float32)
    W2 = jax.random.normal(ks[2], (C, C), dtype=jnp.float32) * 0.1
    cb2 = jax.random.normal(ks[3], (C,), dtype=jnp.float32) * 0.05
    g2 = jnp.ones((C,), dtype=jnp.float32)
    be2 = jnp.zeros((C,), dtype=jnp.float32)
    W3 = jax.random.normal(ks[4], (C, C), dtype=jnp.float32) * 0.1
    cb3 = jax.random.normal(ks[5], (C,), dtype=jnp.float32) * 0.05
    return {"center": center, "W1": W1, "g1": g1, "be1": be1, "W2": W2, "cb2": cb2, "g2": g2, "be2": be2, "W3": W3, "cb3": cb3}


def reference(center, W1, g1, be1, W2, cb2, g2, be2, W3, cb3):
    group_xyz = group_by_umbrella(center, center, K)
    group_normal = cal_normal(group_xyz)
    group_center = cal_center(group_xyz)
    group_polar = xyz2sphere(group_center)
    group_pos = cal_const(group_normal, group_center)
    group_normal, group_center, group_pos = check_nan_umb(group_normal, group_center, group_pos)
    feat = jnp.concatenate([group_polar, group_normal, group_pos, group_center], axis=-1)
    feat = jnp.transpose(feat, (0, 3, 2, 1))
    x = jnp.einsum('bcgn,dc->bdgn', feat, W1)
    x = jax.nn.relu(batchnorm(x, g1, be1))
    x = jnp.einsum('bcgn,dc->bdgn', x, W2) + cb2[None, :, None, None]
    x = jax.nn.relu(batchnorm(x, g2, be2))
    x = jnp.einsum('bcgn,dc->bdgn', x, W3) + cb3[None, :, None, None]
    return jnp.sum(x, axis=2)

if __name__ == "__main__":
    import jax
    _d = setup_inputs()
    print(jax.jit(kernel)(*tuple(_d.values())))

</pallas_src>

<mosaic_0001>
#map = affine_map<(d0, d1) -> (0, 0)>
#map1 = affine_map<(d0, d1) -> (0, 0, 0)>
#map2 = affine_map<(d0, d1) -> (0, 0, 0, 0)>
module attributes {stable_mosaic.version = 14 : i64} {
  func.func @_sc_gather_body(%arg0: i32, %arg1: i32, %arg2: memref<4x12288xf32, #tpu.memory_space<hbm>>, %arg3: memref<32x8x512xi32, #tpu.memory_space<hbm>>, %arg4: memref<32x3x8x512xf32, #tpu.memory_space<hbm>>, %arg5: memref<12288xf32, #tpu.memory_space<vmem>>, %arg6: memref<8x512xi32, #tpu.memory_space<vmem>>, %arg7: memref<3x8x512xf32, #tpu.memory_space<vmem>>) attributes {dimension_semantics = [#tpu.dimension_semantics<core_parallel>, #tpu.dimension_semantics<subcore_parallel>], iteration_bounds = array<i64: 2, 16>, scalar_prefetch = 0 : i64, scratch_operands = 3 : i64, tpu.core_type = #tpu.core_type<sc_vector_subcore>, window_params = [{transform_indices = #map}, {transform_indices = #map1}, {transform_indices = #map2}]} {
    %mul3A = arith.constant 2 : i32
    %mul3A_0 = arith.muli %arg1, %mul3A : i32
    %add3A = arith.addi %mul3A_0, %arg0 : i32
    %jit3A = arith.constant 8 : i32
    %div3A = arith.divsi %add3A, %jit3A : i32
    %sign3A = arith.constant 0 : i32
    %sign3A_1 = arith.cmpi sgt, %add3A, %sign3A : i32
    %sign3A_2 = arith.extui %sign3A_1 : i1 to i32
    %sign3A_3 = arith.constant 0 : i32
    %sign3A_4 = arith.cmpi slt, %add3A, %sign3A_3 : i32
    %sign3A_5 = arith.extui %sign3A_4 : i1 to i32
    %sign3A_6 = arith.subi %sign3A_2, %sign3A_5 : i32
    %sign3A_7 = arith.constant 0 : i32
    %sign3A_8 = arith.cmpi sgt, %jit3A, %sign3A_7 : i32
    %sign3A_9 = arith.extui %sign3A_8 : i1 to i32
    %sign3A_10 = arith.constant 0 : i32
    %sign3A_11 = arith.cmpi slt, %jit3A, %sign3A_10 : i32
    %sign3A_12 = arith.extui %sign3A_11 : i1 to i32
    %sign3A_13 = arith.subi %sign3A_9, %sign3A_12 : i32
    %ne3A = arith.cmpi ne, %sign3A_6, %sign3A_13 : i32
    %rem3A = arith.remsi %add3A, %jit3A : i32
    %ne3A_14 = arith.constant 0 : i32
    %ne3A_15 = arith.cmpi ne, %rem3A, %ne3A_14 : i32
    %and3A = arith.andi %ne3A, %ne3A_15 : i1
    %sub3A = arith.constant 1 : i32
    %sub3A_16 = arith.subi %div3A, %sub3A : i32
    %select_n3A = arith.select %and3A, %sub3A_16, %div3A : i32
    "tpu.region"() ({
      %run_scoped3A = tpu.sem_alloc : memref<!tpu.dma_semaphore, #tpu.memory_space<semaphore_mem>>
      %dma_start3A = arith.constant 0 : i32
      %dma_start3A_22 = tpu.memref_slice %arg2[%select_n3A, %dma_start3A] : memref<4x12288xf32, #tpu.memory_space<hbm>> -> memref<1x12288xf32, #tpu.memory_space<hbm>>
      %dma_start3A_23 = tpu.memref_squeeze %dma_start3A_22 : memref<1x12288xf32, #tpu.memory_space<hbm>> -> memref<12288xf32, #tpu.memory_space<hbm>>
      %dma_start3A_24 = arith.constant 0 : i32
      %dma_start3A_25 = tpu.memref_slice %arg2[%select_n3A, %dma_start3A_24] : memref<4x12288xf32, #tpu.memory_space<hbm>> -> memref<1x12288xf32, #tpu.memory_space<hbm>>
      %dma_start3A_26 = tpu.memref_squeeze %dma_start3A_25 : memref<1x12288xf32, #tpu.memory_space<hbm>> -> memref<12288xf32, #tpu.memory_space<hbm>>
      tpu.enqueue_dma source(%dma_start3A_26 : memref<12288xf32, #tpu.memory_space<hbm>>) target(%arg5 : memref<12288xf32, #tpu.memory_space<vmem>>) target_semaphore(%run_scoped3A : memref<!tpu.dma_semaphore, #tpu.memory_space<semaphore_mem>>)
      %dma_wait3A = arith.constant 0 : i32
      %dma_wait3A_27 = tpu.memref_slice %arg2[%select_n3A, %dma_wait3A] : memref<4x12288xf32, #tpu.memory_space<hbm>> -> memref<1x12288xf32, #tpu.memory_space<hbm>>
      %dma_wait3A_28 = tpu.memref_squeeze %dma_wait3A_27 : memref<1x12288xf32, #tpu.memory_space<hbm>> -> memref<12288xf32, #tpu.memory_space<hbm>>
      %dma_wait3A_29 = arith.constant 0 : i32
      %dma_wait3A_30 = tpu.memref_slice %arg2[%select_n3A, %dma_wait3A_29] : memref<4x12288xf32, #tpu.memory_space<hbm>> -> memref<1x12288xf32, #tpu.memory_space<hbm>>
      %dma_wait3A_31 = tpu.memref_squeeze %dma_wait3A_30 : memref<1x12288xf32, #tpu.memory_space<hbm>> -> memref<12288xf32, #tpu.memory_space<hbm>>
      tpu.wait_dma2 semaphore(%run_scoped3A : memref<!tpu.dma_semaphore, #tpu.memory_space<semaphore_mem>>) src(%dma_wait3A_31 : memref<12288xf32, #tpu.memory_space<hbm>>) dst(%arg5 : memref<12288xf32, #tpu.memory_space<vmem>>)
      tpu.yield
    }) : () -> ()
    "tpu.region"() ({
      %run_scoped3A = tpu.sem_alloc : memref<!tpu.dma_semaphore, #tpu.memory_space<semaphore_mem>>
      %dma_start3A = arith.constant 0 : i32
      %dma_start3A_22 = arith.constant 0 : i32
      %dma_start3A_23 = tpu.memref_slice %arg3[%add3A, %dma_start3A, %dma_start3A_22] : memref<32x8x512xi32, #tpu.memory_space<hbm>> -> memref<1x8x512xi32, #tpu.memory_space<hbm>>
      %dma_start3A_24 = tpu.memref_squeeze %dma_start3A_23 : memref<1x8x512xi32, #tpu.memory_space<hbm>> -> memref<8x512xi32, #tpu.memory_space<hbm>>
      %dma_start3A_25 = arith.constant 0 : i32
      %dma_start3A_26 = arith.constant 0 : i32
      %dma_start3A_27 = tpu.memref_slice %arg3[%add3A, %dma_start3A_25, %dma_start3A_26] : memref<32x8x512xi32, #tpu.memory_space<hbm>> -> memref<1x8x512xi32, #tpu.memory_space<hbm>>
      %dma_start3A_28 = tpu.memref_squeeze %dma_start3A_27 : memref<1x8x512xi32, #tpu.memory_space<hbm>> -> memref<8x512xi32, #tpu.memory_space<hbm>>
      tpu.enqueue_dma source(%dma_start3A_28 : memref<8x512xi32, #tpu.memory_space<hbm>>) target(%arg6 : memref<8x512xi32, #tpu.memory_space<vmem>>) target_semaphore(%run_scoped3A : memref<!tpu.dma_semaphore, #tpu.memory_space<semaphore_mem>>)
      %dma_wait3A = arith.constant 0 : i32
      %dma_wait3A_29 = arith.constant 0 : i32
      %dma_wait3A_30 = tpu.memref_slice %arg3[%add3A, %dma_wait3A, %dma_wait3A_29] : memref<32x8x512xi32, #tpu.memory_space<hbm>> -> memref<1x8x512xi32, #tpu.memory_space<hbm>>
      %dma_wait3A_31 = tpu.memref_squeeze %dma_wait3A_30 : memref<1x8x512xi32, #tpu.memory_space<hbm>> -> memref<8x512xi32, #tpu.memory_space<hbm>>
      %dma_wait3A_32 = arith.constant 0 : i32
      %dma_wait3A_33 = arith.constant 0 : i32
      %dma_wait3A_34 = tpu.memref_slice %arg3[%add3A, %dma_wait3A_32, %dma_wait3A_33] : memref<32x8x512xi32, #tpu.memory_space<hbm>> -> memref<1x8x512xi32, #tpu.memory_space<hbm>>
      %dma_wait3A_35 = tpu.memref_squeeze %dma_wait3A_34 : memref<1x8x512xi32, #tpu.memory_space<hbm>> -> memref<8x512xi32, #tpu.memory_space<hbm>>
      tpu.wait_dma2 semaphore(%run_scoped3A : memref<!tpu.dma_semaphore, #tpu.memory_space<semaphore_mem>>) src(%dma_wait3A_35 : memref<8x512xi32, #tpu.memory_space<hbm>>) dst(%arg6 : memref<8x512xi32, #tpu.memory_space<vmem>>)
      tpu.yield
    }) : () -> ()
    %scan3A = arith.constant 0 : i32
    %scan3A_17 = arith.constant 0 : i32
    %scan3A_18 = arith.constant 32 : i32
    %scan3A_19 = arith.addi %scan3A_17, %scan3A_18 : i32
    %scan3A_20 = arith.constant 1 : i32
    scf.for %scan3A_22 = %scan3A_17 to %scan3A_19 step %scan3A_20  : i32 {
      %mul3A_23 = arith.constant 16 : i32
      %mul3A_24 = arith.muli %scan3A_22, %mul3A_23 : i32
      %get3A = arith.constant 0 : i32
      %get3A_25 = arith.index_cast %get3A : i32 to index
      %get3A_26 = arith.index_cast %mul3A_24 : i32 to index
      %get3A_27 = tpu.vector_load %arg6[%get3A_25, %get3A_26] {strides = array<i32>} : memref<8x512xi32, #tpu.memory_space<vmem>>, vector<16xi32>,
      %add3A_28 = arith.constant 0 : i32
      %add3A_29 = vector.broadcast %add3A_28 : i32 to vector<16xi32>
      %add3A_30 = arith.addi %get3A_27, %add3A_29 : vector<16xi32>
      %gather3A = tpu.vector_load_idx %arg5[%add3A_30] : memref<12288xf32, #tpu.memory_space<vmem>>[vector<16xi32>], vector<16xf32>,
      %mul3A_31 = arith.constant 16 : i32
      %mul3A_32 = arith.muli %scan3A_22, %mul3A_31 : i32
      %swap3A = arith.constant 0 : i32
      %swap3A_33 = arith.constant 0 : i32
      %swap3A_34 = arith.index_cast %swap3A : i32 to index
      %swap3A_35 = arith.index_cast %swap3A_33 : i32 to index
      %swap3A_36 = arith.index_cast %mul3A_32 : i32 to index
      %swap3A_37 = tpu.vector_load %arg7[%swap3A_34, %swap3A_35, %swap3A_36] {strides = array<i32>} : memref<3x8x512xf32, #tpu.memory_space<vmem>>, vector<16xf32>,
      tpu.vector_store %arg7[%swap3A_34, %swap3A_35, %swap3A_36], %gather3A {strides = array<i32>} : memref<3x8x512xf32, #tpu.memory_space<vmem>>, vector<16xf32>,
      %add3A_38 = arith.constant 1 : i32
      %add3A_39 = vector.broadcast %add3A_38 : i32 to vector<16xi32>
      %add3A_40 = arith.addi %get3A_27, %add3A_39 : vector<16xi32>
      %gather3A_41 = tpu.vector_load_idx %arg5[%add3A_40] : memref<12288xf32, #tpu.memory_space<vmem>>[vector<16xi32>], vector<16xf32>,
      %mul3A_42 = arith.constant 16 : i32
      %mul3A_43 = arith.muli %scan3A_22, %mul3A_42 : i32
      %swap3A_44 = arith.constant 1 : i32
      %swap3A_45 = arith.constant 0 : i32
      %swap3A_46 = arith.index_cast %swap3A_44 : i32 to index
      %swap3A_47 = arith.index_cast %swap3A_45 : i32 to index
      %swap3A_48 = arith.index_cast %mul3A_43 : i32 to index
      %swap3A_49 = tpu.vector_load %arg7[%swap3A_46, %swap3A_47, %swap3A_48] {strides = array<i32>} : memref<3x8x512xf32, #tpu.memory_space<vmem>>, vector<16xf32>,
      tpu.vector_store %arg7[%swap3A_46, %swap3A_47, %swap3A_48], %gather3A_41 {strides = array<i32>} : memref<3x8x512xf32, #tpu.memory_space<vmem>>, vector<16xf32>,
      %add3A_50 = arith.constant 2 : i32
      %add3A_51 = vector.broadcast %add3A_50 : i32 to vector<16xi32>
      %add3A_52 = arith.addi %get3A_27, %add3A_51 : vector<16xi32>
      %gather3A_53 = tpu.vector_load_idx %arg5[%add3A_52] : memref<12288xf32, #tpu.memory_space<vmem>>[vector<16xi32>], vector<16xf32>,
      %mul3A_54 = arith.constant 16 : i32
      %mul3A_55 = arith.muli %scan3A_22, %mul3A_54 : i32
      %swap3A_56 = arith.constant 2 : i32
      %swap3A_57 = arith.constant 0 : i32
      %swap3A_58 = arith.index_cast %swap3A_56 : i32 to index
      %swap3A_59 = arith.index_cast %swap3A_57 : i32 to index
      %swap3A_60 = arith.index_cast %mul3A_55 : i32 to index
      %swap3A_61 = tpu.vector_load %arg7[%swap3A_58, %swap3A_59, %swap3A_60] {strides = array<i32>} : memref<3x8x512xf32, #tpu.memory_space<vmem>>, vector<16xf32>,
      tpu.vector_store %arg7[%swap3A_58, %swap3A_59, %swap3A_60], %gather3A_53 {strides = array<i32>} : memref<3x8x512xf32, #tpu.memory_space<vmem>>, vector<16xf32>,
      %mul3A_62 = arith.constant 16 : i32
      %mul3A_63 = arith.muli %scan3A_22, %mul3A_62 : i32
      %get3A_64 = arith.constant 1 : i32
      %get3A_65 = arith.index_cast %get3A_64 : i32 to index
      %get3A_66 = arith.index_cast %mul3A_63 : i32 to index
      %get3A_67 = tpu.vector_load %arg6[%get3A_65, %get3A_66] {strides = array<i32>} : memref<8x512xi32, #tpu.memory_space<vmem>>, vector<16xi32>,
      %add3A_68 = arith.constant 0 : i32
      %add3A_69 = vector.broadcast %add3A_68 : i32 to vector<16xi32>
      %add3A_70 = arith.addi %get3A_67, %add3A_69 : vector<16xi32>
      %gather3A_71 = tpu.vector_load_idx %arg5[%add3A_70] : memref<12288xf32, #tpu.memory_space<vmem>>[vector<16xi32>], vector<16xf32>,
      %mul3A_72 = arith.constant 16 : i32
      %mul3A_73 = arith.muli %scan3A_22, %mul3A_72 : i32
      %swap3A_74 = arith.constant 0 : i32
      %swap3A_75 = arith.constant 1 : i32
      %swap3A_76 = arith.index_cast %swap3A_74 : i32 to index
      %swap3A_77 = arith.index_cast %swap3A_75 : i32 to index
      %swap3A_78 = arith.index_cast %mul3A_73 : i32 to index
      %swap3A_79 = tpu.vector_load %arg7[%swap3A_76, %swap3A_77, %swap3A_78] {strides = array<i32>} : memref<3x8x512xf32, #tpu.memory_space<vmem>>, vector<16xf32>,
      tpu.vector_store %arg7[%swap3A_76, %swap3A_77, %swap3A_78], %gather3A_71 {strides = array<i32>} : memref<3x8x512xf32, #tpu.memory_space<vmem>>, vector<16xf32>,
      %add3A_80 = arith.constant 1 : i32
      %add3A_81 = vector.broadcast %add3A_80 : i32 to vector<16xi32>
      %add3A_82 = arith.addi %get3A_67, %add3A_81 : vector<16xi32>
      %gather3A_83 = tpu.vector_load_idx %arg5[%add3A_82] : memref<12288xf32, #tpu.memory_space<vmem>>[vector<16xi32>], vector<16xf32>,
      %mul3A_84 = arith.constant 16 : i32
      %mul3A_85 = arith.muli %scan3A_22, %mul3A_84 : i32
      %swap3A_86 = arith.constant 1 : i32
      %swap3A_87 = arith.constant 1 : i32
      %swap3A_88 = arith.index_cast %swap3A_86 : i32 to index
      %swap3A_89 = arith.index_cast %swap3A_87 : i32 to index
      %swap3A_90 = arith.index_cast %mul3A_85 : i32 to index
      %swap3A_91 = tpu.vector_load %arg7[%swap3A_88, %swap3A_89, %swap3A_90] {strides = array<i32>} : memref<3x8x512xf32, #tpu.memory_space<vmem>>, vector<16xf32>,
      tpu.vector_store %arg7[%swap3A_88, %swap3A_89, %swap3A_90], %gather3A_83 {strides = array<i32>} : memref<3x8x512xf32, #tpu.memory_space<vmem>>, vector<16xf32>,
      %add3A_92 = arith.constant 2 : i32
      %add3A_93 = vector.broadcast %add3A_92 : i32 to vector<16xi32>
      %add3A_94 = arith.addi %get3A_67, %add3A_93 : vector<16xi32>
      %gather3A_95 = tpu.vector_load_idx %arg5[%add3A_94] : memref<12288xf32, #tpu.memory_space<vmem>>[vector<16xi32>], vector<16xf32>,
      %mul3A_96 = arith.constant 16 : i32
      %mul3A_97 = arith.muli %scan3A_22, %mul3A_96 : i32
      %swap3A_98 = arith.constant 2 : i32
      %swap3A_99 = arith.constant 1 : i32
      %swap3A_100 = arith.index_cast %swap3A_98 : i32 to index
      %swap3A_101 = arith.index_cast %swap3A_99 : i32 to index
      %swap3A_102 = arith.index_cast %mul3A_97 : i32 to index
      %swap3A_103 = tpu.vector_load %arg7[%swap3A_100, %swap3A_101, %swap3A_102] {strides = array<i32>} : memref<3x8x512xf32, #tpu.memory_space<vmem>>, vector<16xf32>,
      tpu.vector_store %arg7[%swap3A_100, %swap3A_101, %swap3A_102], %gather3A_95 {strides = array<i32>} : memref<3x8x512xf32, #tpu.memory_space<vmem>>, vector<16xf32>,
      %mul3A_104 = arith.constant 16 : i32
      %mul3A_105 = arith.muli %scan3A_22, %mul3A_104 : i32
      %get3A_106 = arith.constant 2 : i32
      %get3A_107 = arith.index_cast %get3A_106 : i32 to index
      %get3A_108 = arith.index_cast %mul3A_105 : i32 to index
      %get3A_109 = tpu.vector_load %arg6[%get3A_107, %get3A_108] {strides = array<i32>} : memref<8x512xi32, #tpu.memory_space<vmem>>, vector<16xi32>,
      %add3A_110 = arith.constant 0 : i32
      %add3A_111 = vector.broadcast %add3A_110 : i32 to vector<16xi32>
      %add3A_112 = arith.addi %get3A_109, %add3A_111 : vector<16xi32>
      %gather3A_113 = tpu.vector_load_idx %arg5[%add3A_112] : memref<12288xf32, #tpu.memory_space<vmem>>[vector<16xi32>], vector<16xf32>,
      %mul3A_114 = arith.constant 16 : i32
      %mul3A_115 = arith.muli %scan3A_22, %mul3A_114 : i32
      %swap3A_116 = arith.constant 0 : i32
      %swap3A_117 = arith.constant 2 : i32
      %swap3A_118 = arith.index_cast %swap3A_116 : i32 to index
      %swap3A_119 = arith.index_cast %swap3A_117 : i32 to index
      %swap3A_120 = arith.index_cast %mul3A_115 : i32 to index
      %swap3A_121 = tpu.vector_load %arg7[%swap3A_118, %swap3A_119, %swap3A_120] {strides = array<i32>} : memref<3x8x512xf32, #tpu.memory_space<vmem>>, vector<16xf32>,
      tpu.vector_store %arg7[%swap3A_118, %swap3A_119, %swap3A_120], %gather3A_113 {strides = array<i32>} : memref<3x8x512xf32, #tpu.memory_space<vmem>>, vector<16xf32>,
      %add3A_122 = arith.constant 1 : i32
      %add3A_123 = vector.broadcast %add3A_122 : i32 to vector<16xi32>
      %add3A_124 = arith.addi %get3A_109, %add3A_123 : vector<16xi32>
      %gather3A_125 = tpu.vector_load_idx %arg5[%add3A_124] : memref<12288xf32, #tpu.memory_space<vmem>>[vector<16xi32>], vector<16xf32>,
      %mul3A_126 = arith.constant 16 : i32
      %mul3A_127 = arith.muli %scan3A_22, %mul3A_126 : i32
      %swap3A_128 = arith.constant 1 : i32
      %swap3A_129 = arith.constant 2 : i32
      %swap3A_130 = arith.index_cast %swap3A_128 : i32 to index
      %swap3A_131 = arith.index_cast %swap3A_129 : i32 to index
      %swap3A_132 = arith.index_cast %mul3A_127 : i32 to index
      %swap3A_133 = tpu.vector_load %arg7[%swap3A_130, %swap3A_131, %swap3A_132] {strides = array<i32>} : memref<3x8x512xf32, #tpu.memory_space<vmem>>, vector<16xf32>,
      tpu.vector_store %arg7[%swap3A_130, %swap3A_131, %swap3A_132], %gather3A_125 {strides = array<i32>} : memref<3x8x512xf32, #tpu.memory_space<vmem>>, vector<16xf32>,
      %add3A_134 = arith.constant 2 : i32
      %add3A_135 = vector.broadcast %add3A_134 : i32 to vector<16xi32>
      %add3A_136 = arith.addi %get3A_109, %add3A_135 : vector<16xi32>
      %gather3A_137 = tpu.vector_load_idx %arg5[%add3A_136] : memref<12288xf32, #tpu.memory_space<vmem>>[vector<16xi32>], vector<16xf32>,
      %mul3A_138 = arith.constant 16 : i32
      %mul3A_139 = arith.muli %scan3A_22, %mul3A_138 : i32
      %swap3A_140 = arith.constant 2 : i32
      %swap3A_141 = arith.constant 2 : i32
      %swap3A_142 = arith.index_cast %swap3A_140 : i32 to index
      %swap3A_143 = arith.index_cast %swap3A_141 : i32 to index
      %swap3A_144 = arith.index_cast %mul3A_139 : i32 to index
      %swap3A_145 = tpu.vector_load %arg7[%swap3A_142, %swap3A_143, %swap3A_144] {strides = array<i32>} : memref<3x8x512xf32, #tpu.memory_space<vmem>>, vector<16xf32>,
      tpu.vector_store %arg7[%swap3A_142, %swap3A_143, %swap3A_144], %gather3A_137 {strides = array<i32>} : memref<3x8x512xf32, #tpu.memory_space<vmem>>, vector<16xf32>,
      %mul3A_146 = arith.constant 16 : i32
      %mul3A_147 = arith.muli %scan3A_22, %mul3A_146 : i32
      %get3A_148 = arith.constant 3 : i32
      %get3A_149 = arith.index_cast %get3A_148 : i32 to index
      %get3A_150 = arith.index_cast %mul3A_147 : i32 to index
      %get3A_151 = tpu.vector_load %arg6[%get3A_149, %get3A_150] {strides = array<i32>} : memref<8x512xi32, #tpu.memory_space<vmem>>, vector<16xi32>,
      %add3A_152 = arith.constant 0 : i32
      %add3A_153 = vector.broadcast %add3A_152 : i32 to vector<16xi32>
      %add3A_154 = arith.addi %get3A_151, %add3A_153 : vector<16xi32>
      %gather3A_155 = tpu.vector_load_idx %arg5[%add3A_154] : memref<12288xf32, #tpu.memory_space<vmem>>[vector<16xi32>], vector<16xf32>,
      %mul3A_156 = arith.constant 16 : i32
      %mul3A_157 = arith.muli %scan3A_22, %mul3A_156 : i32
      %swap3A_158 = arith.constant 0 : i32
      %swap3A_159 = arith.constant 3 : i32
      %swap3A_160 = arith.index_cast %swap3A_158 : i32 to index
      %swap3A_161 = arith.index_cast %swap3A_159 : i32 to index
      %swap3A_162 = arith.index_cast %mul3A_157 : i32 to index
      %swap3A_163 = tpu.vector_load %arg7[%swap3A_160, %swap3A_161, %swap3A_162] {strides = array<i32>} : memref<3x8x512xf32, #tpu.memory_space<vmem>>, vector<16xf32>,
      tpu.vector_store %arg7[%swap3A_160, %swap3A_161, %swap3A_162], %gather3A_155 {strides = array<i32>} : memref<3x8x512xf32, #tpu.memory_space<vmem>>, vector<16xf32>,
      %add3A_164 = arith.constant 1 : i32
      %add3A_165 = vector.broadcast %add3A_164 : i32 to vector<16xi32>
      %add3A_166 = arith.addi %get3A_151, %add3A_165 : vector<16xi32>
      %gather3A_167 = tpu.vector_load_idx %arg5[%add3A_166] : memref<12288xf32, #tpu.memory_space<vmem>>[vector<16xi32>], vector<16xf32>,
      %mul3A_168 = arith.constant 16 : i32
      %mul3A_169 = arith.muli %scan3A_22, %mul3A_168 : i32
      %swap3A_170 = arith.constant 1 : i32
      %swap3A_171 = arith.constant 3 : i32
      %swap3A_172 = arith.index_cast %swap3A_170 : i32 to index
      %swap3A_173 = arith.index_cast %swap3A_171 : i32 to index
      %swap3A_174 = arith.index_cast %mul3A_169 : i32 to index
      %swap3A_175 = tpu.vector_load %arg7[%swap3A_172, %swap3A_173, %swap3A_174] {strides = array<i32>} : memref<3x8x512xf32, #tpu.memory_space<vmem>>, vector<16xf32>,
      tpu.vector_store %arg7[%swap3A_172, %swap3A_173, %swap3A_174], %gather3A_167 {strides = array<i32>} : memref<3x8x512xf32, #tpu.memory_space<vmem>>, vector<16xf32>,
      %add3A_176 = arith.constant 2 : i32
      %add3A_177 = vector.broadcast %add3A_176 : i32 to vector<16xi32>
      %add3A_178 = arith.addi %get3A_151, %add3A_177 : vector<16xi32>
      %gather3A_179 = tpu.vector_load_idx %arg5[%add3A_178] : memref<12288xf32, #tpu.memory_space<vmem>>[vector<16xi32>], vector<16xf32>,
      %mul3A_180 = arith.constant 16 : i32
      %mul3A_181 = arith.muli %scan3A_22, %mul3A_180 : i32
      %swap3A_182 = arith.constant 2 : i32
      %swap3A_183 = arith.constant 3 : i32
      %swap3A_184 = arith.index_cast %swap3A_182 : i32 to index
      %swap3A_185 = arith.index_cast %swap3A_183 : i32 to index
      %swap3A_186 = arith.index_cast %mul3A_181 : i32 to index
      %swap3A_187 = tpu.vector_load %arg7[%swap3A_184, %swap3A_185, %swap3A_186] {strides = array<i32>} : memref<3x8x512xf32, #tpu.memory_space<vmem>>, vector<16xf32>,
      tpu.vector_store %arg7[%swap3A_184, %swap3A_185, %swap3A_186], %gather3A_179 {strides = array<i32>} : memref<3x8x512xf32, #tpu.memory_space<vmem>>, vector<16xf32>,
      %mul3A_188 = arith.constant 16 : i32
      %mul3A_189 = arith.muli %scan3A_22, %mul3A_188 : i32
      %get3A_190 = arith.constant 4 : i32
      %get3A_191 = arith.index_cast %get3A_190 : i32 to index
      %get3A_192 = arith.index_cast %mul3A_189 : i32 to index
      %get3A_193 = tpu.vector_load %arg6[%get3A_191, %get3A_192] {strides = array<i32>} : memref<8x512xi32, #tpu.memory_space<vmem>>, vector<16xi32>,
      %add3A_194 = arith.constant 0 : i32
      %add3A_195 = vector.broadcast %add3A_194 : i32 to vector<16xi32>
      %add3A_196 = arith.addi %get3A_193, %add3A_195 : vector<16xi32>
      %gather3A_197 = tpu.vector_load_idx %arg5[%add3A_196] : memref<12288xf32, #tpu.memory_space<vmem>>[vector<16xi32>], vector<16xf32>,
      %mul3A_198 = arith.constant 16 : i32
      %mul3A_199 = arith.muli %scan3A_22, %mul3A_198 : i32
      %swap3A_200 = arith.constant 0 : i32
      %swap3A_201 = arith.constant 4 : i32
      %swap3A_202 = arith.index_cast %swap3A_200 : i32 to index
      %swap3A_203 = arith.index_cast %swap3A_201 : i32 to index
      %swap3A_204 = arith.index_cast %mul3A_199 : i32 to index
      %swap3A_205 = tpu.vector_load %arg7[%swap3A_202, %swap3A_203, %swap3A_204] {strides = array<i32>} : memref<3x8x512xf32, #tpu.memory_space<vmem>>, vector<16xf32>,
      tpu.vector_store %arg7[%swap3A_202, %swap3A_203, %swap3A_204], %gather3A_197 {strides = array<i32>} : memref<3x8x512xf32, #tpu.memory_space<vmem>>, vector<16xf32>,
      %add3A_206 = arith.constant 1 : i32
      %add3A_207 = vector.broadcast %add3A_206 : i32 to vector<16xi32>
      %add3A_208 = arith.addi %get3A_193, %add3A_207 : vector<16xi32>
      %gather3A_209 = tpu.vector_load_idx %arg5[%add3A_208] : memref<12288xf32, #tpu.memory_space<vmem>>[vector<16xi32>], vector<16xf32>,
      %mul3A_210 = arith.constant 16 : i32
      %mul3A_211 = arith.muli %scan3A_22, %mul3A_210 : i32
      %swap3A_212 = arith.constant 1 : i32
      %swap3A_213 = arith.constant 4 : i32
      %swap3A_214 = arith.index_cast %swap3A_212 : i32 to index
      %swap3A_215 = arith.index_cast %swap3A_213 : i32 to index
      %swap3A_216 = arith.index_cast %mul3A_211 : i32 to index
      %swap3A_217 = tpu.vector_load %arg7[%swap3A_214, %swap3A_215, %swap3A_216] {strides = array<i32>} : memref<3x8x512xf32, #tpu.memory_space<vmem>>, vector<16xf32>,
      tpu.vector_store %arg7[%swap3A_214, %swap3A_215, %swap3A_216], %gather3A_209 {strides = array<i32>} : memref<3x8x512xf32, #tpu.memory_space<vmem>>, vector<16xf32>,
      %add3A_218 = arith.constant 2 : i32
      %add3A_219 = vector.broadcast %add3A_218 : i32 to vector<16xi32>
      %add3A_220 = arith.addi %get3A_193, %add3A_219 : vector<16xi32>
      %gather3A_221 = tpu.vector_load_idx %arg5[%add3A_220] : memref<12288xf32, #tpu.memory_space<vmem>>[vector<16xi32>], vector<16xf32>,
      %mul3A_222 = arith.constant 16 : i32
      %mul3A_223 = arith.muli %scan3A_22, %mul3A_222 : i32
      %swap3A_224 = arith.constant 2 : i32
      %swap3A_225 = arith.constant 4 : i32
      %swap3A_226 = arith.index_cast %swap3A_224 : i32 to index
      %swap3A_227 = arith.index_cast %swap3A_225 : i32 to index
      %swap3A_228 = arith.index_cast %mul3A_223 : i32 to index
      %swap3A_229 = tpu.vector_load %arg7[%swap3A_226, %swap3A_227, %swap3A_228] {strides = array<i32>} : memref<3x8x512xf32, #tpu.memory_space<vmem>>, vector<16xf32>,
      tpu.vector_store %arg7[%swap3A_226, %swap3A_227, %swap3A_228], %gather3A_221 {strides = array<i32>} : memref<3x8x512xf32, #tpu.memory_space<vmem>>, vector<16xf32>,
      %mul3A_230 = arith.constant 16 : i32
      %mul3A_231 = arith.muli %scan3A_22, %mul3A_230 : i32
      %get3A_232 = arith.constant 5 : i32
      %get3A_233 = arith.index_cast %get3A_232 : i32 to index
      %get3A_234 = arith.index_cast %mul3A_231 : i32 to index
      %get3A_235 = tpu.vector_load %arg6[%get3A_233, %get3A_234] {strides = array<i32>} : memref<8x512xi32, #tpu.memory_space<vmem>>, vector<16xi32>,
      %add3A_236 = arith.constant 0 : i32
      %add3A_237 = vector.broadcast %add3A_236 : i32 to vector<16xi32>
      %add3A_238 = arith.addi %get3A_235, %add3A_237 : vector<16xi32>
      %gather3A_239 = tpu.vector_load_idx %arg5[%add3A_238] : memref<12288xf32, #tpu.memory_space<vmem>>[vector<16xi32>], vector<16xf32>,
      %mul3A_240 = arith.constant 16 : i32
      %mul3A_241 = arith.muli %scan3A_22, %mul3A_240 : i32
      %swap3A_242 = arith.constant 0 : i32
      %swap3A_243 = arith.constant 5 : i32
      %swap3A_244 = arith.index_cast %swap3A_242 : i32 to index
      %swap3A_245 = arith.index_cast %swap3A_243 : i32 to index
      %swap3A_246 = arith.index_cast %mul3A_241 : i32 to index
      %swap3A_247 = tpu.vector_load %arg7[%swap3A_244, %swap3A_245, %swap3A_246] {strides = array<i32>} : memref<3x8x512xf32, #tpu.memory_space<vmem>>, vector<16xf32>,
      tpu.vector_store %arg7[%swap3A_244, %swap3A_245, %swap3A_246], %gather3A_239 {strides = array<i32>} : memref<3x8x512xf32, #tpu.memory_space<vmem>>, vector<16xf32>,
      %add3A_248 = arith.constant 1 : i32
      %add3A_249 = vector.broadcast %add3A_248 : i32 to vector<16xi32>
      %add3A_250 = arith.addi %get3A_235, %add3A_249 : vector<16xi32>
      %gather3A_251 = tpu.vector_load_idx %arg5[%add3A_250] : memref<12288xf32, #tpu.memory_space<vmem>>[vector<16xi32>], vector<16xf32>,
      %mul3A_252 = arith.constant 16 : i32
      %mul3A_253 = arith.muli %scan3A_22, %mul3A_252 : i32
      %swap3A_254 = arith.constant 1 : i32
      %swap3A_255 = arith.constant 5 : i32
      %swap3A_256 = arith.index_cast %swap3A_254 : i32 to index
      %swap3A_257 = arith.index_cast %swap3A_255 : i32 to index
      %swap3A_258 = arith.index_cast %mul3A_253 : i32 to index
      %swap3A_259 = tpu.vector_load %arg7[%swap3A_256, %swap3A_257, %swap3A_258] {strides = array<i32>} : memref<3x8x512xf32, #tpu.memory_space<vmem>>, vector<16xf32>,
      tpu.vector_store %arg7[%swap3A_256, %swap3A_257, %swap3A_258], %gather3A_251 {strides = array<i32>} : memref<3x8x512xf32, #tpu.memory_space<vmem>>, vector<16xf32>,
      %add3A_260 = arith.constant 2 : i32
      %add3A_261 = vector.broadcast %add3A_260 : i32 to vector<16xi32>
      %add3A_262 = arith.addi %get3A_235, %add3A_261 : vector<16xi32>
      %gather3A_263 = tpu.vector_load_idx %arg5[%add3A_262] : memref<12288xf32, #tpu.memory_space<vmem>>[vector<16xi32>], vector<16xf32>,
      %mul3A_264 = arith.constant 16 : i32
      %mul3A_265 = arith.muli %scan3A_22, %mul3A_264 : i32
      %swap3A_266 = arith.constant 2 : i32
      %swap3A_267 = arith.constant 5 : i32
      %swap3A_268 = arith.index_cast %swap3A_266 : i32 to index
      %swap3A_269 = arith.index_cast %swap3A_267 : i32 to index
      %swap3A_270 = arith.index_cast %mul3A_265 : i32 to index
      %swap3A_271 = tpu.vector_load %arg7[%swap3A_268, %swap3A_269, %swap3A_270] {strides = array<i32>} : memref<3x8x512xf32, #tpu.memory_space<vmem>>, vector<16xf32>,
      tpu.vector_store %arg7[%swap3A_268, %swap3A_269, %swap3A_270], %gather3A_263 {strides = array<i32>} : memref<3x8x512xf32, #tpu.memory_space<vmem>>, vector<16xf32>,
      %mul3A_272 = arith.constant 16 : i32
      %mul3A_273 = arith.muli %scan3A_22, %mul3A_272 : i32
      %get3A_274 = arith.constant 6 : i32
      %get3A_275 = arith.index_cast %get3A_274 : i32 to index
      %get3A_276 = arith.index_cast %mul3A_273 : i32 to index
      %get3A_277 = tpu.vector_load %arg6[%get3A_275, %get3A_276] {strides = array<i32>} : memref<8x512xi32, #tpu.memory_space<vmem>>, vector<16xi32>,
      %add3A_278 = arith.constant 0 : i32
      %add3A_279 = vector.broadcast %add3A_278 : i32 to vector<16xi32>
      %add3A_280 = arith.addi %get3A_277, %add3A_279 : vector<16xi32>
      %gather3A_281 = tpu.vector_load_idx %arg5[%add3A_280] : memref<12288xf32, #tpu.memory_space<vmem>>[vector<16xi32>], vector<16xf32>,
      %mul3A_282 = arith.constant 16 : i32
      %mul3A_283 = arith.muli %scan3A_22, %mul3A_282 : i32
      %swap3A_284 = arith.constant 0 : i32
      %swap3A_285 = arith.constant 6 : i32
      %swap3A_286 = arith.index_cast %swap3A_284 : i32 to index
      %swap3A_287 = arith.index_cast %swap3A_285 : i32 to index
      %swap3A_288 = arith.index_cast %mul3A_283 : i32 to index
      %swap3A_289 = tpu.vector_load %arg7[%swap3A_286, %swap3A_287, %swap3A_288] {strides = array<i32>} : memref<3x8x512xf32, #tpu.memory_space<vmem>>, vector<16xf32>,
      tpu.vector_store %arg7[%swap3A_286, %swap3A_287, %swap3A_288], %gather3A_281 {strides = array<i32>} : memref<3x8x512xf32, #tpu.memory_space<vmem>>, vector<16xf32>,
      %add3A_290 = arith.constant 1 : i32
      %add3A_291 = vector.broadcast %add3A_290 : i32 to vector<16xi32>
      %add3A_292 = arith.addi %get3A_277, %add3A_291 : vector<16xi32>
      %gather3A_293 = tpu.vector_load_idx %arg5[%add3A_292] : memref<12288xf32, #tpu.memory_space<vmem>>[vector<16xi32>], vector<16xf32>,
      %mul3A_294 = arith.constant 16 : i32
      %mul3A_295 = arith.muli %scan3A_22, %mul3A_294 : i32
      %swap3A_296 = arith.constant 1 : i32
      %swap3A_297 = arith.constant 6 : i32
      %swap3A_298 = arith.index_cast %swap3A_296 : i32 to index
      %swap3A_299 = arith.index_cast %swap3A_297 : i32 to index
      %swap3A_300 = arith.index_cast %mul3A_295 : i32 to index
      %swap3A_301 = tpu.vector_load %arg7[%swap3A_298, %swap3A_299, %swap3A_300] {strides = array<i32>} : memref<3x8x512xf32, #tpu.memory_space<vmem>>, vector<16xf32>,
      tpu.vector_store %arg7[%swap3A_298, %swap3A_299, %swap3A_300], %gather3A_293 {strides = array<i32>} : memref<3x8x512xf32, #tpu.memory_space<vmem>>, vector<16xf32>,
      %add3A_302 = arith.constant 2 : i32
      %add3A_303 = vector.broadcast %add3A_302 : i32 to vector<16xi32>
      %add3A_304 = arith.addi %get3A_277, %add3A_303 : vector<16xi32>
      %gather3A_305 = tpu.vector_load_idx %arg5[%add3A_304] : memref<12288xf32, #tpu.memory_space<vmem>>[vector<16xi32>], vector<16xf32>,
      %mul3A_306 = arith.constant 16 : i32
      %mul3A_307 = arith.muli %scan3A_22, %mul3A_306 : i32
      %swap3A_308 = arith.constant 2 : i32
      %swap3A_309 = arith.constant 6 : i32
      %swap3A_310 = arith.index_cast %swap3A_308 : i32 to index
      %swap3A_311 = arith.index_cast %swap3A_309 : i32 to index
      %swap3A_312 = arith.index_cast %mul3A_307 : i32 to index
      %swap3A_313 = tpu.vector_load %arg7[%swap3A_310, %swap3A_311, %swap3A_312] {strides = array<i32>} : memref<3x8x512xf32, #tpu.memory_space<vmem>>, vector<16xf32>,
      tpu.vector_store %arg7[%swap3A_310, %swap3A_311, %swap3A_312], %gather3A_305 {strides = array<i32>} : memref<3x8x512xf32, #tpu.memory_space<vmem>>, vector<16xf32>,
      %mul3A_314 = arith.constant 16 : i32
      %mul3A_315 = arith.muli %scan3A_22, %mul3A_314 : i32
      %get3A_316 = arith.constant 7 : i32
      %get3A_317 = arith.index_cast %get3A_316 : i32 to index
      %get3A_318 = arith.index_cast %mul3A_315 : i32 to index
      %get3A_319 = tpu.vector_load %arg6[%get3A_317, %get3A_318] {strides = array<i32>} : memref<8x512xi32, #tpu.memory_space<vmem>>, vector<16xi32>,
      %add3A_320 = arith.constant 0 : i32
      %add3A_321 = vector.broadcast %add3A_320 : i32 to vector<16xi32>
      %add3A_322 = arith.addi %get3A_319, %add3A_321 : vector<16xi32>
      %gather3A_323 = tpu.vector_load_idx %arg5[%add3A_322] : memref<12288xf32, #tpu.memory_space<vmem>>[vector<16xi32>], vector<16xf32>,
      %mul3A_324 = arith.constant 16 : i32
      %mul3A_325 = arith.muli %scan3A_22, %mul3A_324 : i32
      %swap3A_326 = arith.constant 0 : i32
      %swap3A_327 = arith.constant 7 : i32
      %swap3A_328 = arith.index_cast %swap3A_326 : i32 to index
      %swap3A_329 = arith.index_cast %swap3A_327 : i32 to index
      %swap3A_330 = arith.index_cast %mul3A_325 : i32 to index
      %swap3A_331 = tpu.vector_load %arg7[%swap3A_328, %swap3A_329, %swap3A_330] {strides = array<i32>} : memref<3x8x512xf32, #tpu.memory_space<vmem>>, vector<16xf32>,
      tpu.vector_store %arg7[%swap3A_328, %swap3A_329, %swap3A_330], %gather3A_323 {strides = array<i32>} : memref<3x8x512xf32, #tpu.memory_space<vmem>>, vector<16xf32>,
      %add3A_332 = arith.constant 1 : i32
      %add3A_333 = vector.broadcast %add3A_332 : i32 to vector<16xi32>
      %add3A_334 = arith.addi %get3A_319, %add3A_333 : vector<16xi32>
      %gather3A_335 = tpu.vector_load_idx %arg5[%add3A_334] : memref<12288xf32, #tpu.memory_space<vmem>>[vector<16xi32>], vector<16xf32>,
      %mul3A_336 = arith.constant 16 : i32
      %mul3A_337 = arith.muli %scan3A_22, %mul3A_336 : i32
      %swap3A_338 = arith.constant 1 : i32
      %swap3A_339 = arith.constant 7 : i32
      %swap3A_340 = arith.index_cast %swap3A_338 : i32 to index
      %swap3A_341 = arith.index_cast %swap3A_339 : i32 to index
      %swap3A_342 = arith.index_cast %mul3A_337 : i32 to index
      %swap3A_343 = tpu.vector_load %arg7[%swap3A_340, %swap3A_341, %swap3A_342] {strides = array<i32>} : memref<3x8x512xf32, #tpu.memory_space<vmem>>, vector<16xf32>,
      tpu.vector_store %arg7[%swap3A_340, %swap3A_341, %swap3A_342], %gather3A_335 {strides = array<i32>} : memref<3x8x512xf32, #tpu.memory_space<vmem>>, vector<16xf32>,
      %add3A_344 = arith.constant 2 : i32
      %add3A_345 = vector.broadcast %add3A_344 : i32 to vector<16xi32>
      %add3A_346 = arith.addi %get3A_319, %add3A_345 : vector<16xi32>
      %gather3A_347 = tpu.vector_load_idx %arg5[%add3A_346] : memref<12288xf32, #tpu.memory_space<vmem>>[vector<16xi32>], vector<16xf32>,
      %mul3A_348 = arith.constant 16 : i32
      %mul3A_349 = arith.muli %scan3A_22, %mul3A_348 : i32
      %swap3A_350 = arith.constant 2 : i32
      %swap3A_351 = arith.constant 7 : i32
      %swap3A_352 = arith.index_cast %swap3A_350 : i32 to index
      %swap3A_353 = arith.index_cast %swap3A_351 : i32 to index
      %swap3A_354 = arith.index_cast %mul3A_349 : i32 to index
      %swap3A_355 = tpu.vector_load %arg7[%swap3A_352, %swap3A_353, %swap3A_354] {strides = array<i32>} : memref<3x8x512xf32, #tpu.memory_space<vmem>>, vector<16xf32>,
      tpu.vector_store %arg7[%swap3A_352, %swap3A_353, %swap3A_354], %gather3A_347 {strides = array<i32>} : memref<3x8x512xf32, #tpu.memory_space<vmem>>, vector<16xf32>,
    }
    %scan3A_21 = arith.constant 32 : i32
    "tpu.region"() ({
      %run_scoped3A = tpu.sem_alloc : memref<!tpu.dma_semaphore, #tpu.memory_space<semaphore_mem>>
      %dma_start3A = arith.constant 0 : i32
      %dma_start3A_22 = arith.constant 0 : i32
      %dma_start3A_23 = arith.constant 0 : i32
      %dma_start3A_24 = tpu.memref_slice %arg4[%add3A, %dma_start3A, %dma_start3A_22, %dma_start3A_23] : memref<32x3x8x512xf32, #tpu.memory_space<hbm>> -> memref<1x3x8x512xf32, #tpu.memory_space<hbm>>
      %dma_start3A_25 = tpu.memref_squeeze %dma_start3A_24 : memref<1x3x8x512xf32, #tpu.memory_space<hbm>> -> memref<3x8x512xf32, #tpu.memory_space<hbm>>
      %dma_start3A_26 = arith.constant 0 : i32
      %dma_start3A_27 = arith.constant 0 : i32
      %dma_start3A_28 = arith.constant 0 : i32
      %dma_start3A_29 = tpu.memref_slice %arg4[%add3A, %dma_start3A_26, %dma_start3A_27, %dma_start3A_28] : memref<32x3x8x512xf32, #tpu.memory_space<hbm>> -> memref<1x3x8x512xf32, #tpu.memory_space<hbm>>
      %dma_start3A_30 = tpu.memref_squeeze %dma_start3A_29 : memref<1x3x8x512xf32, #tpu.memory_space<hbm>> -> memref<3x8x512xf32, #tpu.memory_space<hbm>>
      tpu.enqueue_dma source(%arg7 : memref<3x8x512xf32, #tpu.memory_space<vmem>>) target(%dma_start3A_30 : memref<3x8x512xf32, #tpu.memory_space<hbm>>) target_semaphore(%run_scoped3A : memref<!tpu.dma_semaphore, #tpu.memory_space<semaphore_mem>>)
      %dma_wait3A = arith.constant 0 : i32
      %dma_wait3A_31 = arith.constant 0 : i32
      %dma_wait3A_32 = arith.constant 0 : i32
      %dma_wait3A_33 = tpu.memref_slice %arg4[%add3A, %dma_wait3A, %dma_wait3A_31, %dma_wait3A_32] : memref<32x3x8x512xf32, #tpu.memory_space<hbm>> -> memref<1x3x8x512xf32, #tpu.memory_space<hbm>>
      %dma_wait3A_34 = tpu.memref_squeeze %dma_wait3A_33 : memref<1x3x8x512xf32, #tpu.memory_space<hbm>> -> memref<3x8x512xf32, #tpu.memory_space<hbm>>
      %dma_wait3A_35 = arith.constant 0 : i32
      %dma_wait3A_36 = arith.constant 0 : i32
      %dma_wait3A_37 = arith.constant 0 : i32
      %dma_wait3A_38 = tpu.memref_slice %arg4[%add3A, %dma_wait3A_35, %dma_wait3A_36, %dma_wait3A_37] : memref<32x3x8x512xf32, #tpu.memory_space<hbm>> -> memref<1x3x8x512xf32, #tpu.memory_space<hbm>>
      %dma_wait3A_39 = tpu.memref_squeeze %dma_wait3A_38 : memref<1x3x8x512xf32, #tpu.memory_space<hbm>> -> memref<3x8x512xf32, #tpu.memory_space<hbm>>
      tpu.wait_dma2 semaphore(%run_scoped3A : memref<!tpu.dma_semaphore, #tpu.memory_space<semaphore_mem>>) src(%arg7 : memref<3x8x512xf32, #tpu.memory_space<vmem>>) dst(%dma_wait3A_39 : memref<3x8x512xf32, #tpu.memory_space<hbm>>)
      tpu.yield
    }) : () -> ()
    return
  }
}

module attributes {stable_mosaic.version = 14 : i64} {
  func.func @_knn_body(%arg0: i32, %arg1: i32, %arg2: memref<1x512x3xf32, #tpu.memory_space<vmem>>, %arg3: memref<1x3x4096xf32, #tpu.memory_space<vmem>>, %arg4: memref<1x512x16xi32, #tpu.memory_space<vmem>>) attributes {dimension_semantics = [#tpu.dimension_semantics<arbitrary>, #tpu.dimension_semantics<arbitrary>], iteration_bounds = array<i64: 4, 8>, scalar_prefetch = 0 : i64, scratch_operands = 0 : i64, tpu.core_type = #tpu.core_type<tc>, window_params = [{transform_indices = @transform_0, window_bounds = array<i64: 1, 512, 3>}, {transform_indices = @transform_1, window_bounds = array<i64: 1, 3, 4096>}, {transform_indices = @transform_2, window_bounds = array<i64: 1, 512, 16>}]} {
    %get3A = arith.constant 0 : index
    %get3A_0 = arith.constant 0 : index
    %get3A_1 = arith.constant 0 : index
    %get3A_2 = vector.load %arg2[%get3A, %get3A_0, %get3A_1] : memref<1x512x3xf32, #tpu.memory_space<vmem>>, vector<1x512x3xf32>
    %get3A_3 = vector.shape_cast %get3A_2 : vector<1x512x3xf32> to vector<512x3xf32>
    %get3A_4 = arith.constant 0 : index
    %get3A_5 = arith.constant 0 : index
    %get3A_6 = arith.constant 0 : index
    %get3A_7 = vector.load %arg3[%get3A_4, %get3A_5, %get3A_6] : memref<1x3x4096xf32, #tpu.memory_space<vmem>>, vector<1x3x4096xf32>
    %get3A_8 = vector.shape_cast %get3A_7 : vector<1x3x4096xf32> to vector<3x4096xf32>
    %slice3A = vector.extract_strided_slice %get3A_3 {offsets = [0, 0], sizes = [512, 1], strides = [1, 1]} : vector<512x3xf32> to vector<512x1xf32>
    %slice3A_9 = vector.extract_strided_slice %get3A_3 {offsets = [0, 1], sizes = [512, 1], strides = [1, 1]} : vector<512x3xf32> to vector<512x1xf32>
    %slice3A_10 = vector.extract_strided_slice %get3A_3 {offsets = [0, 2], sizes = [512, 1], strides = [1, 1]} : vector<512x3xf32> to vector<512x1xf32>
    %slice3A_11 = vector.extract_strided_slice %get3A_8 {offsets = [0, 0], sizes = [1, 4096], strides = [1, 1]} : vector<3x4096xf32> to vector<1x4096xf32>
    %slice3A_12 = vector.extract_strided_slice %get3A_8 {offsets = [1, 0], sizes = [1, 4096], strides = [1, 1]} : vector<3x4096xf32> to vector<1x4096xf32>
    %slice3A_13 = vector.extract_strided_slice %get3A_8 {offsets = [2, 0], sizes = [1, 4096], strides = [1, 1]} : vector<3x4096xf32> to vector<1x4096xf32>
    %convert_element_type3A = arith.truncf %get3A_3 : vector<512x3xf32> to vector<512x3xbf16>
    %convert_element_type3A_14 = arith.truncf %get3A_8 : vector<3x4096xf32> to vector<3x4096xbf16>
    %dot_general3A = arith.constant dense<0.000000e+00> : vector<512x4096xf32>
    %dot_general3A_15 = tpu.matmul %convert_element_type3A, %convert_element_type3A_14, %dot_general3A {dimension_numbers = #tpu.dot_dimension_numbers<[1], [0], [0], [1], [0, 0, 1, 1], [], []>, transpose_lhs_hint = false} : vector<512x3xbf16>, vector<3x4096xbf16>, vector<512x4096xf32> -> vector<512x4096xf32>
    %mul3A = arith.mulf %slice3A, %slice3A : vector<512x1xf32>
    %mul3A_16 = arith.mulf %slice3A_9, %slice3A_9 : vector<512x1xf32>
    %add3A = arith.addf %mul3A, %mul3A_16 : vector<512x1xf32>
    %mul3A_17 = arith.mulf %slice3A_10, %slice3A_10 : vector<512x1xf32>
    %add3A_18 = arith.addf %add3A, %mul3A_17 : vector<512x1xf32>
    %mul3A_19 = arith.mulf %slice3A_11, %slice3A_11 : vector<1x4096xf32>
    %mul3A_20 = arith.mulf %slice3A_12, %slice3A_12 : vector<1x4096xf32>
    %add3A_21 = arith.addf %mul3A_19, %mul3A_20 : vector<1x4096xf32>
    %mul3A_22 = arith.mulf %slice3A_13, %slice3A_13 : vector<1x4096xf32>
    %add3A_23 = arith.addf %add3A_21, %mul3A_22 : vector<1x4096xf32>
    %mul3A_24 = arith.constant -2.000000e+00 : f32
    %mul3A_25 = vector.broadcast %mul3A_24 : f32 to vector<512x4096xf32>
    %mul3A_26 = arith.mulf %mul3A_25, %dot_general3A_15 : vector<512x4096xf32>
    %add3A_27 = vector.broadcast %add3A_18 : vector<512x1xf32> to vector<512x4096xf32>
    %add3A_28 = arith.addf %mul3A_26, %add3A_27 : vector<512x4096xf32>
    %add3A_29 = vector.broadcast %add3A_23 : vector<1x4096xf32> to vector<512x4096xf32>
    %add3A_30 = arith.addf %add3A_28, %add3A_29 : vector<512x4096xf32>
    %iota3A = tpu.iota {dimensions = array<i32: 1>} : vector<512x4096xi32>
    %convert_element_type3A_31 = arith.sitofp %iota3A : vector<512x4096xi32> to vector<512x4096xf32>
    %iota3A_32 = tpu.iota {dimensions = array<i32: 1>} : vector<512x16xi32>
    %broadcast_in_dim3A = arith.constant 0 : i32
    %broadcast_in_dim3A_33 = vector.broadcast %broadcast_in_dim3A : i32 to vector<512x16xi32>
    %reduce_min3A = arith.constant dense<0x7F800000> : vector<512xf32>
    %reduce_min3A_34 = vector.multi_reduction <minimumf>, %add3A_30, %reduce_min3A [1] : vector<512x4096xf32> to vector<512xf32>
    %broadcast_in_dim3A_35 = vector.shape_cast %reduce_min3A_34 : vector<512xf32> to vector<512x1xf32>
    %eq3A = vector.broadcast %broadcast_in_dim3A_35 : vector<512x1xf32> to vector<512x4096xf32>
    %eq3A_36 = arith.cmpf oeq, %add3A_30, %eq3A : vector<512x4096xf32>
    %jit3A = arith.constant 4.096000e+03 : f32
    %broadcast_in_dim3A_37 = vector.broadcast %jit3A : f32 to vector<512x4096xf32>
    %select_n3A = arith.select %eq3A_36, %convert_element_type3A_31, %broadcast_in_dim3A_37 : vector<512x4096xi1>, vector<512x4096xf32>
    %reduce_min3A_38 = arith.constant dense<0x7F800000> : vector<512xf32>
    %reduce_min3A_39 = vector.multi_reduction <minimumf>, %select_n3A, %reduce_min3A_38 [1] : vector<512x4096xf32> to vector<512xf32>
    %broadcast_in_dim3A_40 = vector.shape_cast %reduce_min3A_39 : vector<512xf32> to vector<512x1xf32>
    %eq3A_41 = arith.constant 0 : i32
    %eq3A_42 = vector.broadcast %eq3A_41 : i32 to vector<512x16xi32>
    %eq3A_43 = arith.cmpi eq, %iota3A_32, %eq3A_42 : vector<512x16xi32>
    %convert_element_type3A_44 = arith.fptosi %broadcast_in_dim3A_40 : vector<512x1xf32> to vector<512x1xi32>
    %broadcast_in_dim3A_45 = vector.shape_cast %convert_element_type3A_44 : vector<512x1xi32> to vector<512x1xi32>
    %broadcast_in_dim3A_46 = vector.broadcast %broadcast_in_dim3A_45 : vector<512x1xi32> to vector<512x16xi32>
    %select_n3A_47 = arith.select %eq3A_43, %broadcast_in_dim3A_46, %broadcast_in_dim3A_33 : vector<512x16xi1>, vector<512x16xi32>
    %eq3A_48 = vector.broadcast %broadcast_in_dim3A_40 : vector<512x1xf32> to vector<512x4096xf32>
    %eq3A_49 = arith.cmpf oeq, %convert_element_type3A_31, %eq3A_48 : vector<512x4096xf32>
    %jit3A_50 = arith.constant 3.000000e+38 : f32
    %broadcast_in_dim3A_51 = vector.broadcast %jit3A_50 : f32 to vector<512x4096xf32>
    %select_n3A_52 = arith.select %eq3A_49, %broadcast_in_dim3A_51, %add3A_30 : vector<512x4096xi1>, vector<512x4096xf32>
    %reduce_min3A_53 = arith.constant dense<0x7F800000> : vector<512xf32>
    %reduce_min3A_54 = vector.multi_reduction <minimumf>, %select_n3A_52, %reduce_min3A_53 [1] : vector<512x4096xf32> to vector<512xf32>
    %broadcast_in_dim3A_55 = vector.shape_cast %reduce_min3A_54 : vector<512xf32> to vector<512x1xf32>
    %eq3A_56 = vector.broadcast %broadcast_in_dim3A_55 : vector<512x1xf32> to vector<512x4096xf32>
    %eq3A_57 = arith.cmpf oeq, %select_n3A_52, %eq3A_56 : vector<512x4096xf32>
    %jit3A_58 = arith.constant 4.096000e+03 : f32
    %broadcast_in_dim3A_59 = vector.broadcast %jit3A_58 : f32 to vector<512x4096xf32>
    %select_n3A_60 = arith.select %eq3A_57, %convert_element_type3A_31, %broadcast_in_dim3A_59 : vector<512x4096xi1>, vector<512x4096xf32>
    %reduce_min3A_61 = arith.constant dense<0x7F800000> : vector<512xf32>
    %reduce_min3A_62 = vector.multi_reduction <minimumf>, %select_n3A_60, %reduce_min3A_61 [1] : vector<512x4096xf32> to vector<512xf32>
    %broadcast_in_dim3A_63 = vector.shape_cast %reduce_min3A_62 : vector<512xf32> to vector<512x1xf32>
    %eq3A_64 = arith.constant 1 : i32
    %eq3A_65 = vector.broadcast %eq3A_64 : i32 to vector<512x16xi32>
    %eq3A_66 = arith.cmpi eq, %iota3A_32, %eq3A_65 : vector<512x16xi32>
    %convert_element_type3A_67 = arith.fptosi %broadcast_in_dim3A_63 : vector<512x1xf32> to vector<512x1xi32>
    %broadcast_in_dim3A_68 = vector.shape_cast %convert_element_type3A_67 : vector<512x1xi32> to vector<512x1xi32>
    %broadcast_in_dim3A_69 = vector.broadcast %broadcast_in_dim3A_68 : vector<512x1xi32> to vector<512x16xi32>
    %select_n3A_70 = arith.select %eq3A_66, %broadcast_in_dim3A_69, %select_n3A_47 : vector<512x16xi1>, vector<512x16xi32>
    %eq3A_71 = vector.broadcast %broadcast_in_dim3A_63 : vector<512x1xf32> to vector<512x4096xf32>
    %eq3A_72 = arith.cmpf oeq, %convert_element_type3A_31, %eq3A_71 : vector<512x4096xf32>
    %jit3A_73 = arith.constant 3.000000e+38 : f32
    %broadcast_in_dim3A_74 = vector.broadcast %jit3A_73 : f32 to vector<512x4096xf32>
    %select_n3A_75 = arith.select %eq3A_72, %broadcast_in_dim3A_74, %select_n3A_52 : vector<512x4096xi1>, vector<512x4096xf32>
    %reduce_min3A_76 = arith.constant dense<0x7F800000> : vector<512xf32>
    %reduce_min3A_77 = vector.multi_reduction <minimumf>, %select_n3A_75, %reduce_min3A_76 [1] : vector<512x4096xf32> to vector<512xf32>
    %broadcast_in_dim3A_78 = vector.shape_cast %reduce_min3A_77 : vector<512xf32> to vector<512x1xf32>
    %eq3A_79 = vector.broadcast %broadcast_in_dim3A_78 : vector<512x1xf32> to vector<512x4096xf32>
    %eq3A_80 = arith.cmpf oeq, %select_n3A_75, %eq3A_79 : vector<512x4096xf32>
    %jit3A_81 = arith.constant 4.096000e+03 : f32
    %broadcast_in_dim3A_82 = vector.broadcast %jit3A_81 : f32 to vector<512x4096xf32>
    %select_n3A_83 = arith.select %eq3A_80, %convert_element_type3A_31, %broadcast_in_dim3A_82 : vector<512x4096xi1>, vector<512x4096xf32>
    %reduce_min3A_84 = arith.constant dense<0x7F800000> : vector<512xf32>
    %reduce_min3A_85 = vector.multi_reduction <minimumf>, %select_n3A_83, %reduce_min3A_84 [1] : vector<512x4096xf32> to vector<512xf32>
    %broadcast_in_dim3A_86 = vector.shape_cast %reduce_min3A_85 : vector<512xf32> to vector<512x1xf32>
    %eq3A_87 = arith.constant 2 : i32
    %eq3A_88 = vector.broadcast %eq3A_87 : i32 to vector<512x16xi32>
    %eq3A_89 = arith.cmpi eq, %iota3A_32, %eq3A_88 : vector<512x16xi32>
    %convert_element_type3A_90 = arith.fptosi %broadcast_in_dim3A_86 : vector<512x1xf32> to vector<512x1xi32>
    %broadcast_in_dim3A_91 = vector.shape_cast %convert_element_type3A_90 : vector<512x1xi32> to vector<512x1xi32>
    %broadcast_in_dim3A_92 = vector.broadcast %broadcast_in_dim3A_91 : vector<512x1xi32> to vector<512x16xi32>
    %select_n3A_93 = arith.select %eq3A_89, %broadcast_in_dim3A_92, %select_n3A_70 : vector<512x16xi1>, vector<512x16xi32>
    %eq3A_94 = vector.broadcast %broadcast_in_dim3A_86 : vector<512x1xf32> to vector<512x4096xf32>
    %eq3A_95 = arith.cmpf oeq, %convert_element_type3A_31, %eq3A_94 : vector<512x4096xf32>
    %jit3A_96 = arith.constant 3.000000e+38 : f32
    %broadcast_in_dim3A_97 = vector.broadcast %jit3A_96 : f32 to vector<512x4096xf32>
    %select_n3A_98 = arith.select %eq3A_95, %broadcast_in_dim3A_97, %select_n3A_75 : vector<512x4096xi1>, vector<512x4096xf32>
    %reduce_min3A_99 = arith.constant dense<0x7F800000> : vector<512xf32>
    %reduce_min3A_100 = vector.multi_reduction <minimumf>, %select_n3A_98, %reduce_min3A_99 [1] : vector<512x4096xf32> to vector<512xf32>
    %broadcast_in_dim3A_101 = vector.shape_cast %reduce_min3A_100 : vector<512xf32> to vector<512x1xf32>
    %eq3A_102 = vector.broadcast %broadcast_in_dim3A_101 : vector<512x1xf32> to vector<512x4096xf32>
    %eq3A_103 = arith.cmpf oeq, %select_n3A_98, %eq3A_102 : vector<512x4096xf32>
    %jit3A_104 = arith.constant 4.096000e+03 : f32
    %broadcast_in_dim3A_105 = vector.broadcast %jit3A_104 : f32 to vector<512x4096xf32>
    %select_n3A_106 = arith.select %eq3A_103, %convert_element_type3A_31, %broadcast_in_dim3A_105 : vector<512x4096xi1>, vector<512x4096xf32>
    %reduce_min3A_107 = arith.constant dense<0x7F800000> : vector<512xf32>
    %reduce_min3A_108 = vector.multi_reduction <minimumf>, %select_n3A_106, %reduce_min3A_107 [1] : vector<512x4096xf32> to vector<512xf32>
    %broadcast_in_dim3A_109 = vector.shape_cast %reduce_min3A_108 : vector<512xf32> to vector<512x1xf32>
    %eq3A_110 = arith.constant 3 : i32
    %eq3A_111 = vector.broadcast %eq3A_110 : i32 to vector<512x16xi32>
    %eq3A_112 = arith.cmpi eq, %iota3A_32, %eq3A_111 : vector<512x16xi32>
    %convert_element_type3A_113 = arith.fptosi %broadcast_in_dim3A_109 : vector<512x1xf32> to vector<512x1xi32>
    %broadcast_in_dim3A_114 = vector.shape_cast %convert_element_type3A_113 : vector<512x1xi32> to vector<512x1xi32>
    %broadcast_in_dim3A_115 = vector.broadcast %broadcast_in_dim3A_114 : vector<512x1xi32> to vector<512x16xi32>
    %select_n3A_116 = arith.select %eq3A_112, %broadcast_in_dim3A_115, %select_n3A_93 : vector<512x16xi1>, vector<512x16xi32>
    %eq3A_117 = vector.broadcast %broadcast_in_dim3A_109 : vector<512x1xf32> to vector<512x4096xf32>
    %eq3A_118 = arith.cmpf oeq, %convert_element_type3A_31, %eq3A_117 : vector<512x4096xf32>
    %jit3A_119 = arith.constant 3.000000e+38 : f32
    %broadcast_in_dim3A_120 = vector.broadcast %jit3A_119 : f32 to vector<512x4096xf32>
    %select_n3A_121 = arith.select %eq3A_118, %broadcast_in_dim3A_120, %select_n3A_98 : vector<512x4096xi1>, vector<512x4096xf32>
    %reduce_min3A_122 = arith.constant dense<0x7F800000> : vector<512xf32>
    %reduce_min3A_123 = vector.multi_reduction <minimumf>, %select_n3A_121, %reduce_min3A_122 [1] : vector<512x4096xf32> to vector<512xf32>
    %broadcast_in_dim3A_124 = vector.shape_cast %reduce_min3A_123 : vector<512xf32> to vector<512x1xf32>
    %eq3A_125 = vector.broadcast %broadcast_in_dim3A_124 : vector<512x1xf32> to vector<512x4096xf32>
    %eq3A_126 = arith.cmpf oeq, %select_n3A_121, %eq3A_125 : vector<512x4096xf32>
    %jit3A_127 = arith.constant 4.096000e+03 : f32
    %broadcast_in_dim3A_128 = vector.broadcast %jit3A_127 : f32 to vector<512x4096xf32>
    %select_n3A_129 = arith.select %eq3A_126, %convert_element_type3A_31, %broadcast_in_dim3A_128 : vector<512x4096xi1>, vector<512x4096xf32>
    %reduce_min3A_130 = arith.constant dense<0x7F800000> : vector<512xf32>
    %reduce_min3A_131 = vector.multi_reduction <minimumf>, %select_n3A_129, %reduce_min3A_130 [1] : vector<512x4096xf32> to vector<512xf32>
    %broadcast_in_dim3A_132 = vector.shape_cast %reduce_min3A_131 : vector<512xf32> to vector<512x1xf32>
    %eq3A_133 = arith.constant 4 : i32
    %eq3A_134 = vector.broadcast %eq3A_133 : i32 to vector<512x16xi32>
    %eq3A_135 = arith.cmpi eq, %iota3A_32, %eq3A_134 : vector<512x16xi32>
    %convert_element_type3A_136 = arith.fptosi %broadcast_in_dim3A_132 : vector<512x1xf32> to vector<512x1xi32>
    %broadcast_in_dim3A_137 = vector.shape_cast %convert_element_type3A_136 : vector<512x1xi32> to vector<512x1xi32>
    %broadcast_in_dim3A_138 = vector.broadcast %broadcast_in_dim3A_137 : vector<512x1xi32> to vector<512x16xi32>
    %select_n3A_139 = arith.select %eq3A_135, %broadcast_in_dim3A_138, %select_n3A_116 : vector<512x16xi1>, vector<512x16xi32>
    %eq3A_140 = vector.broadcast %broadcast_in_dim3A_132 : vector<512x1xf32> to vector<512x4096xf32>
    %eq3A_141 = arith.cmpf oeq, %convert_element_type3A_31, %eq3A_140 : vector<512x4096xf32>
    %jit3A_142 = arith.constant 3.000000e+38 : f32
    %broadcast_in_dim3A_143 = vector.broadcast %jit3A_142 : f32 to vector<512x4096xf32>
    %select_n3A_144 = arith.select %eq3A_141, %broadcast_in_dim3A_143, %select_n3A_121 : vector<512x4096xi1>, vector<512x4096xf32>
    %reduce_min3A_145 = arith.constant dense<0x7F800000> : vector<512xf32>
    %reduce_min3A_146 = vector.multi_reduction <minimumf>, %select_n3A_144, %reduce_min3A_145 [1] : vector<512x4096xf32> to vector<512xf32>
    %broadcast_in_dim3A_147 = vector.shape_cast %reduce_min3A_146 : vector<512xf32> to vector<512x1xf32>
    %eq3A_148 = vector.broadcast %broadcast_in_dim3A_147 : vector<512x1xf32> to vector<512x4096xf32>
    %eq3A_149 = arith.cmpf oeq, %select_n3A_144, %eq3A_148 : vector<512x4096xf32>
    %jit3A_150 = arith.constant 4.096000e+03 : f32
    %broadcast_in_dim3A_151 = vector.broadcast %jit3A_150 : f32 to vector<512x4096xf32>
    %select_n3A_152 = arith.select %eq3A_149, %convert_element_type3A_31, %broadcast_in_dim3A_151 : vector<512x4096xi1>, vector<512x4096xf32>
    %reduce_min3A_153 = arith.constant dense<0x7F800000> : vector<512xf32>
    %reduce_min3A_154 = vector.multi_reduction <minimumf>, %select_n3A_152, %reduce_min3A_153 [1] : vector<512x4096xf32> to vector<512xf32>
    %broadcast_in_dim3A_155 = vector.shape_cast %reduce_min3A_154 : vector<512xf32> to vector<512x1xf32>
    %eq3A_156 = arith.constant 5 : i32
    %eq3A_157 = vector.broadcast %eq3A_156 : i32 to vector<512x16xi32>
    %eq3A_158 = arith.cmpi eq, %iota3A_32, %eq3A_157 : vector<512x16xi32>
    %convert_element_type3A_159 = arith.fptosi %broadcast_in_dim3A_155 : vector<512x1xf32> to vector<512x1xi32>
    %broadcast_in_dim3A_160 = vector.shape_cast %convert_element_type3A_159 : vector<512x1xi32> to vector<512x1xi32>
    %broadcast_in_dim3A_161 = vector.broadcast %broadcast_in_dim3A_160 : vector<512x1xi32> to vector<512x16xi32>
    %select_n3A_162 = arith.select %eq3A_158, %broadcast_in_dim3A_161, %select_n3A_139 : vector<512x16xi1>, vector<512x16xi32>
    %eq3A_163 = vector.broadcast %broadcast_in_dim3A_155 : vector<512x1xf32> to vector<512x4096xf32>
    %eq3A_164 = arith.cmpf oeq, %convert_element_type3A_31, %eq3A_163 : vector<512x4096xf32>
    %jit3A_165 = arith.constant 3.000000e+38 : f32
    %broadcast_in_dim3A_166 = vector.broadcast %jit3A_165 : f32 to vector<512x4096xf32>
    %select_n3A_167 = arith.select %eq3A_164, %broadcast_in_dim3A_166, %select_n3A_144 : vector<512x4096xi1>, vector<512x4096xf32>
    %reduce_min3A_168 = arith.constant dense<0x7F800000> : vector<512xf32>
    %reduce_min3A_169 = vector.multi_reduction <minimumf>, %select_n3A_167, %reduce_min3A_168 [1] : vector<512x4096xf32> to vector<512xf32>
    %broadcast_in_dim3A_170 = vector.shape_cast %reduce_min3A_169 : vector<512xf32> to vector<512x1xf32>
    %eq3A_171 = vector.broadcast %broadcast_in_dim3A_170 : vector<512x1xf32> to vector<512x4096xf32>
    %eq3A_172 = arith.cmpf oeq, %select_n3A_167, %eq3A_171 : vector<512x4096xf32>
    %jit3A_173 = arith.constant 4.096000e+03 : f32
    %broadcast_in_dim3A_174 = vector.broadcast %jit3A_173 : f32 to vector<512x4096xf32>
    %select_n3A_175 = arith.select %eq3A_172, %convert_element_type3A_31, %broadcast_in_dim3A_174 : vector<512x4096xi1>, vector<512x4096xf32>
    %reduce_min3A_176 = arith.constant dense<0x7F800000> : vector<512xf32>
    %reduce_min3A_177 = vector.multi_reduction <minimumf>, %select_n3A_175, %reduce_min3A_176 [1] : vector<512x4096xf32> to vector<512xf32>
    %broadcast_in_dim3A_178 = vector.shape_cast %reduce_min3A_177 : vector<512xf32> to vector<512x1xf32>
    %eq3A_179 = arith.constant 6 : i32
    %eq3A_180 = vector.broadcast %eq3A_179 : i32 to vector<512x16xi32>
    %eq3A_181 = arith.cmpi eq, %iota3A_32, %eq3A_180 : vector<512x16xi32>
    %convert_element_type3A_182 = arith.fptosi %broadcast_in_dim3A_178 : vector<512x1xf32> to vector<512x1xi32>
    %broadcast_in_dim3A_183 = vector.shape_cast %convert_element_type3A_182 : vector<512x1xi32> to vector<512x1xi32>
    %broadcast_in_dim3A_184 = vector.broadcast %broadcast_in_dim3A_183 : vector<512x1xi32> to vector<512x16xi32>
    %select_n3A_185 = arith.select %eq3A_181, %broadcast_in_dim3A_184, %select_n3A_162 : vector<512x16xi1>, vector<512x16xi32>
    %eq3A_186 = vector.broadcast %broadcast_in_dim3A_178 : vector<512x1xf32> to vector<512x4096xf32>
    %eq3A_187 = arith.cmpf oeq, %convert_element_type3A_31, %eq3A_186 : vector<512x4096xf32>
    %jit3A_188 = arith.constant 3.000000e+38 : f32
    %broadcast_in_dim3A_189 = vector.broadcast %jit3A_188 : f32 to vector<512x4096xf32>
    %select_n3A_190 = arith.select %eq3A_187, %broadcast_in_dim3A_189, %select_n3A_167 : vector<512x4096xi1>, vector<512x4096xf32>
    %reduce_min3A_191 = arith.constant dense<0x7F800000> : vector<512xf32>
    %reduce_min3A_192 = vector.multi_reduction <minimumf>, %select_n3A_190, %reduce_min3A_191 [1] : vector<512x4096xf32> to vector<512xf32>
    %broadcast_in_dim3A_193 = vector.shape_cast %reduce_min3A_192 : vector<512xf32> to vector<512x1xf32>
    %eq3A_194 = vector.broadcast %broadcast_in_dim3A_193 : vector<512x1xf32> to vector<512x4096xf32>
    %eq3A_195 = arith.cmpf oeq, %select_n3A_190, %eq3A_194 : vector<512x4096xf32>
    %jit3A_196 = arith.constant 4.096000e+03 : f32
    %broadcast_in_dim3A_197 = vector.broadcast %jit3A_196 : f32 to vector<512x4096xf32>
    %select_n3A_198 = arith.select %eq3A_195, %convert_element_type3A_31, %broadcast_in_dim3A_197 : vector<512x4096xi1>, vector<512x4096xf32>
    %reduce_min3A_199 = arith.constant dense<0x7F800000> : vector<512xf32>
    %reduce_min3A_200 = vector.multi_reduction <minimumf>, %select_n3A_198, %reduce_min3A_199 [1] : vector<512x4096xf32> to vector<512xf32>
    %broadcast_in_dim3A_201 = vector.shape_cast %reduce_min3A_200 : vector<512xf32> to vector<512x1xf32>
    %eq3A_202 = arith.constant 7 : i32
    %eq3A_203 = vector.broadcast %eq3A_202 : i32 to vector<512x16xi32>
    %eq3A_204 = arith.cmpi eq, %iota3A_32, %eq3A_203 : vector<512x16xi32>
    %convert_element_type3A_205 = arith.fptosi %broadcast_in_dim3A_201 : vector<512x1xf32> to vector<512x1xi32>
    %broadcast_in_dim3A_206 = vector.shape_cast %convert_element_type3A_205 : vector<512x1xi32> to vector<512x1xi32>
    %broadcast_in_dim3A_207 = vector.broadcast %broadcast_in_dim3A_206 : vector<512x1xi32> to vector<512x16xi32>
    %select_n3A_208 = arith.select %eq3A_204, %broadcast_in_dim3A_207, %select_n3A_185 : vector<512x16xi1>, vector<512x16xi32>
    %eq3A_209 = vector.broadcast %broadcast_in_dim3A_201 : vector<512x1xf32> to vector<512x4096xf32>
    %eq3A_210 = arith.cmpf oeq, %convert_element_type3A_31, %eq3A_209 : vector<512x4096xf32>
    %jit3A_211 = arith.constant 3.000000e+38 : f32
    %broadcast_in_dim3A_212 = vector.broadcast %jit3A_211 : f32 to vector<512x4096xf32>
    %select_n3A_213 = arith.select %eq3A_210, %broadcast_in_dim3A_212, %select_n3A_190 : vector<512x4096xi1>, vector<512x4096xf32>
    %reduce_min3A_214 = arith.constant dense<0x7F800000> : vector<512xf32>
    %reduce_min3A_215 = vector.multi_reduction <minimumf>, %select_n3A_213, %reduce_min3A_214 [1] : vector<512x4096xf32> to vector<512xf32>
    %broadcast_in_dim3A_216 = vector.shape_cast %reduce_min3A_215 : vector<512xf32> to vector<512x1xf32>
    %eq3A_217 = vector.broadcast %broadcast_in_dim3A_216 : vector<512x1xf32> to vector<512x4096xf32>
    %eq3A_218 = arith.cmpf oeq, %select_n3A_213, %eq3A_217 : vector<512x4096xf32>
    %jit3A_219 = arith.constant 4.096000e+03 : f32
    %broadcast_in_dim3A_220 = vector.broadcast %jit3A_219 : f32 to vector<512x4096xf32>
    %select_n3A_221 = arith.select %eq3A_218, %convert_element_type3A_31, %broadcast_in_dim3A_220 : vector<512x4096xi1>, vector<512x4096xf32>
    %reduce_min3A_222 = arith.constant dense<0x7F800000> : vector<512xf32>
    %reduce_min3A_223 = vector.multi_reduction <minimumf>, %select_n3A_221, %reduce_min3A_222 [1] : vector<512x4096xf32> to vector<512xf32>
    %broadcast_in_dim3A_224 = vector.shape_cast %reduce_min3A_223 : vector<512xf32> to vector<512x1xf32>
    %eq3A_225 = arith.constant 8 : i32
    %eq3A_226 = vector.broadcast %eq3A_225 : i32 to vector<512x16xi32>
    %eq3A_227 = arith.cmpi eq, %iota3A_32, %eq3A_226 : vector<512x16xi32>
    %convert_element_type3A_228 = arith.fptosi %broadcast_in_dim3A_224 : vector<512x1xf32> to vector<512x1xi32>
    %broadcast_in_dim3A_229 = vector.shape_cast %convert_element_type3A_228 : vector<512x1xi32> to vector<512x1xi32>
    %broadcast_in_dim3A_230 = vector.broadcast %broadcast_in_dim3A_229 : vector<512x1xi32> to vector<512x16xi32>
    %select_n3A_231 = arith.select %eq3A_227, %broadcast_in_dim3A_230, %select_n3A_208 : vector<512x16xi1>, vector<512x16xi32>
    %swap3A = arith.constant 0 : index
    %swap3A_232 = arith.constant 0 : index
    %swap3A_233 = arith.constant 0 : index
    %swap3A_234 = vector.load %arg4[%swap3A, %swap3A_232, %swap3A_233] : memref<1x512x16xi32, #tpu.memory_space<vmem>>, vector<1x512x16xi32>
    %swap3A_235 = vector.shape_cast %swap3A_234 : vector<1x512x16xi32> to vector<512x16xi32>
    %swap3A_236 = vector.shape_cast %select_n3A_231 : vector<512x16xi32> to vector<1x512x16xi32>
    tpu.vector_store %arg4[%swap3A, %swap3A_232, %swap3A_233], %swap3A_236 {strides = array<i32>} : memref<1x512x16xi32, #tpu.memory_space<vmem>>, vector<1x512x16xi32>,
    return
  }
  func.func @transform_0(%arg0: i32, %arg1: i32) -> (i32, i32, i32) {
    %c0_i32 = arith.constant 0 : i32
    %c0_i32_0 = arith.constant 0 : i32
    return %arg0, %arg1, %c0_i32 : i32, i32, i32
  }
  func.func @transform_1(%arg0: i32, %arg1: i32) -> (i32, i32, i32) {
    %c0_i32 = arith.constant 0 : i32
    %c0_i32_0 = arith.constant 0 : i32
    %c0_i32_1 = arith.constant 0 : i32
    return %arg0, %c0_i32, %c0_i32_0 : i32, i32, i32
  }
  func.func @transform_2(%arg0: i32, %arg1: i32) -> (i32, i32, i32) {
    %c0_i32 = arith.constant 0 : i32
    %c0_i32_0 = arith.constant 0 : i32
    return %arg0, %arg1, %c0_i32 : i32, i32, i32
  }
}

module attributes {stable_mosaic.version = 14 : i64} {
  func.func @_geom_body(%arg0: i32, %arg1: memref<3x8x1x32x128xf32, #tpu.memory_space<vmem>>, %arg2: memref<1x3x32x128xf32, #tpu.memory_space<vmem>>, %arg3: memref<10x1x8x32x128xf32, #tpu.memory_space<vmem>>) attributes {dimension_semantics = [#tpu.dimension_semantics<arbitrary>], iteration_bounds = array<i64: 4>, scalar_prefetch = 0 : i64, scratch_operands = 0 : i64, tpu.core_type = #tpu.core_type<tc>, window_params = [{transform_indices = @transform_0, window_bounds = array<i64: 3, 8, 1, 32, 128>}, {transform_indices = @transform_1, window_bounds = array<i64: 1, 3, 32, 128>}, {transform_indices = @transform_2, window_bounds = array<i64: 10, 1, 8, 32, 128>}]} {
    %get3A = arith.constant 0 : index
    %get3A_0 = arith.constant 0 : index
    %get3A_1 = arith.constant 0 : index
    %get3A_2 = arith.constant 0 : index
    %get3A_3 = vector.load %arg2[%get3A, %get3A_0, %get3A_1, %get3A_2] : memref<1x3x32x128xf32, #tpu.memory_space<vmem>>, vector<1x1x32x128xf32>
    %get3A_4 = vector.shape_cast %get3A_3 : vector<1x1x32x128xf32> to vector<32x128xf32>
    %get3A_5 = arith.constant 0 : index
    %get3A_6 = arith.constant 1 : index
    %get3A_7 = arith.constant 0 : index
    %get3A_8 = arith.constant 0 : index
    %get3A_9 = vector.load %arg2[%get3A_5, %get3A_6, %get3A_7, %get3A_8] : memref<1x3x32x128xf32, #tpu.memory_space<vmem>>, vector<1x1x32x128xf32>
    %get3A_10 = vector.shape_cast %get3A_9 : vector<1x1x32x128xf32> to vector<32x128xf32>
    %get3A_11 = arith.constant 0 : index
    %get3A_12 = arith.constant 2 : index
    %get3A_13 = arith.constant 0 : index
    %get3A_14 = arith.constant 0 : index
    %get3A_15 = vector.load %arg2[%get3A_11, %get3A_12, %get3A_13, %get3A_14] : memref<1x3x32x128xf32, #tpu.memory_space<vmem>>, vector<1x1x32x128xf32>
    %get3A_16 = vector.shape_cast %get3A_15 : vector<1x1x32x128xf32> to vector<32x128xf32>
    %get3A_17 = arith.constant 0 : index
    %get3A_18 = arith.constant 0 : index
    %get3A_19 = arith.constant 0 : index
    %get3A_20 = arith.constant 0 : index
    %get3A_21 = arith.constant 0 : index
    %get3A_22 = vector.load %arg1[%get3A_17, %get3A_18, %get3A_19, %get3A_20, %get3A_21] : memref<3x8x1x32x128xf32, #tpu.memory_space<vmem>>, vector<1x1x1x32x128xf32>
    %get3A_23 = vector.shape_cast %get3A_22 : vector<1x1x1x32x128xf32> to vector<32x128xf32>
    %sub3A = arith.subf %get3A_23, %get3A_4 : vector<32x128xf32>
    %get3A_24 = arith.constant 1 : index
    %get3A_25 = arith.constant 0 : index
    %get3A_26 = arith.constant 0 : index
    %get3A_27 = arith.constant 0 : index
    %get3A_28 = arith.constant 0 : index
    %get3A_29 = vector.load %arg1[%get3A_24, %get3A_25, %get3A_26, %get3A_27, %get3A_28] : memref<3x8x1x32x128xf32, #tpu.memory_space<vmem>>, vector<1x1x1x32x128xf32>
    %get3A_30 = vector.shape_cast %get3A_29 : vector<1x1x1x32x128xf32> to vector<32x128xf32>
    %sub3A_31 = arith.subf %get3A_30, %get3A_10 : vector<32x128xf32>
    %get3A_32 = arith.constant 2 : index
    %get3A_33 = arith.constant 0 : index
    %get3A_34 = arith.constant 0 : index
    %get3A_35 = arith.constant 0 : index
    %get3A_36 = arith.constant 0 : index
    %get3A_37 = vector.load %arg1[%get3A_32, %get3A_33, %get3A_34, %get3A_35, %get3A_36] : memref<3x8x1x32x128xf32, #tpu.memory_space<vmem>>, vector<1x1x1x32x128xf32>
    %get3A_38 = vector.shape_cast %get3A_37 : vector<1x1x1x32x128xf32> to vector<32x128xf32>
    %sub3A_39 = arith.subf %get3A_38, %get3A_16 : vector<32x128xf32>
    %abs3A = math.absf %sub3A : vector<32x128xf32>
    %lt3A = arith.constant 1.000000e-10 : f32
    %lt3A_40 = vector.broadcast %lt3A : f32 to vector<32x128xf32>
    %lt3A_41 = arith.cmpf olt, %abs3A, %lt3A_40 : vector<32x128xf32>
    %convert_element_type3A = arith.extui %lt3A_41 : vector<32x128xi1> to vector<32x128xi32>
    %convert_element_type3A_42 = arith.sitofp %convert_element_type3A : vector<32x128xi32> to vector<32x128xf32>
    %mul3A = arith.constant 1.000000e-10 : f32
    %mul3A_43 = vector.broadcast %mul3A : f32 to vector<32x128xf32>
    %mul3A_44 = arith.mulf %mul3A_43, %convert_element_type3A_42 : vector<32x128xf32>
    %add3A = arith.addf %sub3A, %mul3A_44 : vector<32x128xf32>
    %abs3A_45 = math.absf %sub3A_31 : vector<32x128xf32>
    %lt3A_46 = arith.constant 1.000000e-10 : f32
    %lt3A_47 = vector.broadcast %lt3A_46 : f32 to vector<32x128xf32>
    %lt3A_48 = arith.cmpf olt, %abs3A_45, %lt3A_47 : vector<32x128xf32>
    %convert_element_type3A_49 = arith.extui %lt3A_48 : vector<32x128xi1> to vector<32x128xi32>
    %convert_element_type3A_50 = arith.sitofp %convert_element_type3A_49 : vector<32x128xi32> to vector<32x128xf32>
    %mul3A_51 = arith.constant 1.000000e-10 : f32
    %mul3A_52 = vector.broadcast %mul3A_51 : f32 to vector<32x128xf32>
    %mul3A_53 = arith.mulf %mul3A_52, %convert_element_type3A_50 : vector<32x128xf32>
    %add3A_54 = arith.addf %sub3A_31, %mul3A_53 : vector<32x128xf32>
    %atan23A = math.atan2 %add3A_54, %add3A : vector<32x128xf32>
    %div3A = arith.constant 6.28318548 : f32
    %div3A_55 = vector.broadcast %div3A : f32 to vector<32x128xf32>
    %div3A_56 = arith.divf %atan23A, %div3A_55 : vector<32x128xf32>
    %add3A_57 = arith.constant 5.000000e-01 : f32
    %add3A_58 = vector.broadcast %add3A_57 : f32 to vector<32x128xf32>
    %add3A_59 = arith.addf %div3A_56, %add3A_58 : vector<32x128xf32>
    %broadcast_in_dim3A = arith.constant 0 : i32
    %broadcast_in_dim3A_60 = vector.broadcast %broadcast_in_dim3A : i32 to vector<32x128xi32>
    %get3A_61 = arith.constant 0 : index
    %get3A_62 = arith.constant 1 : index
    %get3A_63 = arith.constant 0 : index
    %get3A_64 = arith.constant 0 : index
    %get3A_65 = arith.constant 0 : index
    %get3A_66 = vector.load %arg1[%get3A_61, %get3A_62, %get3A_63, %get3A_64, %get3A_65] : memref<3x8x1x32x128xf32, #tpu.memory_space<vmem>>, vector<1x1x1x32x128xf32>
    %get3A_67 = vector.shape_cast %get3A_66 : vector<1x1x1x32x128xf32> to vector<32x128xf32>
    %sub3A_68 = arith.subf %get3A_67, %get3A_4 : vector<32x128xf32>
    %get3A_69 = arith.constant 1 : index
    %get3A_70 = arith.constant 1 : index
    %get3A_71 = arith.constant 0 : index
    %get3A_72 = arith.constant 0 : index
    %get3A_73 = arith.constant 0 : index
    %get3A_74 = vector.load %arg1[%get3A_69, %get3A_70, %get3A_71, %get3A_72, %get3A_73] : memref<3x8x1x32x128xf32, #tpu.memory_space<vmem>>, vector<1x1x1x32x128xf32>
    %get3A_75 = vector.shape_cast %get3A_74 : vector<1x1x1x32x128xf32> to vector<32x128xf32>
    %sub3A_76 = arith.subf %get3A_75, %get3A_10 : vector<32x128xf32>
    %get3A_77 = arith.constant 2 : index
    %get3A_78 = arith.constant 1 : index
    %get3A_79 = arith.constant 0 : index
    %get3A_80 = arith.constant 0 : index
    %get3A_81 = arith.constant 0 : index
    %get3A_82 = vector.load %arg1[%get3A_77, %get3A_78, %get3A_79, %get3A_80, %get3A_81] : memref<3x8x1x32x128xf32, #tpu.memory_space<vmem>>, vector<1x1x1x32x128xf32>
    %get3A_83 = vector.shape_cast %get3A_82 : vector<1x1x1x32x128xf32> to vector<32x128xf32>
    %sub3A_84 = arith.subf %get3A_83, %get3A_16 : vector<32x128xf32>
    %abs3A_85 = math.absf %sub3A_68 : vector<32x128xf32>
    %lt3A_86 = arith.constant 1.000000e-10 : f32
    %lt3A_87 = vector.broadcast %lt3A_86 : f32 to vector<32x128xf32>
    %lt3A_88 = arith.cmpf olt, %abs3A_85, %lt3A_87 : vector<32x128xf32>
    %convert_element_type3A_89 = arith.extui %lt3A_88 : vector<32x128xi1> to vector<32x128xi32>
    %convert_element_type3A_90 = arith.sitofp %convert_element_type3A_89 : vector<32x128xi32> to vector<32x128xf32>
    %mul3A_91 = arith.constant 1.000000e-10 : f32
    %mul3A_92 = vector.broadcast %mul3A_91 : f32 to vector<32x128xf32>
    %mul3A_93 = arith.mulf %mul3A_92, %convert_element_type3A_90 : vector<32x128xf32>
    %add3A_94 = arith.addf %sub3A_68, %mul3A_93 : vector<32x128xf32>
    %abs3A_95 = math.absf %sub3A_76 : vector<32x128xf32>
    %lt3A_96 = arith.constant 1.000000e-10 : f32
    %lt3A_97 = vector.broadcast %lt3A_96 : f32 to vector<32x128xf32>
    %lt3A_98 = arith.cmpf olt, %abs3A_95, %lt3A_97 : vector<32x128xf32>
    %convert_element_type3A_99 = arith.extui %lt3A_98 : vector<32x128xi1> to vector<32x128xi32>
    %convert_element_type3A_100 = arith.sitofp %convert_element_type3A_99 : vector<32x128xi32> to vector<32x128xf32>
    %mul3A_101 = arith.constant 1.000000e-10 : f32
    %mul3A_102 = vector.broadcast %mul3A_101 : f32 to vector<32x128xf32>
    %mul3A_103 = arith.mulf %mul3A_102, %convert_element_type3A_100 : vector<32x128xf32>
    %add3A_104 = arith.addf %sub3A_76, %mul3A_103 : vector<32x128xf32>
    %atan23A_105 = math.atan2 %add3A_104, %add3A_94 : vector<32x128xf32>
    %div3A_106 = arith.constant 6.28318548 : f32
    %div3A_107 = vector.broadcast %div3A_106 : f32 to vector<32x128xf32>
    %div3A_108 = arith.divf %atan23A_105, %div3A_107 : vector<32x128xf32>
    %add3A_109 = arith.constant 5.000000e-01 : f32
    %add3A_110 = vector.broadcast %add3A_109 : f32 to vector<32x128xf32>
    %add3A_111 = arith.addf %div3A_108, %add3A_110 : vector<32x128xf32>
    %broadcast_in_dim3A_112 = arith.constant 1 : i32
    %broadcast_in_dim3A_113 = vector.broadcast %broadcast_in_dim3A_112 : i32 to vector<32x128xi32>
    %get3A_114 = arith.constant 0 : index
    %get3A_115 = arith.constant 2 : index
    %get3A_116 = arith.constant 0 : index
    %get3A_117 = arith.constant 0 : index
    %get3A_118 = arith.constant 0 : index
    %get3A_119 = vector.load %arg1[%get3A_114, %get3A_115, %get3A_116, %get3A_117, %get3A_118] : memref<3x8x1x32x128xf32, #tpu.memory_space<vmem>>, vector<1x1x1x32x128xf32>
    %get3A_120 = vector.shape_cast %get3A_119 : vector<1x1x1x32x128xf32> to vector<32x128xf32>
    %sub3A_121 = arith.subf %get3A_120, %get3A_4 : vector<32x128xf32>
    %get3A_122 = arith.constant 1 : index
    %get3A_123 = arith.constant 2 : index
    %get3A_124 = arith.constant 0 : index
    %get3A_125 = arith.constant 0 : index
    %get3A_126 = arith.constant 0 : index
    %get3A_127 = vector.load %arg1[%get3A_122, %get3A_123, %get3A_124, %get3A_125, %get3A_126] : memref<3x8x1x32x128xf32, #tpu.memory_space<vmem>>, vector<1x1x1x32x128xf32>
    %get3A_128 = vector.shape_cast %get3A_127 : vector<1x1x1x32x128xf32> to vector<32x128xf32>
    %sub3A_129 = arith.subf %get3A_128, %get3A_10 : vector<32x128xf32>
    %get3A_130 = arith.constant 2 : index
    %get3A_131 = arith.constant 2 : index
    %get3A_132 = arith.constant 0 : index
    %get3A_133 = arith.constant 0 : index
    %get3A_134 = arith.constant 0 : index
    %get3A_135 = vector.load %arg1[%get3A_130, %get3A_131, %get3A_132, %get3A_133, %get3A_134] : memref<3x8x1x32x128xf32, #tpu.memory_space<vmem>>, vector<1x1x1x32x128xf32>
    %get3A_136 = vector.shape_cast %get3A_135 : vector<1x1x1x32x128xf32> to vector<32x128xf32>
    %sub3A_137 = arith.subf %get3A_136, %get3A_16 : vector<32x128xf32>
    %abs3A_138 = math.absf %sub3A_121 : vector<32x128xf32>
    %lt3A_139 = arith.constant 1.000000e-10 : f32
    %lt3A_140 = vector.broadcast %lt3A_139 : f32 to vector<32x128xf32>
    %lt3A_141 = arith.cmpf olt, %abs3A_138, %lt3A_140 : vector<32x128xf32>
    %convert_element_type3A_142 = arith.extui %lt3A_141 : vector<32x128xi1> to vector<32x128xi32>
    %convert_element_type3A_143 = arith.sitofp %convert_element_type3A_142 : vector<32x128xi32> to vector<32x128xf32>
    %mul3A_144 = arith.constant 1.000000e-10 : f32
    %mul3A_145 = vector.broadcast %mul3A_144 : f32 to vector<32x128xf32>
    %mul3A_146 = arith.mulf %mul3A_145, %convert_element_type3A_143 : vector<32x128xf32>
    %add3A_147 = arith.addf %sub3A_121, %mul3A_146 : vector<32x128xf32>
    %abs3A_148 = math.absf %sub3A_129 : vector<32x128xf32>
    %lt3A_149 = arith.constant 1.000000e-10 : f32
    %lt3A_150 = vector.broadcast %lt3A_149 : f32 to vector<32x128xf32>
    %lt3A_151 = arith.cmpf olt, %abs3A_148, %lt3A_150 : vector<32x128xf32>
    %convert_element_type3A_152 = arith.extui %lt3A_151 : vector<32x128xi1> to vector<32x128xi32>
    %convert_element_type3A_153 = arith.sitofp %convert_element_type3A_152 : vector<32x128xi32> to vector<32x128xf32>
    %mul3A_154 = arith.constant 1.000000e-10 : f32
    %mul3A_155 = vector.broadcast %mul3A_154 : f32 to vector<32x128xf32>
    %mul3A_156 = arith.mulf %mul3A_155, %convert_element_type3A_153 : vector<32x128xf32>
    %add3A_157 = arith.addf %sub3A_129, %mul3A_156 : vector<32x128xf32>
    %atan23A_158 = math.atan2 %add3A_157, %add3A_147 : vector<32x128xf32>
    %div3A_159 = arith.constant 6.28318548 : f32
    %div3A_160 = vector.broadcast %div3A_159 : f32 to vector<32x128xf32>
    %div3A_161 = arith.divf %atan23A_158, %div3A_160 : vector<32x128xf32>
    %add3A_162 = arith.constant 5.000000e-01 : f32
    %add3A_163 = vector.broadcast %add3A_162 : f32 to vector<32x128xf32>
    %add3A_164 = arith.addf %div3A_161, %add3A_163 : vector<32x128xf32>
    %broadcast_in_dim3A_165 = arith.constant 2 : i32
    %broadcast_in_dim3A_166 = vector.broadcast %broadcast_in_dim3A_165 : i32 to vector<32x128xi32>
    %get3A_167 = arith.constant 0 : index
    %get3A_168 = arith.constant 3 : index
    %get3A_169 = arith.constant 0 : index
    %get3A_170 = arith.constant 0 : index
    %get3A_171 = arith.constant 0 : index
    %get3A_172 = vector.load %arg1[%get3A_167, %get3A_168, %get3A_169, %get3A_170, %get3A_171] : memref<3x8x1x32x128xf32, #tpu.memory_space<vmem>>, vector<1x1x1x32x128xf32>
    %get3A_173 = vector.shape_cast %get3A_172 : vector<1x1x1x32x128xf32> to vector<32x128xf32>
    %sub3A_174 = arith.subf %get3A_173, %get3A_4 : vector<32x128xf32>
    %get3A_175 = arith.constant 1 : index
    %get3A_176 = arith.constant 3 : index
    %get3A_177 = arith.constant 0 : index
    %get3A_178 = arith.constant 0 : index
    %get3A_179 = arith.constant 0 : index
    %get3A_180 = vector.load %arg1[%get3A_175, %get3A_176, %get3A_177, %get3A_178, %get3A_179] : memref<3x8x1x32x128xf32, #tpu.memory_space<vmem>>, vector<1x1x1x32x128xf32>
    %get3A_181 = vector.shape_cast %get3A_180 : vector<1x1x1x32x128xf32> to vector<32x128xf32>
    %sub3A_182 = arith.subf %get3A_181, %get3A_10 : vector<32x128xf32>
    %get3A_183 = arith.constant 2 : index
    %get3A_184 = arith.constant 3 : index
    %get3A_185 = arith.constant 0 : index
    %get3A_186 = arith.constant 0 : index
    %get3A_187 = arith.constant 0 : index
    %get3A_188 = vector.load %arg1[%get3A_183, %get3A_184, %get3A_185, %get3A_186, %get3A_187] : memref<3x8x1x32x128xf32, #tpu.memory_space<vmem>>, vector<1x1x1x32x128xf32>
    %get3A_189 = vector.shape_cast %get3A_188 : vector<1x1x1x32x128xf32> to vector<32x128xf32>
    %sub3A_190 = arith.subf %get3A_189, %get3A_16 : vector<32x128xf32>
    %abs3A_191 = math.absf %sub3A_174 : vector<32x128xf32>
    %lt3A_192 = arith.constant 1.000000e-10 : f32
    %lt3A_193 = vector.broadcast %lt3A_192 : f32 to vector<32x128xf32>
    %lt3A_194 = arith.cmpf olt, %abs3A_191, %lt3A_193 : vector<32x128xf32>
    %convert_element_type3A_195 = arith.extui %lt3A_194 : vector<32x128xi1> to vector<32x128xi32>
    %convert_element_type3A_196 = arith.sitofp %convert_element_type3A_195 : vector<32x128xi32> to vector<32x128xf32>
    %mul3A_197 = arith.constant 1.000000e-10 : f32
    %mul3A_198 = vector.broadcast %mul3A_197 : f32 to vector<32x128xf32>
    %mul3A_199 = arith.mulf %mul3A_198, %convert_element_type3A_196 : vector<32x128xf32>
    %add3A_200 = arith.addf %sub3A_174, %mul3A_199 : vector<32x128xf32>
    %abs3A_201 = math.absf %sub3A_182 : vector<32x128xf32>
    %lt3A_202 = arith.constant 1.000000e-10 : f32
    %lt3A_203 = vector.broadcast %lt3A_202 : f32 to vector<32x128xf32>
    %lt3A_204 = arith.cmpf olt, %abs3A_201, %lt3A_203 : vector<32x128xf32>
    %convert_element_type3A_205 = arith.extui %lt3A_204 : vector<32x128xi1> to vector<32x128xi32>
    %convert_element_type3A_206 = arith.sitofp %convert_element_type3A_205 : vector<32x128xi32> to vector<32x128xf32>
    %mul3A_207 = arith.constant 1.000000e-10 : f32
    %mul3A_208 = vector.broadcast %mul3A_207 : f32 to vector<32x128xf32>
    %mul3A_209 = arith.mulf %mul3A_208, %convert_element_type3A_206 : vector<32x128xf32>
    %add3A_210 = arith.addf %sub3A_182, %mul3A_209 : vector<32x128xf32>
    %atan23A_211 = math.atan2 %add3A_210, %add3A_200 : vector<32x128xf32>
    %div3A_212 = arith.constant 6.28318548 : f32
    %div3A_213 = vector.broadcast %div3A_212 : f32 to vector<32x128xf32>
    %div3A_214 = arith.divf %atan23A_211, %div3A_213 : vector<32x128xf32>
    %add3A_215 = arith.constant 5.000000e-01 : f32
    %add3A_216 = vector.broadcast %add3A_215 : f32 to vector<32x128xf32>
    %add3A_217 = arith.addf %div3A_214, %add3A_216 : vector<32x128xf32>
    %broadcast_in_dim3A_218 = arith.constant 3 : i32
    %broadcast_in_dim3A_219 = vector.broadcast %broadcast_in_dim3A_218 : i32 to vector<32x128xi32>
    %get3A_220 = arith.constant 0 : index
    %get3A_221 = arith.constant 4 : index
    %get3A_222 = arith.constant 0 : index
    %get3A_223 = arith.constant 0 : index
    %get3A_224 = arith.constant 0 : index
    %get3A_225 = vector.load %arg1[%get3A_220, %get3A_221, %get3A_222, %get3A_223, %get3A_224] : memref<3x8x1x32x128xf32, #tpu.memory_space<vmem>>, vector<1x1x1x32x128xf32>
    %get3A_226 = vector.shape_cast %get3A_225 : vector<1x1x1x32x128xf32> to vector<32x128xf32>
    %sub3A_227 = arith.subf %get3A_226, %get3A_4 : vector<32x128xf32>
    %get3A_228 = arith.constant 1 : index
    %get3A_229 = arith.constant 4 : index
    %get3A_230 = arith.constant 0 : index
    %get3A_231 = arith.constant 0 : index
    %get3A_232 = arith.constant 0 : index
    %get3A_233 = vector.load %arg1[%get3A_228, %get3A_229, %get3A_230, %get3A_231, %get3A_232] : memref<3x8x1x32x128xf32, #tpu.memory_space<vmem>>, vector<1x1x1x32x128xf32>
    %get3A_234 = vector.shape_cast %get3A_233 : vector<1x1x1x32x128xf32> to vector<32x128xf32>
    %sub3A_235 = arith.subf %get3A_234, %get3A_10 : vector<32x128xf32>
    %get3A_236 = arith.constant 2 : index
    %get3A_237 = arith.constant 4 : index
    %get3A_238 = arith.constant 0 : index
    %get3A_239 = arith.constant 0 : index
    %get3A_240 = arith.constant 0 : index
    %get3A_241 = vector.load %arg1[%get3A_236, %get3A_237, %get3A_238, %get3A_239, %get3A_240] : memref<3x8x1x32x128xf32, #tpu.memory_space<vmem>>, vector<1x1x1x32x128xf32>
    %get3A_242 = vector.shape_cast %get3A_241 : vector<1x1x1x32x128xf32> to vector<32x128xf32>
    %sub3A_243 = arith.subf %get3A_242, %get3A_16 : vector<32x128xf32>
    %abs3A_244 = math.absf %sub3A_227 : vector<32x128xf32>
    %lt3A_245 = arith.constant 1.000000e-10 : f32
    %lt3A_246 = vector.broadcast %lt3A_245 : f32 to vector<32x128xf32>
    %lt3A_247 = arith.cmpf olt, %abs3A_244, %lt3A_246 : vector<32x128xf32>
    %convert_element_type3A_248 = arith.extui %lt3A_247 : vector<32x128xi1> to vector<32x128xi32>
    %convert_element_type3A_249 = arith.sitofp %convert_element_type3A_248 : vector<32x128xi32> to vector<32x128xf32>
    %mul3A_250 = arith.constant 1.000000e-10 : f32
    %mul3A_251 = vector.broadcast %mul3A_250 : f32 to vector<32x128xf32>
    %mul3A_252 = arith.mulf %mul3A_251, %convert_element_type3A_249 : vector<32x128xf32>
    %add3A_253 = arith.addf %sub3A_227, %mul3A_252 : vector<32x128xf32>
    %abs3A_254 = math.absf %sub3A_235 : vector<32x128xf32>
    %lt3A_255 = arith.constant 1.000000e-10 : f32
    %lt3A_256 = vector.broadcast %lt3A_255 : f32 to vector<32x128xf32>
    %lt3A_257 = arith.cmpf olt, %abs3A_254, %lt3A_256 : vector<32x128xf32>
    %convert_element_type3A_258 = arith.extui %lt3A_257 : vector<32x128xi1> to vector<32x128xi32>
    %convert_element_type3A_259 = arith.sitofp %convert_element_type3A_258 : vector<32x128xi32> to vector<32x128xf32>
    %mul3A_260 = arith.constant 1.000000e-10 : f32
    %mul3A_261 = vector.broadcast %mul3A_260 : f32 to vector<32x128xf32>
    %mul3A_262 = arith.mulf %mul3A_261, %convert_element_type3A_259 : vector<32x128xf32>
    %add3A_263 = arith.addf %sub3A_235, %mul3A_262 : vector<32x128xf32>
    %atan23A_264 = math.atan2 %add3A_263, %add3A_253 : vector<32x128xf32>
    %div3A_265 = arith.constant 6.28318548 : f32
    %div3A_266 = vector.broadcast %div3A_265 : f32 to vector<32x128xf32>
    %div3A_267 = arith.divf %atan23A_264, %div3A_266 : vector<32x128xf32>
    %add3A_268 = arith.constant 5.000000e-01 : f32
    %add3A_269 = vector.broadcast %add3A_268 : f32 to vector<32x128xf32>
    %add3A_270 = arith.addf %div3A_267, %add3A_269 : vector<32x128xf32>
    %broadcast_in_dim3A_271 = arith.constant 4 : i32
    %broadcast_in_dim3A_272 = vector.broadcast %broadcast_in_dim3A_271 : i32 to vector<32x128xi32>
    %get3A_273 = arith.constant 0 : index
    %get3A_274 = arith.constant 5 : index
    %get3A_275 = arith.constant 0 : index
    %get3A_276 = arith.constant 0 : index
    %get3A_277 = arith.constant 0 : index
    %get3A_278 = vector.load %arg1[%get3A_273, %get3A_274, %get3A_275, %get3A_276, %get3A_277] : memref<3x8x1x32x128xf32, #tpu.memory_space<vmem>>, vector<1x1x1x32x128xf32>
    %get3A_279 = vector.shape_cast %get3A_278 : vector<1x1x1x32x128xf32> to vector<32x128xf32>
    %sub3A_280 = arith.subf %get3A_279, %get3A_4 : vector<32x128xf32>
    %get3A_281 = arith.constant 1 : index
    %get3A_282 = arith.constant 5 : index
    %get3A_283 = arith.constant 0 : index
    %get3A_284 = arith.constant 0 : index
    %get3A_285 = arith.constant 0 : index
    %get3A_286 = vector.load %arg1[%get3A_281, %get3A_282, %get3A_283, %get3A_284, %get3A_285] : memref<3x8x1x32x128xf32, #tpu.memory_space<vmem>>, vector<1x1x1x32x128xf32>
    %get3A_287 = vector.shape_cast %get3A_286 : vector<1x1x1x32x128xf32> to vector<32x128xf32>
    %sub3A_288 = arith.subf %get3A_287, %get3A_10 : vector<32x128xf32>
    %get3A_289 = arith.constant 2 : index
    %get3A_290 = arith.constant 5 : index
    %get3A_291 = arith.constant 0 : index
    %get3A_292 = arith.constant 0 : index
    %get3A_293 = arith.constant 0 : index
    %get3A_294 = vector.load %arg1[%get3A_289, %get3A_290, %get3A_291, %get3A_292, %get3A_293] : memref<3x8x1x32x128xf32, #tpu.memory_space<vmem>>, vector<1x1x1x32x128xf32>
    %get3A_295 = vector.shape_cast %get3A_294 : vector<1x1x1x32x128xf32> to vector<32x128xf32>
    %sub3A_296 = arith.subf %get3A_295, %get3A_16 : vector<32x128xf32>
    %abs3A_297 = math.absf %sub3A_280 : vector<32x128xf32>
    %lt3A_298 = arith.constant 1.000000e-10 : f32
    %lt3A_299 = vector.broadcast %lt3A_298 : f32 to vector<32x128xf32>
    %lt3A_300 = arith.cmpf olt, %abs3A_297, %lt3A_299 : vector<32x128xf32>
    %convert_element_type3A_301 = arith.extui %lt3A_300 : vector<32x128xi1> to vector<32x128xi32>
    %convert_element_type3A_302 = arith.sitofp %convert_element_type3A_301 : vector<32x128xi32> to vector<32x128xf32>
    %mul3A_303 = arith.constant 1.000000e-10 : f32
    %mul3A_304 = vector.broadcast %mul3A_303 : f32 to vector<32x128xf32>
    %mul3A_305 = arith.mulf %mul3A_304, %convert_element_type3A_302 : vector<32x128xf32>
    %add3A_306 = arith.addf %sub3A_280, %mul3A_305 : vector<32x128xf32>
    %abs3A_307 = math.absf %sub3A_288 : vector<32x128xf32>
    %lt3A_308 = arith.constant 1.000000e-10 : f32
    %lt3A_309 = vector.broadcast %lt3A_308 : f32 to vector<32x128xf32>
    %lt3A_310 = arith.cmpf olt, %abs3A_307, %lt3A_309 : vector<32x128xf32>
    %convert_element_type3A_311 = arith.extui %lt3A_310 : vector<32x128xi1> to vector<32x128xi32>
    %convert_element_type3A_312 = arith.sitofp %convert_element_type3A_311 : vector<32x128xi32> to vector<32x128xf32>
    %mul3A_313 = arith.constant 1.000000e-10 : f32
    %mul3A_314 = vector.broadcast %mul3A_313 : f32 to vector<32x128xf32>
    %mul3A_315 = arith.mulf %mul3A_314, %convert_element_type3A_312 : vector<32x128xf32>
    %add3A_316 = arith.addf %sub3A_288, %mul3A_315 : vector<32x128xf32>
    %atan23A_317 = math.atan2 %add3A_316, %add3A_306 : vector<32x128xf32>
    %div3A_318 = arith.constant 6.28318548 : f32
    %div3A_319 = vector.broadcast %div3A_318 : f32 to vector<32x128xf32>
    %div3A_320 = arith.divf %atan23A_317, %div3A_319 : vector<32x128xf32>
    %add3A_321 = arith.constant 5.000000e-01 : f32
    %add3A_322 = vector.broadcast %add3A_321 : f32 to vector<32x128xf32>
    %add3A_323 = arith.addf %div3A_320, %add3A_322 : vector<32x128xf32>
    %broadcast_in_dim3A_324 = arith.constant 5 : i32
    %broadcast_in_dim3A_325 = vector.broadcast %broadcast_in_dim3A_324 : i32 to vector<32x128xi32>
    %get3A_326 = arith.constant 0 : index
    %get3A_327 = arith.constant 6 : index
    %get3A_328 = arith.constant 0 : index
    %get3A_329 = arith.constant 0 : index
    %get3A_330 = arith.constant 0 : index
    %get3A_331 = vector.load %arg1[%get3A_326, %get3A_327, %get3A_328, %get3A_329, %get3A_330] : memref<3x8x1x32x128xf32, #tpu.memory_space<vmem>>, vector<1x1x1x32x128xf32>
    %get3A_332 = vector.shape_cast %get3A_331 : vector<1x1x1x32x128xf32> to vector<32x128xf32>
    %sub3A_333 = arith.subf %get3A_332, %get3A_4 : vector<32x128xf32>
    %get3A_334 = arith.constant 1 : index
    %get3A_335 = arith.constant 6 : index
    %get3A_336 = arith.constant 0 : index
    %get3A_337 = arith.constant 0 : index
    %get3A_338 = arith.constant 0 : index
    %get3A_339 = vector.load %arg1[%get3A_334, %get3A_335, %get3A_336, %get3A_337, %get3A_338] : memref<3x8x1x32x128xf32, #tpu.memory_space<vmem>>, vector<1x1x1x32x128xf32>
    %get3A_340 = vector.shape_cast %get3A_339 : vector<1x1x1x32x128xf32> to vector<32x128xf32>
    %sub3A_341 = arith.subf %get3A_340, %get3A_10 : vector<32x128xf32>
    %get3A_342 = arith.constant 2 : index
    %get3A_343 = arith.constant 6 : index
    %get3A_344 = arith.constant 0 : index
    %get3A_345 = arith.constant 0 : index
    %get3A_346 = arith.constant 0 : index
    %get3A_347 = vector.load %arg1[%get3A_342, %get3A_343, %get3A_344, %get3A_345, %get3A_346] : memref<3x8x1x32x128xf32, #tpu.memory_space<vmem>>, vector<1x1x1x32x128xf32>
    %get3A_348 = vector.shape_cast %get3A_347 : vector<1x1x1x32x128xf32> to vector<32x128xf32>
    %sub3A_349 = arith.subf %get3A_348, %get3A_16 : vector<32x128xf32>
    %abs3A_350 = math.absf %sub3A_333 : vector<32x128xf32>
    %lt3A_351 = arith.constant 1.000000e-10 : f32
    %lt3A_352 = vector.broadcast %lt3A_351 : f32 to vector<32x128xf32>
    %lt3A_353 = arith.cmpf olt, %abs3A_350, %lt3A_352 : vector<32x128xf32>
    %convert_element_type3A_354 = arith.extui %lt3A_353 : vector<32x128xi1> to vector<32x128xi32>
    %convert_element_type3A_355 = arith.sitofp %convert_element_type3A_354 : vector<32x128xi32> to vector<32x128xf32>
    %mul3A_356 = arith.constant 1.000000e-10 : f32
    %mul3A_357 = vector.broadcast %mul3A_356 : f32 to vector<32x128xf32>
    %mul3A_358 = arith.mulf %mul3A_357, %convert_element_type3A_355 : vector<32x128xf32>
    %add3A_359 = arith.addf %sub3A_333, %mul3A_358 : vector<32x128xf32>
    %abs3A_360 = math.absf %sub3A_341 : vector<32x128xf32>
    %lt3A_361 = arith.constant 1.000000e-10 : f32
    %lt3A_362 = vector.broadcast %lt3A_361 : f32 to vector<32x128xf32>
    %lt3A_363 = arith.cmpf olt, %abs3A_360, %lt3A_362 : vector<32x128xf32>
    %convert_element_type3A_364 = arith.extui %lt3A_363 : vector<32x128xi1> to vector<32x128xi32>
    %convert_element_type3A_365 = arith.sitofp %convert_element_type3A_364 : vector<32x128xi32> to vector<32x128xf32>
    %mul3A_366 = arith.constant 1.000000e-10 : f32
    %mul3A_367 = vector.broadcast %mul3A_366 : f32 to vector<32x128xf32>
    %mul3A_368 = arith.mulf %mul3A_367, %convert_element_type3A_365 : vector<32x128xf32>
    %add3A_369 = arith.addf %sub3A_341, %mul3A_368 : vector<32x128xf32>
    %atan23A_370 = math.atan2 %add3A_369, %add3A_359 : vector<32x128xf32>
    %div3A_371 = arith.constant 6.28318548 : f32
    %div3A_372 = vector.broadcast %div3A_371 : f32 to vector<32x128xf32>
    %div3A_373 = arith.divf %atan23A_370, %div3A_372 : vector<32x128xf32>
    %add3A_374 = arith.constant 5.000000e-01 : f32
    %add3A_375 = vector.broadcast %add3A_374 : f32 to vector<32x128xf32>
    %add3A_376 = arith.addf %div3A_373, %add3A_375 : vector<32x128xf32>
    %broadcast_in_dim3A_377 = arith.constant 6 : i32
    %broadcast_in_dim3A_378 = vector.broadcast %broadcast_in_dim3A_377 : i32 to vector<32x128xi32>
    %get3A_379 = arith.constant 0 : index
    %get3A_380 = arith.constant 7 : index
    %get3A_381 = arith.constant 0 : index
    %get3A_382 = arith.constant 0 : index
    %get3A_383 = arith.constant 0 : index
    %get3A_384 = vector.load %arg1[%get3A_379, %get3A_380, %get3A_381, %get3A_382, %get3A_383] : memref<3x8x1x32x128xf32, #tpu.memory_space<vmem>>, vector<1x1x1x32x128xf32>
    %get3A_385 = vector.shape_cast %get3A_384 : vector<1x1x1x32x128xf32> to vector<32x128xf32>
    %sub3A_386 = arith.subf %get3A_385, %get3A_4 : vector<32x128xf32>
    %get3A_387 = arith.constant 1 : index
    %get3A_388 = arith.constant 7 : index
    %get3A_389 = arith.constant 0 : index
    %get3A_390 = arith.constant 0 : index
    %get3A_391 = arith.constant 0 : index
    %get3A_392 = vector.load %arg1[%get3A_387, %get3A_388, %get3A_389, %get3A_390, %get3A_391] : memref<3x8x1x32x128xf32, #tpu.memory_space<vmem>>, vector<1x1x1x32x128xf32>
    %get3A_393 = vector.shape_cast %get3A_392 : vector<1x1x1x32x128xf32> to vector<32x128xf32>
    %sub3A_394 = arith.subf %get3A_393, %get3A_10 : vector<32x128xf32>
    %get3A_395 = arith.constant 2 : index
    %get3A_396 = arith.constant 7 : index
    %get3A_397 = arith.constant 0 : index
    %get3A_398 = arith.constant 0 : index
    %get3A_399 = arith.constant 0 : index
    %get3A_400 = vector.load %arg1[%get3A_395, %get3A_396, %get3A_397, %get3A_398, %get3A_399] : memref<3x8x1x32x128xf32, #tpu.memory_space<vmem>>, vector<1x1x1x32x128xf32>
    %get3A_401 = vector.shape_cast %get3A_400 : vector<1x1x1x32x128xf32> to vector<32x128xf32>
    %sub3A_402 = arith.subf %get3A_401, %get3A_16 : vector<32x128xf32>
    %abs3A_403 = math.absf %sub3A_386 : vector<32x128xf32>
    %lt3A_404 = arith.constant 1.000000e-10 : f32
    %lt3A_405 = vector.broadcast %lt3A_404 : f32 to vector<32x128xf32>
    %lt3A_406 = arith.cmpf olt, %abs3A_403, %lt3A_405 : vector<32x128xf32>
    %convert_element_type3A_407 = arith.extui %lt3A_406 : vector<32x128xi1> to vector<32x128xi32>
    %convert_element_type3A_408 = arith.sitofp %convert_element_type3A_407 : vector<32x128xi32> to vector<32x128xf32>
    %mul3A_409 = arith.constant 1.000000e-10 : f32
    %mul3A_410 = vector.broadcast %mul3A_409 : f32 to vector<32x128xf32>
    %mul3A_411 = arith.mulf %mul3A_410, %convert_element_type3A_408 : vector<32x128xf32>
    %add3A_412 = arith.addf %sub3A_386, %mul3A_411 : vector<32x128xf32>
    %abs3A_413 = math.absf %sub3A_394 : vector<32x128xf32>
    %lt3A_414 = arith.constant 1.000000e-10 : f32
    %lt3A_415 = vector.broadcast %lt3A_414 : f32 to vector<32x128xf32>
    %lt3A_416 = arith.cmpf olt, %abs3A_413, %lt3A_415 : vector<32x128xf32>
    %convert_element_type3A_417 = arith.extui %lt3A_416 : vector<32x128xi1> to vector<32x128xi32>
    %convert_element_type3A_418 = arith.sitofp %convert_element_type3A_417 : vector<32x128xi32> to vector<32x128xf32>
    %mul3A_419 = arith.constant 1.000000e-10 : f32
    %mul3A_420 = vector.broadcast %mul3A_419 : f32 to vector<32x128xf32>
    %mul3A_421 = arith.mulf %mul3A_420, %convert_element_type3A_418 : vector<32x128xf32>
    %add3A_422 = arith.addf %sub3A_394, %mul3A_421 : vector<32x128xf32>
    %atan23A_423 = math.atan2 %add3A_422, %add3A_412 : vector<32x128xf32>
    %div3A_424 = arith.constant 6.28318548 : f32
    %div3A_425 = vector.broadcast %div3A_424 : f32 to vector<32x128xf32>
    %div3A_426 = arith.divf %atan23A_423, %div3A_425 : vector<32x128xf32>
    %add3A_427 = arith.constant 5.000000e-01 : f32
    %add3A_428 = vector.broadcast %add3A_427 : f32 to vector<32x128xf32>
    %add3A_429 = arith.addf %div3A_426, %add3A_428 : vector<32x128xf32>
    %broadcast_in_dim3A_430 = arith.constant 7 : i32
    %broadcast_in_dim3A_431 = vector.broadcast %broadcast_in_dim3A_430 : i32 to vector<32x128xi32>
    %gt3A = arith.cmpf ogt, %add3A_59, %add3A_111 : vector<32x128xf32>
    %eq3A = arith.cmpf oeq, %add3A_59, %add3A_111 : vector<32x128xf32>
    %gt3A_432 = arith.cmpi sgt, %broadcast_in_dim3A_60, %broadcast_in_dim3A_113 : vector<32x128xi32>
    %and3A = arith.andi %eq3A, %gt3A_432 : vector<32x128xi1>
    %or3A = arith.ori %gt3A, %and3A : vector<32x128xi1>
    %select_n3A = arith.select %or3A, %add3A_111, %add3A_59 : vector<32x128xi1>, vector<32x128xf32>
    %select_n3A_433 = arith.select %or3A, %add3A_59, %add3A_111 : vector<32x128xi1>, vector<32x128xf32>
    %select_n3A_434 = arith.select %or3A, %broadcast_in_dim3A_113, %broadcast_in_dim3A_60 : vector<32x128xi1>, vector<32x128xi32>
    %select_n3A_435 = arith.select %or3A, %broadcast_in_dim3A_60, %broadcast_in_dim3A_113 : vector<32x128xi1>, vector<32x128xi32>
    %select_n3A_436 = arith.select %or3A, %sub3A_68, %sub3A : vector<32x128xi1>, vector<32x128xf32>
    %select_n3A_437 = arith.select %or3A, %sub3A, %sub3A_68 : vector<32x128xi1>, vector<32x128xf32>
    %select_n3A_438 = arith.select %or3A, %sub3A_76, %sub3A_31 : vector<32x128xi1>, vector<32x128xf32>
    %select_n3A_439 = arith.select %or3A, %sub3A_31, %sub3A_76 : vector<32x128xi1>, vector<32x128xf32>
    %select_n3A_440 = arith.select %or3A, %sub3A_84, %sub3A_39 : vector<32x128xi1>, vector<32x128xf32>
    %select_n3A_441 = arith.select %or3A, %sub3A_39, %sub3A_84 : vector<32x128xi1>, vector<32x128xf32>
    %gt3A_442 = arith.cmpf ogt, %add3A_164, %add3A_217 : vector<32x128xf32>
    %eq3A_443 = arith.cmpf oeq, %add3A_164, %add3A_217 : vector<32x128xf32>
    %gt3A_444 = arith.cmpi sgt, %broadcast_in_dim3A_166, %broadcast_in_dim3A_219 : vector<32x128xi32>
    %and3A_445 = arith.andi %eq3A_443, %gt3A_444 : vector<32x128xi1>
    %or3A_446 = arith.ori %gt3A_442, %and3A_445 : vector<32x128xi1>
    %select_n3A_447 = arith.select %or3A_446, %add3A_217, %add3A_164 : vector<32x128xi1>, vector<32x128xf32>
    %select_n3A_448 = arith.select %or3A_446, %add3A_164, %add3A_217 : vector<32x128xi1>, vector<32x128xf32>
    %select_n3A_449 = arith.select %or3A_446, %broadcast_in_dim3A_219, %broadcast_in_dim3A_166 : vector<32x128xi1>, vector<32x128xi32>
    %select_n3A_450 = arith.select %or3A_446, %broadcast_in_dim3A_166, %broadcast_in_dim3A_219 : vector<32x128xi1>, vector<32x128xi32>
    %select_n3A_451 = arith.select %or3A_446, %sub3A_174, %sub3A_121 : vector<32x128xi1>, vector<32x128xf32>
    %select_n3A_452 = arith.select %or3A_446, %sub3A_121, %sub3A_174 : vector<32x128xi1>, vector<32x128xf32>
    %select_n3A_453 = arith.select %or3A_446, %sub3A_182, %sub3A_129 : vector<32x128xi1>, vector<32x128xf32>
    %select_n3A_454 = arith.select %or3A_446, %sub3A_129, %sub3A_182 : vector<32x128xi1>, vector<32x128xf32>
    %select_n3A_455 = arith.select %or3A_446, %sub3A_190, %sub3A_137 : vector<32x128xi1>, vector<32x128xf32>
    %select_n3A_456 = arith.select %or3A_446, %sub3A_137, %sub3A_190 : vector<32x128xi1>, vector<32x128xf32>
    %gt3A_457 = arith.cmpf ogt, %add3A_270, %add3A_323 : vector<32x128xf32>
    %eq3A_458 = arith.cmpf oeq, %add3A_270, %add3A_323 : vector<32x128xf32>
    %gt3A_459 = arith.cmpi sgt, %broadcast_in_dim3A_272, %broadcast_in_dim3A_325 : vector<32x128xi32>
    %and3A_460 = arith.andi %eq3A_458, %gt3A_459 : vector<32x128xi1>
    %or3A_461 = arith.ori %gt3A_457, %and3A_460 : vector<32x128xi1>
    %select_n3A_462 = arith.select %or3A_461, %add3A_323, %add3A_270 : vector<32x128xi1>, vector<32x128xf32>
    %select_n3A_463 = arith.select %or3A_461, %add3A_270, %add3A_323 : vector<32x128xi1>, vector<32x128xf32>
    %select_n3A_464 = arith.select %or3A_461, %broadcast_in_dim3A_325, %broadcast_in_dim3A_272 : vector<32x128xi1>, vector<32x128xi32>
    %select_n3A_465 = arith.select %or3A_461, %broadcast_in_dim3A_272, %broadcast_in_dim3A_325 : vector<32x128xi1>, vector<32x128xi32>
    %select_n3A_466 = arith.select %or3A_461, %sub3A_280, %sub3A_227 : vector<32x128xi1>, vector<32x128xf32>
    %select_n3A_467 = arith.select %or3A_461, %sub3A_227, %sub3A_280 : vector<32x128xi1>, vector<32x128xf32>
    %select_n3A_468 = arith.select %or3A_461, %sub3A_288, %sub3A_235 : vector<32x128xi1>, vector<32x128xf32>
    %select_n3A_469 = arith.select %or3A_461, %sub3A_235, %sub3A_288 : vector<32x128xi1>, vector<32x128xf32>
    %select_n3A_470 = arith.select %or3A_461, %sub3A_296, %sub3A_243 : vector<32x128xi1>, vector<32x128xf32>
    %select_n3A_471 = arith.select %or3A_461, %sub3A_243, %sub3A_296 : vector<32x128xi1>, vector<32x128xf32>
    %gt3A_472 = arith.cmpf ogt, %add3A_376, %add3A_429 : vector<32x128xf32>
    %eq3A_473 = arith.cmpf oeq, %add3A_376, %add3A_429 : vector<32x128xf32>
    %gt3A_474 = arith.cmpi sgt, %broadcast_in_dim3A_378, %broadcast_in_dim3A_431 : vector<32x128xi32>
    %and3A_475 = arith.andi %eq3A_473, %gt3A_474 : vector<32x128xi1>
    %or3A_476 = arith.ori %gt3A_472, %and3A_475 : vector<32x128xi1>
    %select_n3A_477 = arith.select %or3A_476, %add3A_429, %add3A_376 : vector<32x128xi1>, vector<32x128xf32>
    %select_n3A_478 = arith.select %or3A_476, %add3A_376, %add3A_429 : vector<32x128xi1>, vector<32x128xf32>
    %select_n3A_479 = arith.select %or3A_476, %broadcast_in_dim3A_431, %broadcast_in_dim3A_378 : vector<32x128xi1>, vector<32x128xi32>
    %select_n3A_480 = arith.select %or3A_476, %broadcast_in_dim3A_378, %broadcast_in_dim3A_431 : vector<32x128xi1>, vector<32x128xi32>
    %select_n3A_481 = arith.select %or3A_476, %sub3A_386, %sub3A_333 : vector<32x128xi1>, vector<32x128xf32>
    %select_n3A_482 = arith.select %or3A_476, %sub3A_333, %sub3A_386 : vector<32x128xi1>, vector<32x128xf32>
    %select_n3A_483 = arith.select %or3A_476, %sub3A_394, %sub3A_341 : vector<32x128xi1>, vector<32x128xf32>
    %select_n3A_484 = arith.select %or3A_476, %sub3A_341, %sub3A_394 : vector<32x128xi1>, vector<32x128xf32>
    %select_n3A_485 = arith.select %or3A_476, %sub3A_402, %sub3A_349 : vector<32x128xi1>, vector<32x128xf32>
    %select_n3A_486 = arith.select %or3A_476, %sub3A_349, %sub3A_402 : vector<32x128xi1>, vector<32x128xf32>
    %gt3A_487 = arith.cmpf ogt, %select_n3A, %select_n3A_447 : vector<32x128xf32>
    %eq3A_488 = arith.cmpf oeq, %select_n3A, %select_n3A_447 : vector<32x128xf32>
    %gt3A_489 = arith.cmpi sgt, %select_n3A_434, %select_n3A_449 : vector<32x128xi32>
    %and3A_490 = arith.andi %eq3A_488, %gt3A_489 : vector<32x128xi1>
    %or3A_491 = arith.ori %gt3A_487, %and3A_490 : vector<32x128xi1>
    %select_n3A_492 = arith.select %or3A_491, %select_n3A_447, %select_n3A : vector<32x128xi1>, vector<32x128xf32>
    %select_n3A_493 = arith.select %or3A_491, %select_n3A, %select_n3A_447 : vector<32x128xi1>, vector<32x128xf32>
    %select_n3A_494 = arith.select %or3A_491, %select_n3A_449, %select_n3A_434 : vector<32x128xi1>, vector<32x128xi32>
    %select_n3A_495 = arith.select %or3A_491, %select_n3A_434, %select_n3A_449 : vector<32x128xi1>, vector<32x128xi32>
    %select_n3A_496 = arith.select %or3A_491, %select_n3A_451, %select_n3A_436 : vector<32x128xi1>, vector<32x128xf32>
    %select_n3A_497 = arith.select %or3A_491, %select_n3A_436, %select_n3A_451 : vector<32x128xi1>, vector<32x128xf32>
    %select_n3A_498 = arith.select %or3A_491, %select_n3A_453, %select_n3A_438 : vector<32x128xi1>, vector<32x128xf32>
    %select_n3A_499 = arith.select %or3A_491, %select_n3A_438, %select_n3A_453 : vector<32x128xi1>, vector<32x128xf32>
    %select_n3A_500 = arith.select %or3A_491, %select_n3A_455, %select_n3A_440 : vector<32x128xi1>, vector<32x128xf32>
    %select_n3A_501 = arith.select %or3A_491, %select_n3A_440, %select_n3A_455 : vector<32x128xi1>, vector<32x128xf32>
    %gt3A_502 = arith.cmpf ogt, %select_n3A_433, %select_n3A_448 : vector<32x128xf32>
    %eq3A_503 = arith.cmpf oeq, %select_n3A_433, %select_n3A_448 : vector<32x128xf32>
    %gt3A_504 = arith.cmpi sgt, %select_n3A_435, %select_n3A_450 : vector<32x128xi32>
    %and3A_505 = arith.andi %eq3A_503, %gt3A_504 : vector<32x128xi1>
    %or3A_506 = arith.ori %gt3A_502, %and3A_505 : vector<32x128xi1>
    %select_n3A_507 = arith.select %or3A_506, %select_n3A_448, %select_n3A_433 : vector<32x128xi1>, vector<32x128xf32>
    %select_n3A_508 = arith.select %or3A_506, %select_n3A_433, %select_n3A_448 : vector<32x128xi1>, vector<32x128xf32>
    %select_n3A_509 = arith.select %or3A_506, %select_n3A_450, %select_n3A_435 : vector<32x128xi1>, vector<32x128xi32>
    %select_n3A_510 = arith.select %or3A_506, %select_n3A_435, %select_n3A_450 : vector<32x128xi1>, vector<32x128xi32>
    %select_n3A_511 = arith.select %or3A_506, %select_n3A_452, %select_n3A_437 : vector<32x128xi1>, vector<32x128xf32>
    %select_n3A_512 = arith.select %or3A_506, %select_n3A_437, %select_n3A_452 : vector<32x128xi1>, vector<32x128xf32>
    %select_n3A_513 = arith.select %or3A_506, %select_n3A_454, %select_n3A_439 : vector<32x128xi1>, vector<32x128xf32>
    %select_n3A_514 = arith.select %or3A_506, %select_n3A_439, %select_n3A_454 : vector<32x128xi1>, vector<32x128xf32>
    %select_n3A_515 = arith.select %or3A_506, %select_n3A_456, %select_n3A_441 : vector<32x128xi1>, vector<32x128xf32>
    %select_n3A_516 = arith.select %or3A_506, %select_n3A_441, %select_n3A_456 : vector<32x128xi1>, vector<32x128xf32>
    %gt3A_517 = arith.cmpf ogt, %select_n3A_462, %select_n3A_477 : vector<32x128xf32>
    %eq3A_518 = arith.cmpf oeq, %select_n3A_462, %select_n3A_477 : vector<32x128xf32>
    %gt3A_519 = arith.cmpi sgt, %select_n3A_464, %select_n3A_479 : vector<32x128xi32>
    %and3A_520 = arith.andi %eq3A_518, %gt3A_519 : vector<32x128xi1>
    %or3A_521 = arith.ori %gt3A_517, %and3A_520 : vector<32x128xi1>
    %select_n3A_522 = arith.select %or3A_521, %select_n3A_477, %select_n3A_462 : vector<32x128xi1>, vector<32x128xf32>
    %select_n3A_523 = arith.select %or3A_521, %select_n3A_462, %select_n3A_477 : vector<32x128xi1>, vector<32x128xf32>
    %select_n3A_524 = arith.select %or3A_521, %select_n3A_479, %select_n3A_464 : vector<32x128xi1>, vector<32x128xi32>
    %select_n3A_525 = arith.select %or3A_521, %select_n3A_464, %select_n3A_479 : vector<32x128xi1>, vector<32x128xi32>
    %select_n3A_526 = arith.select %or3A_521, %select_n3A_481, %select_n3A_466 : vector<32x128xi1>, vector<32x128xf32>
    %select_n3A_527 = arith.select %or3A_521, %select_n3A_466, %select_n3A_481 : vector<32x128xi1>, vector<32x128xf32>
    %select_n3A_528 = arith.select %or3A_521, %select_n3A_483, %select_n3A_468 : vector<32x128xi1>, vector<32x128xf32>
    %select_n3A_529 = arith.select %or3A_521, %select_n3A_468, %select_n3A_483 : vector<32x128xi1>, vector<32x128xf32>
    %select_n3A_530 = arith.select %or3A_521, %select_n3A_485, %select_n3A_470 : vector<32x128xi1>, vector<32x128xf32>
    %select_n3A_531 = arith.select %or3A_521, %select_n3A_470, %select_n3A_485 : vector<32x128xi1>, vector<32x128xf32>
    %gt3A_532 = arith.cmpf ogt, %select_n3A_463, %select_n3A_478 : vector<32x128xf32>
    %eq3A_533 = arith.cmpf oeq, %select_n3A_463, %select_n3A_478 : vector<32x128xf32>
    %gt3A_534 = arith.cmpi sgt, %select_n3A_465, %select_n3A_480 : vector<32x128xi32>
    %and3A_535 = arith.andi %eq3A_533, %gt3A_534 : vector<32x128xi1>
    %or3A_536 = arith.ori %gt3A_532, %and3A_535 : vector<32x128xi1>
    %select_n3A_537 = arith.select %or3A_536, %select_n3A_478, %select_n3A_463 : vector<32x128xi1>, vector<32x128xf32>
    %select_n3A_538 = arith.select %or3A_536, %select_n3A_463, %select_n3A_478 : vector<32x128xi1>, vector<32x128xf32>
    %select_n3A_539 = arith.select %or3A_536, %select_n3A_480, %select_n3A_465 : vector<32x128xi1>, vector<32x128xi32>
    %select_n3A_540 = arith.select %or3A_536, %select_n3A_465, %select_n3A_480 : vector<32x128xi1>, vector<32x128xi32>
    %select_n3A_541 = arith.select %or3A_536, %select_n3A_482, %select_n3A_467 : vector<32x128xi1>, vector<32x128xf32>
    %select_n3A_542 = arith.select %or3A_536, %select_n3A_467, %select_n3A_482 : vector<32x128xi1>, vector<32x128xf32>
    %select_n3A_543 = arith.select %or3A_536, %select_n3A_484, %select_n3A_469 : vector<32x128xi1>, vector<32x128xf32>
    %select_n3A_544 = arith.select %or3A_536, %select_n3A_469, %select_n3A_484 : vector<32x128xi1>, vector<32x128xf32>
    %select_n3A_545 = arith.select %or3A_536, %select_n3A_486, %select_n3A_471 : vector<32x128xi1>, vector<32x128xf32>
    %select_n3A_546 = arith.select %or3A_536, %select_n3A_471, %select_n3A_486 : vector<32x128xi1>, vector<32x128xf32>
    %gt3A_547 = arith.cmpf ogt, %select_n3A_507, %select_n3A_493 : vector<32x128xf32>
    %eq3A_548 = arith.cmpf oeq, %select_n3A_507, %select_n3A_493 : vector<32x128xf32>
    %gt3A_549 = arith.cmpi sgt, %select_n3A_509, %select_n3A_495 : vector<32x128xi32>
    %and3A_550 = arith.andi %eq3A_548, %gt3A_549 : vector<32x128xi1>
    %or3A_551 = arith.ori %gt3A_547, %and3A_550 : vector<32x128xi1>
    %select_n3A_552 = arith.select %or3A_551, %select_n3A_493, %select_n3A_507 : vector<32x128xi1>, vector<32x128xf32>
    %select_n3A_553 = arith.select %or3A_551, %select_n3A_507, %select_n3A_493 : vector<32x128xi1>, vector<32x128xf32>
    %select_n3A_554 = arith.select %or3A_551, %select_n3A_495, %select_n3A_509 : vector<32x128xi1>, vector<32x128xi32>
    %select_n3A_555 = arith.select %or3A_551, %select_n3A_509, %select_n3A_495 : vector<32x128xi1>, vector<32x128xi32>
    %select_n3A_556 = arith.select %or3A_551, %select_n3A_497, %select_n3A_511 : vector<32x128xi1>, vector<32x128xf32>
    %select_n3A_557 = arith.select %or3A_551, %select_n3A_511, %select_n3A_497 : vector<32x128xi1>, vector<32x128xf32>
    %select_n3A_558 = arith.select %or3A_551, %select_n3A_499, %select_n3A_513 : vector<32x128xi1>, vector<32x128xf32>
    %select_n3A_559 = arith.select %or3A_551, %select_n3A_513, %select_n3A_499 : vector<32x128xi1>, vector<32x128xf32>
    %select_n3A_560 = arith.select %or3A_551, %select_n3A_501, %select_n3A_515 : vector<32x128xi1>, vector<32x128xf32>
    %select_n3A_561 = arith.select %or3A_551, %select_n3A_515, %select_n3A_501 : vector<32x128xi1>, vector<32x128xf32>
    %gt3A_562 = arith.cmpf ogt, %select_n3A_537, %select_n3A_523 : vector<32x128xf32>
    %eq3A_563 = arith.cmpf oeq, %select_n3A_537, %select_n3A_523 : vector<32x128xf32>
    %gt3A_564 = arith.cmpi sgt, %select_n3A_539, %select_n3A_525 : vector<32x128xi32>
    %and3A_565 = arith.andi %eq3A_563, %gt3A_564 : vector<32x128xi1>
    %or3A_566 = arith.ori %gt3A_562, %and3A_565 : vector<32x128xi1>
    %select_n3A_567 = arith.select %or3A_566, %select_n3A_523, %select_n3A_537 : vector<32x128xi1>, vector<32x128xf32>
    %select_n3A_568 = arith.select %or3A_566, %select_n3A_537, %select_n3A_523 : vector<32x128xi1>, vector<32x128xf32>
    %select_n3A_569 = arith.select %or3A_566, %select_n3A_525, %select_n3A_539 : vector<32x128xi1>, vector<32x128xi32>
    %select_n3A_570 = arith.select %or3A_566, %select_n3A_539, %select_n3A_525 : vector<32x128xi1>, vector<32x128xi32>
    %select_n3A_571 = arith.select %or3A_566, %select_n3A_527, %select_n3A_541 : vector<32x128xi1>, vector<32x128xf32>
    %select_n3A_572 = arith.select %or3A_566, %select_n3A_541, %select_n3A_527 : vector<32x128xi1>, vector<32x128xf32>
    %select_n3A_573 = arith.select %or3A_566, %select_n3A_529, %select_n3A_543 : vector<32x128xi1>, vector<32x128xf32>
    %select_n3A_574 = arith.select %or3A_566, %select_n3A_543, %select_n3A_529 : vector<32x128xi1>, vector<32x128xf32>
    %select_n3A_575 = arith.select %or3A_566, %select_n3A_531, %select_n3A_545 : vector<32x128xi1>, vector<32x128xf32>
    %select_n3A_576 = arith.select %or3A_566, %select_n3A_545, %select_n3A_531 : vector<32x128xi1>, vector<32x128xf32>
    %gt3A_577 = arith.cmpf ogt, %select_n3A_492, %select_n3A_522 : vector<32x128xf32>
    %eq3A_578 = arith.cmpf oeq, %select_n3A_492, %select_n3A_522 : vector<32x128xf32>
    %gt3A_579 = arith.cmpi sgt, %select_n3A_494, %select_n3A_524 : vector<32x128xi32>
    %and3A_580 = arith.andi %eq3A_578, %gt3A_579 : vector<32x128xi1>
    %or3A_581 = arith.ori %gt3A_577, %and3A_580 : vector<32x128xi1>
    %select_n3A_582 = arith.select %or3A_581, %select_n3A_492, %select_n3A_522 : vector<32x128xi1>, vector<32x128xf32>
    %select_n3A_583 = arith.select %or3A_581, %select_n3A_494, %select_n3A_524 : vector<32x128xi1>, vector<32x128xi32>
    %select_n3A_584 = arith.select %or3A_581, %select_n3A_526, %select_n3A_496 : vector<32x128xi1>, vector<32x128xf32>
    %select_n3A_585 = arith.select %or3A_581, %select_n3A_496, %select_n3A_526 : vector<32x128xi1>, vector<32x128xf32>
    %select_n3A_586 = arith.select %or3A_581, %select_n3A_528, %select_n3A_498 : vector<32x128xi1>, vector<32x128xf32>
    %select_n3A_587 = arith.select %or3A_581, %select_n3A_498, %select_n3A_528 : vector<32x128xi1>, vector<32x128xf32>
    %select_n3A_588 = arith.select %or3A_581, %select_n3A_530, %select_n3A_500 : vector<32x128xi1>, vector<32x128xf32>
    %select_n3A_589 = arith.select %or3A_581, %select_n3A_500, %select_n3A_530 : vector<32x128xi1>, vector<32x128xf32>
    %gt3A_590 = arith.cmpf ogt, %select_n3A_552, %select_n3A_567 : vector<32x128xf32>
    %eq3A_591 = arith.cmpf oeq, %select_n3A_552, %select_n3A_567 : vector<32x128xf32>
    %gt3A_592 = arith.cmpi sgt, %select_n3A_554, %select_n3A_569 : vector<32x128xi32>
    %and3A_593 = arith.andi %eq3A_591, %gt3A_592 : vector<32x128xi1>
    %or3A_594 = arith.ori %gt3A_590, %and3A_593 : vector<32x128xi1>
    %select_n3A_595 = arith.select %or3A_594, %select_n3A_567, %select_n3A_552 : vector<32x128xi1>, vector<32x128xf32>
    %select_n3A_596 = arith.select %or3A_594, %select_n3A_552, %select_n3A_567 : vector<32x128xi1>, vector<32x128xf32>
    %select_n3A_597 = arith.select %or3A_594, %select_n3A_569, %select_n3A_554 : vector<32x128xi1>, vector<32x128xi32>
    %select_n3A_598 = arith.select %or3A_594, %select_n3A_554, %select_n3A_569 : vector<32x128xi1>, vector<32x128xi32>
    %select_n3A_599 = arith.select %or3A_594, %select_n3A_571, %select_n3A_556 : vector<32x128xi1>, vector<32x128xf32>
    %select_n3A_600 = arith.select %or3A_594, %select_n3A_556, %select_n3A_571 : vector<32x128xi1>, vector<32x128xf32>
    %select_n3A_601 = arith.select %or3A_594, %select_n3A_573, %select_n3A_558 : vector<32x128xi1>, vector<32x128xf32>
    %select_n3A_602 = arith.select %or3A_594, %select_n3A_558, %select_n3A_573 : vector<32x128xi1>, vector<32x128xf32>
    %select_n3A_603 = arith.select %or3A_594, %select_n3A_575, %select_n3A_560 : vector<32x128xi1>, vector<32x128xf32>
    %select_n3A_604 = arith.select %or3A_594, %select_n3A_560, %select_n3A_575 : vector<32x128xi1>, vector<32x128xf32>
    %gt3A_605 = arith.cmpf ogt, %select_n3A_553, %select_n3A_568 : vector<32x128xf32>
    %eq3A_606 = arith.cmpf oeq, %select_n3A_553, %select_n3A_568 : vector<32x128xf32>
    %gt3A_607 = arith.cmpi sgt, %select_n3A_555, %select_n3A_570 : vector<32x128xi32>
    %and3A_608 = arith.andi %eq3A_606, %gt3A_607 : vector<32x128xi1>
    %or3A_609 = arith.ori %gt3A_605, %and3A_608 : vector<32x128xi1>
    %select_n3A_610 = arith.select %or3A_609, %select_n3A_568, %select_n3A_553 : vector<32x128xi1>, vector<32x128xf32>
    %select_n3A_611 = arith.select %or3A_609, %select_n3A_553, %select_n3A_568 : vector<32x128xi1>, vector<32x128xf32>
    %select_n3A_612 = arith.select %or3A_609, %select_n3A_570, %select_n3A_555 : vector<32x128xi1>, vector<32x128xi32>
    %select_n3A_613 = arith.select %or3A_609, %select_n3A_555, %select_n3A_570 : vector<32x128xi1>, vector<32x128xi32>
    %select_n3A_614 = arith.select %or3A_609, %select_n3A_572, %select_n3A_557 : vector<32x128xi1>, vector<32x128xf32>
    %select_n3A_615 = arith.select %or3A_609, %select_n3A_557, %select_n3A_572 : vector<32x128xi1>, vector<32x128xf32>
    %select_n3A_616 = arith.select %or3A_609, %select_n3A_574, %select_n3A_559 : vector<32x128xi1>, vector<32x128xf32>
    %select_n3A_617 = arith.select %or3A_609, %select_n3A_559, %select_n3A_574 : vector<32x128xi1>, vector<32x128xf32>
    %select_n3A_618 = arith.select %or3A_609, %select_n3A_576, %select_n3A_561 : vector<32x128xi1>, vector<32x128xf32>
    %select_n3A_619 = arith.select %or3A_609, %select_n3A_561, %select_n3A_576 : vector<32x128xi1>, vector<32x128xf32>
    %gt3A_620 = arith.cmpf ogt, %select_n3A_508, %select_n3A_538 : vector<32x128xf32>
    %eq3A_621 = arith.cmpf oeq, %select_n3A_508, %select_n3A_538 : vector<32x128xf32>
    %gt3A_622 = arith.cmpi sgt, %select_n3A_510, %select_n3A_540 : vector<32x128xi32>
    %and3A_623 = arith.andi %eq3A_621, %gt3A_622 : vector<32x128xi1>
    %or3A_624 = arith.ori %gt3A_620, %and3A_623 : vector<32x128xi1>
    %select_n3A_625 = arith.select %or3A_624, %select_n3A_538, %select_n3A_508 : vector<32x128xi1>, vector<32x128xf32>
    %select_n3A_626 = arith.select %or3A_624, %select_n3A_540, %select_n3A_510 : vector<32x128xi1>, vector<32x128xi32>
    %select_n3A_627 = arith.select %or3A_624, %select_n3A_542, %select_n3A_512 : vector<32x128xi1>, vector<32x128xf32>
    %select_n3A_628 = arith.select %or3A_624, %select_n3A_512, %select_n3A_542 : vector<32x128xi1>, vector<32x128xf32>
    %select_n3A_629 = arith.select %or3A_624, %select_n3A_544, %select_n3A_514 : vector<32x128xi1>, vector<32x128xf32>
    %select_n3A_630 = arith.select %or3A_624, %select_n3A_514, %select_n3A_544 : vector<32x128xi1>, vector<32x128xf32>
    %select_n3A_631 = arith.select %or3A_624, %select_n3A_546, %select_n3A_516 : vector<32x128xi1>, vector<32x128xf32>
    %select_n3A_632 = arith.select %or3A_624, %select_n3A_516, %select_n3A_546 : vector<32x128xi1>, vector<32x128xf32>
    %gt3A_633 = arith.cmpf ogt, %select_n3A_610, %select_n3A_582 : vector<32x128xf32>
    %eq3A_634 = arith.cmpf oeq, %select_n3A_610, %select_n3A_582 : vector<32x128xf32>
    %gt3A_635 = arith.cmpi sgt, %select_n3A_612, %select_n3A_583 : vector<32x128xi32>
    %and3A_636 = arith.andi %eq3A_634, %gt3A_635 : vector<32x128xi1>
    %or3A_637 = arith.ori %gt3A_633, %and3A_636 : vector<32x128xi1>
    %select_n3A_638 = arith.select %or3A_637, %select_n3A_582, %select_n3A_610 : vector<32x128xi1>, vector<32x128xf32>
    %select_n3A_639 = arith.select %or3A_637, %select_n3A_610, %select_n3A_582 : vector<32x128xi1>, vector<32x128xf32>
    %select_n3A_640 = arith.select %or3A_637, %select_n3A_583, %select_n3A_612 : vector<32x128xi1>, vector<32x128xi32>
    %select_n3A_641 = arith.select %or3A_637, %select_n3A_612, %select_n3A_583 : vector<32x128xi1>, vector<32x128xi32>
    %select_n3A_642 = arith.select %or3A_637, %select_n3A_585, %select_n3A_614 : vector<32x128xi1>, vector<32x128xf32>
    %select_n3A_643 = arith.select %or3A_637, %select_n3A_614, %select_n3A_585 : vector<32x128xi1>, vector<32x128xf32>
    %select_n3A_644 = arith.select %or3A_637, %select_n3A_587, %select_n3A_616 : vector<32x128xi1>, vector<32x128xf32>
    %select_n3A_645 = arith.select %or3A_637, %select_n3A_616, %select_n3A_587 : vector<32x128xi1>, vector<32x128xf32>
    %select_n3A_646 = arith.select %or3A_637, %select_n3A_589, %select_n3A_618 : vector<32x128xi1>, vector<32x128xf32>
    %select_n3A_647 = arith.select %or3A_637, %select_n3A_618, %select_n3A_589 : vector<32x128xi1>, vector<32x128xf32>
    %gt3A_648 = arith.cmpf ogt, %select_n3A_625, %select_n3A_596 : vector<32x128xf32>
    %eq3A_649 = arith.cmpf oeq, %select_n3A_625, %select_n3A_596 : vector<32x128xf32>
    %gt3A_650 = arith.cmpi sgt, %select_n3A_626, %select_n3A_598 : vector<32x128xi32>
    %and3A_651 = arith.andi %eq3A_649, %gt3A_650 : vector<32x128xi1>
    %or3A_652 = arith.ori %gt3A_648, %and3A_651 : vector<32x128xi1>
    %select_n3A_653 = arith.select %or3A_652, %select_n3A_596, %select_n3A_625 : vector<32x128xi1>, vector<32x128xf32>
    %select_n3A_654 = arith.select %or3A_652, %select_n3A_625, %select_n3A_596 : vector<32x128xi1>, vector<32x128xf32>
    %select_n3A_655 = arith.select %or3A_652, %select_n3A_598, %select_n3A_626 : vector<32x128xi1>, vector<32x128xi32>
    %select_n3A_656 = arith.select %or3A_652, %select_n3A_626, %select_n3A_598 : vector<32x128xi1>, vector<32x128xi32>
    %select_n3A_657 = arith.select %or3A_652, %select_n3A_600, %select_n3A_627 : vector<32x128xi1>, vector<32x128xf32>
    %select_n3A_658 = arith.select %or3A_652, %select_n3A_627, %select_n3A_600 : vector<32x128xi1>, vector<32x128xf32>
    %select_n3A_659 = arith.select %or3A_652, %select_n3A_602, %select_n3A_629 : vector<32x128xi1>, vector<32x128xf32>
    %select_n3A_660 = arith.select %or3A_652, %select_n3A_629, %select_n3A_602 : vector<32x128xi1>, vector<32x128xf32>
    %select_n3A_661 = arith.select %or3A_652, %select_n3A_604, %select_n3A_631 : vector<32x128xi1>, vector<32x128xf32>
    %select_n3A_662 = arith.select %or3A_652, %select_n3A_631, %select_n3A_604 : vector<32x128xi1>, vector<32x128xf32>
    %gt3A_663 = arith.cmpf ogt, %select_n3A_595, %select_n3A_638 : vector<32x128xf32>
    %eq3A_664 = arith.cmpf oeq, %select_n3A_595, %select_n3A_638 : vector<32x128xf32>
    %gt3A_665 = arith.cmpi sgt, %select_n3A_597, %select_n3A_640 : vector<32x128xi32>
    %and3A_666 = arith.andi %eq3A_664, %gt3A_665 : vector<32x128xi1>
    %or3A_667 = arith.ori %gt3A_663, %and3A_666 : vector<32x128xi1>
    %select_n3A_668 = arith.select %or3A_667, %select_n3A_642, %select_n3A_599 : vector<32x128xi1>, vector<32x128xf32>
    %select_n3A_669 = arith.select %or3A_667, %select_n3A_599, %select_n3A_642 : vector<32x128xi1>, vector<32x128xf32>
    %select_n3A_670 = arith.select %or3A_667, %select_n3A_644, %select_n3A_601 : vector<32x128xi1>, vector<32x128xf32>
    %select_n3A_671 = arith.select %or3A_667, %select_n3A_601, %select_n3A_644 : vector<32x128xi1>, vector<32x128xf32>
    %select_n3A_672 = arith.select %or3A_667, %select_n3A_646, %select_n3A_603 : vector<32x128xi1>, vector<32x128xf32>
    %select_n3A_673 = arith.select %or3A_667, %select_n3A_603, %select_n3A_646 : vector<32x128xi1>, vector<32x128xf32>
    %gt3A_674 = arith.cmpf ogt, %select_n3A_653, %select_n3A_639 : vector<32x128xf32>
    %eq3A_675 = arith.cmpf oeq, %select_n3A_653, %select_n3A_639 : vector<32x128xf32>
    %gt3A_676 = arith.cmpi sgt, %select_n3A_655, %select_n3A_641 : vector<32x128xi32>
    %and3A_677 = arith.andi %eq3A_675, %gt3A_676 : vector<32x128xi1>
    %or3A_678 = arith.ori %gt3A_674, %and3A_677 : vector<32x128xi1>
    %select_n3A_679 = arith.select %or3A_678, %select_n3A_643, %select_n3A_657 : vector<32x128xi1>, vector<32x128xf32>
    %select_n3A_680 = arith.select %or3A_678, %select_n3A_657, %select_n3A_643 : vector<32x128xi1>, vector<32x128xf32>
    %select_n3A_681 = arith.select %or3A_678, %select_n3A_645, %select_n3A_659 : vector<32x128xi1>, vector<32x128xf32>
    %select_n3A_682 = arith.select %or3A_678, %select_n3A_659, %select_n3A_645 : vector<32x128xi1>, vector<32x128xf32>
    %select_n3A_683 = arith.select %or3A_678, %select_n3A_647, %select_n3A_661 : vector<32x128xi1>, vector<32x128xf32>
    %select_n3A_684 = arith.select %or3A_678, %select_n3A_661, %select_n3A_647 : vector<32x128xi1>, vector<32x128xf32>
    %gt3A_685 = arith.cmpf ogt, %select_n3A_654, %select_n3A_611 : vector<32x128xf32>
    %eq3A_686 = arith.cmpf oeq, %select_n3A_654, %select_n3A_611 : vector<32x128xf32>
    %gt3A_687 = arith.cmpi sgt, %select_n3A_656, %select_n3A_613 : vector<32x128xi32>
    %and3A_688 = arith.andi %eq3A_686, %gt3A_687 : vector<32x128xi1>
    %or3A_689 = arith.ori %gt3A_685, %and3A_688 : vector<32x128xi1>
    %select_n3A_690 = arith.select %or3A_689, %select_n3A_615, %select_n3A_658 : vector<32x128xi1>, vector<32x128xf32>
    %select_n3A_691 = arith.select %or3A_689, %select_n3A_658, %select_n3A_615 : vector<32x128xi1>, vector<32x128xf32>
    %select_n3A_692 = arith.select %or3A_689, %select_n3A_617, %select_n3A_660 : vector<32x128xi1>, vector<32x128xf32>
    %select_n3A_693 = arith.select %or3A_689, %select_n3A_660, %select_n3A_617 : vector<32x128xi1>, vector<32x128xf32>
    %select_n3A_694 = arith.select %or3A_689, %select_n3A_619, %select_n3A_662 : vector<32x128xi1>, vector<32x128xf32>
    %select_n3A_695 = arith.select %or3A_689, %select_n3A_662, %select_n3A_619 : vector<32x128xi1>, vector<32x128xf32>
    %mul3A_696 = arith.mulf %select_n3A_586, %select_n3A_672 : vector<32x128xf32>
    %mul3A_697 = arith.mulf %select_n3A_588, %select_n3A_670 : vector<32x128xf32>
    %sub3A_698 = arith.subf %mul3A_696, %mul3A_697 : vector<32x128xf32>
    %mul3A_699 = arith.mulf %select_n3A_588, %select_n3A_668 : vector<32x128xf32>
    %mul3A_700 = arith.mulf %select_n3A_584, %select_n3A_672 : vector<32x128xf32>
    %sub3A_701 = arith.subf %mul3A_699, %mul3A_700 : vector<32x128xf32>
    %mul3A_702 = arith.mulf %select_n3A_584, %select_n3A_670 : vector<32x128xf32>
    %mul3A_703 = arith.mulf %select_n3A_586, %select_n3A_668 : vector<32x128xf32>
    %sub3A_704 = arith.subf %mul3A_702, %mul3A_703 : vector<32x128xf32>
    %mul3A_705 = arith.mulf %sub3A_698, %sub3A_698 : vector<32x128xf32>
    %mul3A_706 = arith.mulf %sub3A_701, %sub3A_701 : vector<32x128xf32>
    %add3A_707 = arith.addf %mul3A_705, %mul3A_706 : vector<32x128xf32>
    %mul3A_708 = arith.mulf %sub3A_704, %sub3A_704 : vector<32x128xf32>
    %add3A_709 = arith.addf %add3A_707, %mul3A_708 : vector<32x128xf32>
    %sqrt3A = math.sqrt %add3A_709 : vector<32x128xf32>
    %lt3A_710 = arith.constant 9.99999997E-7 : f32
    %lt3A_711 = vector.broadcast %lt3A_710 : f32 to vector<32x128xf32>
    %lt3A_712 = arith.cmpf olt, %sqrt3A, %lt3A_711 : vector<32x128xf32>
    %jit3A = arith.constant 1.000000e+00 : f32
    %broadcast_in_dim3A_713 = vector.broadcast %jit3A : f32 to vector<32x128xf32>
    %select_n3A_714 = arith.select %lt3A_712, %broadcast_in_dim3A_713, %sqrt3A : vector<32x128xi1>, vector<32x128xf32>
    %div3A_715 = arith.divf %sub3A_698, %select_n3A_714 : vector<32x128xf32>
    %div3A_716 = arith.divf %sub3A_701, %select_n3A_714 : vector<32x128xf32>
    %div3A_717 = arith.divf %sub3A_704, %select_n3A_714 : vector<32x128xf32>
    %gt3A_718 = arith.constant 0.000000e+00 : f32
    %gt3A_719 = vector.broadcast %gt3A_718 : f32 to vector<32x128xf32>
    %gt3A_720 = arith.cmpf ogt, %div3A_715, %gt3A_719 : vector<32x128xf32>
    %jit3A_721 = arith.constant 1.000000e+00 : f32
    %jit3A_722 = arith.constant -1.000000e+00 : f32
    %broadcast_in_dim3A_723 = vector.broadcast %jit3A_721 : f32 to vector<32x128xf32>
    %broadcast_in_dim3A_724 = vector.broadcast %jit3A_722 : f32 to vector<32x128xf32>
    %select_n3A_725 = arith.select %gt3A_720, %broadcast_in_dim3A_723, %broadcast_in_dim3A_724 : vector<32x128xi1>, vector<32x128xf32>
    %mul3A_726 = arith.mulf %select_n3A_670, %select_n3A_673 : vector<32x128xf32>
    %mul3A_727 = arith.mulf %select_n3A_672, %select_n3A_671 : vector<32x128xf32>
    %sub3A_728 = arith.subf %mul3A_726, %mul3A_727 : vector<32x128xf32>
    %mul3A_729 = arith.mulf %select_n3A_672, %select_n3A_669 : vector<32x128xf32>
    %mul3A_730 = arith.mulf %select_n3A_668, %select_n3A_673 : vector<32x128xf32>
    %sub3A_731 = arith.subf %mul3A_729, %mul3A_730 : vector<32x128xf32>
    %mul3A_732 = arith.mulf %select_n3A_668, %select_n3A_671 : vector<32x128xf32>
    %mul3A_733 = arith.mulf %select_n3A_670, %select_n3A_669 : vector<32x128xf32>
    %sub3A_734 = arith.subf %mul3A_732, %mul3A_733 : vector<32x128xf32>
    %mul3A_735 = arith.mulf %sub3A_728, %sub3A_728 : vector<32x128xf32>
    %mul3A_736 = arith.mulf %sub3A_731, %sub3A_731 : vector<32x128xf32>
    %add3A_737 = arith.addf %mul3A_735, %mul3A_736 : vector<32x128xf32>
    %mul3A_738 = arith.mulf %sub3A_734, %sub3A_734 : vector<32x128xf32>
    %add3A_739 = arith.addf %add3A_737, %mul3A_738 : vector<32x128xf32>
    %sqrt3A_740 = math.sqrt %add3A_739 : vector<32x128xf32>
    %lt3A_741 = arith.constant 9.99999997E-7 : f32
    %lt3A_742 = vector.broadcast %lt3A_741 : f32 to vector<32x128xf32>
    %lt3A_743 = arith.cmpf olt, %sqrt3A_740, %lt3A_742 : vector<32x128xf32>
    %jit3A_744 = arith.constant 1.000000e+00 : f32
    %broadcast_in_dim3A_745 = vector.broadcast %jit3A_744 : f32 to vector<32x128xf32>
    %select_n3A_746 = arith.select %lt3A_743, %broadcast_in_dim3A_745, %sqrt3A_740 : vector<32x128xi1>, vector<32x128xf32>
    %div3A_747 = arith.divf %sub3A_728, %select_n3A_746 : vector<32x128xf32>
    %div3A_748 = arith.divf %sub3A_731, %select_n3A_746 : vector<32x128xf32>
    %div3A_749 = arith.divf %sub3A_734, %select_n3A_746 : vector<32x128xf32>
    %mul3A_750 = arith.mulf %select_n3A_671, %select_n3A_683 : vector<32x128xf32>
    %mul3A_751 = arith.mulf %select_n3A_673, %select_n3A_681 : vector<32x128xf32>
    %sub3A_752 = arith.subf %mul3A_750, %mul3A_751 : vector<32x128xf32>
    %mul3A_753 = arith.mulf %select_n3A_673, %select_n3A_679 : vector<32x128xf32>
    %mul3A_754 = arith.mulf %select_n3A_669, %select_n3A_683 : vector<32x128xf32>
    %sub3A_755 = arith.subf %mul3A_753, %mul3A_754 : vector<32x128xf32>
    %mul3A_756 = arith.mulf %select_n3A_669, %select_n3A_681 : vector<32x128xf32>
    %mul3A_757 = arith.mulf %select_n3A_671, %select_n3A_679 : vector<32x128xf32>
    %sub3A_758 = arith.subf %mul3A_756, %mul3A_757 : vector<32x128xf32>
    %mul3A_759 = arith.mulf %sub3A_752, %sub3A_752 : vector<32x128xf32>
    %mul3A_760 = arith.mulf %sub3A_755, %sub3A_755 : vector<32x128xf32>
    %add3A_761 = arith.addf %mul3A_759, %mul3A_760 : vector<32x128xf32>
    %mul3A_762 = arith.mulf %sub3A_758, %sub3A_758 : vector<32x128xf32>
    %add3A_763 = arith.addf %add3A_761, %mul3A_762 : vector<32x128xf32>
    %sqrt3A_764 = math.sqrt %add3A_763 : vector<32x128xf32>
    %lt3A_765 = arith.constant 9.99999997E-7 : f32
    %lt3A_766 = vector.broadcast %lt3A_765 : f32 to vector<32x128xf32>
    %lt3A_767 = arith.cmpf olt, %sqrt3A_764, %lt3A_766 : vector<32x128xf32>
    %jit3A_768 = arith.constant 1.000000e+00 : f32
    %broadcast_in_dim3A_769 = vector.broadcast %jit3A_768 : f32 to vector<32x128xf32>
    %select_n3A_770 = arith.select %lt3A_767, %broadcast_in_dim3A_769, %sqrt3A_764 : vector<32x128xi1>, vector<32x128xf32>
    %div3A_771 = arith.divf %sub3A_752, %select_n3A_770 : vector<32x128xf32>
    %div3A_772 = arith.divf %sub3A_755, %select_n3A_770 : vector<32x128xf32>
    %div3A_773 = arith.divf %sub3A_758, %select_n3A_770 : vector<32x128xf32>
    %mul3A_774 = arith.mulf %select_n3A_681, %select_n3A_684 : vector<32x128xf32>
    %mul3A_775 = arith.mulf %select_n3A_683, %select_n3A_682 : vector<32x128xf32>
    %sub3A_776 = arith.subf %mul3A_774, %mul3A_775 : vector<32x128xf32>
    %mul3A_777 = arith.mulf %select_n3A_683, %select_n3A_680 : vector<32x128xf32>
    %mul3A_778 = arith.mulf %select_n3A_679, %select_n3A_684 : vector<32x128xf32>
    %sub3A_779 = arith.subf %mul3A_777, %mul3A_778 : vector<32x128xf32>
    %mul3A_780 = arith.mulf %select_n3A_679, %select_n3A_682 : vector<32x128xf32>
    %mul3A_781 = arith.mulf %select_n3A_681, %select_n3A_680 : vector<32x128xf32>
    %sub3A_782 = arith.subf %mul3A_780, %mul3A_781 : vector<32x128xf32>
    %mul3A_783 = arith.mulf %sub3A_776, %sub3A_776 : vector<32x128xf32>
    %mul3A_784 = arith.mulf %sub3A_779, %sub3A_779 : vector<32x128xf32>
    %add3A_785 = arith.addf %mul3A_783, %mul3A_784 : vector<32x128xf32>
    %mul3A_786 = arith.mulf %sub3A_782, %sub3A_782 : vector<32x128xf32>
    %add3A_787 = arith.addf %add3A_785, %mul3A_786 : vector<32x128xf32>
    %sqrt3A_788 = math.sqrt %add3A_787 : vector<32x128xf32>
    %lt3A_789 = arith.constant 9.99999997E-7 : f32
    %lt3A_790 = vector.broadcast %lt3A_789 : f32 to vector<32x128xf32>
    %lt3A_791 = arith.cmpf olt, %sqrt3A_788, %lt3A_790 : vector<32x128xf32>
    %jit3A_792 = arith.constant 1.000000e+00 : f32
    %broadcast_in_dim3A_793 = vector.broadcast %jit3A_792 : f32 to vector<32x128xf32>
    %select_n3A_794 = arith.select %lt3A_791, %broadcast_in_dim3A_793, %sqrt3A_788 : vector<32x128xi1>, vector<32x128xf32>
    %div3A_795 = arith.divf %sub3A_776, %select_n3A_794 : vector<32x128xf32>
    %div3A_796 = arith.divf %sub3A_779, %select_n3A_794 : vector<32x128xf32>
    %div3A_797 = arith.divf %sub3A_782, %select_n3A_794 : vector<32x128xf32>
    %mul3A_798 = arith.mulf %select_n3A_682, %select_n3A_694 : vector<32x128xf32>
    %mul3A_799 = arith.mulf %select_n3A_684, %select_n3A_692 : vector<32x128xf32>
    %sub3A_800 = arith.subf %mul3A_798, %mul3A_799 : vector<32x128xf32>
    %mul3A_801 = arith.mulf %select_n3A_684, %select_n3A_690 : vector<32x128xf32>
    %mul3A_802 = arith.mulf %select_n3A_680, %select_n3A_694 : vector<32x128xf32>
    %sub3A_803 = arith.subf %mul3A_801, %mul3A_802 : vector<32x128xf32>
    %mul3A_804 = arith.mulf %select_n3A_680, %select_n3A_692 : vector<32x128xf32>
    %mul3A_805 = arith.mulf %select_n3A_682, %select_n3A_690 : vector<32x128xf32>
    %sub3A_806 = arith.subf %mul3A_804, %mul3A_805 : vector<32x128xf32>
    %mul3A_807 = arith.mulf %sub3A_800, %sub3A_800 : vector<32x128xf32>
    %mul3A_808 = arith.mulf %sub3A_803, %sub3A_803 : vector<32x128xf32>
    %add3A_809 = arith.addf %mul3A_807, %mul3A_808 : vector<32x128xf32>
    %mul3A_810 = arith.mulf %sub3A_806, %sub3A_806 : vector<32x128xf32>
    %add3A_811 = arith.addf %add3A_809, %mul3A_810 : vector<32x128xf32>
    %sqrt3A_812 = math.sqrt %add3A_811 : vector<32x128xf32>
    %lt3A_813 = arith.constant 9.99999997E-7 : f32
    %lt3A_814 = vector.broadcast %lt3A_813 : f32 to vector<32x128xf32>
    %lt3A_815 = arith.cmpf olt, %sqrt3A_812, %lt3A_814 : vector<32x128xf32>
    %jit3A_816 = arith.constant 1.000000e+00 : f32
    %broadcast_in_dim3A_817 = vector.broadcast %jit3A_816 : f32 to vector<32x128xf32>
    %select_n3A_818 = arith.select %lt3A_815, %broadcast_in_dim3A_817, %sqrt3A_812 : vector<32x128xi1>, vector<32x128xf32>
    %div3A_819 = arith.divf %sub3A_800, %select_n3A_818 : vector<32x128xf32>
    %div3A_820 = arith.divf %sub3A_803, %select_n3A_818 : vector<32x128xf32>
    %div3A_821 = arith.divf %sub3A_806, %select_n3A_818 : vector<32x128xf32>
    %mul3A_822 = arith.mulf %select_n3A_692, %select_n3A_695 : vector<32x128xf32>
    %mul3A_823 = arith.mulf %select_n3A_694, %select_n3A_693 : vector<32x128xf32>
    %sub3A_824 = arith.subf %mul3A_822, %mul3A_823 : vector<32x128xf32>
    %mul3A_825 = arith.mulf %select_n3A_694, %select_n3A_691 : vector<32x128xf32>
    %mul3A_826 = arith.mulf %select_n3A_690, %select_n3A_695 : vector<32x128xf32>
    %sub3A_827 = arith.subf %mul3A_825, %mul3A_826 : vector<32x128xf32>
    %mul3A_828 = arith.mulf %select_n3A_690, %select_n3A_693 : vector<32x128xf32>
    %mul3A_829 = arith.mulf %select_n3A_692, %select_n3A_691 : vector<32x128xf32>
    %sub3A_830 = arith.subf %mul3A_828, %mul3A_829 : vector<32x128xf32>
    %mul3A_831 = arith.mulf %sub3A_824, %sub3A_824 : vector<32x128xf32>
    %mul3A_832 = arith.mulf %sub3A_827, %sub3A_827 : vector<32x128xf32>
    %add3A_833 = arith.addf %mul3A_831, %mul3A_832 : vector<32x128xf32>
    %mul3A_834 = arith.mulf %sub3A_830, %sub3A_830 : vector<32x128xf32>
    %add3A_835 = arith.addf %add3A_833, %mul3A_834 : vector<32x128xf32>
    %sqrt3A_836 = math.sqrt %add3A_835 : vector<32x128xf32>
    %lt3A_837 = arith.constant 9.99999997E-7 : f32
    %lt3A_838 = vector.broadcast %lt3A_837 : f32 to vector<32x128xf32>
    %lt3A_839 = arith.cmpf olt, %sqrt3A_836, %lt3A_838 : vector<32x128xf32>
    %jit3A_840 = arith.constant 1.000000e+00 : f32
    %broadcast_in_dim3A_841 = vector.broadcast %jit3A_840 : f32 to vector<32x128xf32>
    %select_n3A_842 = arith.select %lt3A_839, %broadcast_in_dim3A_841, %sqrt3A_836 : vector<32x128xi1>, vector<32x128xf32>
    %div3A_843 = arith.divf %sub3A_824, %select_n3A_842 : vector<32x128xf32>
    %div3A_844 = arith.divf %sub3A_827, %select_n3A_842 : vector<32x128xf32>
    %div3A_845 = arith.divf %sub3A_830, %select_n3A_842 : vector<32x128xf32>
    %mul3A_846 = arith.mulf %select_n3A_693, %select_n3A_632 : vector<32x128xf32>
    %mul3A_847 = arith.mulf %select_n3A_695, %select_n3A_630 : vector<32x128xf32>
    %sub3A_848 = arith.subf %mul3A_846, %mul3A_847 : vector<32x128xf32>
    %mul3A_849 = arith.mulf %select_n3A_695, %select_n3A_628 : vector<32x128xf32>
    %mul3A_850 = arith.mulf %select_n3A_691, %select_n3A_632 : vector<32x128xf32>
    %sub3A_851 = arith.subf %mul3A_849, %mul3A_850 : vector<32x128xf32>
    %mul3A_852 = arith.mulf %select_n3A_691, %select_n3A_630 : vector<32x128xf32>
    %mul3A_853 = arith.mulf %select_n3A_693, %select_n3A_628 : vector<32x128xf32>
    %sub3A_854 = arith.subf %mul3A_852, %mul3A_853 : vector<32x128xf32>
    %mul3A_855 = arith.mulf %sub3A_848, %sub3A_848 : vector<32x128xf32>
    %mul3A_856 = arith.mulf %sub3A_851, %sub3A_851 : vector<32x128xf32>
    %add3A_857 = arith.addf %mul3A_855, %mul3A_856 : vector<32x128xf32>
    %mul3A_858 = arith.mulf %sub3A_854, %sub3A_854 : vector<32x128xf32>
    %add3A_859 = arith.addf %add3A_857, %mul3A_858 : vector<32x128xf32>
    %sqrt3A_860 = math.sqrt %add3A_859 : vector<32x128xf32>
    %lt3A_861 = arith.constant 9.99999997E-7 : f32
    %lt3A_862 = vector.broadcast %lt3A_861 : f32 to vector<32x128xf32>
    %lt3A_863 = arith.cmpf olt, %sqrt3A_860, %lt3A_862 : vector<32x128xf32>
    %jit3A_864 = arith.constant 1.000000e+00 : f32
    %broadcast_in_dim3A_865 = vector.broadcast %jit3A_864 : f32 to vector<32x128xf32>
    %select_n3A_866 = arith.select %lt3A_863, %broadcast_in_dim3A_865, %sqrt3A_860 : vector<32x128xi1>, vector<32x128xf32>
    %div3A_867 = arith.divf %sub3A_848, %select_n3A_866 : vector<32x128xf32>
    %div3A_868 = arith.divf %sub3A_851, %select_n3A_866 : vector<32x128xf32>
    %div3A_869 = arith.divf %sub3A_854, %select_n3A_866 : vector<32x128xf32>
    %mul3A_870 = arith.mulf %select_n3A_630, %select_n3A_588 : vector<32x128xf32>
    %mul3A_871 = arith.mulf %select_n3A_632, %select_n3A_586 : vector<32x128xf32>
    %sub3A_872 = arith.subf %mul3A_870, %mul3A_871 : vector<32x128xf32>
    %mul3A_873 = arith.mulf %select_n3A_632, %select_n3A_584 : vector<32x128xf32>
    %mul3A_874 = arith.mulf %select_n3A_628, %select_n3A_588 : vector<32x128xf32>
    %sub3A_875 = arith.subf %mul3A_873, %mul3A_874 : vector<32x128xf32>
    %mul3A_876 = arith.mulf %select_n3A_628, %select_n3A_586 : vector<32x128xf32>
    %mul3A_877 = arith.mulf %select_n3A_630, %select_n3A_584 : vector<32x128xf32>
    %sub3A_878 = arith.subf %mul3A_876, %mul3A_877 : vector<32x128xf32>
    %mul3A_879 = arith.mulf %sub3A_872, %sub3A_872 : vector<32x128xf32>
    %mul3A_880 = arith.mulf %sub3A_875, %sub3A_875 : vector<32x128xf32>
    %add3A_881 = arith.addf %mul3A_879, %mul3A_880 : vector<32x128xf32>
    %mul3A_882 = arith.mulf %sub3A_878, %sub3A_878 : vector<32x128xf32>
    %add3A_883 = arith.addf %add3A_881, %mul3A_882 : vector<32x128xf32>
    %sqrt3A_884 = math.sqrt %add3A_883 : vector<32x128xf32>
    %lt3A_885 = arith.constant 9.99999997E-7 : f32
    %lt3A_886 = vector.broadcast %lt3A_885 : f32 to vector<32x128xf32>
    %lt3A_887 = arith.cmpf olt, %sqrt3A_884, %lt3A_886 : vector<32x128xf32>
    %jit3A_888 = arith.constant 1.000000e+00 : f32
    %broadcast_in_dim3A_889 = vector.broadcast %jit3A_888 : f32 to vector<32x128xf32>
    %select_n3A_890 = arith.select %lt3A_887, %broadcast_in_dim3A_889, %sqrt3A_884 : vector<32x128xi1>, vector<32x128xf32>
    %div3A_891 = arith.divf %sub3A_872, %select_n3A_890 : vector<32x128xf32>
    %div3A_892 = arith.divf %sub3A_875, %select_n3A_890 : vector<32x128xf32>
    %div3A_893 = arith.divf %sub3A_878, %select_n3A_890 : vector<32x128xf32>
    %mul3A_894 = arith.mulf %div3A_715, %select_n3A_725 : vector<32x128xf32>
    %mul3A_895 = arith.mulf %div3A_716, %select_n3A_725 : vector<32x128xf32>
    %mul3A_896 = arith.mulf %div3A_717, %select_n3A_725 : vector<32x128xf32>
    %add3A_897 = arith.addf %select_n3A_584, %select_n3A_668 : vector<32x128xf32>
    %div3A_898 = arith.constant 3.000000e+00 : f32
    %div3A_899 = vector.broadcast %div3A_898 : f32 to vector<32x128xf32>
    %div3A_900 = arith.divf %add3A_897, %div3A_899 : vector<32x128xf32>
    %add3A_901 = arith.addf %select_n3A_586, %select_n3A_670 : vector<32x128xf32>
    %div3A_902 = arith.constant 3.000000e+00 : f32
    %div3A_903 = vector.broadcast %div3A_902 : f32 to vector<32x128xf32>
    %div3A_904 = arith.divf %add3A_901, %div3A_903 : vector<32x128xf32>
    %add3A_905 = arith.addf %select_n3A_588, %select_n3A_672 : vector<32x128xf32>
    %div3A_906 = arith.constant 3.000000e+00 : f32
    %div3A_907 = vector.broadcast %div3A_906 : f32 to vector<32x128xf32>
    %div3A_908 = arith.divf %add3A_905, %div3A_907 : vector<32x128xf32>
    %mul3A_909 = arith.mulf %div3A_900, %div3A_900 : vector<32x128xf32>
    %mul3A_910 = arith.mulf %div3A_904, %div3A_904 : vector<32x128xf32>
    %add3A_911 = arith.addf %mul3A_909, %mul3A_910 : vector<32x128xf32>
    %mul3A_912 = arith.mulf %div3A_908, %div3A_908 : vector<32x128xf32>
    %add3A_913 = arith.addf %add3A_911, %mul3A_912 : vector<32x128xf32>
    %add3A_914 = arith.constant 1.000000e-10 : f32
    %add3A_915 = vector.broadcast %add3A_914 : f32 to vector<32x128xf32>
    %add3A_916 = arith.addf %add3A_913, %add3A_915 : vector<32x128xf32>
    %sqrt3A_917 = math.sqrt %add3A_916 : vector<32x128xf32>
    %max3A = arith.constant 1.000000e-10 : f32
    %max3A_918 = vector.broadcast %max3A : f32 to vector<32x128xf32>
    %max3A_919 = arith.maximumf %sqrt3A_917, %max3A_918 : vector<32x128xf32>
    %div3A_920 = arith.divf %div3A_908, %max3A_919 : vector<32x128xf32>
    %jit3A_921 = arith.constant -1.000000e+00 : f32
    %jit3A_922 = arith.constant 1.000000e+00 : f32
    %max3A_923 = vector.broadcast %jit3A_921 : f32 to vector<32x128xf32>
    %max3A_924 = arith.maximumf %max3A_923, %div3A_920 : vector<32x128xf32>
    %min3A = vector.broadcast %jit3A_922 : f32 to vector<32x128xf32>
    %min3A_925 = arith.minimumf %min3A, %max3A_924 : vector<32x128xf32>
    %sub3A_926 = arith.constant 1.000000e+00 : f32
    %sub3A_927 = vector.broadcast %sub3A_926 : f32 to vector<32x128xf32>
    %sub3A_928 = arith.subf %sub3A_927, %min3A_925 : vector<32x128xf32>
    %add3A_929 = arith.constant 1.000000e+00 : f32
    %add3A_930 = vector.broadcast %add3A_929 : f32 to vector<32x128xf32>
    %add3A_931 = arith.addf %add3A_930, %min3A_925 : vector<32x128xf32>
    %mul3A_932 = arith.mulf %sub3A_928, %add3A_931 : vector<32x128xf32>
    %sqrt3A_933 = math.sqrt %mul3A_932 : vector<32x128xf32>
    %atan23A_934 = math.atan2 %sqrt3A_933, %min3A_925 : vector<32x128xf32>
    %div3A_935 = arith.constant 3.14159274 : f32
    %div3A_936 = vector.broadcast %div3A_935 : f32 to vector<32x128xf32>
    %div3A_937 = arith.divf %atan23A_934, %div3A_936 : vector<32x128xf32>
    %abs3A_938 = math.absf %div3A_900 : vector<32x128xf32>
    %lt3A_939 = arith.constant 1.000000e-10 : f32
    %lt3A_940 = vector.broadcast %lt3A_939 : f32 to vector<32x128xf32>
    %lt3A_941 = arith.cmpf olt, %abs3A_938, %lt3A_940 : vector<32x128xf32>
    %convert_element_type3A_942 = arith.extui %lt3A_941 : vector<32x128xi1> to vector<32x128xi32>
    %convert_element_type3A_943 = arith.sitofp %convert_element_type3A_942 : vector<32x128xi32> to vector<32x128xf32>
    %mul3A_944 = arith.constant 1.000000e-10 : f32
    %mul3A_945 = vector.broadcast %mul3A_944 : f32 to vector<32x128xf32>
    %mul3A_946 = arith.mulf %mul3A_945, %convert_element_type3A_943 : vector<32x128xf32>
    %add3A_947 = arith.addf %div3A_900, %mul3A_946 : vector<32x128xf32>
    %abs3A_948 = math.absf %div3A_904 : vector<32x128xf32>
    %lt3A_949 = arith.constant 1.000000e-10 : f32
    %lt3A_950 = vector.broadcast %lt3A_949 : f32 to vector<32x128xf32>
    %lt3A_951 = arith.cmpf olt, %abs3A_948, %lt3A_950 : vector<32x128xf32>
    %convert_element_type3A_952 = arith.extui %lt3A_951 : vector<32x128xi1> to vector<32x128xi32>
    %convert_element_type3A_953 = arith.sitofp %convert_element_type3A_952 : vector<32x128xi32> to vector<32x128xf32>
    %mul3A_954 = arith.constant 1.000000e-10 : f32
    %mul3A_955 = vector.broadcast %mul3A_954 : f32 to vector<32x128xf32>
    %mul3A_956 = arith.mulf %mul3A_955, %convert_element_type3A_953 : vector<32x128xf32>
    %add3A_957 = arith.addf %div3A_904, %mul3A_956 : vector<32x128xf32>
    %atan23A_958 = math.atan2 %add3A_957, %add3A_947 : vector<32x128xf32>
    %div3A_959 = arith.constant 6.28318548 : f32
    %div3A_960 = vector.broadcast %div3A_959 : f32 to vector<32x128xf32>
    %div3A_961 = arith.divf %atan23A_958, %div3A_960 : vector<32x128xf32>
    %add3A_962 = arith.constant 5.000000e-01 : f32
    %add3A_963 = vector.broadcast %add3A_962 : f32 to vector<32x128xf32>
    %add3A_964 = arith.addf %div3A_961, %add3A_963 : vector<32x128xf32>
    %mul3A_965 = arith.mulf %mul3A_894, %mul3A_894 : vector<32x128xf32>
    %mul3A_966 = arith.mulf %mul3A_895, %mul3A_895 : vector<32x128xf32>
    %add3A_967 = arith.addf %mul3A_965, %mul3A_966 : vector<32x128xf32>
    %mul3A_968 = arith.mulf %mul3A_896, %mul3A_896 : vector<32x128xf32>
    %add3A_969 = arith.addf %add3A_967, %mul3A_968 : vector<32x128xf32>
    %sqrt3A_970 = math.sqrt %add3A_969 : vector<32x128xf32>
    %max3A_971 = arith.constant 9.99999997E-7 : f32
    %max3A_972 = vector.broadcast %max3A_971 : f32 to vector<32x128xf32>
    %max3A_973 = arith.maximumf %sqrt3A_970, %max3A_972 : vector<32x128xf32>
    %lt3A_974 = arith.constant 9.99999997E-7 : f32
    %lt3A_975 = vector.broadcast %lt3A_974 : f32 to vector<32x128xf32>
    %lt3A_976 = arith.cmpf olt, %sqrt3A_970, %lt3A_975 : vector<32x128xf32>
    %div3A_977 = arith.divf %mul3A_894, %max3A_973 : vector<32x128xf32>
    %jit3A_978 = arith.constant 1.000000e+00 : f32
    %broadcast_in_dim3A_979 = vector.broadcast %jit3A_978 : f32 to vector<32x128xf32>
    %select_n3A_980 = arith.select %lt3A_976, %broadcast_in_dim3A_979, %div3A_977 : vector<32x128xi1>, vector<32x128xf32>
    %div3A_981 = arith.divf %mul3A_895, %max3A_973 : vector<32x128xf32>
    %jit3A_982 = arith.constant 0.000000e+00 : f32
    %broadcast_in_dim3A_983 = vector.broadcast %jit3A_982 : f32 to vector<32x128xf32>
    %select_n3A_984 = arith.select %lt3A_976, %broadcast_in_dim3A_983, %div3A_981 : vector<32x128xi1>, vector<32x128xf32>
    %div3A_985 = arith.divf %mul3A_896, %max3A_973 : vector<32x128xf32>
    %jit3A_986 = arith.constant 0.000000e+00 : f32
    %broadcast_in_dim3A_987 = vector.broadcast %jit3A_986 : f32 to vector<32x128xf32>
    %select_n3A_988 = arith.select %lt3A_976, %broadcast_in_dim3A_987, %div3A_985 : vector<32x128xi1>, vector<32x128xf32>
    %jit3A_989 = arith.constant -1.000000e+06 : f32
    %jit3A_990 = arith.constant 1.000000e+06 : f32
    %max3A_991 = vector.broadcast %jit3A_989 : f32 to vector<32x128xf32>
    %max3A_992 = arith.maximumf %max3A_991, %div3A_900 : vector<32x128xf32>
    %min3A_993 = vector.broadcast %jit3A_990 : f32 to vector<32x128xf32>
    %min3A_994 = arith.minimumf %min3A_993, %max3A_992 : vector<32x128xf32>
    %jit3A_995 = arith.constant -1.000000e+06 : f32
    %jit3A_996 = arith.constant 1.000000e+06 : f32
    %max3A_997 = vector.broadcast %jit3A_995 : f32 to vector<32x128xf32>
    %max3A_998 = arith.maximumf %max3A_997, %div3A_904 : vector<32x128xf32>
    %min3A_999 = vector.broadcast %jit3A_996 : f32 to vector<32x128xf32>
    %min3A_1000 = arith.minimumf %min3A_999, %max3A_998 : vector<32x128xf32>
    %jit3A_1001 = arith.constant -1.000000e+06 : f32
    %jit3A_1002 = arith.constant 1.000000e+06 : f32
    %max3A_1003 = vector.broadcast %jit3A_1001 : f32 to vector<32x128xf32>
    %max3A_1004 = arith.maximumf %max3A_1003, %div3A_908 : vector<32x128xf32>
    %min3A_1005 = vector.broadcast %jit3A_1002 : f32 to vector<32x128xf32>
    %min3A_1006 = arith.minimumf %min3A_1005, %max3A_1004 : vector<32x128xf32>
    %mul3A_1007 = arith.mulf %select_n3A_980, %min3A_994 : vector<32x128xf32>
    %mul3A_1008 = arith.mulf %select_n3A_984, %min3A_1000 : vector<32x128xf32>
    %add3A_1009 = arith.addf %mul3A_1007, %mul3A_1008 : vector<32x128xf32>
    %mul3A_1010 = arith.mulf %select_n3A_988, %min3A_1006 : vector<32x128xf32>
    %add3A_1011 = arith.addf %add3A_1009, %mul3A_1010 : vector<32x128xf32>
    %div3A_1012 = arith.constant 1.73205185 : f32
    %div3A_1013 = vector.broadcast %div3A_1012 : f32 to vector<32x128xf32>
    %div3A_1014 = arith.divf %add3A_1011, %div3A_1013 : vector<32x128xf32>
    %swap3A = arith.constant 0 : index
    %swap3A_1015 = arith.constant 0 : index
    %swap3A_1016 = arith.constant 0 : index
    %swap3A_1017 = arith.constant 0 : index
    %swap3A_1018 = arith.constant 0 : index
    %swap3A_1019 = vector.load %arg3[%swap3A, %swap3A_1015, %swap3A_1016, %swap3A_1017, %swap3A_1018] : memref<10x1x8x32x128xf32, #tpu.memory_space<vmem>>, vector<1x1x1x32x128xf32>
    %swap3A_1020 = vector.shape_cast %swap3A_1019 : vector<1x1x1x32x128xf32> to vector<32x128xf32>
    %swap3A_1021 = vector.shape_cast %sqrt3A_917 : vector<32x128xf32> to vector<1x1x1x32x128xf32>
    tpu.vector_store %arg3[%swap3A, %swap3A_1015, %swap3A_1016, %swap3A_1017, %swap3A_1018], %swap3A_1021 {strides = array<i32>} : memref<10x1x8x32x128xf32, #tpu.memory_space<vmem>>, vector<1x1x1x32x128xf32>,
    %swap3A_1022 = arith.constant 1 : index
    %swap3A_1023 = arith.constant 0 : index
    %swap3A_1024 = arith.constant 0 : index
    %swap3A_1025 = arith.constant 0 : index
    %swap3A_1026 = arith.constant 0 : index
    %swap3A_1027 = vector.load %arg3[%swap3A_1022, %swap3A_1023, %swap3A_1024, %swap3A_1025, %swap3A_1026] : memref<10x1x8x32x128xf32, #tpu.memory_space<vmem>>, vector<1x1x1x32x128xf32>
    %swap3A_1028 = vector.shape_cast %swap3A_1027 : vector<1x1x1x32x128xf32> to vector<32x128xf32>
    %swap3A_1029 = vector.shape_cast %div3A_937 : vector<32x128xf32> to vector<1x1x1x32x128xf32>
    tpu.vector_store %arg3[%swap3A_1022, %swap3A_1023, %swap3A_1024, %swap3A_1025, %swap3A_1026], %swap3A_1029 {strides = array<i32>} : memref<10x1x8x32x128xf32, #tpu.memory_space<vmem>>, vector<1x1x1x32x128xf32>,
    %swap3A_1030 = arith.constant 2 : index
    %swap3A_1031 = arith.constant 0 : index
    %swap3A_1032 = arith.constant 0 : index
    %swap3A_1033 = arith.constant 0 : index
    %swap3A_1034 = arith.constant 0 : index
    %swap3A_1035 = vector.load %arg3[%swap3A_1030, %swap3A_1031, %swap3A_1032, %swap3A_1033, %swap3A_1034] : memref<10x1x8x32x128xf32, #tpu.memory_space<vmem>>, vector<1x1x1x32x128xf32>
    %swap3A_1036 = vector.shape_cast %swap3A_1035 : vector<1x1x1x32x128xf32> to vector<32x128xf32>
    %swap3A_1037 = vector.shape_cast %add3A_964 : vector<32x128xf32> to vector<1x1x1x32x128xf32>
    tpu.vector_store %arg3[%swap3A_1030, %swap3A_1031, %swap3A_1032, %swap3A_1033, %swap3A_1034], %swap3A_1037 {strides = array<i32>} : memref<10x1x8x32x128xf32, #tpu.memory_space<vmem>>, vector<1x1x1x32x128xf32>,
    %swap3A_1038 = arith.constant 3 : index
    %swap3A_1039 = arith.constant 0 : index
    %swap3A_1040 = arith.constant 0 : index
    %swap3A_1041 = arith.constant 0 : index
    %swap3A_1042 = arith.constant 0 : index
    %swap3A_1043 = vector.load %arg3[%swap3A_1038, %swap3A_1039, %swap3A_1040, %swap3A_1041, %swap3A_1042] : memref<10x1x8x32x128xf32, #tpu.memory_space<vmem>>, vector<1x1x1x32x128xf32>
    %swap3A_1044 = vector.shape_cast %swap3A_1043 : vector<1x1x1x32x128xf32> to vector<32x128xf32>
    %swap3A_1045 = vector.shape_cast %mul3A_894 : vector<32x128xf32> to vector<1x1x1x32x128xf32>
    tpu.vector_store %arg3[%swap3A_1038, %swap3A_1039, %swap3A_1040, %swap3A_1041, %swap3A_1042], %swap3A_1045 {strides = array<i32>} : memref<10x1x8x32x128xf32, #tpu.memory_space<vmem>>, vector<1x1x1x32x128xf32>,
    %swap3A_1046 = arith.constant 4 : index
    %swap3A_1047 = arith.constant 0 : index
    %swap3A_1048 = arith.constant 0 : index
    %swap3A_1049 = arith.constant 0 : index
    %swap3A_1050 = arith.constant 0 : index
    %swap3A_1051 = vector.load %arg3[%swap3A_1046, %swap3A_1047, %swap3A_1048, %swap3A_1049, %swap3A_1050] : memref<10x1x8x32x128xf32, #tpu.memory_space<vmem>>, vector<1x1x1x32x128xf32>
    %swap3A_1052 = vector.shape_cast %swap3A_1051 : vector<1x1x1x32x128xf32> to vector<32x128xf32>
    %swap3A_1053 = vector.shape_cast %mul3A_895 : vector<32x128xf32> to vector<1x1x1x32x128xf32>
    tpu.vector_store %arg3[%swap3A_1046, %swap3A_1047, %swap3A_1048, %swap3A_1049, %swap3A_1050], %swap3A_1053 {strides = array<i32>} : memref<10x1x8x32x128xf32, #tpu.memory_space<vmem>>, vector<1x1x1x32x128xf32>,
    %swap3A_1054 = arith.constant 5 : index
    %swap3A_1055 = arith.constant 0 : index
    %swap3A_1056 = arith.constant 0 : index
    %swap3A_1057 = arith.constant 0 : index
    %swap3A_1058 = arith.constant 0 : index
    %swap3A_1059 = vector.load %arg3[%swap3A_1054, %swap3A_1055, %swap3A_1056, %swap3A_1057, %swap3A_1058] : memref<10x1x8x32x128xf32, #tpu.memory_space<vmem>>, vector<1x1x1x32x128xf32>
    %swap3A_1060 = vector.shape_cast %swap3A_1059 : vector<1x1x1x32x128xf32> to vector<32x128xf32>
    %swap3A_1061 = vector.shape_cast %mul3A_896 : vector<32x128xf32> to vector<1x1x1x32x128xf32>
    tpu.vector_store %arg3[%swap3A_1054, %swap3A_1055, %swap3A_1056, %swap3A_1057, %swap3A_1058], %swap3A_1061 {strides = array<i32>} : memref<10x1x8x32x128xf32, #tpu.memory_space<vmem>>, vector<1x1x1x32x128xf32>,
    %swap3A_1062 = arith.constant 6 : index
    %swap3A_1063 = arith.constant 0 : index
    %swap3A_1064 = arith.constant 0 : index
    %swap3A_1065 = arith.constant 0 : index
    %swap3A_1066 = arith.constant 0 : index
    %swap3A_1067 = vector.load %arg3[%swap3A_1062, %swap3A_1063, %swap3A_1064, %swap3A_1065, %swap3A_1066] : memref<10x1x8x32x128xf32, #tpu.memory_space<vmem>>, vector<1x1x1x32x128xf32>
    %swap3A_1068 = vector.shape_cast %swap3A_1067 : vector<1x1x1x32x128xf32> to vector<32x128xf32>
    %swap3A_1069 = vector.shape_cast %div3A_1014 : vector<32x128xf32> to vector<1x1x1x32x128xf32>
    tpu.vector_store %arg3[%swap3A_1062, %swap3A_1063, %swap3A_1064, %swap3A_1065, %swap3A_1066], %swap3A_1069 {strides = array<i32>} : memref<10x1x8x32x128xf32, #tpu.memory_space<vmem>>, vector<1x1x1x32x128xf32>,
    %swap3A_1070 = arith.constant 7 : index
    %swap3A_1071 = arith.constant 0 : index
    %swap3A_1072 = arith.constant 0 : index
    %swap3A_1073 = arith.constant 0 : index
    %swap3A_1074 = arith.constant 0 : index
    %swap3A_1075 = vector.load %arg3[%swap3A_1070, %swap3A_1071, %swap3A_1072, %swap3A_1073, %swap3A_1074] : memref<10x1x8x32x128xf32, #tpu.memory_space<vmem>>, vector<1x1x1x32x128xf32>
    %swap3A_1076 = vector.shape_cast %swap3A_1075 : vector<1x1x1x32x128xf32> to vector<32x128xf32>
    %swap3A_1077 = vector.shape_cast %div3A_900 : vector<32x128xf32> to vector<1x1x1x32x128xf32>
    tpu.vector_store %arg3[%swap3A_1070, %swap3A_1071, %swap3A_1072, %swap3A_1073, %swap3A_1074], %swap3A_1077 {strides = array<i32>} : memref<10x1x8x32x128xf32, #tpu.memory_space<vmem>>, vector<1x1x1x32x128xf32>,
    %swap3A_1078 = arith.constant 8 : index
    %swap3A_1079 = arith.constant 0 : index
    %swap3A_1080 = arith.constant 0 : index
    %swap3A_1081 = arith.constant 0 : index
    %swap3A_1082 = arith.constant 0 : index
    %swap3A_1083 = vector.load %arg3[%swap3A_1078, %swap3A_1079, %swap3A_1080, %swap3A_1081, %swap3A_1082] : memref<10x1x8x32x128xf32, #tpu.memory_space<vmem>>, vector<1x1x1x32x128xf32>
    %swap3A_1084 = vector.shape_cast %swap3A_1083 : vector<1x1x1x32x128xf32> to vector<32x128xf32>
    %swap3A_1085 = vector.shape_cast %div3A_904 : vector<32x128xf32> to vector<1x1x1x32x128xf32>
    tpu.vector_store %arg3[%swap3A_1078, %swap3A_1079, %swap3A_1080, %swap3A_1081, %swap3A_1082], %swap3A_1085 {strides = array<i32>} : memref<10x1x8x32x128xf32, #tpu.memory_space<vmem>>, vector<1x1x1x32x128xf32>,
    %swap3A_1086 = arith.constant 9 : index
    %swap3A_1087 = arith.constant 0 : index
    %swap3A_1088 = arith.constant 0 : index
    %swap3A_1089 = arith.constant 0 : index
    %swap3A_1090 = arith.constant 0 : index
    %swap3A_1091 = vector.load %arg3[%swap3A_1086, %swap3A_1087, %swap3A_1088, %swap3A_1089, %swap3A_1090] : memref<10x1x8x32x128xf32, #tpu.memory_space<vmem>>, vector<1x1x1x32x128xf32>
    %swap3A_1092 = vector.shape_cast %swap3A_1091 : vector<1x1x1x32x128xf32> to vector<32x128xf32>
    %swap3A_1093 = vector.shape_cast %div3A_908 : vector<32x128xf32> to vector<1x1x1x32x128xf32>
    tpu.vector_store %arg3[%swap3A_1086, %swap3A_1087, %swap3A_1088, %swap3A_1089, %swap3A_1090], %swap3A_1093 {strides = array<i32>} : memref<10x1x8x32x128xf32, #tpu.memory_space<vmem>>, vector<1x1x1x32x128xf32>,
    %mul3A_1094 = arith.mulf %div3A_747, %select_n3A_725 : vector<32x128xf32>
    %mul3A_1095 = arith.mulf %div3A_748, %select_n3A_725 : vector<32x128xf32>
    %mul3A_1096 = arith.mulf %div3A_749, %select_n3A_725 : vector<32x128xf32>
    %add3A_1097 = arith.addf %select_n3A_668, %select_n3A_669 : vector<32x128xf32>
    %div3A_1098 = arith.constant 3.000000e+00 : f32
    %div3A_1099 = vector.broadcast %div3A_1098 : f32 to vector<32x128xf32>
    %div3A_1100 = arith.divf %add3A_1097, %div3A_1099 : vector<32x128xf32>
    %add3A_1101 = arith.addf %select_n3A_670, %select_n3A_671 : vector<32x128xf32>
    %div3A_1102 = arith.constant 3.000000e+00 : f32
    %div3A_1103 = vector.broadcast %div3A_1102 : f32 to vector<32x128xf32>
    %div3A_1104 = arith.divf %add3A_1101, %div3A_1103 : vector<32x128xf32>
    %add3A_1105 = arith.addf %select_n3A_672, %select_n3A_673 : vector<32x128xf32>
    %div3A_1106 = arith.constant 3.000000e+00 : f32
    %div3A_1107 = vector.broadcast %div3A_1106 : f32 to vector<32x128xf32>
    %div3A_1108 = arith.divf %add3A_1105, %div3A_1107 : vector<32x128xf32>
    %mul3A_1109 = arith.mulf %div3A_1100, %div3A_1100 : vector<32x128xf32>
    %mul3A_1110 = arith.mulf %div3A_1104, %div3A_1104 : vector<32x128xf32>
    %add3A_1111 = arith.addf %mul3A_1109, %mul3A_1110 : vector<32x128xf32>
    %mul3A_1112 = arith.mulf %div3A_1108, %div3A_1108 : vector<32x128xf32>
    %add3A_1113 = arith.addf %add3A_1111, %mul3A_1112 : vector<32x128xf32>
    %add3A_1114 = arith.constant 1.000000e-10 : f32
    %add3A_1115 = vector.broadcast %add3A_1114 : f32 to vector<32x128xf32>
    %add3A_1116 = arith.addf %add3A_1113, %add3A_1115 : vector<32x128xf32>
    %sqrt3A_1117 = math.sqrt %add3A_1116 : vector<32x128xf32>
    %max3A_1118 = arith.constant 1.000000e-10 : f32
    %max3A_1119 = vector.broadcast %max3A_1118 : f32 to vector<32x128xf32>
    %max3A_1120 = arith.maximumf %sqrt3A_1117, %max3A_1119 : vector<32x128xf32>
    %div3A_1121 = arith.divf %div3A_1108, %max3A_1120 : vector<32x128xf32>
    %jit3A_1122 = arith.constant -1.000000e+00 : f32
    %jit3A_1123 = arith.constant 1.000000e+00 : f32
    %max3A_1124 = vector.broadcast %jit3A_1122 : f32 to vector<32x128xf32>
    %max3A_1125 = arith.maximumf %max3A_1124, %div3A_1121 : vector<32x128xf32>
    %min3A_1126 = vector.broadcast %jit3A_1123 : f32 to vector<32x128xf32>
    %min3A_1127 = arith.minimumf %min3A_1126, %max3A_1125 : vector<32x128xf32>
    %sub3A_1128 = arith.constant 1.000000e+00 : f32
    %sub3A_1129 = vector.broadcast %sub3A_1128 : f32 to vector<32x128xf32>
    %sub3A_1130 = arith.subf %sub3A_1129, %min3A_1127 : vector<32x128xf32>
    %add3A_1131 = arith.constant 1.000000e+00 : f32
    %add3A_1132 = vector.broadcast %add3A_1131 : f32 to vector<32x128xf32>
    %add3A_1133 = arith.addf %add3A_1132, %min3A_1127 : vector<32x128xf32>
    %mul3A_1134 = arith.mulf %sub3A_1130, %add3A_1133 : vector<32x128xf32>
    %sqrt3A_1135 = math.sqrt %mul3A_1134 : vector<32x128xf32>
    %atan23A_1136 = math.atan2 %sqrt3A_1135, %min3A_1127 : vector<32x128xf32>
    %div3A_1137 = arith.constant 3.14159274 : f32
    %div3A_1138 = vector.broadcast %div3A_1137 : f32 to vector<32x128xf32>
    %div3A_1139 = arith.divf %atan23A_1136, %div3A_1138 : vector<32x128xf32>
    %abs3A_1140 = math.absf %div3A_1100 : vector<32x128xf32>
    %lt3A_1141 = arith.constant 1.000000e-10 : f32
    %lt3A_1142 = vector.broadcast %lt3A_1141 : f32 to vector<32x128xf32>
    %lt3A_1143 = arith.cmpf olt, %abs3A_1140, %lt3A_1142 : vector<32x128xf32>
    %convert_element_type3A_1144 = arith.extui %lt3A_1143 : vector<32x128xi1> to vector<32x128xi32>
    %convert_element_type3A_1145 = arith.sitofp %convert_element_type3A_1144 : vector<32x128xi32> to vector<32x128xf32>
    %mul3A_1146 = arith.constant 1.000000e-10 : f32
    %mul3A_1147 = vector.broadcast %mul3A_1146 : f32 to vector<32x128xf32>
    %mul3A_1148 = arith.mulf %mul3A_1147, %convert_element_type3A_1145 : vector<32x128xf32>
    %add3A_1149 = arith.addf %div3A_1100, %mul3A_1148 : vector<32x128xf32>
    %abs3A_1150 = math.absf %div3A_1104 : vector<32x128xf32>
    %lt3A_1151 = arith.constant 1.000000e-10 : f32
    %lt3A_1152 = vector.broadcast %lt3A_1151 : f32 to vector<32x128xf32>
    %lt3A_1153 = arith.cmpf olt, %abs3A_1150, %lt3A_1152 : vector<32x128xf32>
    %convert_element_type3A_1154 = arith.extui %lt3A_1153 : vector<32x128xi1> to vector<32x128xi32>
    %convert_element_type3A_1155 = arith.sitofp %convert_element_type3A_1154 : vector<32x128xi32> to vector<32x128xf32>
    %mul3A_1156 = arith.constant 1.000000e-10 : f32
    %mul3A_1157 = vector.broadcast %mul3A_1156 : f32 to vector<32x128xf32>
    %mul3A_1158 = arith.mulf %mul3A_1157, %convert_element_type3A_1155 : vector<32x128xf32>
    %add3A_1159 = arith.addf %div3A_1104, %mul3A_1158 : vector<32x128xf32>
    %atan23A_1160 = math.atan2 %add3A_1159, %add3A_1149 : vector<32x128xf32>
    %div3A_1161 = arith.constant 6.28318548 : f32
    %div3A_1162 = vector.broadcast %div3A_1161 : f32 to vector<32x128xf32>
    %div3A_1163 = arith.divf %atan23A_1160, %div3A_1162 : vector<32x128xf32>
    %add3A_1164 = arith.constant 5.000000e-01 : f32
    %add3A_1165 = vector.broadcast %add3A_1164 : f32 to vector<32x128xf32>
    %add3A_1166 = arith.addf %div3A_1163, %add3A_1165 : vector<32x128xf32>
    %mul3A_1167 = arith.mulf %mul3A_1094, %mul3A_1094 : vector<32x128xf32>
    %mul3A_1168 = arith.mulf %mul3A_1095, %mul3A_1095 : vector<32x128xf32>
    %add3A_1169 = arith.addf %mul3A_1167, %mul3A_1168 : vector<32x128xf32>
    %mul3A_1170 = arith.mulf %mul3A_1096, %mul3A_1096 : vector<32x128xf32>
    %add3A_1171 = arith.addf %add3A_1169, %mul3A_1170 : vector<32x128xf32>
    %sqrt3A_1172 = math.sqrt %add3A_1171 : vector<32x128xf32>
    %max3A_1173 = arith.constant 9.99999997E-7 : f32
    %max3A_1174 = vector.broadcast %max3A_1173 : f32 to vector<32x128xf32>
    %max3A_1175 = arith.maximumf %sqrt3A_1172, %max3A_1174 : vector<32x128xf32>
    %lt3A_1176 = arith.constant 9.99999997E-7 : f32
    %lt3A_1177 = vector.broadcast %lt3A_1176 : f32 to vector<32x128xf32>
    %lt3A_1178 = arith.cmpf olt, %sqrt3A_1172, %lt3A_1177 : vector<32x128xf32>
    %div3A_1179 = arith.divf %mul3A_1094, %max3A_1175 : vector<32x128xf32>
    %jit3A_1180 = arith.constant 1.000000e+00 : f32
    %broadcast_in_dim3A_1181 = vector.broadcast %jit3A_1180 : f32 to vector<32x128xf32>
    %select_n3A_1182 = arith.select %lt3A_1178, %broadcast_in_dim3A_1181, %div3A_1179 : vector<32x128xi1>, vector<32x128xf32>
    %div3A_1183 = arith.divf %mul3A_1095, %max3A_1175 : vector<32x128xf32>
    %jit3A_1184 = arith.constant 0.000000e+00 : f32
    %broadcast_in_dim3A_1185 = vector.broadcast %jit3A_1184 : f32 to vector<32x128xf32>
    %select_n3A_1186 = arith.select %lt3A_1178, %broadcast_in_dim3A_1185, %div3A_1183 : vector<32x128xi1>, vector<32x128xf32>
    %div3A_1187 = arith.divf %mul3A_1096, %max3A_1175 : vector<32x128xf32>
    %jit3A_1188 = arith.constant 0.000000e+00 : f32
    %broadcast_in_dim3A_1189 = vector.broadcast %jit3A_1188 : f32 to vector<32x128xf32>
    %select_n3A_1190 = arith.select %lt3A_1178, %broadcast_in_dim3A_1189, %div3A_1187 : vector<32x128xi1>, vector<32x128xf32>
    %jit3A_1191 = arith.constant -1.000000e+06 : f32
    %jit3A_1192 = arith.constant 1.000000e+06 : f32
    %max3A_1193 = vector.broadcast %jit3A_1191 : f32 to vector<32x128xf32>
    %max3A_1194 = arith.maximumf %max3A_1193, %div3A_1100 : vector<32x128xf32>
    %min3A_1195 = vector.broadcast %jit3A_1192 : f32 to vector<32x128xf32>
    %min3A_1196 = arith.minimumf %min3A_1195, %max3A_1194 : vector<32x128xf32>
    %jit3A_1197 = arith.constant -1.000000e+06 : f32
    %jit3A_1198 = arith.constant 1.000000e+06 : f32
    %max3A_1199 = vector.broadcast %jit3A_1197 : f32 to vector<32x128xf32>
    %max3A_1200 = arith.maximumf %max3A_1199, %div3A_1104 : vector<32x128xf32>
    %min3A_1201 = vector.broadcast %jit3A_1198 : f32 to vector<32x128xf32>
    %min3A_1202 = arith.minimumf %min3A_1201, %max3A_1200 : vector<32x128xf32>
    %jit3A_1203 = arith.constant -1.000000e+06 : f32
    %jit3A_1204 = arith.constant 1.000000e+06 : f32
    %max3A_1205 = vector.broadcast %jit3A_1203 : f32 to vector<32x128xf32>
    %max3A_1206 = arith.maximumf %max3A_1205, %div3A_1108 : vector<32x128xf32>
    %min3A_1207 = vector.broadcast %jit3A_1204 : f32 to vector<32x128xf32>
    %min3A_1208 = arith.minimumf %min3A_1207, %max3A_1206 : vector<32x128xf32>
    %mul3A_1209 = arith.mulf %select_n3A_1182, %min3A_1196 : vector<32x128xf32>
    %mul3A_1210 = arith.mulf %select_n3A_1186, %min3A_1202 : vector<32x128xf32>
    %add3A_1211 = arith.addf %mul3A_1209, %mul3A_1210 : vector<32x128xf32>
    %mul3A_1212 = arith.mulf %select_n3A_1190, %min3A_1208 : vector<32x128xf32>
    %add3A_1213 = arith.addf %add3A_1211, %mul3A_1212 : vector<32x128xf32>
    %div3A_1214 = arith.constant 1.73205185 : f32
    %div3A_1215 = vector.broadcast %div3A_1214 : f32 to vector<32x128xf32>
    %div3A_1216 = arith.divf %add3A_1213, %div3A_1215 : vector<32x128xf32>
    %swap3A_1217 = arith.constant 0 : index
    %swap3A_1218 = arith.constant 0 : index
    %swap3A_1219 = arith.constant 1 : index
    %swap3A_1220 = arith.constant 0 : index
    %swap3A_1221 = arith.constant 0 : index
    %swap3A_1222 = vector.load %arg3[%swap3A_1217, %swap3A_1218, %swap3A_1219, %swap3A_1220, %swap3A_1221] : memref<10x1x8x32x128xf32, #tpu.memory_space<vmem>>, vector<1x1x1x32x128xf32>
    %swap3A_1223 = vector.shape_cast %swap3A_1222 : vector<1x1x1x32x128xf32> to vector<32x128xf32>
    %swap3A_1224 = vector.shape_cast %sqrt3A_1117 : vector<32x128xf32> to vector<1x1x1x32x128xf32>
    tpu.vector_store %arg3[%swap3A_1217, %swap3A_1218, %swap3A_1219, %swap3A_1220, %swap3A_1221], %swap3A_1224 {strides = array<i32>} : memref<10x1x8x32x128xf32, #tpu.memory_space<vmem>>, vector<1x1x1x32x128xf32>,
    %swap3A_1225 = arith.constant 1 : index
    %swap3A_1226 = arith.constant 0 : index
    %swap3A_1227 = arith.constant 1 : index
    %swap3A_1228 = arith.constant 0 : index
    %swap3A_1229 = arith.constant 0 : index
    %swap3A_1230 = vector.load %arg3[%swap3A_1225, %swap3A_1226, %swap3A_1227, %swap3A_1228, %swap3A_1229] : memref<10x1x8x32x128xf32, #tpu.memory_space<vmem>>, vector<1x1x1x32x128xf32>
    %swap3A_1231 = vector.shape_cast %swap3A_1230 : vector<1x1x1x32x128xf32> to vector<32x128xf32>
    %swap3A_1232 = vector.shape_cast %div3A_1139 : vector<32x128xf32> to vector<1x1x1x32x128xf32>
    tpu.vector_store %arg3[%swap3A_1225, %swap3A_1226, %swap3A_1227, %swap3A_1228, %swap3A_1229], %swap3A_1232 {strides = array<i32>} : memref<10x1x8x32x128xf32, #tpu.memory_space<vmem>>, vector<1x1x1x32x128xf32>,
    %swap3A_1233 = arith.constant 2 : index
    %swap3A_1234 = arith.constant 0 : index
    %swap3A_1235 = arith.constant 1 : index
    %swap3A_1236 = arith.constant 0 : index
    %swap3A_1237 = arith.constant 0 : index
    %swap3A_1238 = vector.load %arg3[%swap3A_1233, %swap3A_1234, %swap3A_1235, %swap3A_1236, %swap3A_1237] : memref<10x1x8x32x128xf32, #tpu.memory_space<vmem>>, vector<1x1x1x32x128xf32>
    %swap3A_1239 = vector.shape_cast %swap3A_1238 : vector<1x1x1x32x128xf32> to vector<32x128xf32>
    %swap3A_1240 = vector.shape_cast %add3A_1166 : vector<32x128xf32> to vector<1x1x1x32x128xf32>
    tpu.vector_store %arg3[%swap3A_1233, %swap3A_1234, %swap3A_1235, %swap3A_1236, %swap3A_1237], %swap3A_1240 {strides = array<i32>} : memref<10x1x8x32x128xf32, #tpu.memory_space<vmem>>, vector<1x1x1x32x128xf32>,
    %swap3A_1241 = arith.constant 3 : index
    %swap3A_1242 = arith.constant 0 : index
    %swap3A_1243 = arith.constant 1 : index
    %swap3A_1244 = arith.constant 0 : index
    %swap3A_1245 = arith.constant 0 : index
    %swap3A_1246 = vector.load %arg3[%swap3A_1241, %swap3A_1242, %swap3A_1243, %swap3A_1244, %swap3A_1245] : memref<10x1x8x32x128xf32, #tpu.memory_space<vmem>>, vector<1x1x1x32x128xf32>
    %swap3A_1247 = vector.shape_cast %swap3A_1246 : vector<1x1x1x32x128xf32> to vector<32x128xf32>
    %swap3A_1248 = vector.shape_cast %mul3A_1094 : vector<32x128xf32> to vector<1x1x1x32x128xf32>
    tpu.vector_store %arg3[%swap3A_1241, %swap3A_1242, %swap3A_1243, %swap3A_1244, %swap3A_1245], %swap3A_1248 {strides = array<i32>} : memref<10x1x8x32x128xf32, #tpu.memory_space<vmem>>, vector<1x1x1x32x128xf32>,
    %swap3A_1249 = arith.constant 4 : index
    %swap3A_1250 = arith.constant 0 : index
    %swap3A_1251 = arith.constant 1 : index
    %swap3A_1252 = arith.constant 0 : index
    %swap3A_1253 = arith.constant 0 : index
    %swap3A_1254 = vector.load %arg3[%swap3A_1249, %swap3A_1250, %swap3A_1251, %swap3A_1252, %swap3A_1253] : memref<10x1x8x32x128xf32, #tpu.memory_space<vmem>>, vector<1x1x1x32x128xf32>
    %swap3A_1255 = vector.shape_cast %swap3A_1254 : vector<1x1x1x32x128xf32> to vector<32x128xf32>
    %swap3A_1256 = vector.shape_cast %mul3A_1095 : vector<32x128xf32> to vector<1x1x1x32x128xf32>
    tpu.vector_store %arg3[%swap3A_1249, %swap3A_1250, %swap3A_1251, %swap3A_1252, %swap3A_1253], %swap3A_1256 {strides = array<i32>} : memref<10x1x8x32x128xf32, #tpu.memory_space<vmem>>, vector<1x1x1x32x128xf32>,
    %swap3A_1257 = arith.constant 5 : index
    %swap3A_1258 = arith.constant 0 : index
    %swap3A_1259 = arith.constant 1 : index
    %swap3A_1260 = arith.constant 0 : index
    %swap3A_1261 = arith.constant 0 : index
    %swap3A_1262 = vector.load %arg3[%swap3A_1257, %swap3A_1258, %swap3A_1259, %swap3A_1260, %swap3A_1261] : memref<10x1x8x32x128xf32, #tpu.memory_space<vmem>>, vector<1x1x1x32x128xf32>
    %swap3A_1263 = vector.shape_cast %swap3A_1262 : vector<1x1x1x32x128xf32> to vector<32x128xf32>
    %swap3A_1264 = vector.shape_cast %mul3A_1096 : vector<32x128xf32> to vector<1x1x1x32x128xf32>
    tpu.vector_store %arg3[%swap3A_1257, %swap3A_1258, %swap3A_1259, %swap3A_1260, %swap3A_1261], %swap3A_1264 {strides = array<i32>} : memref<10x1x8x32x128xf32, #tpu.memory_space<vmem>>, vector<1x1x1x32x128xf32>,
    %swap3A_1265 = arith.constant 6 : index
    %swap3A_1266 = arith.constant 0 : index
    %swap3A_1267 = arith.constant 1 : index
    %swap3A_1268 = arith.constant 0 : index
    %swap3A_1269 = arith.constant 0 : index
    %swap3A_1270 = vector.load %arg3[%swap3A_1265, %swap3A_1266, %swap3A_1267, %swap3A_1268, %swap3A_1269] : memref<10x1x8x32x128xf32, #tpu.memory_space<vmem>>, vector<1x1x1x32x128xf32>
    %swap3A_1271 = vector.shape_cast %swap3A_1270 : vector<1x1x1x32x128xf32> to vector<32x128xf32>
    %swap3A_1272 = vector.shape_cast %div3A_1216 : vector<32x128xf32> to vector<1x1x1x32x128xf32>
    tpu.vector_store %arg3[%swap3A_1265, %swap3A_1266, %swap3A_1267, %swap3A_1268, %swap3A_1269], %swap3A_1272 {strides = array<i32>} : memref<10x1x8x32x128xf32, #tpu.memory_space<vmem>>, vector<1x1x1x32x128xf32>,
    %swap3A_1273 = arith.constant 7 : index
    %swap3A_1274 = arith.constant 0 : index
    %swap3A_1275 = arith.constant 1 : index
    %swap3A_1276 = arith.constant 0 : index
    %swap3A_1277 = arith.constant 0 : index
    %swap3A_1278 = vector.load %arg3[%swap3A_1273, %swap3A_1274, %swap3A_1275, %swap3A_1276, %swap3A_1277] : memref<10x1x8x32x128xf32, #tpu.memory_space<vmem>>, vector<1x1x1x32x128xf32>
    %swap3A_1279 = vector.shape_cast %swap3A_1278 : vector<1x1x1x32x128xf32> to vector<32x128xf32>
    %swap3A_1280 = vector.shape_cast %div3A_1100 : vector<32x128xf32> to vector<1x1x1x32x128xf32>
    tpu.vector_store %arg3[%swap3A_1273, %swap3A_1274, %swap3A_1275, %swap3A_1276, %swap3A_1277], %swap3A_1280 {strides = array<i32>} : memref<10x1x8x32x128xf32, #tpu.memory_space<vmem>>, vector<1x1x1x32x128xf32>,
    %swap3A_1281 = arith.constant 8 : index
    %swap3A_1282 = arith.constant 0 : index
    %swap3A_1283 = arith.constant 1 : index
    %swap3A_1284 = arith.constant 0 : index
    %swap3A_1285 = arith.constant 0 : index
    %swap3A_1286 = vector.load %arg3[%swap3A_1281, %swap3A_1282, %swap3A_1283, %swap3A_1284, %swap3A_1285] : memref<10x1x8x32x128xf32, #tpu.memory_space<vmem>>, vector<1x1x1x32x128xf32>
    %swap3A_1287 = vector.shape_cast %swap3A_1286 : vector<1x1x1x32x128xf32> to vector<32x128xf32>
    %swap3A_1288 = vector.shape_cast %div3A_1104 : vector<32x128xf32> to vector<1x1x1x32x128xf32>
    tpu.vector_store %arg3[%swap3A_1281, %swap3A_1282, %swap3A_1283, %swap3A_1284, %swap3A_1285], %swap3A_1288 {strides = array<i32>} : memref<10x1x8x32x128xf32, #tpu.memory_space<vmem>>, vector<1x1x1x32x128xf32>,
    %swap3A_1289 = arith.constant 9 : index
    %swap3A_1290 = arith.constant 0 : index
    %swap3A_1291 = arith.constant 1 : index
    %swap3A_1292 = arith.constant 0 : index
    %swap3A_1293 = arith.constant 0 : index
    %swap3A_1294 = vector.load %arg3[%swap3A_1289, %swap3A_1290, %swap3A_1291, %swap3A_1292, %swap3A_1293] : memref<10x1x8x32x128xf32, #tpu.memory_space<vmem>>, vector<1x1x1x32x128xf32>
    %swap3A_1295 = vector.shape_cast %swap3A_1294 : vector<1x1x1x32x128xf32> to vector<32x128xf32>
    %swap3A_1296 = vector.shape_cast %div3A_1108 : vector<32x128xf32> to vector<1x1x1x32x128xf32>
    tpu.vector_store %arg3[%swap3A_1289, %swap3A_1290, %swap3A_1291, %swap3A_1292, %swap3A_1293], %swap3A_1296 {strides = array<i32>} : memref<10x1x8x32x128xf32, #tpu.memory_space<vmem>>, vector<1x1x1x32x128xf32>,
    %mul3A_1297 = arith.mulf %div3A_771, %select_n3A_725 : vector<32x128xf32>
    %mul3A_1298 = arith.mulf %div3A_772, %select_n3A_725 : vector<32x128xf32>
    %mul3A_1299 = arith.mulf %div3A_773, %select_n3A_725 : vector<32x128xf32>
    %add3A_1300 = arith.addf %select_n3A_669, %select_n3A_679 : vector<32x128xf32>
    %div3A_1301 = arith.constant 3.000000e+00 : f32
    %div3A_1302 = vector.broadcast %div3A_1301 : f32 to vector<32x128xf32>
    %div3A_1303 = arith.divf %add3A_1300, %div3A_1302 : vector<32x128xf32>
    %add3A_1304 = arith.addf %select_n3A_671, %select_n3A_681 : vector<32x128xf32>
    %div3A_1305 = arith.constant 3.000000e+00 : f32
    %div3A_1306 = vector.broadcast %div3A_1305 : f32 to vector<32x128xf32>
    %div3A_1307 = arith.divf %add3A_1304, %div3A_1306 : vector<32x128xf32>
    %add3A_1308 = arith.addf %select_n3A_673, %select_n3A_683 : vector<32x128xf32>
    %div3A_1309 = arith.constant 3.000000e+00 : f32
    %div3A_1310 = vector.broadcast %div3A_1309 : f32 to vector<32x128xf32>
    %div3A_1311 = arith.divf %add3A_1308, %div3A_1310 : vector<32x128xf32>
    %mul3A_1312 = arith.mulf %div3A_1303, %div3A_1303 : vector<32x128xf32>
    %mul3A_1313 = arith.mulf %div3A_1307, %div3A_1307 : vector<32x128xf32>
    %add3A_1314 = arith.addf %mul3A_1312, %mul3A_1313 : vector<32x128xf32>
    %mul3A_1315 = arith.mulf %div3A_1311, %div3A_1311 : vector<32x128xf32>
    %add3A_1316 = arith.addf %add3A_1314, %mul3A_1315 : vector<32x128xf32>
    %add3A_1317 = arith.constant 1.000000e-10 : f32
    %add3A_1318 = vector.broadcast %add3A_1317 : f32 to vector<32x128xf32>
    %add3A_1319 = arith.addf %add3A_1316, %add3A_1318 : vector<32x128xf32>
    %sqrt3A_1320 = math.sqrt %add3A_1319 : vector<32x128xf32>
    %max3A_1321 = arith.constant 1.000000e-10 : f32
    %max3A_1322 = vector.broadcast %max3A_1321 : f32 to vector<32x128xf32>
    %max3A_1323 = arith.maximumf %sqrt3A_1320, %max3A_1322 : vector<32x128xf32>
    %div3A_1324 = arith.divf %div3A_1311, %max3A_1323 : vector<32x128xf32>
    %jit3A_1325 = arith.constant -1.000000e+00 : f32
    %jit3A_1326 = arith.constant 1.000000e+00 : f32
    %max3A_1327 = vector.broadcast %jit3A_1325 : f32 to vector<32x128xf32>
    %max3A_1328 = arith.maximumf %max3A_1327, %div3A_1324 : vector<32x128xf32>
    %min3A_1329 = vector.broadcast %jit3A_1326 : f32 to vector<32x128xf32>
    %min3A_1330 = arith.minimumf %min3A_1329, %max3A_1328 : vector<32x128xf32>
    %sub3A_1331 = arith.constant 1.000000e+00 : f32
    %sub3A_1332 = vector.broadcast %sub3A_1331 : f32 to vector<32x128xf32>
    %sub3A_1333 = arith.subf %sub3A_1332, %min3A_1330 : vector<32x128xf32>
    %add3A_1334 = arith.constant 1.000000e+00 : f32
    %add3A_1335 = vector.broadcast %add3A_1334 : f32 to vector<32x128xf32>
    %add3A_1336 = arith.addf %add3A_1335, %min3A_1330 : vector<32x128xf32>
    %mul3A_1337 = arith.mulf %sub3A_1333, %add3A_1336 : vector<32x128xf32>
    %sqrt3A_1338 = math.sqrt %mul3A_1337 : vector<32x128xf32>
    %atan23A_1339 = math.atan2 %sqrt3A_1338, %min3A_1330 : vector<32x128xf32>
    %div3A_1340 = arith.constant 3.14159274 : f32
    %div3A_1341 = vector.broadcast %div3A_1340 : f32 to vector<32x128xf32>
    %div3A_1342 = arith.divf %atan23A_1339, %div3A_1341 : vector<32x128xf32>
    %abs3A_1343 = math.absf %div3A_1303 : vector<32x128xf32>
    %lt3A_1344 = arith.constant 1.000000e-10 : f32
    %lt3A_1345 = vector.broadcast %lt3A_1344 : f32 to vector<32x128xf32>
    %lt3A_1346 = arith.cmpf olt, %abs3A_1343, %lt3A_1345 : vector<32x128xf32>
    %convert_element_type3A_1347 = arith.extui %lt3A_1346 : vector<32x128xi1> to vector<32x128xi32>
    %convert_element_type3A_1348 = arith.sitofp %convert_element_type3A_1347 : vector<32x128xi32> to vector<32x128xf32>
    %mul3A_1349 = arith.constant 1.000000e-10 : f32
    %mul3A_1350 = vector.broadcast %mul3A_1349 : f32 to vector<32x128xf32>
    %mul3A_1351 = arith.mulf %mul3A_1350, %convert_element_type3A_1348 : vector<32x128xf32>
    %add3A_1352 = arith.addf %div3A_1303, %mul3A_1351 : vector<32x128xf32>
    %abs3A_1353 = math.absf %div3A_1307 : vector<32x128xf32>
    %lt3A_1354 = arith.constant 1.000000e-10 : f32
    %lt3A_1355 = vector.broadcast %lt3A_1354 : f32 to vector<32x128xf32>
    %lt3A_1356 = arith.cmpf olt, %abs3A_1353, %lt3A_1355 : vector<32x128xf32>
    %convert_element_type3A_1357 = arith.extui %lt3A_1356 : vector<32x128xi1> to vector<32x128xi32>
    %convert_element_type3A_1358 = arith.sitofp %convert_element_type3A_1357 : vector<32x128xi32> to vector<32x128xf32>
    %mul3A_1359 = arith.constant 1.000000e-10 : f32
    %mul3A_1360 = vector.broadcast %mul3A_1359 : f32 to vector<32x128xf32>
    %mul3A_1361 = arith.mulf %mul3A_1360, %convert_element_type3A_1358 : vector<32x128xf32>
    %add3A_1362 = arith.addf %div3A_1307, %mul3A_1361 : vector<32x128xf32>
    %atan23A_1363 = math.atan2 %add3A_1362, %add3A_1352 : vector<32x128xf32>
    %div3A_1364 = arith.constant 6.28318548 : f32
    %div3A_1365 = vector.broadcast %div3A_1364 : f32 to vector<32x128xf32>
    %div3A_1366 = arith.divf %atan23A_1363, %div3A_1365 : vector<32x128xf32>
    %add3A_1367 = arith.constant 5.000000e-01 : f32
    %add3A_1368 = vector.broadcast %add3A_1367 : f32 to vector<32x128xf32>
    %add3A_1369 = arith.addf %div3A_1366, %add3A_1368 : vector<32x128xf32>
    %mul3A_1370 = arith.mulf %mul3A_1297, %mul3A_1297 : vector<32x128xf32>
    %mul3A_1371 = arith.mulf %mul3A_1298, %mul3A_1298 : vector<32x128xf32>
    %add3A_1372 = arith.addf %mul3A_1370, %mul3A_1371 : vector<32x128xf32>
    %mul3A_1373 = arith.mulf %mul3A_1299, %mul3A_1299 : vector<32x128xf32>
    %add3A_1374 = arith.addf %add3A_1372, %mul3A_1373 : vector<32x128xf32>
    %sqrt3A_1375 = math.sqrt %add3A_1374 : vector<32x128xf32>
    %max3A_1376 = arith.constant 9.99999997E-7 : f32
    %max3A_1377 = vector.broadcast %max3A_1376 : f32 to vector<32x128xf32>
    %max3A_1378 = arith.maximumf %sqrt3A_1375, %max3A_1377 : vector<32x128xf32>
    %lt3A_1379 = arith.constant 9.99999997E-7 : f32
    %lt3A_1380 = vector.broadcast %lt3A_1379 : f32 to vector<32x128xf32>
    %lt3A_1381 = arith.cmpf olt, %sqrt3A_1375, %lt3A_1380 : vector<32x128xf32>
    %div3A_1382 = arith.divf %mul3A_1297, %max3A_1378 : vector<32x128xf32>
    %jit3A_1383 = arith.constant 1.000000e+00 : f32
    %broadcast_in_dim3A_1384 = vector.broadcast %jit3A_1383 : f32 to vector<32x128xf32>
    %select_n3A_1385 = arith.select %lt3A_1381, %broadcast_in_dim3A_1384, %div3A_1382 : vector<32x128xi1>, vector<32x128xf32>
    %div3A_1386 = arith.divf %mul3A_1298, %max3A_1378 : vector<32x128xf32>
    %jit3A_1387 = arith.constant 0.000000e+00 : f32
    %broadcast_in_dim3A_1388 = vector.broadcast %jit3A_1387 : f32 to vector<32x128xf32>
    %select_n3A_1389 = arith.select %lt3A_1381, %broadcast_in_dim3A_1388, %div3A_1386 : vector<32x128xi1>, vector<32x128xf32>
    %div3A_1390 = arith.divf %mul3A_1299, %max3A_1378 : vector<32x128xf32>
    %jit3A_1391 = arith.constant 0.000000e+00 : f32
    %broadcast_in_dim3A_1392 = vector.broadcast %jit3A_1391 : f32 to vector<32x128xf32>
    %select_n3A_1393 = arith.select %lt3A_1381, %broadcast_in_dim3A_1392, %div3A_1390 : vector<32x128xi1>, vector<32x128xf32>
    %jit3A_1394 = arith.constant -1.000000e+06 : f32
    %jit3A_1395 = arith.constant 1.000000e+06 : f32
    %max3A_1396 = vector.broadcast %jit3A_1394 : f32 to vector<32x128xf32>
    %max3A_1397 = arith.maximumf %max3A_1396, %div3A_1303 : vector<32x128xf32>
    %min3A_1398 = vector.broadcast %jit3A_1395 : f32 to vector<32x128xf32>
    %min3A_1399 = arith.minimumf %min3A_1398, %max3A_1397 : vector<32x128xf32>
    %jit3A_1400 = arith.constant -1.000000e+06 : f32
    %jit3A_1401 = arith.constant 1.000000e+06 : f32
    %max3A_1402 = vector.broadcast %jit3A_1400 : f32 to vector<32x128xf32>
    %max3A_1403 = arith.maximumf %max3A_1402, %div3A_1307 : vector<32x128xf32>
    %min3A_1404 = vector.broadcast %jit3A_1401 : f32 to vector<32x128xf32>
    %min3A_1405 = arith.minimumf %min3A_1404, %max3A_1403 : vector<32x128xf32>
    %jit3A_1406 = arith.constant -1.000000e+06 : f32
    %jit3A_1407 = arith.constant 1.000000e+06 : f32
    %max3A_1408 = vector.broadcast %jit3A_1406 : f32 to vector<32x128xf32>
    %max3A_1409 = arith.maximumf %max3A_1408, %div3A_1311 : vector<32x128xf32>
    %min3A_1410 = vector.broadcast %jit3A_1407 : f32 to vector<32x128xf32>
    %min3A_1411 = arith.minimumf %min3A_1410, %max3A_1409 : vector<32x128xf32>
    %mul3A_1412 = arith.mulf %select_n3A_1385, %min3A_1399 : vector<32x128xf32>
    %mul3A_1413 = arith.mulf %select_n3A_1389, %min3A_1405 : vector<32x128xf32>
    %add3A_1414 = arith.addf %mul3A_1412, %mul3A_1413 : vector<32x128xf32>
    %mul3A_1415 = arith.mulf %select_n3A_1393, %min3A_1411 : vector<32x128xf32>
    %add3A_1416 = arith.addf %add3A_1414, %mul3A_1415 : vector<32x128xf32>
    %div3A_1417 = arith.constant 1.73205185 : f32
    %div3A_1418 = vector.broadcast %div3A_1417 : f32 to vector<32x128xf32>
    %div3A_1419 = arith.divf %add3A_1416, %div3A_1418 : vector<32x128xf32>
    %swap3A_1420 = arith.constant 0 : index
    %swap3A_1421 = arith.constant 0 : index
    %swap3A_1422 = arith.constant 2 : index
    %swap3A_1423 = arith.constant 0 : index
    %swap3A_1424 = arith.constant 0 : index
    %swap3A_1425 = vector.load %arg3[%swap3A_1420, %swap3A_1421, %swap3A_1422, %swap3A_1423, %swap3A_1424] : memref<10x1x8x32x128xf32, #tpu.memory_space<vmem>>, vector<1x1x1x32x128xf32>
    %swap3A_1426 = vector.shape_cast %swap3A_1425 : vector<1x1x1x32x128xf32> to vector<32x128xf32>
    %swap3A_1427 = vector.shape_cast %sqrt3A_1320 : vector<32x128xf32> to vector<1x1x1x32x128xf32>
    tpu.vector_store %arg3[%swap3A_1420, %swap3A_1421, %swap3A_1422, %swap3A_1423, %swap3A_1424], %swap3A_1427 {strides = array<i32>} : memref<10x1x8x32x128xf32, #tpu.memory_space<vmem>>, vector<1x1x1x32x128xf32>,
    %swap3A_1428 = arith.constant 1 : index
    %swap3A_1429 = arith.constant 0 : index
    %swap3A_1430 = arith.constant 2 : index
    %swap3A_1431 = arith.constant 0 : index
    %swap3A_1432 = arith.constant 0 : index
    %swap3A_1433 = vector.load %arg3[%swap3A_1428, %swap3A_1429, %swap3A_1430, %swap3A_1431, %swap3A_1432] : memref<10x1x8x32x128xf32, #tpu.memory_space<vmem>>, vector<1x1x1x32x128xf32>
    %swap3A_1434 = vector.shape_cast %swap3A_1433 : vector<1x1x1x32x128xf32> to vector<32x128xf32>
    %swap3A_1435 = vector.shape_cast %div3A_1342 : vector<32x128xf32> to vector<1x1x1x32x128xf32>
    tpu.vector_store %arg3[%swap3A_1428, %swap3A_1429, %swap3A_1430, %swap3A_1431, %swap3A_1432], %swap3A_1435 {strides = array<i32>} : memref<10x1x8x32x128xf32, #tpu.memory_space<vmem>>, vector<1x1x1x32x128xf32>,
    %swap3A_1436 = arith.constant 2 : index
    %swap3A_1437 = arith.constant 0 : index
    %swap3A_1438 = arith.constant 2 : index
    %swap3A_1439 = arith.constant 0 : index
    %swap3A_1440 = arith.constant 0 : index
    %swap3A_1441 = vector.load %arg3[%swap3A_1436, %swap3A_1437, %swap3A_1438, %swap3A_1439, %swap3A_1440] : memref<10x1x8x32x128xf32, #tpu.memory_space<vmem>>, vector<1x1x1x32x128xf32>
    %swap3A_1442 = vector.shape_cast %swap3A_1441 : vector<1x1x1x32x128xf32> to vector<32x128xf32>
    %swap3A_1443 = vector.shape_cast %add3A_1369 : vector<32x128xf32> to vector<1x1x1x32x128xf32>
    tpu.vector_store %arg3[%swap3A_1436, %swap3A_1437, %swap3A_1438, %swap3A_1439, %swap3A_1440], %swap3A_1443 {strides = array<i32>} : memref<10x1x8x32x128xf32, #tpu.memory_space<vmem>>, vector<1x1x1x32x128xf32>,
    %swap3A_1444 = arith.constant 3 : index
    %swap3A_1445 = arith.constant 0 : index
    %swap3A_1446 = arith.constant 2 : index
    %swap3A_1447 = arith.constant 0 : index
    %swap3A_1448 = arith.constant 0 : index
    %swap3A_1449 = vector.load %arg3[%swap3A_1444, %swap3A_1445, %swap3A_1446, %swap3A_1447, %swap3A_1448] : memref<10x1x8x32x128xf32, #tpu.memory_space<vmem>>, vector<1x1x1x32x128xf32>
    %swap3A_1450 = vector.shape_cast %swap3A_1449 : vector<1x1x1x32x128xf32> to vector<32x128xf32>
    %swap3A_1451 = vector.shape_cast %mul3A_1297 : vector<32x128xf32> to vector<1x1x1x32x128xf32>
    tpu.vector_store %arg3[%swap3A_1444, %swap3A_1445, %swap3A_1446, %swap3A_1447, %swap3A_1448], %swap3A_1451 {strides = array<i32>} : memref<10x1x8x32x128xf32, #tpu.memory_space<vmem>>, vector<1x1x1x32x128xf32>,
    %swap3A_1452 = arith.constant 4 : index
    %swap3A_1453 = arith.constant 0 : index
    %swap3A_1454 = arith.constant 2 : index
    %swap3A_1455 = arith.constant 0 : index
    %swap3A_1456 = arith.constant 0 : index
    %swap3A_1457 = vector.load %arg3[%swap3A_1452, %swap3A_1453, %swap3A_1454, %swap3A_1455, %swap3A_1456] : memref<10x1x8x32x128xf32, #tpu.memory_space<vmem>>, vector<1x1x1x32x128xf32>
    %swap3A_1458 = vector.shape_cast %swap3A_1457 : vector<1x1x1x32x128xf32> to vector<32x128xf32>
    %swap3A_1459 = vector.shape_cast %mul3A_1298 : vector<32x128xf32> to vector<1x1x1x32x128xf32>
    tpu.vector_store %arg3[%swap3A_1452, %swap3A_1453, %swap3A_1454, %swap3A_1455, %swap3A_1456], %swap3A_1459 {strides = array<i32>} : memref<10x1x8x32x128xf32, #tpu.memory_space<vmem>>, vector<1x1x1x32x128xf32>,
    %swap3A_1460 = arith.constant 5 : index
    %swap3A_1461 = arith.constant 0 : index
    %swap3A_1462 = arith.constant 2 : index
    %swap3A_1463 = arith.constant 0 : index
    %swap3A_1464 = arith.constant 0 : index
    %swap3A_1465 = vector.load %arg3[%swap3A_1460, %swap3A_1461, %swap3A_1462, %swap3A_1463, %swap3A_1464] : memref<10x1x8x32x128xf32, #tpu.memory_space<vmem>>, vector<1x1x1x32x128xf32>
    %swap3A_1466 = vector.shape_cast %swap3A_1465 : vector<1x1x1x32x128xf32> to vector<32x128xf32>
    %swap3A_1467 = vector.shape_cast %mul3A_1299 : vector<32x128xf32> to vector<1x1x1x32x128xf32>
    tpu.vector_store %arg3[%swap3A_1460, %swap3A_1461, %swap3A_1462, %swap3A_1463, %swap3A_1464], %swap3A_1467 {strides = array<i32>} : memref<10x1x8x32x128xf32, #tpu.memory_space<vmem>>, vector<1x1x1x32x128xf32>,
    %swap3A_1468 = arith.constant 6 : index
    %swap3A_1469 = arith.constant 0 : index
    %swap3A_1470 = arith.constant 2 : index
    %swap3A_1471 = arith.constant 0 : index
    %swap3A_1472 = arith.constant 0 : index
    %swap3A_1473 = vector.load %arg3[%swap3A_1468, %swap3A_1469, %swap3A_1470, %swap3A_1471, %swap3A_1472] : memref<10x1x8x32x128xf32, #tpu.memory_space<vmem>>, vector<1x1x1x32x128xf32>
    %swap3A_1474 = vector.shape_cast %swap3A_1473 : vector<1x1x1x32x128xf32> to vector<32x128xf32>
    %swap3A_1475 = vector.shape_cast %div3A_1419 : vector<32x128xf32> to vector<1x1x1x32x128xf32>
    tpu.vector_store %arg3[%swap3A_1468, %swap3A_1469, %swap3A_1470, %swap3A_1471, %swap3A_1472], %swap3A_1475 {strides = array<i32>} : memref<10x1x8x32x128xf32, #tpu.memory_space<vmem>>, vector<1x1x1x32x128xf32>,
    %swap3A_1476 = arith.constant 7 : index
    %swap3A_1477 = arith.constant 0 : index
    %swap3A_1478 = arith.constant 2 : index
    %swap3A_1479 = arith.constant 0 : index
    %swap3A_1480 = arith.constant 0 : index
    %swap3A_1481 = vector.load %arg3[%swap3A_1476, %swap3A_1477, %swap3A_1478, %swap3A_1479, %swap3A_1480] : memref<10x1x8x32x128xf32, #tpu.memory_space<vmem>>, vector<1x1x1x32x128xf32>
    %swap3A_1482 = vector.shape_cast %swap3A_1481 : vector<1x1x1x32x128xf32> to vector<32x128xf32>
    %swap3A_1483 = vector.shape_cast %div3A_1303 : vector<32x128xf32> to vector<1x1x1x32x128xf32>
    tpu.vector_store %arg3[%swap3A_1476, %swap3A_1477, %swap3A_1478, %swap3A_1479, %swap3A_1480], %swap3A_1483 {strides = array<i32>} : memref<10x1x8x32x128xf32, #tpu.memory_space<vmem>>, vector<1x1x1x32x128xf32>,
    %swap3A_1484 = arith.constant 8 : index
    %swap3A_1485 = arith.constant 0 : index
    %swap3A_1486 = arith.constant 2 : index
    %swap3A_1487 = arith.constant 0 : index
    %swap3A_1488 = arith.constant 0 : index
    %swap3A_1489 = vector.load %arg3[%swap3A_1484, %swap3A_1485, %swap3A_1486, %swap3A_1487, %swap3A_1488] : memref<10x1x8x32x128xf32, #tpu.memory_space<vmem>>, vector<1x1x1x32x128xf32>
    %swap3A_1490 = vector.shape_cast %swap3A_1489 : vector<1x1x1x32x128xf32> to vector<32x128xf32>
    %swap3A_1491 = vector.shape_cast %div3A_1307 : vector<32x128xf32> to vector<1x1x1x32x128xf32>
    tpu.vector_store %arg3[%swap3A_1484, %swap3A_1485, %swap3A_1486, %swap3A_1487, %swap3A_1488], %swap3A_1491 {strides = array<i32>} : memref<10x1x8x32x128xf32, #tpu.memory_space<vmem>>, vector<1x1x1x32x128xf32>,
    %swap3A_1492 = arith.constant 9 : index
    %swap3A_1493 = arith.constant 0 : index
    %swap3A_1494 = arith.constant 2 : index
    %swap3A_1495 = arith.constant 0 : index
    %swap3A_1496 = arith.constant 0 : index
    %swap3A_1497 = vector.load %arg3[%swap3A_1492, %swap3A_1493, %swap3A_1494, %swap3A_1495, %swap3A_1496] : memref<10x1x8x32x128xf32, #tpu.memory_space<vmem>>, vector<1x1x1x32x128xf32>
    %swap3A_1498 = vector.shape_cast %swap3A_1497 : vector<1x1x1x32x128xf32> to vector<32x128xf32>
    %swap3A_1499 = vector.shape_cast %div3A_1311 : vector<32x128xf32> to vector<1x1x1x32x128xf32>
    tpu.vector_store %arg3[%swap3A_1492, %swap3A_1493, %swap3A_1494, %swap3A_1495, %swap3A_1496], %swap3A_1499 {strides = array<i32>} : memref<10x1x8x32x128xf32, #tpu.memory_space<vmem>>, vector<1x1x1x32x128xf32>,
    %mul3A_1500 = arith.mulf %div3A_795, %select_n3A_725 : vector<32x128xf32>
    %mul3A_1501 = arith.mulf %div3A_796, %select_n3A_725 : vector<32x128xf32>
    %mul3A_1502 = arith.mulf %div3A_797, %select_n3A_725 : vector<32x128xf32>
    %add3A_1503 = arith.addf %select_n3A_679, %select_n3A_680 : vector<32x128xf32>
    %div3A_1504 = arith.constant 3.000000e+00 : f32
    %div3A_1505 = vector.broadcast %div3A_1504 : f32 to vector<32x128xf32>
    %div3A_1506 = arith.divf %add3A_1503, %div3A_1505 : vector<32x128xf32>
    %add3A_1507 = arith.addf %select_n3A_681, %select_n3A_682 : vector<32x128xf32>
    %div3A_1508 = arith.constant 3.000000e+00 : f32
    %div3A_1509 = vector.broadcast %div3A_1508 : f32 to vector<32x128xf32>
    %div3A_1510 = arith.divf %add3A_1507, %div3A_1509 : vector<32x128xf32>
    %add3A_1511 = arith.addf %select_n3A_683, %select_n3A_684 : vector<32x128xf32>
    %div3A_1512 = arith.constant 3.000000e+00 : f32
    %div3A_1513 = vector.broadcast %div3A_1512 : f32 to vector<32x128xf32>
    %div3A_1514 = arith.divf %add3A_1511, %div3A_1513 : vector<32x128xf32>
    %mul3A_1515 = arith.mulf %div3A_1506, %div3A_1506 : vector<32x128xf32>
    %mul3A_1516 = arith.mulf %div3A_1510, %div3A_1510 : vector<32x128xf32>
    %add3A_1517 = arith.addf %mul3A_1515, %mul3A_1516 : vector<32x128xf32>
    %mul3A_1518 = arith.mulf %div3A_1514, %div3A_1514 : vector<32x128xf32>
    %add3A_1519 = arith.addf %add3A_1517, %mul3A_1518 : vector<32x128xf32>
    %add3A_1520 = arith.constant 1.000000e-10 : f32
    %add3A_1521 = vector.broadcast %add3A_1520 : f32 to vector<32x128xf32>
    %add3A_1522 = arith.addf %add3A_1519, %add3A_1521 : vector<32x128xf32>
    %sqrt3A_1523 = math.sqrt %add3A_1522 : vector<32x128xf32>
    %max3A_1524 = arith.constant 1.000000e-10 : f32
    %max3A_1525 = vector.broadcast %max3A_1524 : f32 to vector<32x128xf32>
    %max3A_1526 = arith.maximumf %sqrt3A_1523, %max3A_1525 : vector<32x128xf32>
    %div3A_1527 = arith.divf %div3A_1514, %max3A_1526 : vector<32x128xf32>
    %jit3A_1528 = arith.constant -1.000000e+00 : f32
    %jit3A_1529 = arith.constant 1.000000e+00 : f32
    %max3A_1530 = vector.broadcast %jit3A_1528 : f32 to vector<32x128xf32>
    %max3A_1531 = arith.maximumf %max3A_1530, %div3A_1527 : vector<32x128xf32>
    %min3A_1532 = vector.broadcast %jit3A_1529 : f32 to vector<32x128xf32>
    %min3A_1533 = arith.minimumf %min3A_1532, %max3A_1531 : vector<32x128xf32>
    %sub3A_1534 = arith.constant 1.000000e+00 : f32
    %sub3A_1535 = vector.broadcast %sub3A_1534 : f32 to vector<32x128xf32>
    %sub3A_1536 = arith.subf %sub3A_1535, %min3A_1533 : vector<32x128xf32>
    %add3A_1537 = arith.constant 1.000000e+00 : f32
    %add3A_1538 = vector.broadcast %add3A_1537 : f32 to vector<32x128xf32>
    %add3A_1539 = arith.addf %add3A_1538, %min3A_1533 : vector<32x128xf32>
    %mul3A_1540 = arith.mulf %sub3A_1536, %add3A_1539 : vector<32x128xf32>
    %sqrt3A_1541 = math.sqrt %mul3A_1540 : vector<32x128xf32>
    %atan23A_1542 = math.atan2 %sqrt3A_1541, %min3A_1533 : vector<32x128xf32>
    %div3A_1543 = arith.constant 3.14159274 : f32
    %div3A_1544 = vector.broadcast %div3A_1543 : f32 to vector<32x128xf32>
    %div3A_1545 = arith.divf %atan23A_1542, %div3A_1544 : vector<32x128xf32>
    %abs3A_1546 = math.absf %div3A_1506 : vector<32x128xf32>
    %lt3A_1547 = arith.constant 1.000000e-10 : f32
    %lt3A_1548 = vector.broadcast %lt3A_1547 : f32 to vector<32x128xf32>
    %lt3A_1549 = arith.cmpf olt, %abs3A_1546, %lt3A_1548 : vector<32x128xf32>
    %convert_element_type3A_1550 = arith.extui %lt3A_1549 : vector<32x128xi1> to vector<32x128xi32>
    %convert_element_type3A_1551 = arith.sitofp %convert_element_type3A_1550 : vector<32x128xi32> to vector<32x128xf32>
    %mul3A_1552 = arith.constant 1.000000e-10 : f32
    %mul3A_1553 = vector.broadcast %mul3A_1552 : f32 to vector<32x128xf32>
    %mul3A_1554 = arith.mulf %mul3A_1553, %convert_element_type3A_1551 : vector<32x128xf32>
    %add3A_1555 = arith.addf %div3A_1506, %mul3A_1554 : vector<32x128xf32>
    %abs3A_1556 = math.absf %div3A_1510 : vector<32x128xf32>
    %lt3A_1557 = arith.constant 1.000000e-10 : f32
    %lt3A_1558 = vector.broadcast %lt3A_1557 : f32 to vector<32x128xf32>
    %lt3A_1559 = arith.cmpf olt, %abs3A_1556, %lt3A_1558 : vector<32x128xf32>
    %convert_element_type3A_1560 = arith.extui %lt3A_1559 : vector<32x128xi1> to vector<32x128xi32>
    %convert_element_type3A_1561 = arith.sitofp %convert_element_type3A_1560 : vector<32x128xi32> to vector<32x128xf32>
    %mul3A_1562 = arith.constant 1.000000e-10 : f32
    %mul3A_1563 = vector.broadcast %mul3A_1562 : f32 to vector<32x128xf32>
    %mul3A_1564 = arith.mulf %mul3A_1563, %convert_element_type3A_1561 : vector<32x128xf32>
    %add3A_1565 = arith.addf %div3A_1510, %mul3A_1564 : vector<32x128xf32>
    %atan23A_1566 = math.atan2 %add3A_1565, %add3A_1555 : vector<32x128xf32>
    %div3A_1567 = arith.constant 6.28318548 : f32
    %div3A_1568 = vector.broadcast %div3A_1567 : f32 to vector<32x128xf32>
    %div3A_1569 = arith.divf %atan23A_1566, %div3A_1568 : vector<32x128xf32>
    %add3A_1570 = arith.constant 5.000000e-01 : f32
    %add3A_1571 = vector.broadcast %add3A_1570 : f32 to vector<32x128xf32>
    %add3A_1572 = arith.addf %div3A_1569, %add3A_1571 : vector<32x128xf32>
    %mul3A_1573 = arith.mulf %mul3A_1500, %mul3A_1500 : vector<32x128xf32>
    %mul3A_1574 = arith.mulf %mul3A_1501, %mul3A_1501 : vector<32x128xf32>
    %add3A_1575 = arith.addf %mul3A_1573, %mul3A_1574 : vector<32x128xf32>
    %mul3A_1576 = arith.mulf %mul3A_1502, %mul3A_1502 : vector<32x128xf32>
    %add3A_1577 = arith.addf %add3A_1575, %mul3A_1576 : vector<32x128xf32>
    %sqrt3A_1578 = math.sqrt %add3A_1577 : vector<32x128xf32>
    %max3A_1579 = arith.constant 9.99999997E-7 : f32
    %max3A_1580 = vector.broadcast %max3A_1579 : f32 to vector<32x128xf32>
    %max3A_1581 = arith.maximumf %sqrt3A_1578, %max3A_1580 : vector<32x128xf32>
    %lt3A_1582 = arith.constant 9.99999997E-7 : f32
    %lt3A_1583 = vector.broadcast %lt3A_1582 : f32 to vector<32x128xf32>
    %lt3A_1584 = arith.cmpf olt, %sqrt3A_1578, %lt3A_1583 : vector<32x128xf32>
    %div3A_1585 = arith.divf %mul3A_1500, %max3A_1581 : vector<32x128xf32>
    %jit3A_1586 = arith.constant 1.000000e+00 : f32
    %broadcast_in_dim3A_1587 = vector.broadcast %jit3A_1586 : f32 to vector<32x128xf32>
    %select_n3A_1588 = arith.select %lt3A_1584, %broadcast_in_dim3A_1587, %div3A_1585 : vector<32x128xi1>, vector<32x128xf32>
    %div3A_1589 = arith.divf %mul3A_1501, %max3A_1581 : vector<32x128xf32>
    %jit3A_1590 = arith.constant 0.000000e+00 : f32
    %broadcast_in_dim3A_1591 = vector.broadcast %jit3A_1590 : f32 to vector<32x128xf32>
    %select_n3A_1592 = arith.select %lt3A_1584, %broadcast_in_dim3A_1591, %div3A_1589 : vector<32x128xi1>, vector<32x128xf32>
    %div3A_1593 = arith.divf %mul3A_1502, %max3A_1581 : vector<32x128xf32>
    %jit3A_1594 = arith.constant 0.000000e+00 : f32
    %broadcast_in_dim3A_1595 = vector.broadcast %jit3A_1594 : f32 to vector<32x128xf32>
    %select_n3A_1596 = arith.select %lt3A_1584, %broadcast_in_dim3A_1595, %div3A_1593 : vector<32x128xi1>, vector<32x128xf32>
    %jit3A_1597 = arith.constant -1.000000e+06 : f32
    %jit3A_1598 = arith.constant 1.000000e+06 : f32
    %max3A_1599 = vector.broadcast %jit3A_1597 : f32 to vector<32x128xf32>
    %max3A_1600 = arith.maximumf %max3A_1599, %div3A_1506 : vector<32x128xf32>
    %min3A_1601 = vector.broadcast %jit3A_1598 : f32 to vector<32x128xf32>
    %min3A_1602 = arith.minimumf %min3A_1601, %max3A_1600 : vector<32x128xf32>
    %jit3A_1603 = arith.constant -1.000000e+06 : f32
    %jit3A_1604 = arith.constant 1.000000e+06 : f32
    %max3A_1605 = vector.broadcast %jit3A_1603 : f32 to vector<32x128xf32>
    %max3A_1606 = arith.maximumf %max3A_1605, %div3A_1510 : vector<32x128xf32>
    %min3A_1607 = vector.broadcast %jit3A_1604 : f32 to vector<32x128xf32>
    %min3A_1608 = arith.minimumf %min3A_1607, %max3A_1606 : vector<32x128xf32>
    %jit3A_1609 = arith.constant -1.000000e+06 : f32
    %jit3A_1610 = arith.constant 1.000000e+06 : f32
    %max3A_1611 = vector.broadcast %jit3A_1609 : f32 to vector<32x128xf32>
    %max3A_1612 = arith.maximumf %max3A_1611, %div3A_1514 : vector<32x128xf32>
    %min3A_1613 = vector.broadcast %jit3A_1610 : f32 to vector<32x128xf32>
    %min3A_1614 = arith.minimumf %min3A_1613, %max3A_1612 : vector<32x128xf32>
    %mul3A_1615 = arith.mulf %select_n3A_1588, %min3A_1602 : vector<32x128xf32>
    %mul3A_1616 = arith.mulf %select_n3A_1592, %min3A_1608 : vector<32x128xf32>
    %add3A_1617 = arith.addf %mul3A_1615, %mul3A_1616 : vector<32x128xf32>
    %mul3A_1618 = arith.mulf %select_n3A_1596, %min3A_1614 : vector<32x128xf32>
    %add3A_1619 = arith.addf %add3A_1617, %mul3A_1618 : vector<32x128xf32>
    %div3A_1620 = arith.constant 1.73205185 : f32
    %div3A_1621 = vector.broadcast %div3A_1620 : f32 to vector<32x128xf32>
    %div3A_1622 = arith.divf %add3A_1619, %div3A_1621 : vector<32x128xf32>
    %swap3A_1623 = arith.constant 0 : index
    %swap3A_1624 = arith.constant 0 : index
    %swap3A_1625 = arith.constant 3 : index
    %swap3A_1626 = arith.constant 0 : index
    %swap3A_1627 = arith.constant 0 : index
    %swap3A_1628 = vector.load %arg3[%swap3A_1623, %swap3A_1624, %swap3A_1625, %swap3A_1626, %swap3A_1627] : memref<10x1x8x32x128xf32, #tpu.memory_space<vmem>>, vector<1x1x1x32x128xf32>
    %swap3A_1629 = vector.shape_cast %swap3A_1628 : vector<1x1x1x32x128xf32> to vector<32x128xf32>
    %swap3A_1630 = vector.shape_cast %sqrt3A_1523 : vector<32x128xf32> to vector<1x1x1x32x128xf32>
    tpu.vector_store %arg3[%swap3A_1623, %swap3A_1624, %swap3A_1625, %swap3A_1626, %swap3A_1627], %swap3A_1630 {strides = array<i32>} : memref<10x1x8x32x128xf32, #tpu.memory_space<vmem>>, vector<1x1x1x32x128xf32>,
    %swap3A_1631 = arith.constant 1 : index
    %swap3A_1632 = arith.constant 0 : index
    %swap3A_1633 = arith.constant 3 : index
    %swap3A_1634 = arith.constant 0 : index
    %swap3A_1635 = arith.constant 0 : index
    %swap3A_1636 = vector.load %arg3[%swap3A_1631, %swap3A_1632, %swap3A_1633, %swap3A_1634, %swap3A_1635] : memref<10x1x8x32x128xf32, #tpu.memory_space<vmem>>, vector<1x1x1x32x128xf32>
    %swap3A_1637 = vector.shape_cast %swap3A_1636 : vector<1x1x1x32x128xf32> to vector<32x128xf32>
    %swap3A_1638 = vector.shape_cast %div3A_1545 : vector<32x128xf32> to vector<1x1x1x32x128xf32>
    tpu.vector_store %arg3[%swap3A_1631, %swap3A_1632, %swap3A_1633, %swap3A_1634, %swap3A_1635], %swap3A_1638 {strides = array<i32>} : memref<10x1x8x32x128xf32, #tpu.memory_space<vmem>>, vector<1x1x1x32x128xf32>,
    %swap3A_1639 = arith.constant 2 : index
    %swap3A_1640 = arith.constant 0 : index
    %swap3A_1641 = arith.constant 3 : index
    %swap3A_1642 = arith.constant 0 : index
    %swap3A_1643 = arith.constant 0 : index
    %swap3A_1644 = vector.load %arg3[%swap3A_1639, %swap3A_1640, %swap3A_1641, %swap3A_1642, %swap3A_1643] : memref<10x1x8x32x128xf32, #tpu.memory_space<vmem>>, vector<1x1x1x32x128xf32>
    %swap3A_1645 = vector.shape_cast %swap3A_1644 : vector<1x1x1x32x128xf32> to vector<32x128xf32>
    %swap3A_1646 = vector.shape_cast %add3A_1572 : vector<32x128xf32> to vector<1x1x1x32x128xf32>
    tpu.vector_store %arg3[%swap3A_1639, %swap3A_1640, %swap3A_1641, %swap3A_1642, %swap3A_1643], %swap3A_1646 {strides = array<i32>} : memref<10x1x8x32x128xf32, #tpu.memory_space<vmem>>, vector<1x1x1x32x128xf32>,
    %swap3A_1647 = arith.constant 3 : index
    %swap3A_1648 = arith.constant 0 : index
    %swap3A_1649 = arith.constant 3 : index
    %swap3A_1650 = arith.constant 0 : index
    %swap3A_1651 = arith.constant 0 : index
    %swap3A_1652 = vector.load %arg3[%swap3A_1647, %swap3A_1648, %swap3A_1649, %swap3A_1650, %swap3A_1651] : memref<10x1x8x32x128xf32, #tpu.memory_space<vmem>>, vector<1x1x1x32x128xf32>
    %swap3A_1653 = vector.shape_cast %swap3A_1652 : vector<1x1x1x32x128xf32> to vector<32x128xf32>
    %swap3A_1654 = vector.shape_cast %mul3A_1500 : vector<32x128xf32> to vector<1x1x1x32x128xf32>
    tpu.vector_store %arg3[%swap3A_1647, %swap3A_1648, %swap3A_1649, %swap3A_1650, %swap3A_1651], %swap3A_1654 {strides = array<i32>} : memref<10x1x8x32x128xf32, #tpu.memory_space<vmem>>, vector<1x1x1x32x128xf32>,
    %swap3A_1655 = arith.constant 4 : index
    %swap3A_1656 = arith.constant 0 : index
    %swap3A_1657 = arith.constant 3 : index
    %swap3A_1658 = arith.constant 0 : index
    %swap3A_1659 = arith.constant 0 : index
    %swap3A_1660 = vector.load %arg3[%swap3A_1655, %swap3A_1656, %swap3A_1657, %swap3A_1658, %swap3A_1659] : memref<10x1x8x32x128xf32, #tpu.memory_space<vmem>>, vector<1x1x1x32x128xf32>
    %swap3A_1661 = vector.shape_cast %swap3A_1660 : vector<1x1x1x32x128xf32> to vector<32x128xf32>
    %swap3A_1662 = vector.shape_cast %mul3A_1501 : vector<32x128xf32> to vector<1x1x1x32x128xf32>
    tpu.vector_store %arg3[%swap3A_1655, %swap3A_1656, %swap3A_1657, %swap3A_1658, %swap3A_1659], %swap3A_1662 {strides = array<i32>} : memref<10x1x8x32x128xf32, #tpu.memory_space<vmem>>, vector<1x1x1x32x128xf32>,
    %swap3A_1663 = arith.constant 5 : index
    %swap3A_1664 = arith.constant 0 : index
    %swap3A_1665 = arith.constant 3 : index
    %swap3A_1666 = arith.constant 0 : index
    %swap3A_1667 = arith.constant 0 : index
    %swap3A_1668 = vector.load %arg3[%swap3A_1663, %swap3A_1664, %swap3A_1665, %swap3A_1666, %swap3A_1667] : memref<10x1x8x32x128xf32, #tpu.memory_space<vmem>>, vector<1x1x1x32x128xf32>
    %swap3A_1669 = vector.shape_cast %swap3A_1668 : vector<1x1x1x32x128xf32> to vector<32x128xf32>
    %swap3A_1670 = vector.shape_cast %mul3A_1502 : vector<32x128xf32> to vector<1x1x1x32x128xf32>
    tpu.vector_store %arg3[%swap3A_1663, %swap3A_1664, %swap3A_1665, %swap3A_1666, %swap3A_1667], %swap3A_1670 {strides = array<i32>} : memref<10x1x8x32x128xf32, #tpu.memory_space<vmem>>, vector<1x1x1x32x128xf32>,
    %swap3A_1671 = arith.constant 6 : index
    %swap3A_1672 = arith.constant 0 : index
    %swap3A_1673 = arith.constant 3 : index
    %swap3A_1674 = arith.constant 0 : index
    %swap3A_1675 = arith.constant 0 : index
    %swap3A_1676 = vector.load %arg3[%swap3A_1671, %swap3A_1672, %swap3A_1673, %swap3A_1674, %swap3A_1675] : memref<10x1x8x32x128xf32, #tpu.memory_space<vmem>>, vector<1x1x1x32x128xf32>
    %swap3A_1677 = vector.shape_cast %swap3A_1676 : vector<1x1x1x32x128xf32> to vector<32x128xf32>
    %swap3A_1678 = vector.shape_cast %div3A_1622 : vector<32x128xf32> to vector<1x1x1x32x128xf32>
    tpu.vector_store %arg3[%swap3A_1671, %swap3A_1672, %swap3A_1673, %swap3A_1674, %swap3A_1675], %swap3A_1678 {strides = array<i32>} : memref<10x1x8x32x128xf32, #tpu.memory_space<vmem>>, vector<1x1x1x32x128xf32>,
    %swap3A_1679 = arith.constant 7 : index
    %swap3A_1680 = arith.constant 0 : index
    %swap3A_1681 = arith.constant 3 : index
    %swap3A_1682 = arith.constant 0 : index
    %swap3A_1683 = arith.constant 0 : index
    %swap3A_1684 = vector.load %arg3[%swap3A_1679, %swap3A_1680, %swap3A_1681, %swap3A_1682, %swap3A_1683] : memref<10x1x8x32x128xf32, #tpu.memory_space<vmem>>, vector<1x1x1x32x128xf32>
    %swap3A_1685 = vector.shape_cast %swap3A_1684 : vector<1x1x1x32x128xf32> to vector<32x128xf32>
    %swap3A_1686 = vector.shape_cast %div3A_1506 : vector<32x128xf32> to vector<1x1x1x32x128xf32>
    tpu.vector_store %arg3[%swap3A_1679, %swap3A_1680, %swap3A_1681, %swap3A_1682, %swap3A_1683], %swap3A_1686 {strides = array<i32>} : memref<10x1x8x32x128xf32, #tpu.memory_space<vmem>>, vector<1x1x1x32x128xf32>,
    %swap3A_1687 = arith.constant 8 : index
    %swap3A_1688 = arith.constant 0 : index
    %swap3A_1689 = arith.constant 3 : index
    %swap3A_1690 = arith.constant 0 : index
    %swap3A_1691 = arith.constant 0 : index
    %swap3A_1692 = vector.load %arg3[%swap3A_1687, %swap3A_1688, %swap3A_1689, %swap3A_1690, %swap3A_1691] : memref<10x1x8x32x128xf32, #tpu.memory_space<vmem>>, vector<1x1x1x32x128xf32>
    %swap3A_1693 = vector.shape_cast %swap3A_1692 : vector<1x1x1x32x128xf32> to vector<32x128xf32>
    %swap3A_1694 = vector.shape_cast %div3A_1510 : vector<32x128xf32> to vector<1x1x1x32x128xf32>
    tpu.vector_store %arg3[%swap3A_1687, %swap3A_1688, %swap3A_1689, %swap3A_1690, %swap3A_1691], %swap3A_1694 {strides = array<i32>} : memref<10x1x8x32x128xf32, #tpu.memory_space<vmem>>, vector<1x1x1x32x128xf32>,
    %swap3A_1695 = arith.constant 9 : index
    %swap3A_1696 = arith.constant 0 : index
    %swap3A_1697 = arith.constant 3 : index
    %swap3A_1698 = arith.constant 0 : index
    %swap3A_1699 = arith.constant 0 : index
    %swap3A_1700 = vector.load %arg3[%swap3A_1695, %swap3A_1696, %swap3A_1697, %swap3A_1698, %swap3A_1699] : memref<10x1x8x32x128xf32, #tpu.memory_space<vmem>>, vector<1x1x1x32x128xf32>
    %swap3A_1701 = vector.shape_cast %swap3A_1700 : vector<1x1x1x32x128xf32> to vector<32x128xf32>
    %swap3A_1702 = vector.shape_cast %div3A_1514 : vector<32x128xf32> to vector<1x1x1x32x128xf32>
    tpu.vector_store %arg3[%swap3A_1695, %swap3A_1696, %swap3A_1697, %swap3A_1698, %swap3A_1699], %swap3A_1702 {strides = array<i32>} : memref<10x1x8x32x128xf32, #tpu.memory_space<vmem>>, vector<1x1x1x32x128xf32>,
    %mul3A_1703 = arith.mulf %div3A_819, %select_n3A_725 : vector<32x128xf32>
    %mul3A_1704 = arith.mulf %div3A_820, %select_n3A_725 : vector<32x128xf32>
    %mul3A_1705 = arith.mulf %div3A_821, %select_n3A_725 : vector<32x128xf32>
    %add3A_1706 = arith.addf %select_n3A_680, %select_n3A_690 : vector<32x128xf32>
    %div3A_1707 = arith.constant 3.000000e+00 : f32
    %div3A_1708 = vector.broadcast %div3A_1707 : f32 to vector<32x128xf32>
    %div3A_1709 = arith.divf %add3A_1706, %div3A_1708 : vector<32x128xf32>
    %add3A_1710 = arith.addf %select_n3A_682, %select_n3A_692 : vector<32x128xf32>
    %div3A_1711 = arith.constant 3.000000e+00 : f32
    %div3A_1712 = vector.broadcast %div3A_1711 : f32 to vector<32x128xf32>
    %div3A_1713 = arith.divf %add3A_1710, %div3A_1712 : vector<32x128xf32>
    %add3A_1714 = arith.addf %select_n3A_684, %select_n3A_694 : vector<32x128xf32>
    %div3A_1715 = arith.constant 3.000000e+00 : f32
    %div3A_1716 = vector.broadcast %div3A_1715 : f32 to vector<32x128xf32>
    %div3A_1717 = arith.divf %add3A_1714, %div3A_1716 : vector<32x128xf32>
    %mul3A_1718 = arith.mulf %div3A_1709, %div3A_1709 : vector<32x128xf32>
    %mul3A_1719 = arith.mulf %div3A_1713, %div3A_1713 : vector<32x128xf32>
    %add3A_1720 = arith.addf %mul3A_1718, %mul3A_1719 : vector<32x128xf32>
    %mul3A_1721 = arith.mulf %div3A_1717, %div3A_1717 : vector<32x128xf32>
    %add3A_1722 = arith.addf %add3A_1720, %mul3A_1721 : vector<32x128xf32>
    %add3A_1723 = arith.constant 1.000000e-10 : f32
    %add3A_1724 = vector.broadcast %add3A_1723 : f32 to vector<32x128xf32>
    %add3A_1725 = arith.addf %add3A_1722, %add3A_1724 : vector<32x128xf32>
    %sqrt3A_1726 = math.sqrt %add3A_1725 : vector<32x128xf32>
    %max3A_1727 = arith.constant 1.000000e-10 : f32
    %max3A_1728 = vector.broadcast %max3A_1727 : f32 to vector<32x128xf32>
    %max3A_1729 = arith.maximumf %sqrt3A_1726, %max3A_1728 : vector<32x128xf32>
    %div3A_1730 = arith.divf %div3A_1717, %max3A_1729 : vector<32x128xf32>
    %jit3A_1731 = arith.constant -1.000000e+00 : f32
    %jit3A_1732 = arith.constant 1.000000e+00 : f32
    %max3A_1733 = vector.broadcast %jit3A_1731 : f32 to vector<32x128xf32>
    %max3A_1734 = arith.maximumf %max3A_1733, %div3A_1730 : vector<32x128xf32>
    %min3A_1735 = vector.broadcast %jit3A_1732 : f32 to vector<32x128xf32>
    %min3A_1736 = arith.minimumf %min3A_1735, %max3A_1734 : vector<32x128xf32>
    %sub3A_1737 = arith.constant 1.000000e+00 : f32
    %sub3A_1738 = vector.broadcast %sub3A_1737 : f32 to vector<32x128xf32>
    %sub3A_1739 = arith.subf %sub3A_1738, %min3A_1736 : vector<32x128xf32>
    %add3A_1740 = arith.constant 1.000000e+00 : f32
    %add3A_1741 = vector.broadcast %add3A_1740 : f32 to vector<32x128xf32>
    %add3A_1742 = arith.addf %add3A_1741, %min3A_1736 : vector<32x128xf32>
    %mul3A_1743 = arith.mulf %sub3A_1739, %add3A_1742 : vector<32x128xf32>
    %sqrt3A_1744 = math.sqrt %mul3A_1743 : vector<32x128xf32>
    %atan23A_1745 = math.atan2 %sqrt3A_1744, %min3A_1736 : vector<32x128xf32>
    %div3A_1746 = arith.constant 3.14159274 : f32
    %div3A_1747 = vector.broadcast %div3A_1746 : f32 to vector<32x128xf32>
    %div3A_1748 = arith.divf %atan23A_1745, %div3A_1747 : vector<32x128xf32>
    %abs3A_1749 = math.absf %div3A_1709 : vector<32x128xf32>
    %lt3A_1750 = arith.constant 1.000000e-10 : f32
    %lt3A_1751 = vector.broadcast %lt3A_1750 : f32 to vector<32x128xf32>
    %lt3A_1752 = arith.cmpf olt, %abs3A_1749, %lt3A_1751 : vector<32x128xf32>
    %convert_element_type3A_1753 = arith.extui %lt3A_1752 : vector<32x128xi1> to vector<32x128xi32>
    %convert_element_type3A_1754 = arith.sitofp %convert_element_type3A_1753 : vector<32x128xi32> to vector<32x128xf32>
    %mul3A_1755 = arith.constant 1.000000e-10 : f32
    %mul3A_1756 = vector.broadcast %mul3A_1755 : f32 to vector<32x128xf32>
    %mul3A_1757 = arith.mulf %mul3A_1756, %convert_element_type3A_1754 : vector<32x128xf32>
    %add3A_1758 = arith.addf %div3A_1709, %mul3A_1757 : vector<32x128xf32>
    %abs3A_1759 = math.absf %div3A_1713 : vector<32x128xf32>
    %lt3A_1760 = arith.constant 1.000000e-10 : f32
    %lt3A_1761 = vector.broadcast %lt3A_1760 : f32 to vector<32x128xf32>
    %lt3A_1762 = arith.cmpf olt, %abs3A_1759, %lt3A_1761 : vector<32x128xf32>
    %convert_element_type3A_1763 = arith.extui %lt3A_1762 : vector<32x128xi1> to vector<32x128xi32>
    %convert_element_type3A_1764 = arith.sitofp %convert_element_type3A_1763 : vector<32x128xi32> to vector<32x128xf32>
    %mul3A_1765 = arith.constant 1.000000e-10 : f32
    %mul3A_1766 = vector.broadcast %mul3A_1765 : f32 to vector<32x128xf32>
    %mul3A_1767 = arith.mulf %mul3A_1766, %convert_element_type3A_1764 : vector<32x128xf32>
    %add3A_1768 = arith.addf %div3A_1713, %mul3A_1767 : vector<32x128xf32>
    %atan23A_1769 = math.atan2 %add3A_1768, %add3A_1758 : vector<32x128xf32>
    %div3A_1770 = arith.constant 6.28318548 : f32
    %div3A_1771 = vector.broadcast %div3A_1770 : f32 to vector<32x128xf32>
    %div3A_1772 = arith.divf %atan23A_1769, %div3A_1771 : vector<32x128xf32>
    %add3A_1773 = arith.constant 5.000000e-01 : f32
    %add3A_1774 = vector.broadcast %add3A_1773 : f32 to vector<32x128xf32>
    %add3A_1775 = arith.addf %div3A_1772, %add3A_1774 : vector<32x128xf32>
    %mul3A_1776 = arith.mulf %mul3A_1703, %mul3A_1703 : vector<32x128xf32>
    %mul3A_1777 = arith.mulf %mul3A_1704, %mul3A_1704 : vector<32x128xf32>
    %add3A_1778 = arith.addf %mul3A_1776, %mul3A_1777 : vector<32x128xf32>
    %mul3A_1779 = arith.mulf %mul3A_1705, %mul3A_1705 : vector<32x128xf32>
    %add3A_1780 = arith.addf %add3A_1778, %mul3A_1779 : vector<32x128xf32>
    %sqrt3A_1781 = math.sqrt %add3A_1780 : vector<32x128xf32>
    %max3A_1782 = arith.constant 9.99999997E-7 : f32
    %max3A_1783 = vector.broadcast %max3A_1782 : f32 to vector<32x128xf32>
    %max3A_1784 = arith.maximumf %sqrt3A_1781, %max3A_1783 : vector<32x128xf32>
    %lt3A_1785 = arith.constant 9.99999997E-7 : f32
    %lt3A_1786 = vector.broadcast %lt3A_1785 : f32 to vector<32x128xf32>
    %lt3A_1787 = arith.cmpf olt, %sqrt3A_1781, %lt3A_1786 : vector<32x128xf32>
    %div3A_1788 = arith.divf %mul3A_1703, %max3A_1784 : vector<32x128xf32>
    %jit3A_1789 = arith.constant 1.000000e+00 : f32
    %broadcast_in_dim3A_1790 = vector.broadcast %jit3A_1789 : f32 to vector<32x128xf32>
    %select_n3A_1791 = arith.select %lt3A_1787, %broadcast_in_dim3A_1790, %div3A_1788 : vector<32x128xi1>, vector<32x128xf32>
    %div3A_1792 = arith.divf %mul3A_1704, %max3A_1784 : vector<32x128xf32>
    %jit3A_1793 = arith.constant 0.000000e+00 : f32
    %broadcast_in_dim3A_1794 = vector.broadcast %jit3A_1793 : f32 to vector<32x128xf32>
    %select_n3A_1795 = arith.select %lt3A_1787, %broadcast_in_dim3A_1794, %div3A_1792 : vector<32x128xi1>, vector<32x128xf32>
    %div3A_1796 = arith.divf %mul3A_1705, %max3A_1784 : vector<32x128xf32>
    %jit3A_1797 = arith.constant 0.000000e+00 : f32
    %broadcast_in_dim3A_1798 = vector.broadcast %jit3A_1797 : f32 to vector<32x128xf32>
    %select_n3A_1799 = arith.select %lt3A_1787, %broadcast_in_dim3A_1798, %div3A_1796 : vector<32x128xi1>, vector<32x128xf32>
    %jit3A_1800 = arith.constant -1.000000e+06 : f32
    %jit3A_1801 = arith.constant 1.000000e+06 : f32
    %max3A_1802 = vector.broadcast %jit3A_1800 : f32 to vector<32x128xf32>
    %max3A_1803 = arith.maximumf %max3A_1802, %div3A_1709 : vector<32x128xf32>
    %min3A_1804 = vector.broadcast %jit3A_1801 : f32 to vector<32x128xf32>
    %min3A_1805 = arith.minimumf %min3A_1804, %max3A_1803 : vector<32x128xf32>
    %jit3A_1806 = arith.constant -1.000000e+06 : f32
    %jit3A_1807 = arith.constant 1.000000e+06 : f32
    %max3A_1808 = vector.broadcast %jit3A_1806 : f32 to vector<32x128xf32>
    %max3A_1809 = arith.maximumf %max3A_1808, %div3A_1713 : vector<32x128xf32>
    %min3A_1810 = vector.broadcast %jit3A_1807 : f32 to vector<32x128xf32>
    %min3A_1811 = arith.minimumf %min3A_1810, %max3A_1809 : vector<32x128xf32>
    %jit3A_1812 = arith.constant -1.000000e+06 : f32
    %jit3A_1813 = arith.constant 1.000000e+06 : f32
    %max3A_1814 = vector.broadcast %jit3A_1812 : f32 to vector<32x128xf32>
    %max3A_1815 = arith.maximumf %max3A_1814, %div3A_1717 : vector<32x128xf32>
    %min3A_1816 = vector.broadcast %jit3A_1813 : f32 to vector<32x128xf32>
    %min3A_1817 = arith.minimumf %min3A_1816, %max3A_1815 : vector<32x128xf32>
    %mul3A_1818 = arith.mulf %select_n3A_1791, %min3A_1805 : vector<32x128xf32>
    %mul3A_1819 = arith.mulf %select_n3A_1795, %min3A_1811 : vector<32x128xf32>
    %add3A_1820 = arith.addf %mul3A_1818, %mul3A_1819 : vector<32x128xf32>
    %mul3A_1821 = arith.mulf %select_n3A_1799, %min3A_1817 : vector<32x128xf32>
    %add3A_1822 = arith.addf %add3A_1820, %mul3A_1821 : vector<32x128xf32>
    %div3A_1823 = arith.constant 1.73205185 : f32
    %div3A_1824 = vector.broadcast %div3A_1823 : f32 to vector<32x128xf32>
    %div3A_1825 = arith.divf %add3A_1822, %div3A_1824 : vector<32x128xf32>
    %swap3A_1826 = arith.constant 0 : index
    %swap3A_1827 = arith.constant 0 : index
    %swap3A_1828 = arith.constant 4 : index
    %swap3A_1829 = arith.constant 0 : index
    %swap3A_1830 = arith.constant 0 : index
    %swap3A_1831 = vector.load %arg3[%swap3A_1826, %swap3A_1827, %swap3A_1828, %swap3A_1829, %swap3A_1830] : memref<10x1x8x32x128xf32, #tpu.memory_space<vmem>>, vector<1x1x1x32x128xf32>
    %swap3A_1832 = vector.shape_cast %swap3A_1831 : vector<1x1x1x32x128xf32> to vector<32x128xf32>
    %swap3A_1833 = vector.shape_cast %sqrt3A_1726 : vector<32x128xf32> to vector<1x1x1x32x128xf32>
    tpu.vector_store %arg3[%swap3A_1826, %swap3A_1827, %swap3A_1828, %swap3A_1829, %swap3A_1830], %swap3A_1833 {strides = array<i32>} : memref<10x1x8x32x128xf32, #tpu.memory_space<vmem>>, vector<1x1x1x32x128xf32>,
    %swap3A_1834 = arith.constant 1 : index
    %swap3A_1835 = arith.constant 0 : index
    %swap3A_1836 = arith.constant 4 : index
    %swap3A_1837 = arith.constant 0 : index
    %swap3A_1838 = arith.constant 0 : index
    %swap3A_1839 = vector.load %arg3[%swap3A_1834, %swap3A_1835, %swap3A_1836, %swap3A_1837, %swap3A_1838] : memref<10x1x8x32x128xf32, #tpu.memory_space<vmem>>, vector<1x1x1x32x128xf32>
    %swap3A_1840 = vector.shape_cast %swap3A_1839 : vector<1x1x1x32x128xf32> to vector<32x128xf32>
    %swap3A_1841 = vector.shape_cast %div3A_1748 : vector<32x128xf32> to vector<1x1x1x32x128xf32>
    tpu.vector_store %arg3[%swap3A_1834, %swap3A_1835, %swap3A_1836, %swap3A_1837, %swap3A_1838], %swap3A_1841 {strides = array<i32>} : memref<10x1x8x32x128xf32, #tpu.memory_space<vmem>>, vector<1x1x1x32x128xf32>,
    %swap3A_1842 = arith.constant 2 : index
    %swap3A_1843 = arith.constant 0 : index
    %swap3A_1844 = arith.constant 4 : index
    %swap3A_1845 = arith.constant 0 : index
    %swap3A_1846 = arith.constant 0 : index
    %swap3A_1847 = vector.load %arg3[%swap3A_1842, %swap3A_1843, %swap3A_1844, %swap3A_1845, %swap3A_1846] : memref<10x1x8x32x128xf32, #tpu.memory_space<vmem>>, vector<1x1x1x32x128xf32>
    %swap3A_1848 = vector.shape_cast %swap3A_1847 : vector<1x1x1x32x128xf32> to vector<32x128xf32>
    %swap3A_1849 = vector.shape_cast %add3A_1775 : vector<32x128xf32> to vector<1x1x1x32x128xf32>
    tpu.vector_store %arg3[%swap3A_1842, %swap3A_1843, %swap3A_1844, %swap3A_1845, %swap3A_1846], %swap3A_1849 {strides = array<i32>} : memref<10x1x8x32x128xf32, #tpu.memory_space<vmem>>, vector<1x1x1x32x128xf32>,
    %swap3A_1850 = arith.constant 3 : index
    %swap3A_1851 = arith.constant 0 : index
    %swap3A_1852 = arith.constant 4 : index
    %swap3A_1853 = arith.constant 0 : index
    %swap3A_1854 = arith.constant 0 : index
    %swap3A_1855 = vector.load %arg3[%swap3A_1850, %swap3A_1851, %swap3A_1852, %swap3A_1853, %swap3A_1854] : memref<10x1x8x32x128xf32, #tpu.memory_space<vmem>>, vector<1x1x1x32x128xf32>
    %swap3A_1856 = vector.shape_cast %swap3A_1855 : vector<1x1x1x32x128xf32> to vector<32x128xf32>
    %swap3A_1857 = vector.shape_cast %mul3A_1703 : vector<32x128xf32> to vector<1x1x1x32x128xf32>
    tpu.vector_store %arg3[%swap3A_1850, %swap3A_1851, %swap3A_1852, %swap3A_1853, %swap3A_1854], %swap3A_1857 {strides = array<i32>} : memref<10x1x8x32x128xf32, #tpu.memory_space<vmem>>, vector<1x1x1x32x128xf32>,
    %swap3A_1858 = arith.constant 4 : index
    %swap3A_1859 = arith.constant 0 : index
    %swap3A_1860 = arith.constant 4 : index
    %swap3A_1861 = arith.constant 0 : index
    %swap3A_1862 = arith.constant 0 : index
    %swap3A_1863 = vector.load %arg3[%swap3A_1858, %swap3A_1859, %swap3A_1860, %swap3A_1861, %swap3A_1862] : memref<10x1x8x32x128xf32, #tpu.memory_space<vmem>>, vector<1x1x1x32x128xf32>
    %swap3A_1864 = vector.shape_cast %swap3A_1863 : vector<1x1x1x32x128xf32> to vector<32x128xf32>
    %swap3A_1865 = vector.shape_cast %mul3A_1704 : vector<32x128xf32> to vector<1x1x1x32x128xf32>
    tpu.vector_store %arg3[%swap3A_1858, %swap3A_1859, %swap3A_1860, %swap3A_1861, %swap3A_1862], %swap3A_1865 {strides = array<i32>} : memref<10x1x8x32x128xf32, #tpu.memory_space<vmem>>, vector<1x1x1x32x128xf32>,
    %swap3A_1866 = arith.constant 5 : index
    %swap3A_1867 = arith.constant 0 : index
    %swap3A_1868 = arith.constant 4 : index
    %swap3A_1869 = arith.constant 0 : index
    %swap3A_1870 = arith.constant 0 : index
    %swap3A_1871 = vector.load %arg3[%swap3A_1866, %swap3A_1867, %swap3A_1868, %swap3A_1869, %swap3A_1870] : memref<10x1x8x32x128xf32, #tpu.memory_space<vmem>>, vector<1x1x1x32x128xf32>
    %swap3A_1872 = vector.shape_cast %swap3A_1871 : vector<1x1x1x32x128xf32> to vector<32x128xf32>
    %swap3A_1873 = vector.shape_cast %mul3A_1705 : vector<32x128xf32> to vector<1x1x1x32x128xf32>
    tpu.vector_store %arg3[%swap3A_1866, %swap3A_1867, %swap3A_1868, %swap3A_1869, %swap3A_1870], %swap3A_1873 {strides = array<i32>} : memref<10x1x8x32x128xf32, #tpu.memory_space<vmem>>, vector<1x1x1x32x128xf32>,
    %swap3A_1874 = arith.constant 6 : index
    %swap3A_1875 = arith.constant 0 : index
    %swap3A_1876 = arith.constant 4 : index
    %swap3A_1877 = arith.constant 0 : index
    %swap3A_1878 = arith.constant 0 : index
    %swap3A_1879 = vector.load %arg3[%swap3A_1874, %swap3A_1875, %swap3A_1876, %swap3A_1877, %swap3A_1878] : memref<10x1x8x32x128xf32, #tpu.memory_space<vmem>>, vector<1x1x1x32x128xf32>
    %swap3A_1880 = vector.shape_cast %swap3A_1879 : vector<1x1x1x32x128xf32> to vector<32x128xf32>
    %swap3A_1881 = vector.shape_cast %div3A_1825 : vector<32x128xf32> to vector<1x1x1x32x128xf32>
    tpu.vector_store %arg3[%swap3A_1874, %swap3A_1875, %swap3A_1876, %swap3A_1877, %swap3A_1878], %swap3A_1881 {strides = array<i32>} : memref<10x1x8x32x128xf32, #tpu.memory_space<vmem>>, vector<1x1x1x32x128xf32>,
    %swap3A_1882 = arith.constant 7 : index
    %swap3A_1883 = arith.constant 0 : index
    %swap3A_1884 = arith.constant 4 : index
    %swap3A_1885 = arith.constant 0 : index
    %swap3A_1886 = arith.constant 0 : index
    %swap3A_1887 = vector.load %arg3[%swap3A_1882, %swap3A_1883, %swap3A_1884, %swap3A_1885, %swap3A_1886] : memref<10x1x8x32x128xf32, #tpu.memory_space<vmem>>, vector<1x1x1x32x128xf32>
    %swap3A_1888 = vector.shape_cast %swap3A_1887 : vector<1x1x1x32x128xf32> to vector<32x128xf32>
    %swap3A_1889 = vector.shape_cast %div3A_1709 : vector<32x128xf32> to vector<1x1x1x32x128xf32>
    tpu.vector_store %arg3[%swap3A_1882, %swap3A_1883, %swap3A_1884, %swap3A_1885, %swap3A_1886], %swap3A_1889 {strides = array<i32>} : memref<10x1x8x32x128xf32, #tpu.memory_space<vmem>>, vector<1x1x1x32x128xf32>,
    %swap3A_1890 = arith.constant 8 : index
    %swap3A_1891 = arith.constant 0 : index
    %swap3A_1892 = arith.constant 4 : index
    %swap3A_1893 = arith.constant 0 : index
    %swap3A_1894 = arith.constant 0 : index
    %swap3A_1895 = vector.load %arg3[%swap3A_1890, %swap3A_1891, %swap3A_1892, %swap3A_1893, %swap3A_1894] : memref<10x1x8x32x128xf32, #tpu.memory_space<vmem>>, vector<1x1x1x32x128xf32>
    %swap3A_1896 = vector.shape_cast %swap3A_1895 : vector<1x1x1x32x128xf32> to vector<32x128xf32>
    %swap3A_1897 = vector.shape_cast %div3A_1713 : vector<32x128xf32> to vector<1x1x1x32x128xf32>
    tpu.vector_store %arg3[%swap3A_1890, %swap3A_1891, %swap3A_1892, %swap3A_1893, %swap3A_1894], %swap3A_1897 {strides = array<i32>} : memref<10x1x8x32x128xf32, #tpu.memory_space<vmem>>, vector<1x1x1x32x128xf32>,
    %swap3A_1898 = arith.constant 9 : index
    %swap3A_1899 = arith.constant 0 : index
    %swap3A_1900 = arith.constant 4 : index
    %swap3A_1901 = arith.constant 0 : index
    %swap3A_1902 = arith.constant 0 : index
    %swap3A_1903 = vector.load %arg3[%swap3A_1898, %swap3A_1899, %swap3A_1900, %swap3A_1901, %swap3A_1902] : memref<10x1x8x32x128xf32, #tpu.memory_space<vmem>>, vector<1x1x1x32x128xf32>
    %swap3A_1904 = vector.shape_cast %swap3A_1903 : vector<1x1x1x32x128xf32> to vector<32x128xf32>
    %swap3A_1905 = vector.shape_cast %div3A_1717 : vector<32x128xf32> to vector<1x1x1x32x128xf32>
    tpu.vector_store %arg3[%swap3A_1898, %swap3A_1899, %swap3A_1900, %swap3A_1901, %swap3A_1902], %swap3A_1905 {strides = array<i32>} : memref<10x1x8x32x128xf32, #tpu.memory_space<vmem>>, vector<1x1x1x32x128xf32>,
    %mul3A_1906 = arith.mulf %div3A_843, %select_n3A_725 : vector<32x128xf32>
    %mul3A_1907 = arith.mulf %div3A_844, %select_n3A_725 : vector<32x128xf32>
    %mul3A_1908 = arith.mulf %div3A_845, %select_n3A_725 : vector<32x128xf32>
    %add3A_1909 = arith.addf %select_n3A_690, %select_n3A_691 : vector<32x128xf32>
    %div3A_1910 = arith.constant 3.000000e+00 : f32
    %div3A_1911 = vector.broadcast %div3A_1910 : f32 to vector<32x128xf32>
    %div3A_1912 = arith.divf %add3A_1909, %div3A_1911 : vector<32x128xf32>
    %add3A_1913 = arith.addf %select_n3A_692, %select_n3A_693 : vector<32x128xf32>
    %div3A_1914 = arith.constant 3.000000e+00 : f32
    %div3A_1915 = vector.broadcast %div3A_1914 : f32 to vector<32x128xf32>
    %div3A_1916 = arith.divf %add3A_1913, %div3A_1915 : vector<32x128xf32>
    %add3A_1917 = arith.addf %select_n3A_694, %select_n3A_695 : vector<32x128xf32>
    %div3A_1918 = arith.constant 3.000000e+00 : f32
    %div3A_1919 = vector.broadcast %div3A_1918 : f32 to vector<32x128xf32>
    %div3A_1920 = arith.divf %add3A_1917, %div3A_1919 : vector<32x128xf32>
    %mul3A_1921 = arith.mulf %div3A_1912, %div3A_1912 : vector<32x128xf32>
    %mul3A_1922 = arith.mulf %div3A_1916, %div3A_1916 : vector<32x128xf32>
    %add3A_1923 = arith.addf %mul3A_1921, %mul3A_1922 : vector<32x128xf32>
    %mul3A_1924 = arith.mulf %div3A_1920, %div3A_1920 : vector<32x128xf32>
    %add3A_1925 = arith.addf %add3A_1923, %mul3A_1924 : vector<32x128xf32>
    %add3A_1926 = arith.constant 1.000000e-10 : f32
    %add3A_1927 = vector.broadcast %add3A_1926 : f32 to vector<32x128xf32>
    %add3A_1928 = arith.addf %add3A_1925, %add3A_1927 : vector<32x128xf32>
    %sqrt3A_1929 = math.sqrt %add3A_1928 : vector<32x128xf32>
    %max3A_1930 = arith.constant 1.000000e-10 : f32
    %max3A_1931 = vector.broadcast %max3A_1930 : f32 to vector<32x128xf32>
    %max3A_1932 = arith.maximumf %sqrt3A_1929, %max3A_1931 : vector<32x128xf32>
    %div3A_1933 = arith.divf %div3A_1920, %max3A_1932 : vector<32x128xf32>
    %jit3A_1934 = arith.constant -1.000000e+00 : f32
    %jit3A_1935 = arith.constant 1.000000e+00 : f32
    %max3A_1936 = vector.broadcast %jit3A_1934 : f32 to vector<32x128xf32>
    %max3A_1937 = arith.maximumf %max3A_1936, %div3A_1933 : vector<32x128xf32>
    %min3A_1938 = vector.broadcast %jit3A_1935 : f32 to vector<32x128xf32>
    %min3A_1939 = arith.minimumf %min3A_1938, %max3A_1937 : vector<32x128xf32>
    %sub3A_1940 = arith.constant 1.000000e+00 : f32
    %sub3A_1941 = vector.broadcast %sub3A_1940 : f32 to vector<32x128xf32>
    %sub3A_1942 = arith.subf %sub3A_1941, %min3A_1939 : vector<32x128xf32>
    %add3A_1943 = arith.constant 1.000000e+00 : f32
    %add3A_1944 = vector.broadcast %add3A_1943 : f32 to vector<32x128xf32>
    %add3A_1945 = arith.addf %add3A_1944, %min3A_1939 : vector<32x128xf32>
    %mul3A_1946 = arith.mulf %sub3A_1942, %add3A_1945 : vector<32x128xf32>
    %sqrt3A_1947 = math.sqrt %mul3A_1946 : vector<32x128xf32>
    %atan23A_1948 = math.atan2 %sqrt3A_1947, %min3A_1939 : vector<32x128xf32>
    %div3A_1949 = arith.constant 3.14159274 : f32
    %div3A_1950 = vector.broadcast %div3A_1949 : f32 to vector<32x128xf32>
    %div3A_1951 = arith.divf %atan23A_1948, %div3A_1950 : vector<32x128xf32>
    %abs3A_1952 = math.absf %div3A_1912 : vector<32x128xf32>
    %lt3A_1953 = arith.constant 1.000000e-10 : f32
    %lt3A_1954 = vector.broadcast %lt3A_1953 : f32 to vector<32x128xf32>
    %lt3A_1955 = arith.cmpf olt, %abs3A_1952, %lt3A_1954 : vector<32x128xf32>
    %convert_element_type3A_1956 = arith.extui %lt3A_1955 : vector<32x128xi1> to vector<32x128xi32>
    %convert_element_type3A_1957 = arith.sitofp %convert_element_type3A_1956 : vector<32x128xi32> to vector<32x128xf32>
    %mul3A_1958 = arith.constant 1.000000e-10 : f32
    %mul3A_1959 = vector.broadcast %mul3A_1958 : f32 to vector<32x128xf32>
    %mul3A_1960 = arith.mulf %mul3A_1959, %convert_element_type3A_1957 : vector<32x128xf32>
    %add3A_1961 = arith.addf %div3A_1912, %mul3A_1960 : vector<32x128xf32>
    %abs3A_1962 = math.absf %div3A_1916 : vector<32x128xf32>
    %lt3A_1963 = arith.constant 1.000000e-10 : f32
    %lt3A_1964 = vector.broadcast %lt3A_1963 : f32 to vector<32x128xf32>
    %lt3A_1965 = arith.cmpf olt, %abs3A_1962, %lt3A_1964 : vector<32x128xf32>
    %convert_element_type3A_1966 = arith.extui %lt3A_1965 : vector<32x128xi1> to vector<32x128xi32>
    %convert_element_type3A_1967 = arith.sitofp %convert_element_type3A_1966 : vector<32x128xi32> to vector<32x128xf32>
    %mul3A_1968 = arith.constant 1.000000e-10 : f32
    %mul3A_1969 = vector.broadcast %mul3A_1968 : f32 to vector<32x128xf32>
    %mul3A_1970 = arith.mulf %mul3A_1969, %convert_element_type3A_1967 : vector<32x128xf32>
    %add3A_1971 = arith.addf %div3A_1916, %mul3A_1970 : vector<32x128xf32>
    %atan23A_1972 = math.atan2 %add3A_1971, %add3A_1961 : vector<32x128xf32>
    %div3A_1973 = arith.constant 6.28318548 : f32
    %div3A_1974 = vector.broadcast %div3A_1973 : f32 to vector<32x128xf32>
    %div3A_1975 = arith.divf %atan23A_1972, %div3A_1974 : vector<32x128xf32>
    %add3A_1976 = arith.constant 5.000000e-01 : f32
    %add3A_1977 = vector.broadcast %add3A_1976 : f32 to vector<32x128xf32>
    %add3A_1978 = arith.addf %div3A_1975, %add3A_1977 : vector<32x128xf32>
    %mul3A_1979 = arith.mulf %mul3A_1906, %mul3A_1906 : vector<32x128xf32>
    %mul3A_1980 = arith.mulf %mul3A_1907, %mul3A_1907 : vector<32x128xf32>
    %add3A_1981 = arith.addf %mul3A_1979, %mul3A_1980 : vector<32x128xf32>
    %mul3A_1982 = arith.mulf %mul3A_1908, %mul3A_1908 : vector<32x128xf32>
    %add3A_1983 = arith.addf %add3A_1981, %mul3A_1982 : vector<32x128xf32>
    %sqrt3A_1984 = math.sqrt %add3A_1983 : vector<32x128xf32>
    %max3A_1985 = arith.constant 9.99999997E-7 : f32
    %max3A_1986 = vector.broadcast %max3A_1985 : f32 to vector<32x128xf32>
    %max3A_1987 = arith.maximumf %sqrt3A_1984, %max3A_1986 : vector<32x128xf32>
    %lt3A_1988 = arith.constant 9.99999997E-7 : f32
    %lt3A_1989 = vector.broadcast %lt3A_1988 : f32 to vector<32x128xf32>
    %lt3A_1990 = arith.cmpf olt, %sqrt3A_1984, %lt3A_1989 : vector<32x128xf32>
    %div3A_1991 = arith.divf %mul3A_1906, %max3A_1987 : vector<32x128xf32>
    %jit3A_1992 = arith.constant 1.000000e+00 : f32
    %broadcast_in_dim3A_1993 = vector.broadcast %jit3A_1992 : f32 to vector<32x128xf32>
    %select_n3A_1994 = arith.select %lt3A_1990, %broadcast_in_dim3A_1993, %div3A_1991 : vector<32x128xi1>, vector<32x128xf32>
    %div3A_1995 = arith.divf %mul3A_1907, %max3A_1987 : vector<32x128xf32>
    %jit3A_1996 = arith.constant 0.000000e+00 : f32
    %broadcast_in_dim3A_1997 = vector.broadcast %jit3A_1996 : f32 to vector<32x128xf32>
    %select_n3A_1998 = arith.select %lt3A_1990, %broadcast_in_dim3A_1997, %div3A_1995 : vector<32x128xi1>, vector<32x128xf32>
    %div3A_1999 = arith.divf %mul3A_1908, %max3A_1987 : vector<32x128xf32>
    %jit3A_2000 = arith.constant 0.000000e+00 : f32
    %broadcast_in_dim3A_2001 = vector.broadcast %jit3A_2000 : f32 to vector<32x128xf32>
    %select_n3A_2002 = arith.select %lt3A_1990, %broadcast_in_dim3A_2001, %div3A_1999 : vector<32x128xi1>, vector<32x128xf32>
    %jit3A_2003 = arith.constant -1.000000e+06 : f32
    %jit3A_2004 = arith.constant 1.000000e+06 : f32
    %max3A_2005 = vector.broadcast %jit3A_2003 : f32 to vector<32x128xf32>
    %max3A_2006 = arith.maximumf %max3A_2005, %div3A_1912 : vector<32x128xf32>
    %min3A_2007 = vector.broadcast %jit3A_2004 : f32 to vector<32x128xf32>
    %min3A_2008 = arith.minimumf %min3A_2007, %max3A_2006 : vector<32x128xf32>
    %jit3A_2009 = arith.constant -1.000000e+06 : f32
    %jit3A_2010 = arith.constant 1.000000e+06 : f32
    %max3A_2011 = vector.broadcast %jit3A_2009 : f32 to vector<32x128xf32>
    %max3A_2012 = arith.maximumf %max3A_2011, %div3A_1916 : vector<32x128xf32>
    %min3A_2013 = vector.broadcast %jit3A_2010 : f32 to vector<32x128xf32>
    %min3A_2014 = arith.minimumf %min3A_2013, %max3A_2012 : vector<32x128xf32>
    %jit3A_2015 = arith.constant -1.000000e+06 : f32
    %jit3A_2016 = arith.constant 1.000000e+06 : f32
    %max3A_2017 = vector.broadcast %jit3A_2015 : f32 to vector<32x128xf32>
    %max3A_2018 = arith.maximumf %max3A_2017, %div3A_1920 : vector<32x128xf32>
    %min3A_2019 = vector.broadcast %jit3A_2016 : f32 to vector<32x128xf32>
    %min3A_2020 = arith.minimumf %min3A_2019, %max3A_2018 : vector<32x128xf32>
    %mul3A_2021 = arith.mulf %select_n3A_1994, %min3A_2008 : vector<32x128xf32>
    %mul3A_2022 = arith.mulf %select_n3A_1998, %min3A_2014 : vector<32x128xf32>
    %add3A_2023 = arith.addf %mul3A_2021, %mul3A_2022 : vector<32x128xf32>
    %mul3A_2024 = arith.mulf %select_n3A_2002, %min3A_2020 : vector<32x128xf32>
    %add3A_2025 = arith.addf %add3A_2023, %mul3A_2024 : vector<32x128xf32>
    %div3A_2026 = arith.constant 1.73205185 : f32
    %div3A_2027 = vector.broadcast %div3A_2026 : f32 to vector<32x128xf32>
    %div3A_2028 = arith.divf %add3A_2025, %div3A_2027 : vector<32x128xf32>
    %swap3A_2029 = arith.constant 0 : index
    %swap3A_2030 = arith.constant 0 : index
    %swap3A_2031 = arith.constant 5 : index
    %swap3A_2032 = arith.constant 0 : index
    %swap3A_2033 = arith.constant 0 : index
    %swap3A_2034 = vector.load %arg3[%swap3A_2029, %swap3A_2030, %swap3A_2031, %swap3A_2032, %swap3A_2033] : memref<10x1x8x32x128xf32, #tpu.memory_space<vmem>>, vector<1x1x1x32x128xf32>
    %swap3A_2035 = vector.shape_cast %swap3A_2034 : vector<1x1x1x32x128xf32> to vector<32x128xf32>
    %swap3A_2036 = vector.shape_cast %sqrt3A_1929 : vector<32x128xf32> to vector<1x1x1x32x128xf32>
    tpu.vector_store %arg3[%swap3A_2029, %swap3A_2030, %swap3A_2031, %swap3A_2032, %swap3A_2033], %swap3A_2036 {strides = array<i32>} : memref<10x1x8x32x128xf32, #tpu.memory_space<vmem>>, vector<1x1x1x32x128xf32>,
    %swap3A_2037 = arith.constant 1 : index
    %swap3A_2038 = arith.constant 0 : index
    %swap3A_2039 = arith.constant 5 : index
    %swap3A_2040 = arith.constant 0 : index
    %swap3A_2041 = arith.constant 0 : index
    %swap3A_2042 = vector.load %arg3[%swap3A_2037, %swap3A_2038, %swap3A_2039, %swap3A_2040, %swap3A_2041] : memref<10x1x8x32x128xf32, #tpu.memory_space<vmem>>, vector<1x1x1x32x128xf32>
    %swap3A_2043 = vector.shape_cast %swap3A_2042 : vector<1x1x1x32x128xf32> to vector<32x128xf32>
    %swap3A_2044 = vector.shape_cast %div3A_1951 : vector<32x128xf32> to vector<1x1x1x32x128xf32>
    tpu.vector_store %arg3[%swap3A_2037, %swap3A_2038, %swap3A_2039, %swap3A_2040, %swap3A_2041], %swap3A_2044 {strides = array<i32>} : memref<10x1x8x32x128xf32, #tpu.memory_space<vmem>>, vector<1x1x1x32x128xf32>,
    %swap3A_2045 = arith.constant 2 : index
    %swap3A_2046 = arith.constant 0 : index
    %swap3A_2047 = arith.constant 5 : index
    %swap3A_2048 = arith.constant 0 : index
    %swap3A_2049 = arith.constant 0 : index
    %swap3A_2050 = vector.load %arg3[%swap3A_2045, %swap3A_2046, %swap3A_2047, %swap3A_2048, %swap3A_2049] : memref<10x1x8x32x128xf32, #tpu.memory_space<vmem>>, vector<1x1x1x32x128xf32>
    %swap3A_2051 = vector.shape_cast %swap3A_2050 : vector<1x1x1x32x128xf32> to vector<32x128xf32>
    %swap3A_2052 = vector.shape_cast %add3A_1978 : vector<32x128xf32> to vector<1x1x1x32x128xf32>
    tpu.vector_store %arg3[%swap3A_2045, %swap3A_2046, %swap3A_2047, %swap3A_2048, %swap3A_2049], %swap3A_2052 {strides = array<i32>} : memref<10x1x8x32x128xf32, #tpu.memory_space<vmem>>, vector<1x1x1x32x128xf32>,
    %swap3A_2053 = arith.constant 3 : index
    %swap3A_2054 = arith.constant 0 : index
    %swap3A_2055 = arith.constant 5 : index
    %swap3A_2056 = arith.constant 0 : index
    %swap3A_2057 = arith.constant 0 : index
    %swap3A_2058 = vector.load %arg3[%swap3A_2053, %swap3A_2054, %swap3A_2055, %swap3A_2056, %swap3A_2057] : memref<10x1x8x32x128xf32, #tpu.memory_space<vmem>>, vector<1x1x1x32x128xf32>
    %swap3A_2059 = vector.shape_cast %swap3A_2058 : vector<1x1x1x32x128xf32> to vector<32x128xf32>
    %swap3A_2060 = vector.shape_cast %mul3A_1906 : vector<32x128xf32> to vector<1x1x1x32x128xf32>
    tpu.vector_store %arg3[%swap3A_2053, %swap3A_2054, %swap3A_2055, %swap3A_2056, %swap3A_2057], %swap3A_2060 {strides = array<i32>} : memref<10x1x8x32x128xf32, #tpu.memory_space<vmem>>, vector<1x1x1x32x128xf32>,
    %swap3A_2061 = arith.constant 4 : index
    %swap3A_2062 = arith.constant 0 : index
    %swap3A_2063 = arith.constant 5 : index
    %swap3A_2064 = arith.constant 0 : index
    %swap3A_2065 = arith.constant 0 : index
    %swap3A_2066 = vector.load %arg3[%swap3A_2061, %swap3A_2062, %swap3A_2063, %swap3A_2064, %swap3A_2065] : memref<10x1x8x32x128xf32, #tpu.memory_space<vmem>>, vector<1x1x1x32x128xf32>
    %swap3A_2067 = vector.shape_cast %swap3A_2066 : vector<1x1x1x32x128xf32> to vector<32x128xf32>
    %swap3A_2068 = vector.shape_cast %mul3A_1907 : vector<32x128xf32> to vector<1x1x1x32x128xf32>
    tpu.vector_store %arg3[%swap3A_2061, %swap3A_2062, %swap3A_2063, %swap3A_2064, %swap3A_2065], %swap3A_2068 {strides = array<i32>} : memref<10x1x8x32x128xf32, #tpu.memory_space<vmem>>, vector<1x1x1x32x128xf32>,
    %swap3A_2069 = arith.constant 5 : index
    %swap3A_2070 = arith.constant 0 : index
    %swap3A_2071 = arith.constant 5 : index
    %swap3A_2072 = arith.constant 0 : index
    %swap3A_2073 = arith.constant 0 : index
    %swap3A_2074 = vector.load %arg3[%swap3A_2069, %swap3A_2070, %swap3A_2071, %swap3A_2072, %swap3A_2073] : memref<10x1x8x32x128xf32, #tpu.memory_space<vmem>>, vector<1x1x1x32x128xf32>
    %swap3A_2075 = vector.shape_cast %swap3A_2074 : vector<1x1x1x32x128xf32> to vector<32x128xf32>
    %swap3A_2076 = vector.shape_cast %mul3A_1908 : vector<32x128xf32> to vector<1x1x1x32x128xf32>
    tpu.vector_store %arg3[%swap3A_2069, %swap3A_2070, %swap3A_2071, %swap3A_2072, %swap3A_2073], %swap3A_2076 {strides = array<i32>} : memref<10x1x8x32x128xf32, #tpu.memory_space<vmem>>, vector<1x1x1x32x128xf32>,
    %swap3A_2077 = arith.constant 6 : index
    %swap3A_2078 = arith.constant 0 : index
    %swap3A_2079 = arith.constant 5 : index
    %swap3A_2080 = arith.constant 0 : index
    %swap3A_2081 = arith.constant 0 : index
    %swap3A_2082 = vector.load %arg3[%swap3A_2077, %swap3A_2078, %swap3A_2079, %swap3A_2080, %swap3A_2081] : memref<10x1x8x32x128xf32, #tpu.memory_space<vmem>>, vector<1x1x1x32x128xf32>
    %swap3A_2083 = vector.shape_cast %swap3A_2082 : vector<1x1x1x32x128xf32> to vector<32x128xf32>
    %swap3A_2084 = vector.shape_cast %div3A_2028 : vector<32x128xf32> to vector<1x1x1x32x128xf32>
    tpu.vector_store %arg3[%swap3A_2077, %swap3A_2078, %swap3A_2079, %swap3A_2080, %swap3A_2081], %swap3A_2084 {strides = array<i32>} : memref<10x1x8x32x128xf32, #tpu.memory_space<vmem>>, vector<1x1x1x32x128xf32>,
    %swap3A_2085 = arith.constant 7 : index
    %swap3A_2086 = arith.constant 0 : index
    %swap3A_2087 = arith.constant 5 : index
    %swap3A_2088 = arith.constant 0 : index
    %swap3A_2089 = arith.constant 0 : index
    %swap3A_2090 = vector.load %arg3[%swap3A_2085, %swap3A_2086, %swap3A_2087, %swap3A_2088, %swap3A_2089] : memref<10x1x8x32x128xf32, #tpu.memory_space<vmem>>, vector<1x1x1x32x128xf32>
    %swap3A_2091 = vector.shape_cast %swap3A_2090 : vector<1x1x1x32x128xf32> to vector<32x128xf32>
    %swap3A_2092 = vector.shape_cast %div3A_1912 : vector<32x128xf32> to vector<1x1x1x32x128xf32>
    tpu.vector_store %arg3[%swap3A_2085, %swap3A_2086, %swap3A_2087, %swap3A_2088, %swap3A_2089], %swap3A_2092 {strides = array<i32>} : memref<10x1x8x32x128xf32, #tpu.memory_space<vmem>>, vector<1x1x1x32x128xf32>,
    %swap3A_2093 = arith.constant 8 : index
    %swap3A_2094 = arith.constant 0 : index
    %swap3A_2095 = arith.constant 5 : index
    %swap3A_2096 = arith.constant 0 : index
    %swap3A_2097 = arith.constant 0 : index
    %swap3A_2098 = vector.load %arg3[%swap3A_2093, %swap3A_2094, %swap3A_2095, %swap3A_2096, %swap3A_2097] : memref<10x1x8x32x128xf32, #tpu.memory_space<vmem>>, vector<1x1x1x32x128xf32>
    %swap3A_2099 = vector.shape_cast %swap3A_2098 : vector<1x1x1x32x128xf32> to vector<32x128xf32>
    %swap3A_2100 = vector.shape_cast %div3A_1916 : vector<32x128xf32> to vector<1x1x1x32x128xf32>
    tpu.vector_store %arg3[%swap3A_2093, %swap3A_2094, %swap3A_2095, %swap3A_2096, %swap3A_2097], %swap3A_2100 {strides = array<i32>} : memref<10x1x8x32x128xf32, #tpu.memory_space<vmem>>, vector<1x1x1x32x128xf32>,
    %swap3A_2101 = arith.constant 9 : index
    %swap3A_2102 = arith.constant 0 : index
    %swap3A_2103 = arith.constant 5 : index
    %swap3A_2104 = arith.constant 0 : index
    %swap3A_2105 = arith.constant 0 : index
    %swap3A_2106 = vector.load %arg3[%swap3A_2101, %swap3A_2102, %swap3A_2103, %swap3A_2104, %swap3A_2105] : memref<10x1x8x32x128xf32, #tpu.memory_space<vmem>>, vector<1x1x1x32x128xf32>
    %swap3A_2107 = vector.shape_cast %swap3A_2106 : vector<1x1x1x32x128xf32> to vector<32x128xf32>
    %swap3A_2108 = vector.shape_cast %div3A_1920 : vector<32x128xf32> to vector<1x1x1x32x128xf32>
    tpu.vector_store %arg3[%swap3A_2101, %swap3A_2102, %swap3A_2103, %swap3A_2104, %swap3A_2105], %swap3A_2108 {strides = array<i32>} : memref<10x1x8x32x128xf32, #tpu.memory_space<vmem>>, vector<1x1x1x32x128xf32>,
    %mul3A_2109 = arith.mulf %div3A_867, %select_n3A_725 : vector<32x128xf32>
    %mul3A_2110 = arith.mulf %div3A_868, %select_n3A_725 : vector<32x128xf32>
    %mul3A_2111 = arith.mulf %div3A_869, %select_n3A_725 : vector<32x128xf32>
    %add3A_2112 = arith.addf %select_n3A_691, %select_n3A_628 : vector<32x128xf32>
    %div3A_2113 = arith.constant 3.000000e+00 : f32
    %div3A_2114 = vector.broadcast %div3A_2113 : f32 to vector<32x128xf32>
    %div3A_2115 = arith.divf %add3A_2112, %div3A_2114 : vector<32x128xf32>
    %add3A_2116 = arith.addf %select_n3A_693, %select_n3A_630 : vector<32x128xf32>
    %div3A_2117 = arith.constant 3.000000e+00 : f32
    %div3A_2118 = vector.broadcast %div3A_2117 : f32 to vector<32x128xf32>
    %div3A_2119 = arith.divf %add3A_2116, %div3A_2118 : vector<32x128xf32>
    %add3A_2120 = arith.addf %select_n3A_695, %select_n3A_632 : vector<32x128xf32>
    %div3A_2121 = arith.constant 3.000000e+00 : f32
    %div3A_2122 = vector.broadcast %div3A_2121 : f32 to vector<32x128xf32>
    %div3A_2123 = arith.divf %add3A_2120, %div3A_2122 : vector<32x128xf32>
    %mul3A_2124 = arith.mulf %div3A_2115, %div3A_2115 : vector<32x128xf32>
    %mul3A_2125 = arith.mulf %div3A_2119, %div3A_2119 : vector<32x128xf32>
    %add3A_2126 = arith.addf %mul3A_2124, %mul3A_2125 : vector<32x128xf32>
    %mul3A_2127 = arith.mulf %div3A_2123, %div3A_2123 : vector<32x128xf32>
    %add3A_2128 = arith.addf %add3A_2126, %mul3A_2127 : vector<32x128xf32>
    %add3A_2129 = arith.constant 1.000000e-10 : f32
    %add3A_2130 = vector.broadcast %add3A_2129 : f32 to vector<32x128xf32>
    %add3A_2131 = arith.addf %add3A_2128, %add3A_2130 : vector<32x128xf32>
    %sqrt3A_2132 = math.sqrt %add3A_2131 : vector<32x128xf32>
    %max3A_2133 = arith.constant 1.000000e-10 : f32
    %max3A_2134 = vector.broadcast %max3A_2133 : f32 to vector<32x128xf32>
    %max3A_2135 = arith.maximumf %sqrt3A_2132, %max3A_2134 : vector<32x128xf32>
    %div3A_2136 = arith.divf %div3A_2123, %max3A_2135 : vector<32x128xf32>
    %jit3A_2137 = arith.constant -1.000000e+00 : f32
    %jit3A_2138 = arith.constant 1.000000e+00 : f32
    %max3A_2139 = vector.broadcast %jit3A_2137 : f32 to vector<32x128xf32>
    %max3A_2140 = arith.maximumf %max3A_2139, %div3A_2136 : vector<32x128xf32>
    %min3A_2141 = vector.broadcast %jit3A_2138 : f32 to vector<32x128xf32>
    %min3A_2142 = arith.minimumf %min3A_2141, %max3A_2140 : vector<32x128xf32>
    %sub3A_2143 = arith.constant 1.000000e+00 : f32
    %sub3A_2144 = vector.broadcast %sub3A_2143 : f32 to vector<32x128xf32>
    %sub3A_2145 = arith.subf %sub3A_2144, %min3A_2142 : vector<32x128xf32>
    %add3A_2146 = arith.constant 1.000000e+00 : f32
    %add3A_2147 = vector.broadcast %add3A_2146 : f32 to vector<32x128xf32>
    %add3A_2148 = arith.addf %add3A_2147, %min3A_2142 : vector<32x128xf32>
    %mul3A_2149 = arith.mulf %sub3A_2145, %add3A_2148 : vector<32x128xf32>
    %sqrt3A_2150 = math.sqrt %mul3A_2149 : vector<32x128xf32>
    %atan23A_2151 = math.atan2 %sqrt3A_2150, %min3A_2142 : vector<32x128xf32>
    %div3A_2152 = arith.constant 3.14159274 : f32
    %div3A_2153 = vector.broadcast %div3A_2152 : f32 to vector<32x128xf32>
    %div3A_2154 = arith.divf %atan23A_2151, %div3A_2153 : vector<32x128xf32>
    %abs3A_2155 = math.absf %div3A_2115 : vector<32x128xf32>
    %lt3A_2156 = arith.constant 1.000000e-10 : f32
    %lt3A_2157 = vector.broadcast %lt3A_2156 : f32 to vector<32x128xf32>
    %lt3A_2158 = arith.cmpf olt, %abs3A_2155, %lt3A_2157 : vector<32x128xf32>
    %convert_element_type3A_2159 = arith.extui %lt3A_2158 : vector<32x128xi1> to vector<32x128xi32>
    %convert_element_type3A_2160 = arith.sitofp %convert_element_type3A_2159 : vector<32x128xi32> to vector<32x128xf32>
    %mul3A_2161 = arith.constant 1.000000e-10 : f32
    %mul3A_2162 = vector.broadcast %mul3A_2161 : f32 to vector<32x128xf32>
    %mul3A_2163 = arith.mulf %mul3A_2162, %convert_element_type3A_2160 : vector<32x128xf32>
    %add3A_2164 = arith.addf %div3A_2115, %mul3A_2163 : vector<32x128xf32>
    %abs3A_2165 = math.absf %div3A_2119 : vector<32x128xf32>
    %lt3A_2166 = arith.constant 1.000000e-10 : f32
    %lt3A_2167 = vector.broadcast %lt3A_2166 : f32 to vector<32x128xf32>
    %lt3A_2168 = arith.cmpf olt, %abs3A_2165, %lt3A_2167 : vector<32x128xf32>
    %convert_element_type3A_2169 = arith.extui %lt3A_2168 : vector<32x128xi1> to vector<32x128xi32>
    %convert_element_type3A_2170 = arith.sitofp %convert_element_type3A_2169 : vector<32x128xi32> to vector<32x128xf32>
    %mul3A_2171 = arith.constant 1.000000e-10 : f32
    %mul3A_2172 = vector.broadcast %mul3A_2171 : f32 to vector<32x128xf32>
    %mul3A_2173 = arith.mulf %mul3A_2172, %convert_element_type3A_2170 : vector<32x128xf32>
    %add3A_2174 = arith.addf %div3A_2119, %mul3A_2173 : vector<32x128xf32>
    %atan23A_2175 = math.atan2 %add3A_2174, %add3A_2164 : vector<32x128xf32>
    %div3A_2176 = arith.constant 6.28318548 : f32
    %div3A_2177 = vector.broadcast %div3A_2176 : f32 to vector<32x128xf32>
    %div3A_2178 = arith.divf %atan23A_2175, %div3A_2177 : vector<32x128xf32>
    %add3A_2179 = arith.constant 5.000000e-01 : f32
    %add3A_2180 = vector.broadcast %add3A_2179 : f32 to vector<32x128xf32>
    %add3A_2181 = arith.addf %div3A_2178, %add3A_2180 : vector<32x128xf32>
    %mul3A_2182 = arith.mulf %mul3A_2109, %mul3A_2109 : vector<32x128xf32>
    %mul3A_2183 = arith.mulf %mul3A_2110, %mul3A_2110 : vector<32x128xf32>
    %add3A_2184 = arith.addf %mul3A_2182, %mul3A_2183 : vector<32x128xf32>
    %mul3A_2185 = arith.mulf %mul3A_2111, %mul3A_2111 : vector<32x128xf32>
    %add3A_2186 = arith.addf %add3A_2184, %mul3A_2185 : vector<32x128xf32>
    %sqrt3A_2187 = math.sqrt %add3A_2186 : vector<32x128xf32>
    %max3A_2188 = arith.constant 9.99999997E-7 : f32
    %max3A_2189 = vector.broadcast %max3A_2188 : f32 to vector<32x128xf32>
    %max3A_2190 = arith.maximumf %sqrt3A_2187, %max3A_2189 : vector<32x128xf32>
    %lt3A_2191 = arith.constant 9.99999997E-7 : f32
    %lt3A_2192 = vector.broadcast %lt3A_2191 : f32 to vector<32x128xf32>
    %lt3A_2193 = arith.cmpf olt, %sqrt3A_2187, %lt3A_2192 : vector<32x128xf32>
    %div3A_2194 = arith.divf %mul3A_2109, %max3A_2190 : vector<32x128xf32>
    %jit3A_2195 = arith.constant 1.000000e+00 : f32
    %broadcast_in_dim3A_2196 = vector.broadcast %jit3A_2195 : f32 to vector<32x128xf32>
    %select_n3A_2197 = arith.select %lt3A_2193, %broadcast_in_dim3A_2196, %div3A_2194 : vector<32x128xi1>, vector<32x128xf32>
    %div3A_2198 = arith.divf %mul3A_2110, %max3A_2190 : vector<32x128xf32>
    %jit3A_2199 = arith.constant 0.000000e+00 : f32
    %broadcast_in_dim3A_2200 = vector.broadcast %jit3A_2199 : f32 to vector<32x128xf32>
    %select_n3A_2201 = arith.select %lt3A_2193, %broadcast_in_dim3A_2200, %div3A_2198 : vector<32x128xi1>, vector<32x128xf32>
    %div3A_2202 = arith.divf %mul3A_2111, %max3A_2190 : vector<32x128xf32>
    %jit3A_2203 = arith.constant 0.000000e+00 : f32
    %broadcast_in_dim3A_2204 = vector.broadcast %jit3A_2203 : f32 to vector<32x128xf32>
    %select_n3A_2205 = arith.select %lt3A_2193, %broadcast_in_dim3A_2204, %div3A_2202 : vector<32x128xi1>, vector<32x128xf32>
    %jit3A_2206 = arith.constant -1.000000e+06 : f32
    %jit3A_2207 = arith.constant 1.000000e+06 : f32
    %max3A_2208 = vector.broadcast %jit3A_2206 : f32 to vector<32x128xf32>
    %max3A_2209 = arith.maximumf %max3A_2208, %div3A_2115 : vector<32x128xf32>
    %min3A_2210 = vector.broadcast %jit3A_2207 : f32 to vector<32x128xf32>
    %min3A_2211 = arith.minimumf %min3A_2210, %max3A_2209 : vector<32x128xf32>
    %jit3A_2212 = arith.constant -1.000000e+06 : f32
    %jit3A_2213 = arith.constant 1.000000e+06 : f32
    %max3A_2214 = vector.broadcast %jit3A_2212 : f32 to vector<32x128xf32>
    %max3A_2215 = arith.maximumf %max3A_2214, %div3A_2119 : vector<32x128xf32>
    %min3A_2216 = vector.broadcast %jit3A_2213 : f32 to vector<32x128xf32>
    %min3A_2217 = arith.minimumf %min3A_2216, %max3A_2215 : vector<32x128xf32>
    %jit3A_2218 = arith.constant -1.000000e+06 : f32
    %jit3A_2219 = arith.constant 1.000000e+06 : f32
    %max3A_2220 = vector.broadcast %jit3A_2218 : f32 to vector<32x128xf32>
    %max3A_2221 = arith.maximumf %max3A_2220, %div3A_2123 : vector<32x128xf32>
    %min3A_2222 = vector.broadcast %jit3A_2219 : f32 to vector<32x128xf32>
    %min3A_2223 = arith.minimumf %min3A_2222, %max3A_2221 : vector<32x128xf32>
    %mul3A_2224 = arith.mulf %select_n3A_2197, %min3A_2211 : vector<32x128xf32>
    %mul3A_2225 = arith.mulf %select_n3A_2201, %min3A_2217 : vector<32x128xf32>
    %add3A_2226 = arith.addf %mul3A_2224, %mul3A_2225 : vector<32x128xf32>
    %mul3A_2227 = arith.mulf %select_n3A_2205, %min3A_2223 : vector<32x128xf32>
    %add3A_2228 = arith.addf %add3A_2226, %mul3A_2227 : vector<32x128xf32>
    %div3A_2229 = arith.constant 1.73205185 : f32
    %div3A_2230 = vector.broadcast %div3A_2229 : f32 to vector<32x128xf32>
    %div3A_2231 = arith.divf %add3A_2228, %div3A_2230 : vector<32x128xf32>
    %swap3A_2232 = arith.constant 0 : index
    %swap3A_2233 = arith.constant 0 : index
    %swap3A_2234 = arith.constant 6 : index
    %swap3A_2235 = arith.constant 0 : index
    %swap3A_2236 = arith.constant 0 : index
    %swap3A_2237 = vector.load %arg3[%swap3A_2232, %swap3A_2233, %swap3A_2234, %swap3A_2235, %swap3A_2236] : memref<10x1x8x32x128xf32, #tpu.memory_space<vmem>>, vector<1x1x1x32x128xf32>
    %swap3A_2238 = vector.shape_cast %swap3A_2237 : vector<1x1x1x32x128xf32> to vector<32x128xf32>
    %swap3A_2239 = vector.shape_cast %sqrt3A_2132 : vector<32x128xf32> to vector<1x1x1x32x128xf32>
    tpu.vector_store %arg3[%swap3A_2232, %swap3A_2233, %swap3A_2234, %swap3A_2235, %swap3A_2236], %swap3A_2239 {strides = array<i32>} : memref<10x1x8x32x128xf32, #tpu.memory_space<vmem>>, vector<1x1x1x32x128xf32>,
    %swap3A_2240 = arith.constant 1 : index
    %swap3A_2241 = arith.constant 0 : index
    %swap3A_2242 = arith.constant 6 : index
    %swap3A_2243 = arith.constant 0 : index
    %swap3A_2244 = arith.constant 0 : index
    %swap3A_2245 = vector.load %arg3[%swap3A_2240, %swap3A_2241, %swap3A_2242, %swap3A_2243, %swap3A_2244] : memref<10x1x8x32x128xf32, #tpu.memory_space<vmem>>, vector<1x1x1x32x128xf32>
    %swap3A_2246 = vector.shape_cast %swap3A_2245 : vector<1x1x1x32x128xf32> to vector<32x128xf32>
    %swap3A_2247 = vector.shape_cast %div3A_2154 : vector<32x128xf32> to vector<1x1x1x32x128xf32>
    tpu.vector_store %arg3[%swap3A_2240, %swap3A_2241, %swap3A_2242, %swap3A_2243, %swap3A_2244], %swap3A_2247 {strides = array<i32>} : memref<10x1x8x32x128xf32, #tpu.memory_space<vmem>>, vector<1x1x1x32x128xf32>,
    %swap3A_2248 = arith.constant 2 : index
    %swap3A_2249 = arith.constant 0 : index
    %swap3A_2250 = arith.constant 6 : index
    %swap3A_2251 = arith.constant 0 : index
    %swap3A_2252 = arith.constant 0 : index
    %swap3A_2253 = vector.load %arg3[%swap3A_2248, %swap3A_2249, %swap3A_2250, %swap3A_2251, %swap3A_2252] : memref<10x1x8x32x128xf32, #tpu.memory_space<vmem>>, vector<1x1x1x32x128xf32>
    %swap3A_2254 = vector.shape_cast %swap3A_2253 : vector<1x1x1x32x128xf32> to vector<32x128xf32>
    %swap3A_2255 = vector.shape_cast %add3A_2181 : vector<32x128xf32> to vector<1x1x1x32x128xf32>
    tpu.vector_store %arg3[%swap3A_2248, %swap3A_2249, %swap3A_2250, %swap3A_2251, %swap3A_2252], %swap3A_2255 {strides = array<i32>} : memref<10x1x8x32x128xf32, #tpu.memory_space<vmem>>, vector<1x1x1x32x128xf32>,
    %swap3A_2256 = arith.constant 3 : index
    %swap3A_2257 = arith.constant 0 : index
    %swap3A_2258 = arith.constant 6 : index
    %swap3A_2259 = arith.constant 0 : index
    %swap3A_2260 = arith.constant 0 : index
    %swap3A_2261 = vector.load %arg3[%swap3A_2256, %swap3A_2257, %swap3A_2258, %swap3A_2259, %swap3A_2260] : memref<10x1x8x32x128xf32, #tpu.memory_space<vmem>>, vector<1x1x1x32x128xf32>
    %swap3A_2262 = vector.shape_cast %swap3A_2261 : vector<1x1x1x32x128xf32> to vector<32x128xf32>
    %swap3A_2263 = vector.shape_cast %mul3A_2109 : vector<32x128xf32> to vector<1x1x1x32x128xf32>
    tpu.vector_store %arg3[%swap3A_2256, %swap3A_2257, %swap3A_2258, %swap3A_2259, %swap3A_2260], %swap3A_2263 {strides = array<i32>} : memref<10x1x8x32x128xf32, #tpu.memory_space<vmem>>, vector<1x1x1x32x128xf32>,
    %swap3A_2264 = arith.constant 4 : index
    %swap3A_2265 = arith.constant 0 : index
    %swap3A_2266 = arith.constant 6 : index
    %swap3A_2267 = arith.constant 0 : index
    %swap3A_2268 = arith.constant 0 : index
    %swap3A_2269 = vector.load %arg3[%swap3A_2264, %swap3A_2265, %swap3A_2266, %swap3A_2267, %swap3A_2268] : memref<10x1x8x32x128xf32, #tpu.memory_space<vmem>>, vector<1x1x1x32x128xf32>
    %swap3A_2270 = vector.shape_cast %swap3A_2269 : vector<1x1x1x32x128xf32> to vector<32x128xf32>
    %swap3A_2271 = vector.shape_cast %mul3A_2110 : vector<32x128xf32> to vector<1x1x1x32x128xf32>
    tpu.vector_store %arg3[%swap3A_2264, %swap3A_2265, %swap3A_2266, %swap3A_2267, %swap3A_2268], %swap3A_2271 {strides = array<i32>} : memref<10x1x8x32x128xf32, #tpu.memory_space<vmem>>, vector<1x1x1x32x128xf32>,
    %swap3A_2272 = arith.constant 5 : index
    %swap3A_2273 = arith.constant 0 : index
    %swap3A_2274 = arith.constant 6 : index
    %swap3A_2275 = arith.constant 0 : index
    %swap3A_2276 = arith.constant 0 : index
    %swap3A_2277 = vector.load %arg3[%swap3A_2272, %swap3A_2273, %swap3A_2274, %swap3A_2275, %swap3A_2276] : memref<10x1x8x32x128xf32, #tpu.memory_space<vmem>>, vector<1x1x1x32x128xf32>
    %swap3A_2278 = vector.shape_cast %swap3A_2277 : vector<1x1x1x32x128xf32> to vector<32x128xf32>
    %swap3A_2279 = vector.shape_cast %mul3A_2111 : vector<32x128xf32> to vector<1x1x1x32x128xf32>
    tpu.vector_store %arg3[%swap3A_2272, %swap3A_2273, %swap3A_2274, %swap3A_2275, %swap3A_2276], %swap3A_2279 {strides = array<i32>} : memref<10x1x8x32x128xf32, #tpu.memory_space<vmem>>, vector<1x1x1x32x128xf32>,
    %swap3A_2280 = arith.constant 6 : index
    %swap3A_2281 = arith.constant 0 : index
    %swap3A_2282 = arith.constant 6 : index
    %swap3A_2283 = arith.constant 0 : index
    %swap3A_2284 = arith.constant 0 : index
    %swap3A_2285 = vector.load %arg3[%swap3A_2280, %swap3A_2281, %swap3A_2282, %swap3A_2283, %swap3A_2284] : memref<10x1x8x32x128xf32, #tpu.memory_space<vmem>>, vector<1x1x1x32x128xf32>
    %swap3A_2286 = vector.shape_cast %swap3A_2285 : vector<1x1x1x32x128xf32> to vector<32x128xf32>
    %swap3A_2287 = vector.shape_cast %div3A_2231 : vector<32x128xf32> to vector<1x1x1x32x128xf32>
    tpu.vector_store %arg3[%swap3A_2280, %swap3A_2281, %swap3A_2282, %swap3A_2283, %swap3A_2284], %swap3A_2287 {strides = array<i32>} : memref<10x1x8x32x128xf32, #tpu.memory_space<vmem>>, vector<1x1x1x32x128xf32>,
    %swap3A_2288 = arith.constant 7 : index
    %swap3A_2289 = arith.constant 0 : index
    %swap3A_2290 = arith.constant 6 : index
    %swap3A_2291 = arith.constant 0 : index
    %swap3A_2292 = arith.constant 0 : index
    %swap3A_2293 = vector.load %arg3[%swap3A_2288, %swap3A_2289, %swap3A_2290, %swap3A_2291, %swap3A_2292] : memref<10x1x8x32x128xf32, #tpu.memory_space<vmem>>, vector<1x1x1x32x128xf32>
    %swap3A_2294 = vector.shape_cast %swap3A_2293 : vector<1x1x1x32x128xf32> to vector<32x128xf32>
    %swap3A_2295 = vector.shape_cast %div3A_2115 : vector<32x128xf32> to vector<1x1x1x32x128xf32>
    tpu.vector_store %arg3[%swap3A_2288, %swap3A_2289, %swap3A_2290, %swap3A_2291, %swap3A_2292], %swap3A_2295 {strides = array<i32>} : memref<10x1x8x32x128xf32, #tpu.memory_space<vmem>>, vector<1x1x1x32x128xf32>,
    %swap3A_2296 = arith.constant 8 : index
    %swap3A_2297 = arith.constant 0 : index
    %swap3A_2298 = arith.constant 6 : index
    %swap3A_2299 = arith.constant 0 : index
    %swap3A_2300 = arith.constant 0 : index
    %swap3A_2301 = vector.load %arg3[%swap3A_2296, %swap3A_2297, %swap3A_2298, %swap3A_2299, %swap3A_2300] : memref<10x1x8x32x128xf32, #tpu.memory_space<vmem>>, vector<1x1x1x32x128xf32>
    %swap3A_2302 = vector.shape_cast %swap3A_2301 : vector<1x1x1x32x128xf32> to vector<32x128xf32>
    %swap3A_2303 = vector.shape_cast %div3A_2119 : vector<32x128xf32> to vector<1x1x1x32x128xf32>
    tpu.vector_store %arg3[%swap3A_2296, %swap3A_2297, %swap3A_2298, %swap3A_2299, %swap3A_2300], %swap3A_2303 {strides = array<i32>} : memref<10x1x8x32x128xf32, #tpu.memory_space<vmem>>, vector<1x1x1x32x128xf32>,
    %swap3A_2304 = arith.constant 9 : index
    %swap3A_2305 = arith.constant 0 : index
    %swap3A_2306 = arith.constant 6 : index
    %swap3A_2307 = arith.constant 0 : index
    %swap3A_2308 = arith.constant 0 : index
    %swap3A_2309 = vector.load %arg3[%swap3A_2304, %swap3A_2305, %swap3A_2306, %swap3A_2307, %swap3A_2308] : memref<10x1x8x32x128xf32, #tpu.memory_space<vmem>>, vector<1x1x1x32x128xf32>
    %swap3A_2310 = vector.shape_cast %swap3A_2309 : vector<1x1x1x32x128xf32> to vector<32x128xf32>
    %swap3A_2311 = vector.shape_cast %div3A_2123 : vector<32x128xf32> to vector<1x1x1x32x128xf32>
    tpu.vector_store %arg3[%swap3A_2304, %swap3A_2305, %swap3A_2306, %swap3A_2307, %swap3A_2308], %swap3A_2311 {strides = array<i32>} : memref<10x1x8x32x128xf32, #tpu.memory_space<vmem>>, vector<1x1x1x32x128xf32>,
    %mul3A_2312 = arith.mulf %div3A_891, %select_n3A_725 : vector<32x128xf32>
    %mul3A_2313 = arith.mulf %div3A_892, %select_n3A_725 : vector<32x128xf32>
    %mul3A_2314 = arith.mulf %div3A_893, %select_n3A_725 : vector<32x128xf32>
    %add3A_2315 = arith.addf %select_n3A_628, %select_n3A_584 : vector<32x128xf32>
    %div3A_2316 = arith.constant 3.000000e+00 : f32
    %div3A_2317 = vector.broadcast %div3A_2316 : f32 to vector<32x128xf32>
    %div3A_2318 = arith.divf %add3A_2315, %div3A_2317 : vector<32x128xf32>
    %add3A_2319 = arith.addf %select_n3A_630, %select_n3A_586 : vector<32x128xf32>
    %div3A_2320 = arith.constant 3.000000e+00 : f32
    %div3A_2321 = vector.broadcast %div3A_2320 : f32 to vector<32x128xf32>
    %div3A_2322 = arith.divf %add3A_2319, %div3A_2321 : vector<32x128xf32>
    %add3A_2323 = arith.addf %select_n3A_632, %select_n3A_588 : vector<32x128xf32>
    %div3A_2324 = arith.constant 3.000000e+00 : f32
    %div3A_2325 = vector.broadcast %div3A_2324 : f32 to vector<32x128xf32>
    %div3A_2326 = arith.divf %add3A_2323, %div3A_2325 : vector<32x128xf32>
    %mul3A_2327 = arith.mulf %div3A_2318, %div3A_2318 : vector<32x128xf32>
    %mul3A_2328 = arith.mulf %div3A_2322, %div3A_2322 : vector<32x128xf32>
    %add3A_2329 = arith.addf %mul3A_2327, %mul3A_2328 : vector<32x128xf32>
    %mul3A_2330 = arith.mulf %div3A_2326, %div3A_2326 : vector<32x128xf32>
    %add3A_2331 = arith.addf %add3A_2329, %mul3A_2330 : vector<32x128xf32>
    %add3A_2332 = arith.constant 1.000000e-10 : f32
    %add3A_2333 = vector.broadcast %add3A_2332 : f32 to vector<32x128xf32>
    %add3A_2334 = arith.addf %add3A_2331, %add3A_2333 : vector<32x128xf32>
    %sqrt3A_2335 = math.sqrt %add3A_2334 : vector<32x128xf32>
    %max3A_2336 = arith.constant 1.000000e-10 : f32
    %max3A_2337 = vector.broadcast %max3A_2336 : f32 to vector<32x128xf32>
    %max3A_2338 = arith.maximumf %sqrt3A_2335, %max3A_2337 : vector<32x128xf32>
    %div3A_2339 = arith.divf %div3A_2326, %max3A_2338 : vector<32x128xf32>
    %jit3A_2340 = arith.constant -1.000000e+00 : f32
    %jit3A_2341 = arith.constant 1.000000e+00 : f32
    %max3A_2342 = vector.broadcast %jit3A_2340 : f32 to vector<32x128xf32>
    %max3A_2343 = arith.maximumf %max3A_2342, %div3A_2339 : vector<32x128xf32>
    %min3A_2344 = vector.broadcast %jit3A_2341 : f32 to vector<32x128xf32>
    %min3A_2345 = arith.minimumf %min3A_2344, %max3A_2343 : vector<32x128xf32>
    %sub3A_2346 = arith.constant 1.000000e+00 : f32
    %sub3A_2347 = vector.broadcast %sub3A_2346 : f32 to vector<32x128xf32>
    %sub3A_2348 = arith.subf %sub3A_2347, %min3A_2345 : vector<32x128xf32>
    %add3A_2349 = arith.constant 1.000000e+00 : f32
    %add3A_2350 = vector.broadcast %add3A_2349 : f32 to vector<32x128xf32>
    %add3A_2351 = arith.addf %add3A_2350, %min3A_2345 : vector<32x128xf32>
    %mul3A_2352 = arith.mulf %sub3A_2348, %add3A_2351 : vector<32x128xf32>
    %sqrt3A_2353 = math.sqrt %mul3A_2352 : vector<32x128xf32>
    %atan23A_2354 = math.atan2 %sqrt3A_2353, %min3A_2345 : vector<32x128xf32>
    %div3A_2355 = arith.constant 3.14159274 : f32
    %div3A_2356 = vector.broadcast %div3A_2355 : f32 to vector<32x128xf32>
    %div3A_2357 = arith.divf %atan23A_2354, %div3A_2356 : vector<32x128xf32>
    %abs3A_2358 = math.absf %div3A_2318 : vector<32x128xf32>
    %lt3A_2359 = arith.constant 1.000000e-10 : f32
    %lt3A_2360 = vector.broadcast %lt3A_2359 : f32 to vector<32x128xf32>
    %lt3A_2361 = arith.cmpf olt, %abs3A_2358, %lt3A_2360 : vector<32x128xf32>
    %convert_element_type3A_2362 = arith.extui %lt3A_2361 : vector<32x128xi1> to vector<32x128xi32>
    %convert_element_type3A_2363 = arith.sitofp %convert_element_type3A_2362 : vector<32x128xi32> to vector<32x128xf32>
    %mul3A_2364 = arith.constant 1.000000e-10 : f32
    %mul3A_2365 = vector.broadcast %mul3A_2364 : f32 to vector<32x128xf32>
    %mul3A_2366 = arith.mulf %mul3A_2365, %convert_element_type3A_2363 : vector<32x128xf32>
    %add3A_2367 = arith.addf %div3A_2318, %mul3A_2366 : vector<32x128xf32>
    %abs3A_2368 = math.absf %div3A_2322 : vector<32x128xf32>
    %lt3A_2369 = arith.constant 1.000000e-10 : f32
    %lt3A_2370 = vector.broadcast %lt3A_2369 : f32 to vector<32x128xf32>
    %lt3A_2371 = arith.cmpf olt, %abs3A_2368, %lt3A_2370 : vector<32x128xf32>
    %convert_element_type3A_2372 = arith.extui %lt3A_2371 : vector<32x128xi1> to vector<32x128xi32>
    %convert_element_type3A_2373 = arith.sitofp %convert_element_type3A_2372 : vector<32x128xi32> to vector<32x128xf32>
    %mul3A_2374 = arith.constant 1.000000e-10 : f32
    %mul3A_2375 = vector.broadcast %mul3A_2374 : f32 to vector<32x128xf32>
    %mul3A_2376 = arith.mulf %mul3A_2375, %convert_element_type3A_2373 : vector<32x128xf32>
    %add3A_2377 = arith.addf %div3A_2322, %mul3A_2376 : vector<32x128xf32>
    %atan23A_2378 = math.atan2 %add3A_2377, %add3A_2367 : vector<32x128xf32>
    %div3A_2379 = arith.constant 6.28318548 : f32
    %div3A_2380 = vector.broadcast %div3A_2379 : f32 to vector<32x128xf32>
    %div3A_2381 = arith.divf %atan23A_2378, %div3A_2380 : vector<32x128xf32>
    %add3A_2382 = arith.constant 5.000000e-01 : f32
    %add3A_2383 = vector.broadcast %add3A_2382 : f32 to vector<32x128xf32>
    %add3A_2384 = arith.addf %div3A_2381, %add3A_2383 : vector<32x128xf32>
    %mul3A_2385 = arith.mulf %mul3A_2312, %mul3A_2312 : vector<32x128xf32>
    %mul3A_2386 = arith.mulf %mul3A_2313, %mul3A_2313 : vector<32x128xf32>
    %add3A_2387 = arith.addf %mul3A_2385, %mul3A_2386 : vector<32x128xf32>
    %mul3A_2388 = arith.mulf %mul3A_2314, %mul3A_2314 : vector<32x128xf32>
    %add3A_2389 = arith.addf %add3A_2387, %mul3A_2388 : vector<32x128xf32>
    %sqrt3A_2390 = math.sqrt %add3A_2389 : vector<32x128xf32>
    %max3A_2391 = arith.constant 9.99999997E-7 : f32
    %max3A_2392 = vector.broadcast %max3A_2391 : f32 to vector<32x128xf32>
    %max3A_2393 = arith.maximumf %sqrt3A_2390, %max3A_2392 : vector<32x128xf32>
    %lt3A_2394 = arith.constant 9.99999997E-7 : f32
    %lt3A_2395 = vector.broadcast %lt3A_2394 : f32 to vector<32x128xf32>
    %lt3A_2396 = arith.cmpf olt, %sqrt3A_2390, %lt3A_2395 : vector<32x128xf32>
    %div3A_2397 = arith.divf %mul3A_2312, %max3A_2393 : vector<32x128xf32>
    %jit3A_2398 = arith.constant 1.000000e+00 : f32
    %broadcast_in_dim3A_2399 = vector.broadcast %jit3A_2398 : f32 to vector<32x128xf32>
    %select_n3A_2400 = arith.select %lt3A_2396, %broadcast_in_dim3A_2399, %div3A_2397 : vector<32x128xi1>, vector<32x128xf32>
    %div3A_2401 = arith.divf %mul3A_2313, %max3A_2393 : vector<32x128xf32>
    %jit3A_2402 = arith.constant 0.000000e+00 : f32
    %broadcast_in_dim3A_2403 = vector.broadcast %jit3A_2402 : f32 to vector<32x128xf32>
    %select_n3A_2404 = arith.select %lt3A_2396, %broadcast_in_dim3A_2403, %div3A_2401 : vector<32x128xi1>, vector<32x128xf32>
    %div3A_2405 = arith.divf %mul3A_2314, %max3A_2393 : vector<32x128xf32>
    %jit3A_2406 = arith.constant 0.000000e+00 : f32
    %broadcast_in_dim3A_2407 = vector.broadcast %jit3A_2406 : f32 to vector<32x128xf32>
    %select_n3A_2408 = arith.select %lt3A_2396, %broadcast_in_dim3A_2407, %div3A_2405 : vector<32x128xi1>, vector<32x128xf32>
    %jit3A_2409 = arith.constant -1.000000e+06 : f32
    %jit3A_2410 = arith.constant 1.000000e+06 : f32
    %max3A_2411 = vector.broadcast %jit3A_2409 : f32 to vector<32x128xf32>
    %max3A_2412 = arith.maximumf %max3A_2411, %div3A_2318 : vector<32x128xf32>
    %min3A_2413 = vector.broadcast %jit3A_2410 : f32 to vector<32x128xf32>
    %min3A_2414 = arith.minimumf %min3A_2413, %max3A_2412 : vector<32x128xf32>
    %jit3A_2415 = arith.constant -1.000000e+06 : f32
    %jit3A_2416 = arith.constant 1.000000e+06 : f32
    %max3A_2417 = vector.broadcast %jit3A_2415 : f32 to vector<32x128xf32>
    %max3A_2418 = arith.maximumf %max3A_2417, %div3A_2322 : vector<32x128xf32>
    %min3A_2419 = vector.broadcast %jit3A_2416 : f32 to vector<32x128xf32>
    %min3A_2420 = arith.minimumf %min3A_2419, %max3A_2418 : vector<32x128xf32>
    %jit3A_2421 = arith.constant -1.000000e+06 : f32
    %jit3A_2422 = arith.constant 1.000000e+06 : f32
    %max3A_2423 = vector.broadcast %jit3A_2421 : f32 to vector<32x128xf32>
    %max3A_2424 = arith.maximumf %max3A_2423, %div3A_2326 : vector<32x128xf32>
    %min3A_2425 = vector.broadcast %jit3A_2422 : f32 to vector<32x128xf32>
    %min3A_2426 = arith.minimumf %min3A_2425, %max3A_2424 : vector<32x128xf32>
    %mul3A_2427 = arith.mulf %select_n3A_2400, %min3A_2414 : vector<32x128xf32>
    %mul3A_2428 = arith.mulf %select_n3A_2404, %min3A_2420 : vector<32x128xf32>
    %add3A_2429 = arith.addf %mul3A_2427, %mul3A_2428 : vector<32x128xf32>
    %mul3A_2430 = arith.mulf %select_n3A_2408, %min3A_2426 : vector<32x128xf32>
    %add3A_2431 = arith.addf %add3A_2429, %mul3A_2430 : vector<32x128xf32>
    %div3A_2432 = arith.constant 1.73205185 : f32
    %div3A_2433 = vector.broadcast %div3A_2432 : f32 to vector<32x128xf32>
    %div3A_2434 = arith.divf %add3A_2431, %div3A_2433 : vector<32x128xf32>
    %swap3A_2435 = arith.constant 0 : index
    %swap3A_2436 = arith.constant 0 : index
    %swap3A_2437 = arith.constant 7 : index
    %swap3A_2438 = arith.constant 0 : index
    %swap3A_2439 = arith.constant 0 : index
    %swap3A_2440 = vector.load %arg3[%swap3A_2435, %swap3A_2436, %swap3A_2437, %swap3A_2438, %swap3A_2439] : memref<10x1x8x32x128xf32, #tpu.memory_space<vmem>>, vector<1x1x1x32x128xf32>
    %swap3A_2441 = vector.shape_cast %swap3A_2440 : vector<1x1x1x32x128xf32> to vector<32x128xf32>
    %swap3A_2442 = vector.shape_cast %sqrt3A_2335 : vector<32x128xf32> to vector<1x1x1x32x128xf32>
    tpu.vector_store %arg3[%swap3A_2435, %swap3A_2436, %swap3A_2437, %swap3A_2438, %swap3A_2439], %swap3A_2442 {strides = array<i32>} : memref<10x1x8x32x128xf32, #tpu.memory_space<vmem>>, vector<1x1x1x32x128xf32>,
    %swap3A_2443 = arith.constant 1 : index
    %swap3A_2444 = arith.constant 0 : index
    %swap3A_2445 = arith.constant 7 : index
    %swap3A_2446 = arith.constant 0 : index
    %swap3A_2447 = arith.constant 0 : index
    %swap3A_2448 = vector.load %arg3[%swap3A_2443, %swap3A_2444, %swap3A_2445, %swap3A_2446, %swap3A_2447] : memref<10x1x8x32x128xf32, #tpu.memory_space<vmem>>, vector<1x1x1x32x128xf32>
    %swap3A_2449 = vector.shape_cast %swap3A_2448 : vector<1x1x1x32x128xf32> to vector<32x128xf32>
    %swap3A_2450 = vector.shape_cast %div3A_2357 : vector<32x128xf32> to vector<1x1x1x32x128xf32>
    tpu.vector_store %arg3[%swap3A_2443, %swap3A_2444, %swap3A_2445, %swap3A_2446, %swap3A_2447], %swap3A_2450 {strides = array<i32>} : memref<10x1x8x32x128xf32, #tpu.memory_space<vmem>>, vector<1x1x1x32x128xf32>,
    %swap3A_2451 = arith.constant 2 : index
    %swap3A_2452 = arith.constant 0 : index
    %swap3A_2453 = arith.constant 7 : index
    %swap3A_2454 = arith.constant 0 : index
    %swap3A_2455 = arith.constant 0 : index
    %swap3A_2456 = vector.load %arg3[%swap3A_2451, %swap3A_2452, %swap3A_2453, %swap3A_2454, %swap3A_2455] : memref<10x1x8x32x128xf32, #tpu.memory_space<vmem>>, vector<1x1x1x32x128xf32>
    %swap3A_2457 = vector.shape_cast %swap3A_2456 : vector<1x1x1x32x128xf32> to vector<32x128xf32>
    %swap3A_2458 = vector.shape_cast %add3A_2384 : vector<32x128xf32> to vector<1x1x1x32x128xf32>
    tpu.vector_store %arg3[%swap3A_2451, %swap3A_2452, %swap3A_2453, %swap3A_2454, %swap3A_2455], %swap3A_2458 {strides = array<i32>} : memref<10x1x8x32x128xf32, #tpu.memory_space<vmem>>, vector<1x1x1x32x128xf32>,
    %swap3A_2459 = arith.constant 3 : index
    %swap3A_2460 = arith.constant 0 : index
    %swap3A_2461 = arith.constant 7 : index
    %swap3A_2462 = arith.constant 0 : index
    %swap3A_2463 = arith.constant 0 : index
    %swap3A_2464 = vector.load %arg3[%swap3A_2459, %swap3A_2460, %swap3A_2461, %swap3A_2462, %swap3A_2463] : memref<10x1x8x32x128xf32, #tpu.memory_space<vmem>>, vector<1x1x1x32x128xf32>
    %swap3A_2465 = vector.shape_cast %swap3A_2464 : vector<1x1x1x32x128xf32> to vector<32x128xf32>
    %swap3A_2466 = vector.shape_cast %mul3A_2312 : vector<32x128xf32> to vector<1x1x1x32x128xf32>
    tpu.vector_store %arg3[%swap3A_2459, %swap3A_2460, %swap3A_2461, %swap3A_2462, %swap3A_2463], %swap3A_2466 {strides = array<i32>} : memref<10x1x8x32x128xf32, #tpu.memory_space<vmem>>, vector<1x1x1x32x128xf32>,
    %swap3A_2467 = arith.constant 4 : index
    %swap3A_2468 = arith.constant 0 : index
    %swap3A_2469 = arith.constant 7 : index
    %swap3A_2470 = arith.constant 0 : index
    %swap3A_2471 = arith.constant 0 : index
    %swap3A_2472 = vector.load %arg3[%swap3A_2467, %swap3A_2468, %swap3A_2469, %swap3A_2470, %swap3A_2471] : memref<10x1x8x32x128xf32, #tpu.memory_space<vmem>>, vector<1x1x1x32x128xf32>
    %swap3A_2473 = vector.shape_cast %swap3A_2472 : vector<1x1x1x32x128xf32> to vector<32x128xf32>
    %swap3A_2474 = vector.shape_cast %mul3A_2313 : vector<32x128xf32> to vector<1x1x1x32x128xf32>
    tpu.vector_store %arg3[%swap3A_2467, %swap3A_2468, %swap3A_2469, %swap3A_2470, %swap3A_2471], %swap3A_2474 {strides = array<i32>} : memref<10x1x8x32x128xf32, #tpu.memory_space<vmem>>, vector<1x1x1x32x128xf32>,
    %swap3A_2475 = arith.constant 5 : index
    %swap3A_2476 = arith.constant 0 : index
    %swap3A_2477 = arith.constant 7 : index
    %swap3A_2478 = arith.constant 0 : index
    %swap3A_2479 = arith.constant 0 : index
    %swap3A_2480 = vector.load %arg3[%swap3A_2475, %swap3A_2476, %swap3A_2477, %swap3A_2478, %swap3A_2479] : memref<10x1x8x32x128xf32, #tpu.memory_space<vmem>>, vector<1x1x1x32x128xf32>
    %swap3A_2481 = vector.shape_cast %swap3A_2480 : vector<1x1x1x32x128xf32> to vector<32x128xf32>
    %swap3A_2482 = vector.shape_cast %mul3A_2314 : vector<32x128xf32> to vector<1x1x1x32x128xf32>
    tpu.vector_store %arg3[%swap3A_2475, %swap3A_2476, %swap3A_2477, %swap3A_2478, %swap3A_2479], %swap3A_2482 {strides = array<i32>} : memref<10x1x8x32x128xf32, #tpu.memory_space<vmem>>, vector<1x1x1x32x128xf32>,
    %swap3A_2483 = arith.constant 6 : index
    %swap3A_2484 = arith.constant 0 : index
    %swap3A_2485 = arith.constant 7 : index
    %swap3A_2486 = arith.constant 0 : index
    %swap3A_2487 = arith.constant 0 : index
    %swap3A_2488 = vector.load %arg3[%swap3A_2483, %swap3A_2484, %swap3A_2485, %swap3A_2486, %swap3A_2487] : memref<10x1x8x32x128xf32, #tpu.memory_space<vmem>>, vector<1x1x1x32x128xf32>
    %swap3A_2489 = vector.shape_cast %swap3A_2488 : vector<1x1x1x32x128xf32> to vector<32x128xf32>
    %swap3A_2490 = vector.shape_cast %div3A_2434 : vector<32x128xf32> to vector<1x1x1x32x128xf32>
    tpu.vector_store %arg3[%swap3A_2483, %swap3A_2484, %swap3A_2485, %swap3A_2486, %swap3A_2487], %swap3A_2490 {strides = array<i32>} : memref<10x1x8x32x128xf32, #tpu.memory_space<vmem>>, vector<1x1x1x32x128xf32>,
    %swap3A_2491 = arith.constant 7 : index
    %swap3A_2492 = arith.constant 0 : index
    %swap3A_2493 = arith.constant 7 : index
    %swap3A_2494 = arith.constant 0 : index
    %swap3A_2495 = arith.constant 0 : index
    %swap3A_2496 = vector.load %arg3[%swap3A_2491, %swap3A_2492, %swap3A_2493, %swap3A_2494, %swap3A_2495] : memref<10x1x8x32x128xf32, #tpu.memory_space<vmem>>, vector<1x1x1x32x128xf32>
    %swap3A_2497 = vector.shape_cast %swap3A_2496 : vector<1x1x1x32x128xf32> to vector<32x128xf32>
    %swap3A_2498 = vector.shape_cast %div3A_2318 : vector<32x128xf32> to vector<1x1x1x32x128xf32>
    tpu.vector_store %arg3[%swap3A_2491, %swap3A_2492, %swap3A_2493, %swap3A_2494, %swap3A_2495], %swap3A_2498 {strides = array<i32>} : memref<10x1x8x32x128xf32, #tpu.memory_space<vmem>>, vector<1x1x1x32x128xf32>,
    %swap3A_2499 = arith.constant 8 : index
    %swap3A_2500 = arith.constant 0 : index
    %swap3A_2501 = arith.constant 7 : index
    %swap3A_2502 = arith.constant 0 : index
    %swap3A_2503 = arith.constant 0 : index
    %swap3A_2504 = vector.load %arg3[%swap3A_2499, %swap3A_2500, %swap3A_2501, %swap3A_2502, %swap3A_2503] : memref<10x1x8x32x128xf32, #tpu.memory_space<vmem>>, vector<1x1x1x32x128xf32>
    %swap3A_2505 = vector.shape_cast %swap3A_2504 : vector<1x1x1x32x128xf32> to vector<32x128xf32>
    %swap3A_2506 = vector.shape_cast %div3A_2322 : vector<32x128xf32> to vector<1x1x1x32x128xf32>
    tpu.vector_store %arg3[%swap3A_2499, %swap3A_2500, %swap3A_2501, %swap3A_2502, %swap3A_2503], %swap3A_2506 {strides = array<i32>} : memref<10x1x8x32x128xf32, #tpu.memory_space<vmem>>, vector<1x1x1x32x128xf32>,
    %swap3A_2507 = arith.constant 9 : index
    %swap3A_2508 = arith.constant 0 : index
    %swap3A_2509 = arith.constant 7 : index
    %swap3A_2510 = arith.constant 0 : index
    %swap3A_2511 = arith.constant 0 : index
    %swap3A_2512 = vector.load %arg3[%swap3A_2507, %swap3A_2508, %swap3A_2509, %swap3A_2510, %swap3A_2511] : memref<10x1x8x32x128xf32, #tpu.memory_space<vmem>>, vector<1x1x1x32x128xf32>
    %swap3A_2513 = vector.shape_cast %swap3A_2512 : vector<1x1x1x32x128xf32> to vector<32x128xf32>
    %swap3A_2514 = vector.shape_cast %div3A_2326 : vector<32x128xf32> to vector<1x1x1x32x128xf32>
    tpu.vector_store %arg3[%swap3A_2507, %swap3A_2508, %swap3A_2509, %swap3A_2510, %swap3A_2511], %swap3A_2514 {strides = array<i32>} : memref<10x1x8x32x128xf32, #tpu.memory_space<vmem>>, vector<1x1x1x32x128xf32>,
    return
  }
  func.func @transform_0(%arg0: i32) -> (i32, i32, i32, i32, i32) {
    %c0_i32 = arith.constant 0 : i32
    %c0_i32_0 = arith.constant 0 : i32
    %c0_i32_1 = arith.constant 0 : i32
    %c0_i32_2 = arith.constant 0 : i32
    %c0_i32_3 = arith.constant 0 : i32
    return %c0_i32, %c0_i32_0, %arg0, %c0_i32_1, %c0_i32_2 : i32, i32, i32, i32, i32
  }
  func.func @transform_1(%arg0: i32) -> (i32, i32, i32, i32) {
    %c0_i32 = arith.constant 0 : i32
    %c0_i32_0 = arith.constant 0 : i32
    %c0_i32_1 = arith.constant 0 : i32
    %c0_i32_2 = arith.constant 0 : i32
    return %arg0, %c0_i32, %c0_i32_0, %c0_i32_1 : i32, i32, i32, i32
  }
  func.func @transform_2(%arg0: i32) -> (i32, i32, i32, i32, i32) {
    %c0_i32 = arith.constant 0 : i32
    %c0_i32_0 = arith.constant 0 : i32
    %c0_i32_1 = arith.constant 0 : i32
    %c0_i32_2 = arith.constant 0 : i32
    %c0_i32_3 = arith.constant 0 : i32
    return %c0_i32, %arg0, %c0_i32_0, %c0_i32_1, %c0_i32_2 : i32, i32, i32, i32, i32
  }
}

module attributes {stable_mosaic.version = 14 : i64} {
  func.func @_mlp_body(%arg0: memref<10x1024x128xf32, #tpu.memory_space<vmem>>, %arg1: memref<10x10xf32, #tpu.memory_space<smem>>, %arg2: memref<10xf32, #tpu.memory_space<smem>>, %arg3: memref<10xf32, #tpu.memory_space<smem>>, %arg4: memref<10x10xf32, #tpu.memory_space<smem>>, %arg5: memref<10xf32, #tpu.memory_space<smem>>, %arg6: memref<10xf32, #tpu.memory_space<smem>>, %arg7: memref<10xf32, #tpu.memory_space<smem>>, %arg8: memref<10x10xf32, #tpu.memory_space<smem>>, %arg9: memref<10xf32, #tpu.memory_space<smem>>, %arg10: memref<10x4x32x128xf32, #tpu.memory_space<vmem>>) attributes {dimension_semantics = [], scalar_prefetch = 0 : i64, scratch_operands = 0 : i64, tpu.core_type = #tpu.core_type<tc>} {
    %get3A = arith.constant 0 : index
    %get3A_0 = arith.constant 0 : index
    %get3A_1 = arith.constant 0 : index
    %get3A_2 = vector.load %arg0[%get3A, %get3A_0, %get3A_1] : memref<10x1024x128xf32, #tpu.memory_space<vmem>>, vector<1x1024x128xf32>
    %get3A_3 = vector.shape_cast %get3A_2 : vector<1x1024x128xf32> to vector<1024x128xf32>
    %get3A_4 = arith.constant 1 : index
    %get3A_5 = arith.constant 0 : index
    %get3A_6 = arith.constant 0 : index
    %get3A_7 = vector.load %arg0[%get3A_4, %get3A_5, %get3A_6] : memref<10x1024x128xf32, #tpu.memory_space<vmem>>, vector<1x1024x128xf32>
    %get3A_8 = vector.shape_cast %get3A_7 : vector<1x1024x128xf32> to vector<1024x128xf32>
    %get3A_9 = arith.constant 2 : index
    %get3A_10 = arith.constant 0 : index
    %get3A_11 = arith.constant 0 : index
    %get3A_12 = vector.load %arg0[%get3A_9, %get3A_10, %get3A_11] : memref<10x1024x128xf32, #tpu.memory_space<vmem>>, vector<1x1024x128xf32>
    %get3A_13 = vector.shape_cast %get3A_12 : vector<1x1024x128xf32> to vector<1024x128xf32>
    %get3A_14 = arith.constant 3 : index
    %get3A_15 = arith.constant 0 : index
    %get3A_16 = arith.constant 0 : index
    %get3A_17 = vector.load %arg0[%get3A_14, %get3A_15, %get3A_16] : memref<10x1024x128xf32, #tpu.memory_space<vmem>>, vector<1x1024x128xf32>
    %get3A_18 = vector.shape_cast %get3A_17 : vector<1x1024x128xf32> to vector<1024x128xf32>
    %get3A_19 = arith.constant 4 : index
    %get3A_20 = arith.constant 0 : index
    %get3A_21 = arith.constant 0 : index
    %get3A_22 = vector.load %arg0[%get3A_19, %get3A_20, %get3A_21] : memref<10x1024x128xf32, #tpu.memory_space<vmem>>, vector<1x1024x128xf32>
    %get3A_23 = vector.shape_cast %get3A_22 : vector<1x1024x128xf32> to vector<1024x128xf32>
    %get3A_24 = arith.constant 5 : index
    %get3A_25 = arith.constant 0 : index
    %get3A_26 = arith.constant 0 : index
    %get3A_27 = vector.load %arg0[%get3A_24, %get3A_25, %get3A_26] : memref<10x1024x128xf32, #tpu.memory_space<vmem>>, vector<1x1024x128xf32>
    %get3A_28 = vector.shape_cast %get3A_27 : vector<1x1024x128xf32> to vector<1024x128xf32>
    %get3A_29 = arith.constant 6 : index
    %get3A_30 = arith.constant 0 : index
    %get3A_31 = arith.constant 0 : index
    %get3A_32 = vector.load %arg0[%get3A_29, %get3A_30, %get3A_31] : memref<10x1024x128xf32, #tpu.memory_space<vmem>>, vector<1x1024x128xf32>
    %get3A_33 = vector.shape_cast %get3A_32 : vector<1x1024x128xf32> to vector<1024x128xf32>
    %get3A_34 = arith.constant 7 : index
    %get3A_35 = arith.constant 0 : index
    %get3A_36 = arith.constant 0 : index
    %get3A_37 = vector.load %arg0[%get3A_34, %get3A_35, %get3A_36] : memref<10x1024x128xf32, #tpu.memory_space<vmem>>, vector<1x1024x128xf32>
    %get3A_38 = vector.shape_cast %get3A_37 : vector<1x1024x128xf32> to vector<1024x128xf32>
    %get3A_39 = arith.constant 8 : index
    %get3A_40 = arith.constant 0 : index
    %get3A_41 = arith.constant 0 : index
    %get3A_42 = vector.load %arg0[%get3A_39, %get3A_40, %get3A_41] : memref<10x1024x128xf32, #tpu.memory_space<vmem>>, vector<1x1024x128xf32>
    %get3A_43 = vector.shape_cast %get3A_42 : vector<1x1024x128xf32> to vector<1024x128xf32>
    %get3A_44 = arith.constant 9 : index
    %get3A_45 = arith.constant 0 : index
    %get3A_46 = arith.constant 0 : index
    %get3A_47 = vector.load %arg0[%get3A_44, %get3A_45, %get3A_46] : memref<10x1024x128xf32, #tpu.memory_space<vmem>>, vector<1x1024x128xf32>
    %get3A_48 = vector.shape_cast %get3A_47 : vector<1x1024x128xf32> to vector<1024x128xf32>
    %get3A_49 = arith.constant 0 : index
    %get3A_50 = arith.constant 0 : index
    %get3A_51 = memref.load %arg1[%get3A_49, %get3A_50] : memref<10x10xf32, #tpu.memory_space<smem>>
    %mul3A = vector.broadcast %get3A_51 : f32 to vector<1024x128xf32>
    %mul3A_52 = arith.mulf %mul3A, %get3A_3 : vector<1024x128xf32>
    %get3A_53 = arith.constant 0 : index
    %get3A_54 = arith.constant 1 : index
    %get3A_55 = memref.load %arg1[%get3A_53, %get3A_54] : memref<10x10xf32, #tpu.memory_space<smem>>
    %mul3A_56 = vector.broadcast %get3A_55 : f32 to vector<1024x128xf32>
    %mul3A_57 = arith.mulf %mul3A_56, %get3A_8 : vector<1024x128xf32>
    %add3A = arith.addf %mul3A_52, %mul3A_57 : vector<1024x128xf32>
    %get3A_58 = arith.constant 0 : index
    %get3A_59 = arith.constant 2 : index
    %get3A_60 = memref.load %arg1[%get3A_58, %get3A_59] : memref<10x10xf32, #tpu.memory_space<smem>>
    %mul3A_61 = vector.broadcast %get3A_60 : f32 to vector<1024x128xf32>
    %mul3A_62 = arith.mulf %mul3A_61, %get3A_13 : vector<1024x128xf32>
    %add3A_63 = arith.addf %add3A, %mul3A_62 : vector<1024x128xf32>
    %get3A_64 = arith.constant 0 : index
    %get3A_65 = arith.constant 3 : index
    %get3A_66 = memref.load %arg1[%get3A_64, %get3A_65] : memref<10x10xf32, #tpu.memory_space<smem>>
    %mul3A_67 = vector.broadcast %get3A_66 : f32 to vector<1024x128xf32>
    %mul3A_68 = arith.mulf %mul3A_67, %get3A_18 : vector<1024x128xf32>
    %add3A_69 = arith.addf %add3A_63, %mul3A_68 : vector<1024x128xf32>
    %get3A_70 = arith.constant 0 : index
    %get3A_71 = arith.constant 4 : index
    %get3A_72 = memref.load %arg1[%get3A_70, %get3A_71] : memref<10x10xf32, #tpu.memory_space<smem>>
    %mul3A_73 = vector.broadcast %get3A_72 : f32 to vector<1024x128xf32>
    %mul3A_74 = arith.mulf %mul3A_73, %get3A_23 : vector<1024x128xf32>
    %add3A_75 = arith.addf %add3A_69, %mul3A_74 : vector<1024x128xf32>
    %get3A_76 = arith.constant 0 : index
    %get3A_77 = arith.constant 5 : index
    %get3A_78 = memref.load %arg1[%get3A_76, %get3A_77] : memref<10x10xf32, #tpu.memory_space<smem>>
    %mul3A_79 = vector.broadcast %get3A_78 : f32 to vector<1024x128xf32>
    %mul3A_80 = arith.mulf %mul3A_79, %get3A_28 : vector<1024x128xf32>
    %add3A_81 = arith.addf %add3A_75, %mul3A_80 : vector<1024x128xf32>
    %get3A_82 = arith.constant 0 : index
    %get3A_83 = arith.constant 6 : index
    %get3A_84 = memref.load %arg1[%get3A_82, %get3A_83] : memref<10x10xf32, #tpu.memory_space<smem>>
    %mul3A_85 = vector.broadcast %get3A_84 : f32 to vector<1024x128xf32>
    %mul3A_86 = arith.mulf %mul3A_85, %get3A_33 : vector<1024x128xf32>
    %add3A_87 = arith.addf %add3A_81, %mul3A_86 : vector<1024x128xf32>
    %get3A_88 = arith.constant 0 : index
    %get3A_89 = arith.constant 7 : index
    %get3A_90 = memref.load %arg1[%get3A_88, %get3A_89] : memref<10x10xf32, #tpu.memory_space<smem>>
    %mul3A_91 = vector.broadcast %get3A_90 : f32 to vector<1024x128xf32>
    %mul3A_92 = arith.mulf %mul3A_91, %get3A_38 : vector<1024x128xf32>
    %add3A_93 = arith.addf %add3A_87, %mul3A_92 : vector<1024x128xf32>
    %get3A_94 = arith.constant 0 : index
    %get3A_95 = arith.constant 8 : index
    %get3A_96 = memref.load %arg1[%get3A_94, %get3A_95] : memref<10x10xf32, #tpu.memory_space<smem>>
    %mul3A_97 = vector.broadcast %get3A_96 : f32 to vector<1024x128xf32>
    %mul3A_98 = arith.mulf %mul3A_97, %get3A_43 : vector<1024x128xf32>
    %add3A_99 = arith.addf %add3A_93, %mul3A_98 : vector<1024x128xf32>
    %get3A_100 = arith.constant 0 : index
    %get3A_101 = arith.constant 9 : index
    %get3A_102 = memref.load %arg1[%get3A_100, %get3A_101] : memref<10x10xf32, #tpu.memory_space<smem>>
    %mul3A_103 = vector.broadcast %get3A_102 : f32 to vector<1024x128xf32>
    %mul3A_104 = arith.mulf %mul3A_103, %get3A_48 : vector<1024x128xf32>
    %add3A_105 = arith.addf %add3A_99, %mul3A_104 : vector<1024x128xf32>
    %get3A_106 = arith.constant 1 : index
    %get3A_107 = arith.constant 0 : index
    %get3A_108 = memref.load %arg1[%get3A_106, %get3A_107] : memref<10x10xf32, #tpu.memory_space<smem>>
    %mul3A_109 = vector.broadcast %get3A_108 : f32 to vector<1024x128xf32>
    %mul3A_110 = arith.mulf %mul3A_109, %get3A_3 : vector<1024x128xf32>
    %get3A_111 = arith.constant 1 : index
    %get3A_112 = arith.constant 1 : index
    %get3A_113 = memref.load %arg1[%get3A_111, %get3A_112] : memref<10x10xf32, #tpu.memory_space<smem>>
    %mul3A_114 = vector.broadcast %get3A_113 : f32 to vector<1024x128xf32>
    %mul3A_115 = arith.mulf %mul3A_114, %get3A_8 : vector<1024x128xf32>
    %add3A_116 = arith.addf %mul3A_110, %mul3A_115 : vector<1024x128xf32>
    %get3A_117 = arith.constant 1 : index
    %get3A_118 = arith.constant 2 : index
    %get3A_119 = memref.load %arg1[%get3A_117, %get3A_118] : memref<10x10xf32, #tpu.memory_space<smem>>
    %mul3A_120 = vector.broadcast %get3A_119 : f32 to vector<1024x128xf32>
    %mul3A_121 = arith.mulf %mul3A_120, %get3A_13 : vector<1024x128xf32>
    %add3A_122 = arith.addf %add3A_116, %mul3A_121 : vector<1024x128xf32>
    %get3A_123 = arith.constant 1 : index
    %get3A_124 = arith.constant 3 : index
    %get3A_125 = memref.load %arg1[%get3A_123, %get3A_124] : memref<10x10xf32, #tpu.memory_space<smem>>
    %mul3A_126 = vector.broadcast %get3A_125 : f32 to vector<1024x128xf32>
    %mul3A_127 = arith.mulf %mul3A_126, %get3A_18 : vector<1024x128xf32>
    %add3A_128 = arith.addf %add3A_122, %mul3A_127 : vector<1024x128xf32>
    %get3A_129 = arith.constant 1 : index
    %get3A_130 = arith.constant 4 : index
    %get3A_131 = memref.load %arg1[%get3A_129, %get3A_130] : memref<10x10xf32, #tpu.memory_space<smem>>
    %mul3A_132 = vector.broadcast %get3A_131 : f32 to vector<1024x128xf32>
    %mul3A_133 = arith.mulf %mul3A_132, %get3A_23 : vector<1024x128xf32>
    %add3A_134 = arith.addf %add3A_128, %mul3A_133 : vector<1024x128xf32>
    %get3A_135 = arith.constant 1 : index
    %get3A_136 = arith.constant 5 : index
    %get3A_137 = memref.load %arg1[%get3A_135, %get3A_136] : memref<10x10xf32, #tpu.memory_space<smem>>
    %mul3A_138 = vector.broadcast %get3A_137 : f32 to vector<1024x128xf32>
    %mul3A_139 = arith.mulf %mul3A_138, %get3A_28 : vector<1024x128xf32>
    %add3A_140 = arith.addf %add3A_134, %mul3A_139 : vector<1024x128xf32>
    %get3A_141 = arith.constant 1 : index
    %get3A_142 = arith.constant 6 : index
    %get3A_143 = memref.load %arg1[%get3A_141, %get3A_142] : memref<10x10xf32, #tpu.memory_space<smem>>
    %mul3A_144 = vector.broadcast %get3A_143 : f32 to vector<1024x128xf32>
    %mul3A_145 = arith.mulf %mul3A_144, %get3A_33 : vector<1024x128xf32>
    %add3A_146 = arith.addf %add3A_140, %mul3A_145 : vector<1024x128xf32>
    %get3A_147 = arith.constant 1 : index
    %get3A_148 = arith.constant 7 : index
    %get3A_149 = memref.load %arg1[%get3A_147, %get3A_148] : memref<10x10xf32, #tpu.memory_space<smem>>
    %mul3A_150 = vector.broadcast %get3A_149 : f32 to vector<1024x128xf32>
    %mul3A_151 = arith.mulf %mul3A_150, %get3A_38 : vector<1024x128xf32>
    %add3A_152 = arith.addf %add3A_146, %mul3A_151 : vector<1024x128xf32>
    %get3A_153 = arith.constant 1 : index
    %get3A_154 = arith.constant 8 : index
    %get3A_155 = memref.load %arg1[%get3A_153, %get3A_154] : memref<10x10xf32, #tpu.memory_space<smem>>
    %mul3A_156 = vector.broadcast %get3A_155 : f32 to vector<1024x128xf32>
    %mul3A_157 = arith.mulf %mul3A_156, %get3A_43 : vector<1024x128xf32>
    %add3A_158 = arith.addf %add3A_152, %mul3A_157 : vector<1024x128xf32>
    %get3A_159 = arith.constant 1 : index
    %get3A_160 = arith.constant 9 : index
    %get3A_161 = memref.load %arg1[%get3A_159, %get3A_160] : memref<10x10xf32, #tpu.memory_space<smem>>
    %mul3A_162 = vector.broadcast %get3A_161 : f32 to vector<1024x128xf32>
    %mul3A_163 = arith.mulf %mul3A_162, %get3A_48 : vector<1024x128xf32>
    %add3A_164 = arith.addf %add3A_158, %mul3A_163 : vector<1024x128xf32>
    %get3A_165 = arith.constant 2 : index
    %get3A_166 = arith.constant 0 : index
    %get3A_167 = memref.load %arg1[%get3A_165, %get3A_166] : memref<10x10xf32, #tpu.memory_space<smem>>
    %mul3A_168 = vector.broadcast %get3A_167 : f32 to vector<1024x128xf32>
    %mul3A_169 = arith.mulf %mul3A_168, %get3A_3 : vector<1024x128xf32>
    %get3A_170 = arith.constant 2 : index
    %get3A_171 = arith.constant 1 : index
    %get3A_172 = memref.load %arg1[%get3A_170, %get3A_171] : memref<10x10xf32, #tpu.memory_space<smem>>
    %mul3A_173 = vector.broadcast %get3A_172 : f32 to vector<1024x128xf32>
    %mul3A_174 = arith.mulf %mul3A_173, %get3A_8 : vector<1024x128xf32>
    %add3A_175 = arith.addf %mul3A_169, %mul3A_174 : vector<1024x128xf32>
    %get3A_176 = arith.constant 2 : index
    %get3A_177 = arith.constant 2 : index
    %get3A_178 = memref.load %arg1[%get3A_176, %get3A_177] : memref<10x10xf32, #tpu.memory_space<smem>>
    %mul3A_179 = vector.broadcast %get3A_178 : f32 to vector<1024x128xf32>
    %mul3A_180 = arith.mulf %mul3A_179, %get3A_13 : vector<1024x128xf32>
    %add3A_181 = arith.addf %add3A_175, %mul3A_180 : vector<1024x128xf32>
    %get3A_182 = arith.constant 2 : index
    %get3A_183 = arith.constant 3 : index
    %get3A_184 = memref.load %arg1[%get3A_182, %get3A_183] : memref<10x10xf32, #tpu.memory_space<smem>>
    %mul3A_185 = vector.broadcast %get3A_184 : f32 to vector<1024x128xf32>
    %mul3A_186 = arith.mulf %mul3A_185, %get3A_18 : vector<1024x128xf32>
    %add3A_187 = arith.addf %add3A_181, %mul3A_186 : vector<1024x128xf32>
    %get3A_188 = arith.constant 2 : index
    %get3A_189 = arith.constant 4 : index
    %get3A_190 = memref.load %arg1[%get3A_188, %get3A_189] : memref<10x10xf32, #tpu.memory_space<smem>>
    %mul3A_191 = vector.broadcast %get3A_190 : f32 to vector<1024x128xf32>
    %mul3A_192 = arith.mulf %mul3A_191, %get3A_23 : vector<1024x128xf32>
    %add3A_193 = arith.addf %add3A_187, %mul3A_192 : vector<1024x128xf32>
    %get3A_194 = arith.constant 2 : index
    %get3A_195 = arith.constant 5 : index
    %get3A_196 = memref.load %arg1[%get3A_194, %get3A_195] : memref<10x10xf32, #tpu.memory_space<smem>>
    %mul3A_197 = vector.broadcast %get3A_196 : f32 to vector<1024x128xf32>
    %mul3A_198 = arith.mulf %mul3A_197, %get3A_28 : vector<1024x128xf32>
    %add3A_199 = arith.addf %add3A_193, %mul3A_198 : vector<1024x128xf32>
    %get3A_200 = arith.constant 2 : index
    %get3A_201 = arith.constant 6 : index
    %get3A_202 = memref.load %arg1[%get3A_200, %get3A_201] : memref<10x10xf32, #tpu.memory_space<smem>>
    %mul3A_203 = vector.broadcast %get3A_202 : f32 to vector<1024x128xf32>
    %mul3A_204 = arith.mulf %mul3A_203, %get3A_33 : vector<1024x128xf32>
    %add3A_205 = arith.addf %add3A_199, %mul3A_204 : vector<1024x128xf32>
    %get3A_206 = arith.constant 2 : index
    %get3A_207 = arith.constant 7 : index
    %get3A_208 = memref.load %arg1[%get3A_206, %get3A_207] : memref<10x10xf32, #tpu.memory_space<smem>>
    %mul3A_209 = vector.broadcast %get3A_208 : f32 to vector<1024x128xf32>
    %mul3A_210 = arith.mulf %mul3A_209, %get3A_38 : vector<1024x128xf32>
    %add3A_211 = arith.addf %add3A_205, %mul3A_210 : vector<1024x128xf32>
    %get3A_212 = arith.constant 2 : index
    %get3A_213 = arith.constant 8 : index
    %get3A_214 = memref.load %arg1[%get3A_212, %get3A_213] : memref<10x10xf32, #tpu.memory_space<smem>>
    %mul3A_215 = vector.broadcast %get3A_214 : f32 to vector<1024x128xf32>
    %mul3A_216 = arith.mulf %mul3A_215, %get3A_43 : vector<1024x128xf32>
    %add3A_217 = arith.addf %add3A_211, %mul3A_216 : vector<1024x128xf32>
    %get3A_218 = arith.constant 2 : index
    %get3A_219 = arith.constant 9 : index
    %get3A_220 = memref.load %arg1[%get3A_218, %get3A_219] : memref<10x10xf32, #tpu.memory_space<smem>>
    %mul3A_221 = vector.broadcast %get3A_220 : f32 to vector<1024x128xf32>
    %mul3A_222 = arith.mulf %mul3A_221, %get3A_48 : vector<1024x128xf32>
    %add3A_223 = arith.addf %add3A_217, %mul3A_222 : vector<1024x128xf32>
    %get3A_224 = arith.constant 3 : index
    %get3A_225 = arith.constant 0 : index
    %get3A_226 = memref.load %arg1[%get3A_224, %get3A_225] : memref<10x10xf32, #tpu.memory_space<smem>>
    %mul3A_227 = vector.broadcast %get3A_226 : f32 to vector<1024x128xf32>
    %mul3A_228 = arith.mulf %mul3A_227, %get3A_3 : vector<1024x128xf32>
    %get3A_229 = arith.constant 3 : index
    %get3A_230 = arith.constant 1 : index
    %get3A_231 = memref.load %arg1[%get3A_229, %get3A_230] : memref<10x10xf32, #tpu.memory_space<smem>>
    %mul3A_232 = vector.broadcast %get3A_231 : f32 to vector<1024x128xf32>
    %mul3A_233 = arith.mulf %mul3A_232, %get3A_8 : vector<1024x128xf32>
    %add3A_234 = arith.addf %mul3A_228, %mul3A_233 : vector<1024x128xf32>
    %get3A_235 = arith.constant 3 : index
    %get3A_236 = arith.constant 2 : index
    %get3A_237 = memref.load %arg1[%get3A_235, %get3A_236] : memref<10x10xf32, #tpu.memory_space<smem>>
    %mul3A_238 = vector.broadcast %get3A_237 : f32 to vector<1024x128xf32>
    %mul3A_239 = arith.mulf %mul3A_238, %get3A_13 : vector<1024x128xf32>
    %add3A_240 = arith.addf %add3A_234, %mul3A_239 : vector<1024x128xf32>
    %get3A_241 = arith.constant 3 : index
    %get3A_242 = arith.constant 3 : index
    %get3A_243 = memref.load %arg1[%get3A_241, %get3A_242] : memref<10x10xf32, #tpu.memory_space<smem>>
    %mul3A_244 = vector.broadcast %get3A_243 : f32 to vector<1024x128xf32>
    %mul3A_245 = arith.mulf %mul3A_244, %get3A_18 : vector<1024x128xf32>
    %add3A_246 = arith.addf %add3A_240, %mul3A_245 : vector<1024x128xf32>
    %get3A_247 = arith.constant 3 : index
    %get3A_248 = arith.constant 4 : index
    %get3A_249 = memref.load %arg1[%get3A_247, %get3A_248] : memref<10x10xf32, #tpu.memory_space<smem>>
    %mul3A_250 = vector.broadcast %get3A_249 : f32 to vector<1024x128xf32>
    %mul3A_251 = arith.mulf %mul3A_250, %get3A_23 : vector<1024x128xf32>
    %add3A_252 = arith.addf %add3A_246, %mul3A_251 : vector<1024x128xf32>
    %get3A_253 = arith.constant 3 : index
    %get3A_254 = arith.constant 5 : index
    %get3A_255 = memref.load %arg1[%get3A_253, %get3A_254] : memref<10x10xf32, #tpu.memory_space<smem>>
    %mul3A_256 = vector.broadcast %get3A_255 : f32 to vector<1024x128xf32>
    %mul3A_257 = arith.mulf %mul3A_256, %get3A_28 : vector<1024x128xf32>
    %add3A_258 = arith.addf %add3A_252, %mul3A_257 : vector<1024x128xf32>
    %get3A_259 = arith.constant 3 : index
    %get3A_260 = arith.constant 6 : index
    %get3A_261 = memref.load %arg1[%get3A_259, %get3A_260] : memref<10x10xf32, #tpu.memory_space<smem>>
    %mul3A_262 = vector.broadcast %get3A_261 : f32 to vector<1024x128xf32>
    %mul3A_263 = arith.mulf %mul3A_262, %get3A_33 : vector<1024x128xf32>
    %add3A_264 = arith.addf %add3A_258, %mul3A_263 : vector<1024x128xf32>
    %get3A_265 = arith.constant 3 : index
    %get3A_266 = arith.constant 7 : index
    %get3A_267 = memref.load %arg1[%get3A_265, %get3A_266] : memref<10x10xf32, #tpu.memory_space<smem>>
    %mul3A_268 = vector.broadcast %get3A_267 : f32 to vector<1024x128xf32>
    %mul3A_269 = arith.mulf %mul3A_268, %get3A_38 : vector<1024x128xf32>
    %add3A_270 = arith.addf %add3A_264, %mul3A_269 : vector<1024x128xf32>
    %get3A_271 = arith.constant 3 : index
    %get3A_272 = arith.constant 8 : index
    %get3A_273 = memref.load %arg1[%get3A_271, %get3A_272] : memref<10x10xf32, #tpu.memory_space<smem>>
    %mul3A_274 = vector.broadcast %get3A_273 : f32 to vector<1024x128xf32>
    %mul3A_275 = arith.mulf %mul3A_274, %get3A_43 : vector<1024x128xf32>
    %add3A_276 = arith.addf %add3A_270, %mul3A_275 : vector<1024x128xf32>
    %get3A_277 = arith.constant 3 : index
    %get3A_278 = arith.constant 9 : index
    %get3A_279 = memref.load %arg1[%get3A_277, %get3A_278] : memref<10x10xf32, #tpu.memory_space<smem>>
    %mul3A_280 = vector.broadcast %get3A_279 : f32 to vector<1024x128xf32>
    %mul3A_281 = arith.mulf %mul3A_280, %get3A_48 : vector<1024x128xf32>
    %add3A_282 = arith.addf %add3A_276, %mul3A_281 : vector<1024x128xf32>
    %get3A_283 = arith.constant 4 : index
    %get3A_284 = arith.constant 0 : index
    %get3A_285 = memref.load %arg1[%get3A_283, %get3A_284] : memref<10x10xf32, #tpu.memory_space<smem>>
    %mul3A_286 = vector.broadcast %get3A_285 : f32 to vector<1024x128xf32>
    %mul3A_287 = arith.mulf %mul3A_286, %get3A_3 : vector<1024x128xf32>
    %get3A_288 = arith.constant 4 : index
    %get3A_289 = arith.constant 1 : index
    %get3A_290 = memref.load %arg1[%get3A_288, %get3A_289] : memref<10x10xf32, #tpu.memory_space<smem>>
    %mul3A_291 = vector.broadcast %get3A_290 : f32 to vector<1024x128xf32>
    %mul3A_292 = arith.mulf %mul3A_291, %get3A_8 : vector<1024x128xf32>
    %add3A_293 = arith.addf %mul3A_287, %mul3A_292 : vector<1024x128xf32>
    %get3A_294 = arith.constant 4 : index
    %get3A_295 = arith.constant 2 : index
    %get3A_296 = memref.load %arg1[%get3A_294, %get3A_295] : memref<10x10xf32, #tpu.memory_space<smem>>
    %mul3A_297 = vector.broadcast %get3A_296 : f32 to vector<1024x128xf32>
    %mul3A_298 = arith.mulf %mul3A_297, %get3A_13 : vector<1024x128xf32>
    %add3A_299 = arith.addf %add3A_293, %mul3A_298 : vector<1024x128xf32>
    %get3A_300 = arith.constant 4 : index
    %get3A_301 = arith.constant 3 : index
    %get3A_302 = memref.load %arg1[%get3A_300, %get3A_301] : memref<10x10xf32, #tpu.memory_space<smem>>
    %mul3A_303 = vector.broadcast %get3A_302 : f32 to vector<1024x128xf32>
    %mul3A_304 = arith.mulf %mul3A_303, %get3A_18 : vector<1024x128xf32>
    %add3A_305 = arith.addf %add3A_299, %mul3A_304 : vector<1024x128xf32>
    %get3A_306 = arith.constant 4 : index
    %get3A_307 = arith.constant 4 : index
    %get3A_308 = memref.load %arg1[%get3A_306, %get3A_307] : memref<10x10xf32, #tpu.memory_space<smem>>
    %mul3A_309 = vector.broadcast %get3A_308 : f32 to vector<1024x128xf32>
    %mul3A_310 = arith.mulf %mul3A_309, %get3A_23 : vector<1024x128xf32>
    %add3A_311 = arith.addf %add3A_305, %mul3A_310 : vector<1024x128xf32>
    %get3A_312 = arith.constant 4 : index
    %get3A_313 = arith.constant 5 : index
    %get3A_314 = memref.load %arg1[%get3A_312, %get3A_313] : memref<10x10xf32, #tpu.memory_space<smem>>
    %mul3A_315 = vector.broadcast %get3A_314 : f32 to vector<1024x128xf32>
    %mul3A_316 = arith.mulf %mul3A_315, %get3A_28 : vector<1024x128xf32>
    %add3A_317 = arith.addf %add3A_311, %mul3A_316 : vector<1024x128xf32>
    %get3A_318 = arith.constant 4 : index
    %get3A_319 = arith.constant 6 : index
    %get3A_320 = memref.load %arg1[%get3A_318, %get3A_319] : memref<10x10xf32, #tpu.memory_space<smem>>
    %mul3A_321 = vector.broadcast %get3A_320 : f32 to vector<1024x128xf32>
    %mul3A_322 = arith.mulf %mul3A_321, %get3A_33 : vector<1024x128xf32>
    %add3A_323 = arith.addf %add3A_317, %mul3A_322 : vector<1024x128xf32>
    %get3A_324 = arith.constant 4 : index
    %get3A_325 = arith.constant 7 : index
    %get3A_326 = memref.load %arg1[%get3A_324, %get3A_325] : memref<10x10xf32, #tpu.memory_space<smem>>
    %mul3A_327 = vector.broadcast %get3A_326 : f32 to vector<1024x128xf32>
    %mul3A_328 = arith.mulf %mul3A_327, %get3A_38 : vector<1024x128xf32>
    %add3A_329 = arith.addf %add3A_323, %mul3A_328 : vector<1024x128xf32>
    %get3A_330 = arith.constant 4 : index
    %get3A_331 = arith.constant 8 : index
    %get3A_332 = memref.load %arg1[%get3A_330, %get3A_331] : memref<10x10xf32, #tpu.memory_space<smem>>
    %mul3A_333 = vector.broadcast %get3A_332 : f32 to vector<1024x128xf32>
    %mul3A_334 = arith.mulf %mul3A_333, %get3A_43 : vector<1024x128xf32>
    %add3A_335 = arith.addf %add3A_329, %mul3A_334 : vector<1024x128xf32>
    %get3A_336 = arith.constant 4 : index
    %get3A_337 = arith.constant 9 : index
    %get3A_338 = memref.load %arg1[%get3A_336, %get3A_337] : memref<10x10xf32, #tpu.memory_space<smem>>
    %mul3A_339 = vector.broadcast %get3A_338 : f32 to vector<1024x128xf32>
    %mul3A_340 = arith.mulf %mul3A_339, %get3A_48 : vector<1024x128xf32>
    %add3A_341 = arith.addf %add3A_335, %mul3A_340 : vector<1024x128xf32>
    %get3A_342 = arith.constant 5 : index
    %get3A_343 = arith.constant 0 : index
    %get3A_344 = memref.load %arg1[%get3A_342, %get3A_343] : memref<10x10xf32, #tpu.memory_space<smem>>
    %mul3A_345 = vector.broadcast %get3A_344 : f32 to vector<1024x128xf32>
    %mul3A_346 = arith.mulf %mul3A_345, %get3A_3 : vector<1024x128xf32>
    %get3A_347 = arith.constant 5 : index
    %get3A_348 = arith.constant 1 : index
    %get3A_349 = memref.load %arg1[%get3A_347, %get3A_348] : memref<10x10xf32, #tpu.memory_space<smem>>
    %mul3A_350 = vector.broadcast %get3A_349 : f32 to vector<1024x128xf32>
    %mul3A_351 = arith.mulf %mul3A_350, %get3A_8 : vector<1024x128xf32>
    %add3A_352 = arith.addf %mul3A_346, %mul3A_351 : vector<1024x128xf32>
    %get3A_353 = arith.constant 5 : index
    %get3A_354 = arith.constant 2 : index
    %get3A_355 = memref.load %arg1[%get3A_353, %get3A_354] : memref<10x10xf32, #tpu.memory_space<smem>>
    %mul3A_356 = vector.broadcast %get3A_355 : f32 to vector<1024x128xf32>
    %mul3A_357 = arith.mulf %mul3A_356, %get3A_13 : vector<1024x128xf32>
    %add3A_358 = arith.addf %add3A_352, %mul3A_357 : vector<1024x128xf32>
    %get3A_359 = arith.constant 5 : index
    %get3A_360 = arith.constant 3 : index
    %get3A_361 = memref.load %arg1[%get3A_359, %get3A_360] : memref<10x10xf32, #tpu.memory_space<smem>>
    %mul3A_362 = vector.broadcast %get3A_361 : f32 to vector<1024x128xf32>
    %mul3A_363 = arith.mulf %mul3A_362, %get3A_18 : vector<1024x128xf32>
    %add3A_364 = arith.addf %add3A_358, %mul3A_363 : vector<1024x128xf32>
    %get3A_365 = arith.constant 5 : index
    %get3A_366 = arith.constant 4 : index
    %get3A_367 = memref.load %arg1[%get3A_365, %get3A_366] : memref<10x10xf32, #tpu.memory_space<smem>>
    %mul3A_368 = vector.broadcast %get3A_367 : f32 to vector<1024x128xf32>
    %mul3A_369 = arith.mulf %mul3A_368, %get3A_23 : vector<1024x128xf32>
    %add3A_370 = arith.addf %add3A_364, %mul3A_369 : vector<1024x128xf32>
    %get3A_371 = arith.constant 5 : index
    %get3A_372 = arith.constant 5 : index
    %get3A_373 = memref.load %arg1[%get3A_371, %get3A_372] : memref<10x10xf32, #tpu.memory_space<smem>>
    %mul3A_374 = vector.broadcast %get3A_373 : f32 to vector<1024x128xf32>
    %mul3A_375 = arith.mulf %mul3A_374, %get3A_28 : vector<1024x128xf32>
    %add3A_376 = arith.addf %add3A_370, %mul3A_375 : vector<1024x128xf32>
    %get3A_377 = arith.constant 5 : index
    %get3A_378 = arith.constant 6 : index
    %get3A_379 = memref.load %arg1[%get3A_377, %get3A_378] : memref<10x10xf32, #tpu.memory_space<smem>>
    %mul3A_380 = vector.broadcast %get3A_379 : f32 to vector<1024x128xf32>
    %mul3A_381 = arith.mulf %mul3A_380, %get3A_33 : vector<1024x128xf32>
    %add3A_382 = arith.addf %add3A_376, %mul3A_381 : vector<1024x128xf32>
    %get3A_383 = arith.constant 5 : index
    %get3A_384 = arith.constant 7 : index
    %get3A_385 = memref.load %arg1[%get3A_383, %get3A_384] : memref<10x10xf32, #tpu.memory_space<smem>>
    %mul3A_386 = vector.broadcast %get3A_385 : f32 to vector<1024x128xf32>
    %mul3A_387 = arith.mulf %mul3A_386, %get3A_38 : vector<1024x128xf32>
    %add3A_388 = arith.addf %add3A_382, %mul3A_387 : vector<1024x128xf32>
    %get3A_389 = arith.constant 5 : index
    %get3A_390 = arith.constant 8 : index
    %get3A_391 = memref.load %arg1[%get3A_389, %get3A_390] : memref<10x10xf32, #tpu.memory_space<smem>>
    %mul3A_392 = vector.broadcast %get3A_391 : f32 to vector<1024x128xf32>
    %mul3A_393 = arith.mulf %mul3A_392, %get3A_43 : vector<1024x128xf32>
    %add3A_394 = arith.addf %add3A_388, %mul3A_393 : vector<1024x128xf32>
    %get3A_395 = arith.constant 5 : index
    %get3A_396 = arith.constant 9 : index
    %get3A_397 = memref.load %arg1[%get3A_395, %get3A_396] : memref<10x10xf32, #tpu.memory_space<smem>>
    %mul3A_398 = vector.broadcast %get3A_397 : f32 to vector<1024x128xf32>
    %mul3A_399 = arith.mulf %mul3A_398, %get3A_48 : vector<1024x128xf32>
    %add3A_400 = arith.addf %add3A_394, %mul3A_399 : vector<1024x128xf32>
    %get3A_401 = arith.constant 6 : index
    %get3A_402 = arith.constant 0 : index
    %get3A_403 = memref.load %arg1[%get3A_401, %get3A_402] : memref<10x10xf32, #tpu.memory_space<smem>>
    %mul3A_404 = vector.broadcast %get3A_403 : f32 to vector<1024x128xf32>
    %mul3A_405 = arith.mulf %mul3A_404, %get3A_3 : vector<1024x128xf32>
    %get3A_406 = arith.constant 6 : index
    %get3A_407 = arith.constant 1 : index
    %get3A_408 = memref.load %arg1[%get3A_406, %get3A_407] : memref<10x10xf32, #tpu.memory_space<smem>>
    %mul3A_409 = vector.broadcast %get3A_408 : f32 to vector<1024x128xf32>
    %mul3A_410 = arith.mulf %mul3A_409, %get3A_8 : vector<1024x128xf32>
    %add3A_411 = arith.addf %mul3A_405, %mul3A_410 : vector<1024x128xf32>
    %get3A_412 = arith.constant 6 : index
    %get3A_413 = arith.constant 2 : index
    %get3A_414 = memref.load %arg1[%get3A_412, %get3A_413] : memref<10x10xf32, #tpu.memory_space<smem>>
    %mul3A_415 = vector.broadcast %get3A_414 : f32 to vector<1024x128xf32>
    %mul3A_416 = arith.mulf %mul3A_415, %get3A_13 : vector<1024x128xf32>
    %add3A_417 = arith.addf %add3A_411, %mul3A_416 : vector<1024x128xf32>
    %get3A_418 = arith.constant 6 : index
    %get3A_419 = arith.constant 3 : index
    %get3A_420 = memref.load %arg1[%get3A_418, %get3A_419] : memref<10x10xf32, #tpu.memory_space<smem>>
    %mul3A_421 = vector.broadcast %get3A_420 : f32 to vector<1024x128xf32>
    %mul3A_422 = arith.mulf %mul3A_421, %get3A_18 : vector<1024x128xf32>
    %add3A_423 = arith.addf %add3A_417, %mul3A_422 : vector<1024x128xf32>
    %get3A_424 = arith.constant 6 : index
    %get3A_425 = arith.constant 4 : index
    %get3A_426 = memref.load %arg1[%get3A_424, %get3A_425] : memref<10x10xf32, #tpu.memory_space<smem>>
    %mul3A_427 = vector.broadcast %get3A_426 : f32 to vector<1024x128xf32>
    %mul3A_428 = arith.mulf %mul3A_427, %get3A_23 : vector<1024x128xf32>
    %add3A_429 = arith.addf %add3A_423, %mul3A_428 : vector<1024x128xf32>
    %get3A_430 = arith.constant 6 : index
    %get3A_431 = arith.constant 5 : index
    %get3A_432 = memref.load %arg1[%get3A_430, %get3A_431] : memref<10x10xf32, #tpu.memory_space<smem>>
    %mul3A_433 = vector.broadcast %get3A_432 : f32 to vector<1024x128xf32>
    %mul3A_434 = arith.mulf %mul3A_433, %get3A_28 : vector<1024x128xf32>
    %add3A_435 = arith.addf %add3A_429, %mul3A_434 : vector<1024x128xf32>
    %get3A_436 = arith.constant 6 : index
    %get3A_437 = arith.constant 6 : index
    %get3A_438 = memref.load %arg1[%get3A_436, %get3A_437] : memref<10x10xf32, #tpu.memory_space<smem>>
    %mul3A_439 = vector.broadcast %get3A_438 : f32 to vector<1024x128xf32>
    %mul3A_440 = arith.mulf %mul3A_439, %get3A_33 : vector<1024x128xf32>
    %add3A_441 = arith.addf %add3A_435, %mul3A_440 : vector<1024x128xf32>
    %get3A_442 = arith.constant 6 : index
    %get3A_443 = arith.constant 7 : index
    %get3A_444 = memref.load %arg1[%get3A_442, %get3A_443] : memref<10x10xf32, #tpu.memory_space<smem>>
    %mul3A_445 = vector.broadcast %get3A_444 : f32 to vector<1024x128xf32>
    %mul3A_446 = arith.mulf %mul3A_445, %get3A_38 : vector<1024x128xf32>
    %add3A_447 = arith.addf %add3A_441, %mul3A_446 : vector<1024x128xf32>
    %get3A_448 = arith.constant 6 : index
    %get3A_449 = arith.constant 8 : index
    %get3A_450 = memref.load %arg1[%get3A_448, %get3A_449] : memref<10x10xf32, #tpu.memory_space<smem>>
    %mul3A_451 = vector.broadcast %get3A_450 : f32 to vector<1024x128xf32>
    %mul3A_452 = arith.mulf %mul3A_451, %get3A_43 : vector<1024x128xf32>
    %add3A_453 = arith.addf %add3A_447, %mul3A_452 : vector<1024x128xf32>
    %get3A_454 = arith.constant 6 : index
    %get3A_455 = arith.constant 9 : index
    %get3A_456 = memref.load %arg1[%get3A_454, %get3A_455] : memref<10x10xf32, #tpu.memory_space<smem>>
    %mul3A_457 = vector.broadcast %get3A_456 : f32 to vector<1024x128xf32>
    %mul3A_458 = arith.mulf %mul3A_457, %get3A_48 : vector<1024x128xf32>
    %add3A_459 = arith.addf %add3A_453, %mul3A_458 : vector<1024x128xf32>
    %get3A_460 = arith.constant 7 : index
    %get3A_461 = arith.constant 0 : index
    %get3A_462 = memref.load %arg1[%get3A_460, %get3A_461] : memref<10x10xf32, #tpu.memory_space<smem>>
    %mul3A_463 = vector.broadcast %get3A_462 : f32 to vector<1024x128xf32>
    %mul3A_464 = arith.mulf %mul3A_463, %get3A_3 : vector<1024x128xf32>
    %get3A_465 = arith.constant 7 : index
    %get3A_466 = arith.constant 1 : index
    %get3A_467 = memref.load %arg1[%get3A_465, %get3A_466] : memref<10x10xf32, #tpu.memory_space<smem>>
    %mul3A_468 = vector.broadcast %get3A_467 : f32 to vector<1024x128xf32>
    %mul3A_469 = arith.mulf %mul3A_468, %get3A_8 : vector<1024x128xf32>
    %add3A_470 = arith.addf %mul3A_464, %mul3A_469 : vector<1024x128xf32>
    %get3A_471 = arith.constant 7 : index
    %get3A_472 = arith.constant 2 : index
    %get3A_473 = memref.load %arg1[%get3A_471, %get3A_472] : memref<10x10xf32, #tpu.memory_space<smem>>
    %mul3A_474 = vector.broadcast %get3A_473 : f32 to vector<1024x128xf32>
    %mul3A_475 = arith.mulf %mul3A_474, %get3A_13 : vector<1024x128xf32>
    %add3A_476 = arith.addf %add3A_470, %mul3A_475 : vector<1024x128xf32>
    %get3A_477 = arith.constant 7 : index
    %get3A_478 = arith.constant 3 : index
    %get3A_479 = memref.load %arg1[%get3A_477, %get3A_478] : memref<10x10xf32, #tpu.memory_space<smem>>
    %mul3A_480 = vector.broadcast %get3A_479 : f32 to vector<1024x128xf32>
    %mul3A_481 = arith.mulf %mul3A_480, %get3A_18 : vector<1024x128xf32>
    %add3A_482 = arith.addf %add3A_476, %mul3A_481 : vector<1024x128xf32>
    %get3A_483 = arith.constant 7 : index
    %get3A_484 = arith.constant 4 : index
    %get3A_485 = memref.load %arg1[%get3A_483, %get3A_484] : memref<10x10xf32, #tpu.memory_space<smem>>
    %mul3A_486 = vector.broadcast %get3A_485 : f32 to vector<1024x128xf32>
    %mul3A_487 = arith.mulf %mul3A_486, %get3A_23 : vector<1024x128xf32>
    %add3A_488 = arith.addf %add3A_482, %mul3A_487 : vector<1024x128xf32>
    %get3A_489 = arith.constant 7 : index
    %get3A_490 = arith.constant 5 : index
    %get3A_491 = memref.load %arg1[%get3A_489, %get3A_490] : memref<10x10xf32, #tpu.memory_space<smem>>
    %mul3A_492 = vector.broadcast %get3A_491 : f32 to vector<1024x128xf32>
    %mul3A_493 = arith.mulf %mul3A_492, %get3A_28 : vector<1024x128xf32>
    %add3A_494 = arith.addf %add3A_488, %mul3A_493 : vector<1024x128xf32>
    %get3A_495 = arith.constant 7 : index
    %get3A_496 = arith.constant 6 : index
    %get3A_497 = memref.load %arg1[%get3A_495, %get3A_496] : memref<10x10xf32, #tpu.memory_space<smem>>
    %mul3A_498 = vector.broadcast %get3A_497 : f32 to vector<1024x128xf32>
    %mul3A_499 = arith.mulf %mul3A_498, %get3A_33 : vector<1024x128xf32>
    %add3A_500 = arith.addf %add3A_494, %mul3A_499 : vector<1024x128xf32>
    %get3A_501 = arith.constant 7 : index
    %get3A_502 = arith.constant 7 : index
    %get3A_503 = memref.load %arg1[%get3A_501, %get3A_502] : memref<10x10xf32, #tpu.memory_space<smem>>
    %mul3A_504 = vector.broadcast %get3A_503 : f32 to vector<1024x128xf32>
    %mul3A_505 = arith.mulf %mul3A_504, %get3A_38 : vector<1024x128xf32>
    %add3A_506 = arith.addf %add3A_500, %mul3A_505 : vector<1024x128xf32>
    %get3A_507 = arith.constant 7 : index
    %get3A_508 = arith.constant 8 : index
    %get3A_509 = memref.load %arg1[%get3A_507, %get3A_508] : memref<10x10xf32, #tpu.memory_space<smem>>
    %mul3A_510 = vector.broadcast %get3A_509 : f32 to vector<1024x128xf32>
    %mul3A_511 = arith.mulf %mul3A_510, %get3A_43 : vector<1024x128xf32>
    %add3A_512 = arith.addf %add3A_506, %mul3A_511 : vector<1024x128xf32>
    %get3A_513 = arith.constant 7 : index
    %get3A_514 = arith.constant 9 : index
    %get3A_515 = memref.load %arg1[%get3A_513, %get3A_514] : memref<10x10xf32, #tpu.memory_space<smem>>
    %mul3A_516 = vector.broadcast %get3A_515 : f32 to vector<1024x128xf32>
    %mul3A_517 = arith.mulf %mul3A_516, %get3A_48 : vector<1024x128xf32>
    %add3A_518 = arith.addf %add3A_512, %mul3A_517 : vector<1024x128xf32>
    %get3A_519 = arith.constant 8 : index
    %get3A_520 = arith.constant 0 : index
    %get3A_521 = memref.load %arg1[%get3A_519, %get3A_520] : memref<10x10xf32, #tpu.memory_space<smem>>
    %mul3A_522 = vector.broadcast %get3A_521 : f32 to vector<1024x128xf32>
    %mul3A_523 = arith.mulf %mul3A_522, %get3A_3 : vector<1024x128xf32>
    %get3A_524 = arith.constant 8 : index
    %get3A_525 = arith.constant 1 : index
    %get3A_526 = memref.load %arg1[%get3A_524, %get3A_525] : memref<10x10xf32, #tpu.memory_space<smem>>
    %mul3A_527 = vector.broadcast %get3A_526 : f32 to vector<1024x128xf32>
    %mul3A_528 = arith.mulf %mul3A_527, %get3A_8 : vector<1024x128xf32>
    %add3A_529 = arith.addf %mul3A_523, %mul3A_528 : vector<1024x128xf32>
    %get3A_530 = arith.constant 8 : index
    %get3A_531 = arith.constant 2 : index
    %get3A_532 = memref.load %arg1[%get3A_530, %get3A_531] : memref<10x10xf32, #tpu.memory_space<smem>>
    %mul3A_533 = vector.broadcast %get3A_532 : f32 to vector<1024x128xf32>
    %mul3A_534 = arith.mulf %mul3A_533, %get3A_13 : vector<1024x128xf32>
    %add3A_535 = arith.addf %add3A_529, %mul3A_534 : vector<1024x128xf32>
    %get3A_536 = arith.constant 8 : index
    %get3A_537 = arith.constant 3 : index
    %get3A_538 = memref.load %arg1[%get3A_536, %get3A_537] : memref<10x10xf32, #tpu.memory_space<smem>>
    %mul3A_539 = vector.broadcast %get3A_538 : f32 to vector<1024x128xf32>
    %mul3A_540 = arith.mulf %mul3A_539, %get3A_18 : vector<1024x128xf32>
    %add3A_541 = arith.addf %add3A_535, %mul3A_540 : vector<1024x128xf32>
    %get3A_542 = arith.constant 8 : index
    %get3A_543 = arith.constant 4 : index
    %get3A_544 = memref.load %arg1[%get3A_542, %get3A_543] : memref<10x10xf32, #tpu.memory_space<smem>>
    %mul3A_545 = vector.broadcast %get3A_544 : f32 to vector<1024x128xf32>
    %mul3A_546 = arith.mulf %mul3A_545, %get3A_23 : vector<1024x128xf32>
    %add3A_547 = arith.addf %add3A_541, %mul3A_546 : vector<1024x128xf32>
    %get3A_548 = arith.constant 8 : index
    %get3A_549 = arith.constant 5 : index
    %get3A_550 = memref.load %arg1[%get3A_548, %get3A_549] : memref<10x10xf32, #tpu.memory_space<smem>>
    %mul3A_551 = vector.broadcast %get3A_550 : f32 to vector<1024x128xf32>
    %mul3A_552 = arith.mulf %mul3A_551, %get3A_28 : vector<1024x128xf32>
    %add3A_553 = arith.addf %add3A_547, %mul3A_552 : vector<1024x128xf32>
    %get3A_554 = arith.constant 8 : index
    %get3A_555 = arith.constant 6 : index
    %get3A_556 = memref.load %arg1[%get3A_554, %get3A_555] : memref<10x10xf32, #tpu.memory_space<smem>>
    %mul3A_557 = vector.broadcast %get3A_556 : f32 to vector<1024x128xf32>
    %mul3A_558 = arith.mulf %mul3A_557, %get3A_33 : vector<1024x128xf32>
    %add3A_559 = arith.addf %add3A_553, %mul3A_558 : vector<1024x128xf32>
    %get3A_560 = arith.constant 8 : index
    %get3A_561 = arith.constant 7 : index
    %get3A_562 = memref.load %arg1[%get3A_560, %get3A_561] : memref<10x10xf32, #tpu.memory_space<smem>>
    %mul3A_563 = vector.broadcast %get3A_562 : f32 to vector<1024x128xf32>
    %mul3A_564 = arith.mulf %mul3A_563, %get3A_38 : vector<1024x128xf32>
    %add3A_565 = arith.addf %add3A_559, %mul3A_564 : vector<1024x128xf32>
    %get3A_566 = arith.constant 8 : index
    %get3A_567 = arith.constant 8 : index
    %get3A_568 = memref.load %arg1[%get3A_566, %get3A_567] : memref<10x10xf32, #tpu.memory_space<smem>>
    %mul3A_569 = vector.broadcast %get3A_568 : f32 to vector<1024x128xf32>
    %mul3A_570 = arith.mulf %mul3A_569, %get3A_43 : vector<1024x128xf32>
    %add3A_571 = arith.addf %add3A_565, %mul3A_570 : vector<1024x128xf32>
    %get3A_572 = arith.constant 8 : index
    %get3A_573 = arith.constant 9 : index
    %get3A_574 = memref.load %arg1[%get3A_572, %get3A_573] : memref<10x10xf32, #tpu.memory_space<smem>>
    %mul3A_575 = vector.broadcast %get3A_574 : f32 to vector<1024x128xf32>
    %mul3A_576 = arith.mulf %mul3A_575, %get3A_48 : vector<1024x128xf32>
    %add3A_577 = arith.addf %add3A_571, %mul3A_576 : vector<1024x128xf32>
    %get3A_578 = arith.constant 9 : index
    %get3A_579 = arith.constant 0 : index
    %get3A_580 = memref.load %arg1[%get3A_578, %get3A_579] : memref<10x10xf32, #tpu.memory_space<smem>>
    %mul3A_581 = vector.broadcast %get3A_580 : f32 to vector<1024x128xf32>
    %mul3A_582 = arith.mulf %mul3A_581, %get3A_3 : vector<1024x128xf32>
    %get3A_583 = arith.constant 9 : index
    %get3A_584 = arith.constant 1 : index
    %get3A_585 = memref.load %arg1[%get3A_583, %get3A_584] : memref<10x10xf32, #tpu.memory_space<smem>>
    %mul3A_586 = vector.broadcast %get3A_585 : f32 to vector<1024x128xf32>
    %mul3A_587 = arith.mulf %mul3A_586, %get3A_8 : vector<1024x128xf32>
    %add3A_588 = arith.addf %mul3A_582, %mul3A_587 : vector<1024x128xf32>
    %get3A_589 = arith.constant 9 : index
    %get3A_590 = arith.constant 2 : index
    %get3A_591 = memref.load %arg1[%get3A_589, %get3A_590] : memref<10x10xf32, #tpu.memory_space<smem>>
    %mul3A_592 = vector.broadcast %get3A_591 : f32 to vector<1024x128xf32>
    %mul3A_593 = arith.mulf %mul3A_592, %get3A_13 : vector<1024x128xf32>
    %add3A_594 = arith.addf %add3A_588, %mul3A_593 : vector<1024x128xf32>
    %get3A_595 = arith.constant 9 : index
    %get3A_596 = arith.constant 3 : index
    %get3A_597 = memref.load %arg1[%get3A_595, %get3A_596] : memref<10x10xf32, #tpu.memory_space<smem>>
    %mul3A_598 = vector.broadcast %get3A_597 : f32 to vector<1024x128xf32>
    %mul3A_599 = arith.mulf %mul3A_598, %get3A_18 : vector<1024x128xf32>
    %add3A_600 = arith.addf %add3A_594, %mul3A_599 : vector<1024x128xf32>
    %get3A_601 = arith.constant 9 : index
    %get3A_602 = arith.constant 4 : index
    %get3A_603 = memref.load %arg1[%get3A_601, %get3A_602] : memref<10x10xf32, #tpu.memory_space<smem>>
    %mul3A_604 = vector.broadcast %get3A_603 : f32 to vector<1024x128xf32>
    %mul3A_605 = arith.mulf %mul3A_604, %get3A_23 : vector<1024x128xf32>
    %add3A_606 = arith.addf %add3A_600, %mul3A_605 : vector<1024x128xf32>
    %get3A_607 = arith.constant 9 : index
    %get3A_608 = arith.constant 5 : index
    %get3A_609 = memref.load %arg1[%get3A_607, %get3A_608] : memref<10x10xf32, #tpu.memory_space<smem>>
    %mul3A_610 = vector.broadcast %get3A_609 : f32 to vector<1024x128xf32>
    %mul3A_611 = arith.mulf %mul3A_610, %get3A_28 : vector<1024x128xf32>
    %add3A_612 = arith.addf %add3A_606, %mul3A_611 : vector<1024x128xf32>
    %get3A_613 = arith.constant 9 : index
    %get3A_614 = arith.constant 6 : index
    %get3A_615 = memref.load %arg1[%get3A_613, %get3A_614] : memref<10x10xf32, #tpu.memory_space<smem>>
    %mul3A_616 = vector.broadcast %get3A_615 : f32 to vector<1024x128xf32>
    %mul3A_617 = arith.mulf %mul3A_616, %get3A_33 : vector<1024x128xf32>
    %add3A_618 = arith.addf %add3A_612, %mul3A_617 : vector<1024x128xf32>
    %get3A_619 = arith.constant 9 : index
    %get3A_620 = arith.constant 7 : index
    %get3A_621 = memref.load %arg1[%get3A_619, %get3A_620] : memref<10x10xf32, #tpu.memory_space<smem>>
    %mul3A_622 = vector.broadcast %get3A_621 : f32 to vector<1024x128xf32>
    %mul3A_623 = arith.mulf %mul3A_622, %get3A_38 : vector<1024x128xf32>
    %add3A_624 = arith.addf %add3A_618, %mul3A_623 : vector<1024x128xf32>
    %get3A_625 = arith.constant 9 : index
    %get3A_626 = arith.constant 8 : index
    %get3A_627 = memref.load %arg1[%get3A_625, %get3A_626] : memref<10x10xf32, #tpu.memory_space<smem>>
    %mul3A_628 = vector.broadcast %get3A_627 : f32 to vector<1024x128xf32>
    %mul3A_629 = arith.mulf %mul3A_628, %get3A_43 : vector<1024x128xf32>
    %add3A_630 = arith.addf %add3A_624, %mul3A_629 : vector<1024x128xf32>
    %get3A_631 = arith.constant 9 : index
    %get3A_632 = arith.constant 9 : index
    %get3A_633 = memref.load %arg1[%get3A_631, %get3A_632] : memref<10x10xf32, #tpu.memory_space<smem>>
    %mul3A_634 = vector.broadcast %get3A_633 : f32 to vector<1024x128xf32>
    %mul3A_635 = arith.mulf %mul3A_634, %get3A_48 : vector<1024x128xf32>
    %add3A_636 = arith.addf %add3A_630, %mul3A_635 : vector<1024x128xf32>
    %reduce_sum3A = arith.constant dense<0.000000e+00> : vector<1024xf32>
    %reduce_sum3A_637 = vector.multi_reduction <add>, %add3A_105, %reduce_sum3A [1] : vector<1024x128xf32> to vector<1024xf32>
    %broadcast_in_dim3A = vector.shape_cast %reduce_sum3A_637 : vector<1024xf32> to vector<1024x1xf32>
    %reduce_sum3A_638 = arith.constant dense<0.000000e+00> : vector<1xf32>
    %reduce_sum3A_639 = vector.multi_reduction <add>, %broadcast_in_dim3A, %reduce_sum3A_638 [0] : vector<1024x1xf32> to vector<1xf32>
    %broadcast_in_dim3A_640 = vector.shape_cast %reduce_sum3A_639 : vector<1xf32> to vector<1x1xf32>
    %mul3A_641 = arith.mulf %add3A_105, %add3A_105 : vector<1024x128xf32>
    %reduce_sum3A_642 = arith.constant dense<0.000000e+00> : vector<1024xf32>
    %reduce_sum3A_643 = vector.multi_reduction <add>, %mul3A_641, %reduce_sum3A_642 [1] : vector<1024x128xf32> to vector<1024xf32>
    %broadcast_in_dim3A_644 = vector.shape_cast %reduce_sum3A_643 : vector<1024xf32> to vector<1024x1xf32>
    %reduce_sum3A_645 = arith.constant dense<0.000000e+00> : vector<1xf32>
    %reduce_sum3A_646 = vector.multi_reduction <add>, %broadcast_in_dim3A_644, %reduce_sum3A_645 [0] : vector<1024x1xf32> to vector<1xf32>
    %broadcast_in_dim3A_647 = vector.shape_cast %reduce_sum3A_646 : vector<1xf32> to vector<1x1xf32>
    %mul3A_648 = arith.constant 7.62939453E-6 : f32
    %mul3A_649 = vector.broadcast %mul3A_648 : f32 to vector<1x1xf32>
    %mul3A_650 = arith.mulf %broadcast_in_dim3A_640, %mul3A_649 : vector<1x1xf32>
    %mul3A_651 = arith.constant 7.62939453E-6 : f32
    %mul3A_652 = vector.broadcast %mul3A_651 : f32 to vector<1x1xf32>
    %mul3A_653 = arith.mulf %broadcast_in_dim3A_647, %mul3A_652 : vector<1x1xf32>
    %mul3A_654 = arith.mulf %mul3A_650, %mul3A_650 : vector<1x1xf32>
    %sub3A = arith.subf %mul3A_653, %mul3A_654 : vector<1x1xf32>
    %sub3A_655 = vector.broadcast %mul3A_650 : vector<1x1xf32> to vector<1024x128xf32>
    %sub3A_656 = arith.subf %add3A_105, %sub3A_655 : vector<1024x128xf32>
    %add3A_657 = arith.constant 9.99999974E-6 : f32
    %add3A_658 = vector.broadcast %add3A_657 : f32 to vector<1x1xf32>
    %add3A_659 = arith.addf %sub3A, %add3A_658 : vector<1x1xf32>
    %sqrt3A = math.sqrt %add3A_659 : vector<1x1xf32>
    %div3A = vector.broadcast %sqrt3A : vector<1x1xf32> to vector<1024x128xf32>
    %div3A_660 = arith.divf %sub3A_656, %div3A : vector<1024x128xf32>
    %get3A_661 = arith.constant 0 : index
    %get3A_662 = memref.load %arg2[%get3A_661] : memref<10xf32, #tpu.memory_space<smem>>
    %mul3A_663 = vector.broadcast %get3A_662 : f32 to vector<1024x128xf32>
    %mul3A_664 = arith.mulf %div3A_660, %mul3A_663 : vector<1024x128xf32>
    %get3A_665 = arith.constant 0 : index
    %get3A_666 = memref.load %arg3[%get3A_665] : memref<10xf32, #tpu.memory_space<smem>>
    %add3A_667 = vector.broadcast %get3A_666 : f32 to vector<1024x128xf32>
    %add3A_668 = arith.addf %mul3A_664, %add3A_667 : vector<1024x128xf32>
    %max3A = arith.constant 0.000000e+00 : f32
    %max3A_669 = vector.broadcast %max3A : f32 to vector<1024x128xf32>
    %max3A_670 = arith.maximumf %add3A_668, %max3A_669 : vector<1024x128xf32>
    %reduce_sum3A_671 = arith.constant dense<0.000000e+00> : vector<1024xf32>
    %reduce_sum3A_672 = vector.multi_reduction <add>, %add3A_164, %reduce_sum3A_671 [1] : vector<1024x128xf32> to vector<1024xf32>
    %broadcast_in_dim3A_673 = vector.shape_cast %reduce_sum3A_672 : vector<1024xf32> to vector<1024x1xf32>
    %reduce_sum3A_674 = arith.constant dense<0.000000e+00> : vector<1xf32>
    %reduce_sum3A_675 = vector.multi_reduction <add>, %broadcast_in_dim3A_673, %reduce_sum3A_674 [0] : vector<1024x1xf32> to vector<1xf32>
    %broadcast_in_dim3A_676 = vector.shape_cast %reduce_sum3A_675 : vector<1xf32> to vector<1x1xf32>
    %mul3A_677 = arith.mulf %add3A_164, %add3A_164 : vector<1024x128xf32>
    %reduce_sum3A_678 = arith.constant dense<0.000000e+00> : vector<1024xf32>
    %reduce_sum3A_679 = vector.multi_reduction <add>, %mul3A_677, %reduce_sum3A_678 [1] : vector<1024x128xf32> to vector<1024xf32>
    %broadcast_in_dim3A_680 = vector.shape_cast %reduce_sum3A_679 : vector<1024xf32> to vector<1024x1xf32>
    %reduce_sum3A_681 = arith.constant dense<0.000000e+00> : vector<1xf32>
    %reduce_sum3A_682 = vector.multi_reduction <add>, %broadcast_in_dim3A_680, %reduce_sum3A_681 [0] : vector<1024x1xf32> to vector<1xf32>
    %broadcast_in_dim3A_683 = vector.shape_cast %reduce_sum3A_682 : vector<1xf32> to vector<1x1xf32>
    %mul3A_684 = arith.constant 7.62939453E-6 : f32
    %mul3A_685 = vector.broadcast %mul3A_684 : f32 to vector<1x1xf32>
    %mul3A_686 = arith.mulf %broadcast_in_dim3A_676, %mul3A_685 : vector<1x1xf32>
    %mul3A_687 = arith.constant 7.62939453E-6 : f32
    %mul3A_688 = vector.broadcast %mul3A_687 : f32 to vector<1x1xf32>
    %mul3A_689 = arith.mulf %broadcast_in_dim3A_683, %mul3A_688 : vector<1x1xf32>
    %mul3A_690 = arith.mulf %mul3A_686, %mul3A_686 : vector<1x1xf32>
    %sub3A_691 = arith.subf %mul3A_689, %mul3A_690 : vector<1x1xf32>
    %sub3A_692 = vector.broadcast %mul3A_686 : vector<1x1xf32> to vector<1024x128xf32>
    %sub3A_693 = arith.subf %add3A_164, %sub3A_692 : vector<1024x128xf32>
    %add3A_694 = arith.constant 9.99999974E-6 : f32
    %add3A_695 = vector.broadcast %add3A_694 : f32 to vector<1x1xf32>
    %add3A_696 = arith.addf %sub3A_691, %add3A_695 : vector<1x1xf32>
    %sqrt3A_697 = math.sqrt %add3A_696 : vector<1x1xf32>
    %div3A_698 = vector.broadcast %sqrt3A_697 : vector<1x1xf32> to vector<1024x128xf32>
    %div3A_699 = arith.divf %sub3A_693, %div3A_698 : vector<1024x128xf32>
    %get3A_700 = arith.constant 1 : index
    %get3A_701 = memref.load %arg2[%get3A_700] : memref<10xf32, #tpu.memory_space<smem>>
    %mul3A_702 = vector.broadcast %get3A_701 : f32 to vector<1024x128xf32>
    %mul3A_703 = arith.mulf %div3A_699, %mul3A_702 : vector<1024x128xf32>
    %get3A_704 = arith.constant 1 : index
    %get3A_705 = memref.load %arg3[%get3A_704] : memref<10xf32, #tpu.memory_space<smem>>
    %add3A_706 = vector.broadcast %get3A_705 : f32 to vector<1024x128xf32>
    %add3A_707 = arith.addf %mul3A_703, %add3A_706 : vector<1024x128xf32>
    %max3A_708 = arith.constant 0.000000e+00 : f32
    %max3A_709 = vector.broadcast %max3A_708 : f32 to vector<1024x128xf32>
    %max3A_710 = arith.maximumf %add3A_707, %max3A_709 : vector<1024x128xf32>
    %reduce_sum3A_711 = arith.constant dense<0.000000e+00> : vector<1024xf32>
    %reduce_sum3A_712 = vector.multi_reduction <add>, %add3A_223, %reduce_sum3A_711 [1] : vector<1024x128xf32> to vector<1024xf32>
    %broadcast_in_dim3A_713 = vector.shape_cast %reduce_sum3A_712 : vector<1024xf32> to vector<1024x1xf32>
    %reduce_sum3A_714 = arith.constant dense<0.000000e+00> : vector<1xf32>
    %reduce_sum3A_715 = vector.multi_reduction <add>, %broadcast_in_dim3A_713, %reduce_sum3A_714 [0] : vector<1024x1xf32> to vector<1xf32>
    %broadcast_in_dim3A_716 = vector.shape_cast %reduce_sum3A_715 : vector<1xf32> to vector<1x1xf32>
    %mul3A_717 = arith.mulf %add3A_223, %add3A_223 : vector<1024x128xf32>
    %reduce_sum3A_718 = arith.constant dense<0.000000e+00> : vector<1024xf32>
    %reduce_sum3A_719 = vector.multi_reduction <add>, %mul3A_717, %reduce_sum3A_718 [1] : vector<1024x128xf32> to vector<1024xf32>
    %broadcast_in_dim3A_720 = vector.shape_cast %reduce_sum3A_719 : vector<1024xf32> to vector<1024x1xf32>
    %reduce_sum3A_721 = arith.constant dense<0.000000e+00> : vector<1xf32>
    %reduce_sum3A_722 = vector.multi_reduction <add>, %broadcast_in_dim3A_720, %reduce_sum3A_721 [0] : vector<1024x1xf32> to vector<1xf32>
    %broadcast_in_dim3A_723 = vector.shape_cast %reduce_sum3A_722 : vector<1xf32> to vector<1x1xf32>
    %mul3A_724 = arith.constant 7.62939453E-6 : f32
    %mul3A_725 = vector.broadcast %mul3A_724 : f32 to vector<1x1xf32>
    %mul3A_726 = arith.mulf %broadcast_in_dim3A_716, %mul3A_725 : vector<1x1xf32>
    %mul3A_727 = arith.constant 7.62939453E-6 : f32
    %mul3A_728 = vector.broadcast %mul3A_727 : f32 to vector<1x1xf32>
    %mul3A_729 = arith.mulf %broadcast_in_dim3A_723, %mul3A_728 : vector<1x1xf32>
    %mul3A_730 = arith.mulf %mul3A_726, %mul3A_726 : vector<1x1xf32>
    %sub3A_731 = arith.subf %mul3A_729, %mul3A_730 : vector<1x1xf32>
    %sub3A_732 = vector.broadcast %mul3A_726 : vector<1x1xf32> to vector<1024x128xf32>
    %sub3A_733 = arith.subf %add3A_223, %sub3A_732 : vector<1024x128xf32>
    %add3A_734 = arith.constant 9.99999974E-6 : f32
    %add3A_735 = vector.broadcast %add3A_734 : f32 to vector<1x1xf32>
    %add3A_736 = arith.addf %sub3A_731, %add3A_735 : vector<1x1xf32>
    %sqrt3A_737 = math.sqrt %add3A_736 : vector<1x1xf32>
    %div3A_738 = vector.broadcast %sqrt3A_737 : vector<1x1xf32> to vector<1024x128xf32>
    %div3A_739 = arith.divf %sub3A_733, %div3A_738 : vector<1024x128xf32>
    %get3A_740 = arith.constant 2 : index
    %get3A_741 = memref.load %arg2[%get3A_740] : memref<10xf32, #tpu.memory_space<smem>>
    %mul3A_742 = vector.broadcast %get3A_741 : f32 to vector<1024x128xf32>
    %mul3A_743 = arith.mulf %div3A_739, %mul3A_742 : vector<1024x128xf32>
    %get3A_744 = arith.constant 2 : index
    %get3A_745 = memref.load %arg3[%get3A_744] : memref<10xf32, #tpu.memory_space<smem>>
    %add3A_746 = vector.broadcast %get3A_745 : f32 to vector<1024x128xf32>
    %add3A_747 = arith.addf %mul3A_743, %add3A_746 : vector<1024x128xf32>
    %max3A_748 = arith.constant 0.000000e+00 : f32
    %max3A_749 = vector.broadcast %max3A_748 : f32 to vector<1024x128xf32>
    %max3A_750 = arith.maximumf %add3A_747, %max3A_749 : vector<1024x128xf32>
    %reduce_sum3A_751 = arith.constant dense<0.000000e+00> : vector<1024xf32>
    %reduce_sum3A_752 = vector.multi_reduction <add>, %add3A_282, %reduce_sum3A_751 [1] : vector<1024x128xf32> to vector<1024xf32>
    %broadcast_in_dim3A_753 = vector.shape_cast %reduce_sum3A_752 : vector<1024xf32> to vector<1024x1xf32>
    %reduce_sum3A_754 = arith.constant dense<0.000000e+00> : vector<1xf32>
    %reduce_sum3A_755 = vector.multi_reduction <add>, %broadcast_in_dim3A_753, %reduce_sum3A_754 [0] : vector<1024x1xf32> to vector<1xf32>
    %broadcast_in_dim3A_756 = vector.shape_cast %reduce_sum3A_755 : vector<1xf32> to vector<1x1xf32>
    %mul3A_757 = arith.mulf %add3A_282, %add3A_282 : vector<1024x128xf32>
    %reduce_sum3A_758 = arith.constant dense<0.000000e+00> : vector<1024xf32>
    %reduce_sum3A_759 = vector.multi_reduction <add>, %mul3A_757, %reduce_sum3A_758 [1] : vector<1024x128xf32> to vector<1024xf32>
    %broadcast_in_dim3A_760 = vector.shape_cast %reduce_sum3A_759 : vector<1024xf32> to vector<1024x1xf32>
    %reduce_sum3A_761 = arith.constant dense<0.000000e+00> : vector<1xf32>
    %reduce_sum3A_762 = vector.multi_reduction <add>, %broadcast_in_dim3A_760, %reduce_sum3A_761 [0] : vector<1024x1xf32> to vector<1xf32>
    %broadcast_in_dim3A_763 = vector.shape_cast %reduce_sum3A_762 : vector<1xf32> to vector<1x1xf32>
    %mul3A_764 = arith.constant 7.62939453E-6 : f32
    %mul3A_765 = vector.broadcast %mul3A_764 : f32 to vector<1x1xf32>
    %mul3A_766 = arith.mulf %broadcast_in_dim3A_756, %mul3A_765 : vector<1x1xf32>
    %mul3A_767 = arith.constant 7.62939453E-6 : f32
    %mul3A_768 = vector.broadcast %mul3A_767 : f32 to vector<1x1xf32>
    %mul3A_769 = arith.mulf %broadcast_in_dim3A_763, %mul3A_768 : vector<1x1xf32>
    %mul3A_770 = arith.mulf %mul3A_766, %mul3A_766 : vector<1x1xf32>
    %sub3A_771 = arith.subf %mul3A_769, %mul3A_770 : vector<1x1xf32>
    %sub3A_772 = vector.broadcast %mul3A_766 : vector<1x1xf32> to vector<1024x128xf32>
    %sub3A_773 = arith.subf %add3A_282, %sub3A_772 : vector<1024x128xf32>
    %add3A_774 = arith.constant 9.99999974E-6 : f32
    %add3A_775 = vector.broadcast %add3A_774 : f32 to vector<1x1xf32>
    %add3A_776 = arith.addf %sub3A_771, %add3A_775 : vector<1x1xf32>
    %sqrt3A_777 = math.sqrt %add3A_776 : vector<1x1xf32>
    %div3A_778 = vector.broadcast %sqrt3A_777 : vector<1x1xf32> to vector<1024x128xf32>
    %div3A_779 = arith.divf %sub3A_773, %div3A_778 : vector<1024x128xf32>
    %get3A_780 = arith.constant 3 : index
    %get3A_781 = memref.load %arg2[%get3A_780] : memref<10xf32, #tpu.memory_space<smem>>
    %mul3A_782 = vector.broadcast %get3A_781 : f32 to vector<1024x128xf32>
    %mul3A_783 = arith.mulf %div3A_779, %mul3A_782 : vector<1024x128xf32>
    %get3A_784 = arith.constant 3 : index
    %get3A_785 = memref.load %arg3[%get3A_784] : memref<10xf32, #tpu.memory_space<smem>>
    %add3A_786 = vector.broadcast %get3A_785 : f32 to vector<1024x128xf32>
    %add3A_787 = arith.addf %mul3A_783, %add3A_786 : vector<1024x128xf32>
    %max3A_788 = arith.constant 0.000000e+00 : f32
    %max3A_789 = vector.broadcast %max3A_788 : f32 to vector<1024x128xf32>
    %max3A_790 = arith.maximumf %add3A_787, %max3A_789 : vector<1024x128xf32>
    %reduce_sum3A_791 = arith.constant dense<0.000000e+00> : vector<1024xf32>
    %reduce_sum3A_792 = vector.multi_reduction <add>, %add3A_341, %reduce_sum3A_791 [1] : vector<1024x128xf32> to vector<1024xf32>
    %broadcast_in_dim3A_793 = vector.shape_cast %reduce_sum3A_792 : vector<1024xf32> to vector<1024x1xf32>
    %reduce_sum3A_794 = arith.constant dense<0.000000e+00> : vector<1xf32>
    %reduce_sum3A_795 = vector.multi_reduction <add>, %broadcast_in_dim3A_793, %reduce_sum3A_794 [0] : vector<1024x1xf32> to vector<1xf32>
    %broadcast_in_dim3A_796 = vector.shape_cast %reduce_sum3A_795 : vector<1xf32> to vector<1x1xf32>
    %mul3A_797 = arith.mulf %add3A_341, %add3A_341 : vector<1024x128xf32>
    %reduce_sum3A_798 = arith.constant dense<0.000000e+00> : vector<1024xf32>
    %reduce_sum3A_799 = vector.multi_reduction <add>, %mul3A_797, %reduce_sum3A_798 [1] : vector<1024x128xf32> to vector<1024xf32>
    %broadcast_in_dim3A_800 = vector.shape_cast %reduce_sum3A_799 : vector<1024xf32> to vector<1024x1xf32>
    %reduce_sum3A_801 = arith.constant dense<0.000000e+00> : vector<1xf32>
    %reduce_sum3A_802 = vector.multi_reduction <add>, %broadcast_in_dim3A_800, %reduce_sum3A_801 [0] : vector<1024x1xf32> to vector<1xf32>
    %broadcast_in_dim3A_803 = vector.shape_cast %reduce_sum3A_802 : vector<1xf32> to vector<1x1xf32>
    %mul3A_804 = arith.constant 7.62939453E-6 : f32
    %mul3A_805 = vector.broadcast %mul3A_804 : f32 to vector<1x1xf32>
    %mul3A_806 = arith.mulf %broadcast_in_dim3A_796, %mul3A_805 : vector<1x1xf32>
    %mul3A_807 = arith.constant 7.62939453E-6 : f32
    %mul3A_808 = vector.broadcast %mul3A_807 : f32 to vector<1x1xf32>
    %mul3A_809 = arith.mulf %broadcast_in_dim3A_803, %mul3A_808 : vector<1x1xf32>
    %mul3A_810 = arith.mulf %mul3A_806, %mul3A_806 : vector<1x1xf32>
    %sub3A_811 = arith.subf %mul3A_809, %mul3A_810 : vector<1x1xf32>
    %sub3A_812 = vector.broadcast %mul3A_806 : vector<1x1xf32> to vector<1024x128xf32>
    %sub3A_813 = arith.subf %add3A_341, %sub3A_812 : vector<1024x128xf32>
    %add3A_814 = arith.constant 9.99999974E-6 : f32
    %add3A_815 = vector.broadcast %add3A_814 : f32 to vector<1x1xf32>
    %add3A_816 = arith.addf %sub3A_811, %add3A_815 : vector<1x1xf32>
    %sqrt3A_817 = math.sqrt %add3A_816 : vector<1x1xf32>
    %div3A_818 = vector.broadcast %sqrt3A_817 : vector<1x1xf32> to vector<1024x128xf32>
    %div3A_819 = arith.divf %sub3A_813, %div3A_818 : vector<1024x128xf32>
    %get3A_820 = arith.constant 4 : index
    %get3A_821 = memref.load %arg2[%get3A_820] : memref<10xf32, #tpu.memory_space<smem>>
    %mul3A_822 = vector.broadcast %get3A_821 : f32 to vector<1024x128xf32>
    %mul3A_823 = arith.mulf %div3A_819, %mul3A_822 : vector<1024x128xf32>
    %get3A_824 = arith.constant 4 : index
    %get3A_825 = memref.load %arg3[%get3A_824] : memref<10xf32, #tpu.memory_space<smem>>
    %add3A_826 = vector.broadcast %get3A_825 : f32 to vector<1024x128xf32>
    %add3A_827 = arith.addf %mul3A_823, %add3A_826 : vector<1024x128xf32>
    %max3A_828 = arith.constant 0.000000e+00 : f32
    %max3A_829 = vector.broadcast %max3A_828 : f32 to vector<1024x128xf32>
    %max3A_830 = arith.maximumf %add3A_827, %max3A_829 : vector<1024x128xf32>
    %reduce_sum3A_831 = arith.constant dense<0.000000e+00> : vector<1024xf32>
    %reduce_sum3A_832 = vector.multi_reduction <add>, %add3A_400, %reduce_sum3A_831 [1] : vector<1024x128xf32> to vector<1024xf32>
    %broadcast_in_dim3A_833 = vector.shape_cast %reduce_sum3A_832 : vector<1024xf32> to vector<1024x1xf32>
    %reduce_sum3A_834 = arith.constant dense<0.000000e+00> : vector<1xf32>
    %reduce_sum3A_835 = vector.multi_reduction <add>, %broadcast_in_dim3A_833, %reduce_sum3A_834 [0] : vector<1024x1xf32> to vector<1xf32>
    %broadcast_in_dim3A_836 = vector.shape_cast %reduce_sum3A_835 : vector<1xf32> to vector<1x1xf32>
    %mul3A_837 = arith.mulf %add3A_400, %add3A_400 : vector<1024x128xf32>
    %reduce_sum3A_838 = arith.constant dense<0.000000e+00> : vector<1024xf32>
    %reduce_sum3A_839 = vector.multi_reduction <add>, %mul3A_837, %reduce_sum3A_838 [1] : vector<1024x128xf32> to vector<1024xf32>
    %broadcast_in_dim3A_840 = vector.shape_cast %reduce_sum3A_839 : vector<1024xf32> to vector<1024x1xf32>
    %reduce_sum3A_841 = arith.constant dense<0.000000e+00> : vector<1xf32>
    %reduce_sum3A_842 = vector.multi_reduction <add>, %broadcast_in_dim3A_840, %reduce_sum3A_841 [0] : vector<1024x1xf32> to vector<1xf32>
    %broadcast_in_dim3A_843 = vector.shape_cast %reduce_sum3A_842 : vector<1xf32> to vector<1x1xf32>
    %mul3A_844 = arith.constant 7.62939453E-6 : f32
    %mul3A_845 = vector.broadcast %mul3A_844 : f32 to vector<1x1xf32>
    %mul3A_846 = arith.mulf %broadcast_in_dim3A_836, %mul3A_845 : vector<1x1xf32>
    %mul3A_847 = arith.constant 7.62939453E-6 : f32
    %mul3A_848 = vector.broadcast %mul3A_847 : f32 to vector<1x1xf32>
    %mul3A_849 = arith.mulf %broadcast_in_dim3A_843, %mul3A_848 : vector<1x1xf32>
    %mul3A_850 = arith.mulf %mul3A_846, %mul3A_846 : vector<1x1xf32>
    %sub3A_851 = arith.subf %mul3A_849, %mul3A_850 : vector<1x1xf32>
    %sub3A_852 = vector.broadcast %mul3A_846 : vector<1x1xf32> to vector<1024x128xf32>
    %sub3A_853 = arith.subf %add3A_400, %sub3A_852 : vector<1024x128xf32>
    %add3A_854 = arith.constant 9.99999974E-6 : f32
    %add3A_855 = vector.broadcast %add3A_854 : f32 to vector<1x1xf32>
    %add3A_856 = arith.addf %sub3A_851, %add3A_855 : vector<1x1xf32>
    %sqrt3A_857 = math.sqrt %add3A_856 : vector<1x1xf32>
    %div3A_858 = vector.broadcast %sqrt3A_857 : vector<1x1xf32> to vector<1024x128xf32>
    %div3A_859 = arith.divf %sub3A_853, %div3A_858 : vector<1024x128xf32>
    %get3A_860 = arith.constant 5 : index
    %get3A_861 = memref.load %arg2[%get3A_860] : memref<10xf32, #tpu.memory_space<smem>>
    %mul3A_862 = vector.broadcast %get3A_861 : f32 to vector<1024x128xf32>
    %mul3A_863 = arith.mulf %div3A_859, %mul3A_862 : vector<1024x128xf32>
    %get3A_864 = arith.constant 5 : index
    %get3A_865 = memref.load %arg3[%get3A_864] : memref<10xf32, #tpu.memory_space<smem>>
    %add3A_866 = vector.broadcast %get3A_865 : f32 to vector<1024x128xf32>
    %add3A_867 = arith.addf %mul3A_863, %add3A_866 : vector<1024x128xf32>
    %max3A_868 = arith.constant 0.000000e+00 : f32
    %max3A_869 = vector.broadcast %max3A_868 : f32 to vector<1024x128xf32>
    %max3A_870 = arith.maximumf %add3A_867, %max3A_869 : vector<1024x128xf32>
    %reduce_sum3A_871 = arith.constant dense<0.000000e+00> : vector<1024xf32>
    %reduce_sum3A_872 = vector.multi_reduction <add>, %add3A_459, %reduce_sum3A_871 [1] : vector<1024x128xf32> to vector<1024xf32>
    %broadcast_in_dim3A_873 = vector.shape_cast %reduce_sum3A_872 : vector<1024xf32> to vector<1024x1xf32>
    %reduce_sum3A_874 = arith.constant dense<0.000000e+00> : vector<1xf32>
    %reduce_sum3A_875 = vector.multi_reduction <add>, %broadcast_in_dim3A_873, %reduce_sum3A_874 [0] : vector<1024x1xf32> to vector<1xf32>
    %broadcast_in_dim3A_876 = vector.shape_cast %reduce_sum3A_875 : vector<1xf32> to vector<1x1xf32>
    %mul3A_877 = arith.mulf %add3A_459, %add3A_459 : vector<1024x128xf32>
    %reduce_sum3A_878 = arith.constant dense<0.000000e+00> : vector<1024xf32>
    %reduce_sum3A_879 = vector.multi_reduction <add>, %mul3A_877, %reduce_sum3A_878 [1] : vector<1024x128xf32> to vector<1024xf32>
    %broadcast_in_dim3A_880 = vector.shape_cast %reduce_sum3A_879 : vector<1024xf32> to vector<1024x1xf32>
    %reduce_sum3A_881 = arith.constant dense<0.000000e+00> : vector<1xf32>
    %reduce_sum3A_882 = vector.multi_reduction <add>, %broadcast_in_dim3A_880, %reduce_sum3A_881 [0] : vector<1024x1xf32> to vector<1xf32>
    %broadcast_in_dim3A_883 = vector.shape_cast %reduce_sum3A_882 : vector<1xf32> to vector<1x1xf32>
    %mul3A_884 = arith.constant 7.62939453E-6 : f32
    %mul3A_885 = vector.broadcast %mul3A_884 : f32 to vector<1x1xf32>
    %mul3A_886 = arith.mulf %broadcast_in_dim3A_876, %mul3A_885 : vector<1x1xf32>
    %mul3A_887 = arith.constant 7.62939453E-6 : f32
    %mul3A_888 = vector.broadcast %mul3A_887 : f32 to vector<1x1xf32>
    %mul3A_889 = arith.mulf %broadcast_in_dim3A_883, %mul3A_888 : vector<1x1xf32>
    %mul3A_890 = arith.mulf %mul3A_886, %mul3A_886 : vector<1x1xf32>
    %sub3A_891 = arith.subf %mul3A_889, %mul3A_890 : vector<1x1xf32>
    %sub3A_892 = vector.broadcast %mul3A_886 : vector<1x1xf32> to vector<1024x128xf32>
    %sub3A_893 = arith.subf %add3A_459, %sub3A_892 : vector<1024x128xf32>
    %add3A_894 = arith.constant 9.99999974E-6 : f32
    %add3A_895 = vector.broadcast %add3A_894 : f32 to vector<1x1xf32>
    %add3A_896 = arith.addf %sub3A_891, %add3A_895 : vector<1x1xf32>
    %sqrt3A_897 = math.sqrt %add3A_896 : vector<1x1xf32>
    %div3A_898 = vector.broadcast %sqrt3A_897 : vector<1x1xf32> to vector<1024x128xf32>
    %div3A_899 = arith.divf %sub3A_893, %div3A_898 : vector<1024x128xf32>
    %get3A_900 = arith.constant 6 : index
    %get3A_901 = memref.load %arg2[%get3A_900] : memref<10xf32, #tpu.memory_space<smem>>
    %mul3A_902 = vector.broadcast %get3A_901 : f32 to vector<1024x128xf32>
    %mul3A_903 = arith.mulf %div3A_899, %mul3A_902 : vector<1024x128xf32>
    %get3A_904 = arith.constant 6 : index
    %get3A_905 = memref.load %arg3[%get3A_904] : memref<10xf32, #tpu.memory_space<smem>>
    %add3A_906 = vector.broadcast %get3A_905 : f32 to vector<1024x128xf32>
    %add3A_907 = arith.addf %mul3A_903, %add3A_906 : vector<1024x128xf32>
    %max3A_908 = arith.constant 0.000000e+00 : f32
    %max3A_909 = vector.broadcast %max3A_908 : f32 to vector<1024x128xf32>
    %max3A_910 = arith.maximumf %add3A_907, %max3A_909 : vector<1024x128xf32>
    %reduce_sum3A_911 = arith.constant dense<0.000000e+00> : vector<1024xf32>
    %reduce_sum3A_912 = vector.multi_reduction <add>, %add3A_518, %reduce_sum3A_911 [1] : vector<1024x128xf32> to vector<1024xf32>
    %broadcast_in_dim3A_913 = vector.shape_cast %reduce_sum3A_912 : vector<1024xf32> to vector<1024x1xf32>
    %reduce_sum3A_914 = arith.constant dense<0.000000e+00> : vector<1xf32>
    %reduce_sum3A_915 = vector.multi_reduction <add>, %broadcast_in_dim3A_913, %reduce_sum3A_914 [0] : vector<1024x1xf32> to vector<1xf32>
    %broadcast_in_dim3A_916 = vector.shape_cast %reduce_sum3A_915 : vector<1xf32> to vector<1x1xf32>
    %mul3A_917 = arith.mulf %add3A_518, %add3A_518 : vector<1024x128xf32>
    %reduce_sum3A_918 = arith.constant dense<0.000000e+00> : vector<1024xf32>
    %reduce_sum3A_919 = vector.multi_reduction <add>, %mul3A_917, %reduce_sum3A_918 [1] : vector<1024x128xf32> to vector<1024xf32>
    %broadcast_in_dim3A_920 = vector.shape_cast %reduce_sum3A_919 : vector<1024xf32> to vector<1024x1xf32>
    %reduce_sum3A_921 = arith.constant dense<0.000000e+00> : vector<1xf32>
    %reduce_sum3A_922 = vector.multi_reduction <add>, %broadcast_in_dim3A_920, %reduce_sum3A_921 [0] : vector<1024x1xf32> to vector<1xf32>
    %broadcast_in_dim3A_923 = vector.shape_cast %reduce_sum3A_922 : vector<1xf32> to vector<1x1xf32>
    %mul3A_924 = arith.constant 7.62939453E-6 : f32
    %mul3A_925 = vector.broadcast %mul3A_924 : f32 to vector<1x1xf32>
    %mul3A_926 = arith.mulf %broadcast_in_dim3A_916, %mul3A_925 : vector<1x1xf32>
    %mul3A_927 = arith.constant 7.62939453E-6 : f32
    %mul3A_928 = vector.broadcast %mul3A_927 : f32 to vector<1x1xf32>
    %mul3A_929 = arith.mulf %broadcast_in_dim3A_923, %mul3A_928 : vector<1x1xf32>
    %mul3A_930 = arith.mulf %mul3A_926, %mul3A_926 : vector<1x1xf32>
    %sub3A_931 = arith.subf %mul3A_929, %mul3A_930 : vector<1x1xf32>
    %sub3A_932 = vector.broadcast %mul3A_926 : vector<1x1xf32> to vector<1024x128xf32>
    %sub3A_933 = arith.subf %add3A_518, %sub3A_932 : vector<1024x128xf32>
    %add3A_934 = arith.constant 9.99999974E-6 : f32
    %add3A_935 = vector.broadcast %add3A_934 : f32 to vector<1x1xf32>
    %add3A_936 = arith.addf %sub3A_931, %add3A_935 : vector<1x1xf32>
    %sqrt3A_937 = math.sqrt %add3A_936 : vector<1x1xf32>
    %div3A_938 = vector.broadcast %sqrt3A_937 : vector<1x1xf32> to vector<1024x128xf32>
    %div3A_939 = arith.divf %sub3A_933, %div3A_938 : vector<1024x128xf32>
    %get3A_940 = arith.constant 7 : index
    %get3A_941 = memref.load %arg2[%get3A_940] : memref<10xf32, #tpu.memory_space<smem>>
    %mul3A_942 = vector.broadcast %get3A_941 : f32 to vector<1024x128xf32>
    %mul3A_943 = arith.mulf %div3A_939, %mul3A_942 : vector<1024x128xf32>
    %get3A_944 = arith.constant 7 : index
    %get3A_945 = memref.load %arg3[%get3A_944] : memref<10xf32, #tpu.memory_space<smem>>
    %add3A_946 = vector.broadcast %get3A_945 : f32 to vector<1024x128xf32>
    %add3A_947 = arith.addf %mul3A_943, %add3A_946 : vector<1024x128xf32>
    %max3A_948 = arith.constant 0.000000e+00 : f32
    %max3A_949 = vector.broadcast %max3A_948 : f32 to vector<1024x128xf32>
    %max3A_950 = arith.maximumf %add3A_947, %max3A_949 : vector<1024x128xf32>
    %reduce_sum3A_951 = arith.constant dense<0.000000e+00> : vector<1024xf32>
    %reduce_sum3A_952 = vector.multi_reduction <add>, %add3A_577, %reduce_sum3A_951 [1] : vector<1024x128xf32> to vector<1024xf32>
    %broadcast_in_dim3A_953 = vector.shape_cast %reduce_sum3A_952 : vector<1024xf32> to vector<1024x1xf32>
    %reduce_sum3A_954 = arith.constant dense<0.000000e+00> : vector<1xf32>
    %reduce_sum3A_955 = vector.multi_reduction <add>, %broadcast_in_dim3A_953, %reduce_sum3A_954 [0] : vector<1024x1xf32> to vector<1xf32>
    %broadcast_in_dim3A_956 = vector.shape_cast %reduce_sum3A_955 : vector<1xf32> to vector<1x1xf32>
    %mul3A_957 = arith.mulf %add3A_577, %add3A_577 : vector<1024x128xf32>
    %reduce_sum3A_958 = arith.constant dense<0.000000e+00> : vector<1024xf32>
    %reduce_sum3A_959 = vector.multi_reduction <add>, %mul3A_957, %reduce_sum3A_958 [1] : vector<1024x128xf32> to vector<1024xf32>
    %broadcast_in_dim3A_960 = vector.shape_cast %reduce_sum3A_959 : vector<1024xf32> to vector<1024x1xf32>
    %reduce_sum3A_961 = arith.constant dense<0.000000e+00> : vector<1xf32>
    %reduce_sum3A_962 = vector.multi_reduction <add>, %broadcast_in_dim3A_960, %reduce_sum3A_961 [0] : vector<1024x1xf32> to vector<1xf32>
    %broadcast_in_dim3A_963 = vector.shape_cast %reduce_sum3A_962 : vector<1xf32> to vector<1x1xf32>
    %mul3A_964 = arith.constant 7.62939453E-6 : f32
    %mul3A_965 = vector.broadcast %mul3A_964 : f32 to vector<1x1xf32>
    %mul3A_966 = arith.mulf %broadcast_in_dim3A_956, %mul3A_965 : vector<1x1xf32>
    %mul3A_967 = arith.constant 7.62939453E-6 : f32
    %mul3A_968 = vector.broadcast %mul3A_967 : f32 to vector<1x1xf32>
    %mul3A_969 = arith.mulf %broadcast_in_dim3A_963, %mul3A_968 : vector<1x1xf32>
    %mul3A_970 = arith.mulf %mul3A_966, %mul3A_966 : vector<1x1xf32>
    %sub3A_971 = arith.subf %mul3A_969, %mul3A_970 : vector<1x1xf32>
    %sub3A_972 = vector.broadcast %mul3A_966 : vector<1x1xf32> to vector<1024x128xf32>
    %sub3A_973 = arith.subf %add3A_577, %sub3A_972 : vector<1024x128xf32>
    %add3A_974 = arith.constant 9.99999974E-6 : f32
    %add3A_975 = vector.broadcast %add3A_974 : f32 to vector<1x1xf32>
    %add3A_976 = arith.addf %sub3A_971, %add3A_975 : vector<1x1xf32>
    %sqrt3A_977 = math.sqrt %add3A_976 : vector<1x1xf32>
    %div3A_978 = vector.broadcast %sqrt3A_977 : vector<1x1xf32> to vector<1024x128xf32>
    %div3A_979 = arith.divf %sub3A_973, %div3A_978 : vector<1024x128xf32>
    %get3A_980 = arith.constant 8 : index
    %get3A_981 = memref.load %arg2[%get3A_980] : memref<10xf32, #tpu.memory_space<smem>>
    %mul3A_982 = vector.broadcast %get3A_981 : f32 to vector<1024x128xf32>
    %mul3A_983 = arith.mulf %div3A_979, %mul3A_982 : vector<1024x128xf32>
    %get3A_984 = arith.constant 8 : index
    %get3A_985 = memref.load %arg3[%get3A_984] : memref<10xf32, #tpu.memory_space<smem>>
    %add3A_986 = vector.broadcast %get3A_985 : f32 to vector<1024x128xf32>
    %add3A_987 = arith.addf %mul3A_983, %add3A_986 : vector<1024x128xf32>
    %max3A_988 = arith.constant 0.000000e+00 : f32
    %max3A_989 = vector.broadcast %max3A_988 : f32 to vector<1024x128xf32>
    %max3A_990 = arith.maximumf %add3A_987, %max3A_989 : vector<1024x128xf32>
    %reduce_sum3A_991 = arith.constant dense<0.000000e+00> : vector<1024xf32>
    %reduce_sum3A_992 = vector.multi_reduction <add>, %add3A_636, %reduce_sum3A_991 [1] : vector<1024x128xf32> to vector<1024xf32>
    %broadcast_in_dim3A_993 = vector.shape_cast %reduce_sum3A_992 : vector<1024xf32> to vector<1024x1xf32>
    %reduce_sum3A_994 = arith.constant dense<0.000000e+00> : vector<1xf32>
    %reduce_sum3A_995 = vector.multi_reduction <add>, %broadcast_in_dim3A_993, %reduce_sum3A_994 [0] : vector<1024x1xf32> to vector<1xf32>
    %broadcast_in_dim3A_996 = vector.shape_cast %reduce_sum3A_995 : vector<1xf32> to vector<1x1xf32>
    %mul3A_997 = arith.mulf %add3A_636, %add3A_636 : vector<1024x128xf32>
    %reduce_sum3A_998 = arith.constant dense<0.000000e+00> : vector<1024xf32>
    %reduce_sum3A_999 = vector.multi_reduction <add>, %mul3A_997, %reduce_sum3A_998 [1] : vector<1024x128xf32> to vector<1024xf32>
    %broadcast_in_dim3A_1000 = vector.shape_cast %reduce_sum3A_999 : vector<1024xf32> to vector<1024x1xf32>
    %reduce_sum3A_1001 = arith.constant dense<0.000000e+00> : vector<1xf32>
    %reduce_sum3A_1002 = vector.multi_reduction <add>, %broadcast_in_dim3A_1000, %reduce_sum3A_1001 [0] : vector<1024x1xf32> to vector<1xf32>
    %broadcast_in_dim3A_1003 = vector.shape_cast %reduce_sum3A_1002 : vector<1xf32> to vector<1x1xf32>
    %mul3A_1004 = arith.constant 7.62939453E-6 : f32
    %mul3A_1005 = vector.broadcast %mul3A_1004 : f32 to vector<1x1xf32>
    %mul3A_1006 = arith.mulf %broadcast_in_dim3A_996, %mul3A_1005 : vector<1x1xf32>
    %mul3A_1007 = arith.constant 7.62939453E-6 : f32
    %mul3A_1008 = vector.broadcast %mul3A_1007 : f32 to vector<1x1xf32>
    %mul3A_1009 = arith.mulf %broadcast_in_dim3A_1003, %mul3A_1008 : vector<1x1xf32>
    %mul3A_1010 = arith.mulf %mul3A_1006, %mul3A_1006 : vector<1x1xf32>
    %sub3A_1011 = arith.subf %mul3A_1009, %mul3A_1010 : vector<1x1xf32>
    %sub3A_1012 = vector.broadcast %mul3A_1006 : vector<1x1xf32> to vector<1024x128xf32>
    %sub3A_1013 = arith.subf %add3A_636, %sub3A_1012 : vector<1024x128xf32>
    %add3A_1014 = arith.constant 9.99999974E-6 : f32
    %add3A_1015 = vector.broadcast %add3A_1014 : f32 to vector<1x1xf32>
    %add3A_1016 = arith.addf %sub3A_1011, %add3A_1015 : vector<1x1xf32>
    %sqrt3A_1017 = math.sqrt %add3A_1016 : vector<1x1xf32>
    %div3A_1018 = vector.broadcast %sqrt3A_1017 : vector<1x1xf32> to vector<1024x128xf32>
    %div3A_1019 = arith.divf %sub3A_1013, %div3A_1018 : vector<1024x128xf32>
    %get3A_1020 = arith.constant 9 : index
    %get3A_1021 = memref.load %arg2[%get3A_1020] : memref<10xf32, #tpu.memory_space<smem>>
    %mul3A_1022 = vector.broadcast %get3A_1021 : f32 to vector<1024x128xf32>
    %mul3A_1023 = arith.mulf %div3A_1019, %mul3A_1022 : vector<1024x128xf32>
    %get3A_1024 = arith.constant 9 : index
    %get3A_1025 = memref.load %arg3[%get3A_1024] : memref<10xf32, #tpu.memory_space<smem>>
    %add3A_1026 = vector.broadcast %get3A_1025 : f32 to vector<1024x128xf32>
    %add3A_1027 = arith.addf %mul3A_1023, %add3A_1026 : vector<1024x128xf32>
    %max3A_1028 = arith.constant 0.000000e+00 : f32
    %max3A_1029 = vector.broadcast %max3A_1028 : f32 to vector<1024x128xf32>
    %max3A_1030 = arith.maximumf %add3A_1027, %max3A_1029 : vector<1024x128xf32>
    %get3A_1031 = arith.constant 0 : index
    %get3A_1032 = arith.constant 0 : index
    %get3A_1033 = memref.load %arg4[%get3A_1031, %get3A_1032] : memref<10x10xf32, #tpu.memory_space<smem>>
    %mul3A_1034 = vector.broadcast %get3A_1033 : f32 to vector<1024x128xf32>
    %mul3A_1035 = arith.mulf %mul3A_1034, %max3A_670 : vector<1024x128xf32>
    %get3A_1036 = arith.constant 0 : index
    %get3A_1037 = arith.constant 1 : index
    %get3A_1038 = memref.load %arg4[%get3A_1036, %get3A_1037] : memref<10x10xf32, #tpu.memory_space<smem>>
    %mul3A_1039 = vector.broadcast %get3A_1038 : f32 to vector<1024x128xf32>
    %mul3A_1040 = arith.mulf %mul3A_1039, %max3A_710 : vector<1024x128xf32>
    %add3A_1041 = arith.addf %mul3A_1035, %mul3A_1040 : vector<1024x128xf32>
    %get3A_1042 = arith.constant 0 : index
    %get3A_1043 = arith.constant 2 : index
    %get3A_1044 = memref.load %arg4[%get3A_1042, %get3A_1043] : memref<10x10xf32, #tpu.memory_space<smem>>
    %mul3A_1045 = vector.broadcast %get3A_1044 : f32 to vector<1024x128xf32>
    %mul3A_1046 = arith.mulf %mul3A_1045, %max3A_750 : vector<1024x128xf32>
    %add3A_1047 = arith.addf %add3A_1041, %mul3A_1046 : vector<1024x128xf32>
    %get3A_1048 = arith.constant 0 : index
    %get3A_1049 = arith.constant 3 : index
    %get3A_1050 = memref.load %arg4[%get3A_1048, %get3A_1049] : memref<10x10xf32, #tpu.memory_space<smem>>
    %mul3A_1051 = vector.broadcast %get3A_1050 : f32 to vector<1024x128xf32>
    %mul3A_1052 = arith.mulf %mul3A_1051, %max3A_790 : vector<1024x128xf32>
    %add3A_1053 = arith.addf %add3A_1047, %mul3A_1052 : vector<1024x128xf32>
    %get3A_1054 = arith.constant 0 : index
    %get3A_1055 = arith.constant 4 : index
    %get3A_1056 = memref.load %arg4[%get3A_1054, %get3A_1055] : memref<10x10xf32, #tpu.memory_space<smem>>
    %mul3A_1057 = vector.broadcast %get3A_1056 : f32 to vector<1024x128xf32>
    %mul3A_1058 = arith.mulf %mul3A_1057, %max3A_830 : vector<1024x128xf32>
    %add3A_1059 = arith.addf %add3A_1053, %mul3A_1058 : vector<1024x128xf32>
    %get3A_1060 = arith.constant 0 : index
    %get3A_1061 = arith.constant 5 : index
    %get3A_1062 = memref.load %arg4[%get3A_1060, %get3A_1061] : memref<10x10xf32, #tpu.memory_space<smem>>
    %mul3A_1063 = vector.broadcast %get3A_1062 : f32 to vector<1024x128xf32>
    %mul3A_1064 = arith.mulf %mul3A_1063, %max3A_870 : vector<1024x128xf32>
    %add3A_1065 = arith.addf %add3A_1059, %mul3A_1064 : vector<1024x128xf32>
    %get3A_1066 = arith.constant 0 : index
    %get3A_1067 = arith.constant 6 : index
    %get3A_1068 = memref.load %arg4[%get3A_1066, %get3A_1067] : memref<10x10xf32, #tpu.memory_space<smem>>
    %mul3A_1069 = vector.broadcast %get3A_1068 : f32 to vector<1024x128xf32>
    %mul3A_1070 = arith.mulf %mul3A_1069, %max3A_910 : vector<1024x128xf32>
    %add3A_1071 = arith.addf %add3A_1065, %mul3A_1070 : vector<1024x128xf32>
    %get3A_1072 = arith.constant 0 : index
    %get3A_1073 = arith.constant 7 : index
    %get3A_1074 = memref.load %arg4[%get3A_1072, %get3A_1073] : memref<10x10xf32, #tpu.memory_space<smem>>
    %mul3A_1075 = vector.broadcast %get3A_1074 : f32 to vector<1024x128xf32>
    %mul3A_1076 = arith.mulf %mul3A_1075, %max3A_950 : vector<1024x128xf32>
    %add3A_1077 = arith.addf %add3A_1071, %mul3A_1076 : vector<1024x128xf32>
    %get3A_1078 = arith.constant 0 : index
    %get3A_1079 = arith.constant 8 : index
    %get3A_1080 = memref.load %arg4[%get3A_1078, %get3A_1079] : memref<10x10xf32, #tpu.memory_space<smem>>
    %mul3A_1081 = vector.broadcast %get3A_1080 : f32 to vector<1024x128xf32>
    %mul3A_1082 = arith.mulf %mul3A_1081, %max3A_990 : vector<1024x128xf32>
    %add3A_1083 = arith.addf %add3A_1077, %mul3A_1082 : vector<1024x128xf32>
    %get3A_1084 = arith.constant 0 : index
    %get3A_1085 = arith.constant 9 : index
    %get3A_1086 = memref.load %arg4[%get3A_1084, %get3A_1085] : memref<10x10xf32, #tpu.memory_space<smem>>
    %mul3A_1087 = vector.broadcast %get3A_1086 : f32 to vector<1024x128xf32>
    %mul3A_1088 = arith.mulf %mul3A_1087, %max3A_1030 : vector<1024x128xf32>
    %add3A_1089 = arith.addf %add3A_1083, %mul3A_1088 : vector<1024x128xf32>
    %get3A_1090 = arith.constant 0 : index
    %get3A_1091 = memref.load %arg5[%get3A_1090] : memref<10xf32, #tpu.memory_space<smem>>
    %add3A_1092 = vector.broadcast %get3A_1091 : f32 to vector<1024x128xf32>
    %add3A_1093 = arith.addf %add3A_1089, %add3A_1092 : vector<1024x128xf32>
    %get3A_1094 = arith.constant 1 : index
    %get3A_1095 = arith.constant 0 : index
    %get3A_1096 = memref.load %arg4[%get3A_1094, %get3A_1095] : memref<10x10xf32, #tpu.memory_space<smem>>
    %mul3A_1097 = vector.broadcast %get3A_1096 : f32 to vector<1024x128xf32>
    %mul3A_1098 = arith.mulf %mul3A_1097, %max3A_670 : vector<1024x128xf32>
    %get3A_1099 = arith.constant 1 : index
    %get3A_1100 = arith.constant 1 : index
    %get3A_1101 = memref.load %arg4[%get3A_1099, %get3A_1100] : memref<10x10xf32, #tpu.memory_space<smem>>
    %mul3A_1102 = vector.broadcast %get3A_1101 : f32 to vector<1024x128xf32>
    %mul3A_1103 = arith.mulf %mul3A_1102, %max3A_710 : vector<1024x128xf32>
    %add3A_1104 = arith.addf %mul3A_1098, %mul3A_1103 : vector<1024x128xf32>
    %get3A_1105 = arith.constant 1 : index
    %get3A_1106 = arith.constant 2 : index
    %get3A_1107 = memref.load %arg4[%get3A_1105, %get3A_1106] : memref<10x10xf32, #tpu.memory_space<smem>>
    %mul3A_1108 = vector.broadcast %get3A_1107 : f32 to vector<1024x128xf32>
    %mul3A_1109 = arith.mulf %mul3A_1108, %max3A_750 : vector<1024x128xf32>
    %add3A_1110 = arith.addf %add3A_1104, %mul3A_1109 : vector<1024x128xf32>
    %get3A_1111 = arith.constant 1 : index
    %get3A_1112 = arith.constant 3 : index
    %get3A_1113 = memref.load %arg4[%get3A_1111, %get3A_1112] : memref<10x10xf32, #tpu.memory_space<smem>>
    %mul3A_1114 = vector.broadcast %get3A_1113 : f32 to vector<1024x128xf32>
    %mul3A_1115 = arith.mulf %mul3A_1114, %max3A_790 : vector<1024x128xf32>
    %add3A_1116 = arith.addf %add3A_1110, %mul3A_1115 : vector<1024x128xf32>
    %get3A_1117 = arith.constant 1 : index
    %get3A_1118 = arith.constant 4 : index
    %get3A_1119 = memref.load %arg4[%get3A_1117, %get3A_1118] : memref<10x10xf32, #tpu.memory_space<smem>>
    %mul3A_1120 = vector.broadcast %get3A_1119 : f32 to vector<1024x128xf32>
    %mul3A_1121 = arith.mulf %mul3A_1120, %max3A_830 : vector<1024x128xf32>
    %add3A_1122 = arith.addf %add3A_1116, %mul3A_1121 : vector<1024x128xf32>
    %get3A_1123 = arith.constant 1 : index
    %get3A_1124 = arith.constant 5 : index
    %get3A_1125 = memref.load %arg4[%get3A_1123, %get3A_1124] : memref<10x10xf32, #tpu.memory_space<smem>>
    %mul3A_1126 = vector.broadcast %get3A_1125 : f32 to vector<1024x128xf32>
    %mul3A_1127 = arith.mulf %mul3A_1126, %max3A_870 : vector<1024x128xf32>
    %add3A_1128 = arith.addf %add3A_1122, %mul3A_1127 : vector<1024x128xf32>
    %get3A_1129 = arith.constant 1 : index
    %get3A_1130 = arith.constant 6 : index
    %get3A_1131 = memref.load %arg4[%get3A_1129, %get3A_1130] : memref<10x10xf32, #tpu.memory_space<smem>>
    %mul3A_1132 = vector.broadcast %get3A_1131 : f32 to vector<1024x128xf32>
    %mul3A_1133 = arith.mulf %mul3A_1132, %max3A_910 : vector<1024x128xf32>
    %add3A_1134 = arith.addf %add3A_1128, %mul3A_1133 : vector<1024x128xf32>
    %get3A_1135 = arith.constant 1 : index
    %get3A_1136 = arith.constant 7 : index
    %get3A_1137 = memref.load %arg4[%get3A_1135, %get3A_1136] : memref<10x10xf32, #tpu.memory_space<smem>>
    %mul3A_1138 = vector.broadcast %get3A_1137 : f32 to vector<1024x128xf32>
    %mul3A_1139 = arith.mulf %mul3A_1138, %max3A_950 : vector<1024x128xf32>
    %add3A_1140 = arith.addf %add3A_1134, %mul3A_1139 : vector<1024x128xf32>
    %get3A_1141 = arith.constant 1 : index
    %get3A_1142 = arith.constant 8 : index
    %get3A_1143 = memref.load %arg4[%get3A_1141, %get3A_1142] : memref<10x10xf32, #tpu.memory_space<smem>>
    %mul3A_1144 = vector.broadcast %get3A_1143 : f32 to vector<1024x128xf32>
    %mul3A_1145 = arith.mulf %mul3A_1144, %max3A_990 : vector<1024x128xf32>
    %add3A_1146 = arith.addf %add3A_1140, %mul3A_1145 : vector<1024x128xf32>
    %get3A_1147 = arith.constant 1 : index
    %get3A_1148 = arith.constant 9 : index
    %get3A_1149 = memref.load %arg4[%get3A_1147, %get3A_1148] : memref<10x10xf32, #tpu.memory_space<smem>>
    %mul3A_1150 = vector.broadcast %get3A_1149 : f32 to vector<1024x128xf32>
    %mul3A_1151 = arith.mulf %mul3A_1150, %max3A_1030 : vector<1024x128xf32>
    %add3A_1152 = arith.addf %add3A_1146, %mul3A_1151 : vector<1024x128xf32>
    %get3A_1153 = arith.constant 1 : index
    %get3A_1154 = memref.load %arg5[%get3A_1153] : memref<10xf32, #tpu.memory_space<smem>>
    %add3A_1155 = vector.broadcast %get3A_1154 : f32 to vector<1024x128xf32>
    %add3A_1156 = arith.addf %add3A_1152, %add3A_1155 : vector<1024x128xf32>
    %get3A_1157 = arith.constant 2 : index
    %get3A_1158 = arith.constant 0 : index
    %get3A_1159 = memref.load %arg4[%get3A_1157, %get3A_1158] : memref<10x10xf32, #tpu.memory_space<smem>>
    %mul3A_1160 = vector.broadcast %get3A_1159 : f32 to vector<1024x128xf32>
    %mul3A_1161 = arith.mulf %mul3A_1160, %max3A_670 : vector<1024x128xf32>
    %get3A_1162 = arith.constant 2 : index
    %get3A_1163 = arith.constant 1 : index
    %get3A_1164 = memref.load %arg4[%get3A_1162, %get3A_1163] : memref<10x10xf32, #tpu.memory_space<smem>>
    %mul3A_1165 = vector.broadcast %get3A_1164 : f32 to vector<1024x128xf32>
    %mul3A_1166 = arith.mulf %mul3A_1165, %max3A_710 : vector<1024x128xf32>
    %add3A_1167 = arith.addf %mul3A_1161, %mul3A_1166 : vector<1024x128xf32>
    %get3A_1168 = arith.constant 2 : index
    %get3A_1169 = arith.constant 2 : index
    %get3A_1170 = memref.load %arg4[%get3A_1168, %get3A_1169] : memref<10x10xf32, #tpu.memory_space<smem>>
    %mul3A_1171 = vector.broadcast %get3A_1170 : f32 to vector<1024x128xf32>
    %mul3A_1172 = arith.mulf %mul3A_1171, %max3A_750 : vector<1024x128xf32>
    %add3A_1173 = arith.addf %add3A_1167, %mul3A_1172 : vector<1024x128xf32>
    %get3A_1174 = arith.constant 2 : index
    %get3A_1175 = arith.constant 3 : index
    %get3A_1176 = memref.load %arg4[%get3A_1174, %get3A_1175] : memref<10x10xf32, #tpu.memory_space<smem>>
    %mul3A_1177 = vector.broadcast %get3A_1176 : f32 to vector<1024x128xf32>
    %mul3A_1178 = arith.mulf %mul3A_1177, %max3A_790 : vector<1024x128xf32>
    %add3A_1179 = arith.addf %add3A_1173, %mul3A_1178 : vector<1024x128xf32>
    %get3A_1180 = arith.constant 2 : index
    %get3A_1181 = arith.constant 4 : index
    %get3A_1182 = memref.load %arg4[%get3A_1180, %get3A_1181] : memref<10x10xf32, #tpu.memory_space<smem>>
    %mul3A_1183 = vector.broadcast %get3A_1182 : f32 to vector<1024x128xf32>
    %mul3A_1184 = arith.mulf %mul3A_1183, %max3A_830 : vector<1024x128xf32>
    %add3A_1185 = arith.addf %add3A_1179, %mul3A_1184 : vector<1024x128xf32>
    %get3A_1186 = arith.constant 2 : index
    %get3A_1187 = arith.constant 5 : index
    %get3A_1188 = memref.load %arg4[%get3A_1186, %get3A_1187] : memref<10x10xf32, #tpu.memory_space<smem>>
    %mul3A_1189 = vector.broadcast %get3A_1188 : f32 to vector<1024x128xf32>
    %mul3A_1190 = arith.mulf %mul3A_1189, %max3A_870 : vector<1024x128xf32>
    %add3A_1191 = arith.addf %add3A_1185, %mul3A_1190 : vector<1024x128xf32>
    %get3A_1192 = arith.constant 2 : index
    %get3A_1193 = arith.constant 6 : index
    %get3A_1194 = memref.load %arg4[%get3A_1192, %get3A_1193] : memref<10x10xf32, #tpu.memory_space<smem>>
    %mul3A_1195 = vector.broadcast %get3A_1194 : f32 to vector<1024x128xf32>
    %mul3A_1196 = arith.mulf %mul3A_1195, %max3A_910 : vector<1024x128xf32>
    %add3A_1197 = arith.addf %add3A_1191, %mul3A_1196 : vector<1024x128xf32>
    %get3A_1198 = arith.constant 2 : index
    %get3A_1199 = arith.constant 7 : index
    %get3A_1200 = memref.load %arg4[%get3A_1198, %get3A_1199] : memref<10x10xf32, #tpu.memory_space<smem>>
    %mul3A_1201 = vector.broadcast %get3A_1200 : f32 to vector<1024x128xf32>
    %mul3A_1202 = arith.mulf %mul3A_1201, %max3A_950 : vector<1024x128xf32>
    %add3A_1203 = arith.addf %add3A_1197, %mul3A_1202 : vector<1024x128xf32>
    %get3A_1204 = arith.constant 2 : index
    %get3A_1205 = arith.constant 8 : index
    %get3A_1206 = memref.load %arg4[%get3A_1204, %get3A_1205] : memref<10x10xf32, #tpu.memory_space<smem>>
    %mul3A_1207 = vector.broadcast %get3A_1206 : f32 to vector<1024x128xf32>
    %mul3A_1208 = arith.mulf %mul3A_1207, %max3A_990 : vector<1024x128xf32>
    %add3A_1209 = arith.addf %add3A_1203, %mul3A_1208 : vector<1024x128xf32>
    %get3A_1210 = arith.constant 2 : index
    %get3A_1211 = arith.constant 9 : index
    %get3A_1212 = memref.load %arg4[%get3A_1210, %get3A_1211] : memref<10x10xf32, #tpu.memory_space<smem>>
    %mul3A_1213 = vector.broadcast %get3A_1212 : f32 to vector<1024x128xf32>
    %mul3A_1214 = arith.mulf %mul3A_1213, %max3A_1030 : vector<1024x128xf32>
    %add3A_1215 = arith.addf %add3A_1209, %mul3A_1214 : vector<1024x128xf32>
    %get3A_1216 = arith.constant 2 : index
    %get3A_1217 = memref.load %arg5[%get3A_1216] : memref<10xf32, #tpu.memory_space<smem>>
    %add3A_1218 = vector.broadcast %get3A_1217 : f32 to vector<1024x128xf32>
    %add3A_1219 = arith.addf %add3A_1215, %add3A_1218 : vector<1024x128xf32>
    %get3A_1220 = arith.constant 3 : index
    %get3A_1221 = arith.constant 0 : index
    %get3A_1222 = memref.load %arg4[%get3A_1220, %get3A_1221] : memref<10x10xf32, #tpu.memory_space<smem>>
    %mul3A_1223 = vector.broadcast %get3A_1222 : f32 to vector<1024x128xf32>
    %mul3A_1224 = arith.mulf %mul3A_1223, %max3A_670 : vector<1024x128xf32>
    %get3A_1225 = arith.constant 3 : index
    %get3A_1226 = arith.constant 1 : index
    %get3A_1227 = memref.load %arg4[%get3A_1225, %get3A_1226] : memref<10x10xf32, #tpu.memory_space<smem>>
    %mul3A_1228 = vector.broadcast %get3A_1227 : f32 to vector<1024x128xf32>
    %mul3A_1229 = arith.mulf %mul3A_1228, %max3A_710 : vector<1024x128xf32>
    %add3A_1230 = arith.addf %mul3A_1224, %mul3A_1229 : vector<1024x128xf32>
    %get3A_1231 = arith.constant 3 : index
    %get3A_1232 = arith.constant 2 : index
    %get3A_1233 = memref.load %arg4[%get3A_1231, %get3A_1232] : memref<10x10xf32, #tpu.memory_space<smem>>
    %mul3A_1234 = vector.broadcast %get3A_1233 : f32 to vector<1024x128xf32>
    %mul3A_1235 = arith.mulf %mul3A_1234, %max3A_750 : vector<1024x128xf32>
    %add3A_1236 = arith.addf %add3A_1230, %mul3A_1235 : vector<1024x128xf32>
    %get3A_1237 = arith.constant 3 : index
    %get3A_1238 = arith.constant 3 : index
    %get3A_1239 = memref.load %arg4[%get3A_1237, %get3A_1238] : memref<10x10xf32, #tpu.memory_space<smem>>
    %mul3A_1240 = vector.broadcast %get3A_1239 : f32 to vector<1024x128xf32>
    %mul3A_1241 = arith.mulf %mul3A_1240, %max3A_790 : vector<1024x128xf32>
    %add3A_1242 = arith.addf %add3A_1236, %mul3A_1241 : vector<1024x128xf32>
    %get3A_1243 = arith.constant 3 : index
    %get3A_1244 = arith.constant 4 : index
    %get3A_1245 = memref.load %arg4[%get3A_1243, %get3A_1244] : memref<10x10xf32, #tpu.memory_space<smem>>
    %mul3A_1246 = vector.broadcast %get3A_1245 : f32 to vector<1024x128xf32>
    %mul3A_1247 = arith.mulf %mul3A_1246, %max3A_830 : vector<1024x128xf32>
    %add3A_1248 = arith.addf %add3A_1242, %mul3A_1247 : vector<1024x128xf32>
    %get3A_1249 = arith.constant 3 : index
    %get3A_1250 = arith.constant 5 : index
    %get3A_1251 = memref.load %arg4[%get3A_1249, %get3A_1250] : memref<10x10xf32, #tpu.memory_space<smem>>
    %mul3A_1252 = vector.broadcast %get3A_1251 : f32 to vector<1024x128xf32>
    %mul3A_1253 = arith.mulf %mul3A_1252, %max3A_870 : vector<1024x128xf32>
    %add3A_1254 = arith.addf %add3A_1248, %mul3A_1253 : vector<1024x128xf32>
    %get3A_1255 = arith.constant 3 : index
    %get3A_1256 = arith.constant 6 : index
    %get3A_1257 = memref.load %arg4[%get3A_1255, %get3A_1256] : memref<10x10xf32, #tpu.memory_space<smem>>
    %mul3A_1258 = vector.broadcast %get3A_1257 : f32 to vector<1024x128xf32>
    %mul3A_1259 = arith.mulf %mul3A_1258, %max3A_910 : vector<1024x128xf32>
    %add3A_1260 = arith.addf %add3A_1254, %mul3A_1259 : vector<1024x128xf32>
    %get3A_1261 = arith.constant 3 : index
    %get3A_1262 = arith.constant 7 : index
    %get3A_1263 = memref.load %arg4[%get3A_1261, %get3A_1262] : memref<10x10xf32, #tpu.memory_space<smem>>
    %mul3A_1264 = vector.broadcast %get3A_1263 : f32 to vector<1024x128xf32>
    %mul3A_1265 = arith.mulf %mul3A_1264, %max3A_950 : vector<1024x128xf32>
    %add3A_1266 = arith.addf %add3A_1260, %mul3A_1265 : vector<1024x128xf32>
    %get3A_1267 = arith.constant 3 : index
    %get3A_1268 = arith.constant 8 : index
    %get3A_1269 = memref.load %arg4[%get3A_1267, %get3A_1268] : memref<10x10xf32, #tpu.memory_space<smem>>
    %mul3A_1270 = vector.broadcast %get3A_1269 : f32 to vector<1024x128xf32>
    %mul3A_1271 = arith.mulf %mul3A_1270, %max3A_990 : vector<1024x128xf32>
    %add3A_1272 = arith.addf %add3A_1266, %mul3A_1271 : vector<1024x128xf32>
    %get3A_1273 = arith.constant 3 : index
    %get3A_1274 = arith.constant 9 : index
    %get3A_1275 = memref.load %arg4[%get3A_1273, %get3A_1274] : memref<10x10xf32, #tpu.memory_space<smem>>
    %mul3A_1276 = vector.broadcast %get3A_1275 : f32 to vector<1024x128xf32>
    %mul3A_1277 = arith.mulf %mul3A_1276, %max3A_1030 : vector<1024x128xf32>
    %add3A_1278 = arith.addf %add3A_1272, %mul3A_1277 : vector<1024x128xf32>
    %get3A_1279 = arith.constant 3 : index
    %get3A_1280 = memref.load %arg5[%get3A_1279] : memref<10xf32, #tpu.memory_space<smem>>
    %add3A_1281 = vector.broadcast %get3A_1280 : f32 to vector<1024x128xf32>
    %add3A_1282 = arith.addf %add3A_1278, %add3A_1281 : vector<1024x128xf32>
    %get3A_1283 = arith.constant 4 : index
    %get3A_1284 = arith.constant 0 : index
    %get3A_1285 = memref.load %arg4[%get3A_1283, %get3A_1284] : memref<10x10xf32, #tpu.memory_space<smem>>
    %mul3A_1286 = vector.broadcast %get3A_1285 : f32 to vector<1024x128xf32>
    %mul3A_1287 = arith.mulf %mul3A_1286, %max3A_670 : vector<1024x128xf32>
    %get3A_1288 = arith.constant 4 : index
    %get3A_1289 = arith.constant 1 : index
    %get3A_1290 = memref.load %arg4[%get3A_1288, %get3A_1289] : memref<10x10xf32, #tpu.memory_space<smem>>
    %mul3A_1291 = vector.broadcast %get3A_1290 : f32 to vector<1024x128xf32>
    %mul3A_1292 = arith.mulf %mul3A_1291, %max3A_710 : vector<1024x128xf32>
    %add3A_1293 = arith.addf %mul3A_1287, %mul3A_1292 : vector<1024x128xf32>
    %get3A_1294 = arith.constant 4 : index
    %get3A_1295 = arith.constant 2 : index
    %get3A_1296 = memref.load %arg4[%get3A_1294, %get3A_1295] : memref<10x10xf32, #tpu.memory_space<smem>>
    %mul3A_1297 = vector.broadcast %get3A_1296 : f32 to vector<1024x128xf32>
    %mul3A_1298 = arith.mulf %mul3A_1297, %max3A_750 : vector<1024x128xf32>
    %add3A_1299 = arith.addf %add3A_1293, %mul3A_1298 : vector<1024x128xf32>
    %get3A_1300 = arith.constant 4 : index
    %get3A_1301 = arith.constant 3 : index
    %get3A_1302 = memref.load %arg4[%get3A_1300, %get3A_1301] : memref<10x10xf32, #tpu.memory_space<smem>>
    %mul3A_1303 = vector.broadcast %get3A_1302 : f32 to vector<1024x128xf32>
    %mul3A_1304 = arith.mulf %mul3A_1303, %max3A_790 : vector<1024x128xf32>
    %add3A_1305 = arith.addf %add3A_1299, %mul3A_1304 : vector<1024x128xf32>
    %get3A_1306 = arith.constant 4 : index
    %get3A_1307 = arith.constant 4 : index
    %get3A_1308 = memref.load %arg4[%get3A_1306, %get3A_1307] : memref<10x10xf32, #tpu.memory_space<smem>>
    %mul3A_1309 = vector.broadcast %get3A_1308 : f32 to vector<1024x128xf32>
    %mul3A_1310 = arith.mulf %mul3A_1309, %max3A_830 : vector<1024x128xf32>
    %add3A_1311 = arith.addf %add3A_1305, %mul3A_1310 : vector<1024x128xf32>
    %get3A_1312 = arith.constant 4 : index
    %get3A_1313 = arith.constant 5 : index
    %get3A_1314 = memref.load %arg4[%get3A_1312, %get3A_1313] : memref<10x10xf32, #tpu.memory_space<smem>>
    %mul3A_1315 = vector.broadcast %get3A_1314 : f32 to vector<1024x128xf32>
    %mul3A_1316 = arith.mulf %mul3A_1315, %max3A_870 : vector<1024x128xf32>
    %add3A_1317 = arith.addf %add3A_1311, %mul3A_1316 : vector<1024x128xf32>
    %get3A_1318 = arith.constant 4 : index
    %get3A_1319 = arith.constant 6 : index
    %get3A_1320 = memref.load %arg4[%get3A_1318, %get3A_1319] : memref<10x10xf32, #tpu.memory_space<smem>>
    %mul3A_1321 = vector.broadcast %get3A_1320 : f32 to vector<1024x128xf32>
    %mul3A_1322 = arith.mulf %mul3A_1321, %max3A_910 : vector<1024x128xf32>
    %add3A_1323 = arith.addf %add3A_1317, %mul3A_1322 : vector<1024x128xf32>
    %get3A_1324 = arith.constant 4 : index
    %get3A_1325 = arith.constant 7 : index
    %get3A_1326 = memref.load %arg4[%get3A_1324, %get3A_1325] : memref<10x10xf32, #tpu.memory_space<smem>>
    %mul3A_1327 = vector.broadcast %get3A_1326 : f32 to vector<1024x128xf32>
    %mul3A_1328 = arith.mulf %mul3A_1327, %max3A_950 : vector<1024x128xf32>
    %add3A_1329 = arith.addf %add3A_1323, %mul3A_1328 : vector<1024x128xf32>
    %get3A_1330 = arith.constant 4 : index
    %get3A_1331 = arith.constant 8 : index
    %get3A_1332 = memref.load %arg4[%get3A_1330, %get3A_1331] : memref<10x10xf32, #tpu.memory_space<smem>>
    %mul3A_1333 = vector.broadcast %get3A_1332 : f32 to vector<1024x128xf32>
    %mul3A_1334 = arith.mulf %mul3A_1333, %max3A_990 : vector<1024x128xf32>
    %add3A_1335 = arith.addf %add3A_1329, %mul3A_1334 : vector<1024x128xf32>
    %get3A_1336 = arith.constant 4 : index
    %get3A_1337 = arith.constant 9 : index
    %get3A_1338 = memref.load %arg4[%get3A_1336, %get3A_1337] : memref<10x10xf32, #tpu.memory_space<smem>>
    %mul3A_1339 = vector.broadcast %get3A_1338 : f32 to vector<1024x128xf32>
    %mul3A_1340 = arith.mulf %mul3A_1339, %max3A_1030 : vector<1024x128xf32>
    %add3A_1341 = arith.addf %add3A_1335, %mul3A_1340 : vector<1024x128xf32>
    %get3A_1342 = arith.constant 4 : index
    %get3A_1343 = memref.load %arg5[%get3A_1342] : memref<10xf32, #tpu.memory_space<smem>>
    %add3A_1344 = vector.broadcast %get3A_1343 : f32 to vector<1024x128xf32>
    %add3A_1345 = arith.addf %add3A_1341, %add3A_1344 : vector<1024x128xf32>
    %get3A_1346 = arith.constant 5 : index
    %get3A_1347 = arith.constant 0 : index
    %get3A_1348 = memref.load %arg4[%get3A_1346, %get3A_1347] : memref<10x10xf32, #tpu.memory_space<smem>>
    %mul3A_1349 = vector.broadcast %get3A_1348 : f32 to vector<1024x128xf32>
    %mul3A_1350 = arith.mulf %mul3A_1349, %max3A_670 : vector<1024x128xf32>
    %get3A_1351 = arith.constant 5 : index
    %get3A_1352 = arith.constant 1 : index
    %get3A_1353 = memref.load %arg4[%get3A_1351, %get3A_1352] : memref<10x10xf32, #tpu.memory_space<smem>>
    %mul3A_1354 = vector.broadcast %get3A_1353 : f32 to vector<1024x128xf32>
    %mul3A_1355 = arith.mulf %mul3A_1354, %max3A_710 : vector<1024x128xf32>
    %add3A_1356 = arith.addf %mul3A_1350, %mul3A_1355 : vector<1024x128xf32>
    %get3A_1357 = arith.constant 5 : index
    %get3A_1358 = arith.constant 2 : index
    %get3A_1359 = memref.load %arg4[%get3A_1357, %get3A_1358] : memref<10x10xf32, #tpu.memory_space<smem>>
    %mul3A_1360 = vector.broadcast %get3A_1359 : f32 to vector<1024x128xf32>
    %mul3A_1361 = arith.mulf %mul3A_1360, %max3A_750 : vector<1024x128xf32>
    %add3A_1362 = arith.addf %add3A_1356, %mul3A_1361 : vector<1024x128xf32>
    %get3A_1363 = arith.constant 5 : index
    %get3A_1364 = arith.constant 3 : index
    %get3A_1365 = memref.load %arg4[%get3A_1363, %get3A_1364] : memref<10x10xf32, #tpu.memory_space<smem>>
    %mul3A_1366 = vector.broadcast %get3A_1365 : f32 to vector<1024x128xf32>
    %mul3A_1367 = arith.mulf %mul3A_1366, %max3A_790 : vector<1024x128xf32>
    %add3A_1368 = arith.addf %add3A_1362, %mul3A_1367 : vector<1024x128xf32>
    %get3A_1369 = arith.constant 5 : index
    %get3A_1370 = arith.constant 4 : index
    %get3A_1371 = memref.load %arg4[%get3A_1369, %get3A_1370] : memref<10x10xf32, #tpu.memory_space<smem>>
    %mul3A_1372 = vector.broadcast %get3A_1371 : f32 to vector<1024x128xf32>
    %mul3A_1373 = arith.mulf %mul3A_1372, %max3A_830 : vector<1024x128xf32>
    %add3A_1374 = arith.addf %add3A_1368, %mul3A_1373 : vector<1024x128xf32>
    %get3A_1375 = arith.constant 5 : index
    %get3A_1376 = arith.constant 5 : index
    %get3A_1377 = memref.load %arg4[%get3A_1375, %get3A_1376] : memref<10x10xf32, #tpu.memory_space<smem>>
    %mul3A_1378 = vector.broadcast %get3A_1377 : f32 to vector<1024x128xf32>
    %mul3A_1379 = arith.mulf %mul3A_1378, %max3A_870 : vector<1024x128xf32>
    %add3A_1380 = arith.addf %add3A_1374, %mul3A_1379 : vector<1024x128xf32>
    %get3A_1381 = arith.constant 5 : index
    %get3A_1382 = arith.constant 6 : index
    %get3A_1383 = memref.load %arg4[%get3A_1381, %get3A_1382] : memref<10x10xf32, #tpu.memory_space<smem>>
    %mul3A_1384 = vector.broadcast %get3A_1383 : f32 to vector<1024x128xf32>
    %mul3A_1385 = arith.mulf %mul3A_1384, %max3A_910 : vector<1024x128xf32>
    %add3A_1386 = arith.addf %add3A_1380, %mul3A_1385 : vector<1024x128xf32>
    %get3A_1387 = arith.constant 5 : index
    %get3A_1388 = arith.constant 7 : index
    %get3A_1389 = memref.load %arg4[%get3A_1387, %get3A_1388] : memref<10x10xf32, #tpu.memory_space<smem>>
    %mul3A_1390 = vector.broadcast %get3A_1389 : f32 to vector<1024x128xf32>
    %mul3A_1391 = arith.mulf %mul3A_1390, %max3A_950 : vector<1024x128xf32>
    %add3A_1392 = arith.addf %add3A_1386, %mul3A_1391 : vector<1024x128xf32>
    %get3A_1393 = arith.constant 5 : index
    %get3A_1394 = arith.constant 8 : index
    %get3A_1395 = memref.load %arg4[%get3A_1393, %get3A_1394] : memref<10x10xf32, #tpu.memory_space<smem>>
    %mul3A_1396 = vector.broadcast %get3A_1395 : f32 to vector<1024x128xf32>
    %mul3A_1397 = arith.mulf %mul3A_1396, %max3A_990 : vector<1024x128xf32>
    %add3A_1398 = arith.addf %add3A_1392, %mul3A_1397 : vector<1024x128xf32>
    %get3A_1399 = arith.constant 5 : index
    %get3A_1400 = arith.constant 9 : index
    %get3A_1401 = memref.load %arg4[%get3A_1399, %get3A_1400] : memref<10x10xf32, #tpu.memory_space<smem>>
    %mul3A_1402 = vector.broadcast %get3A_1401 : f32 to vector<1024x128xf32>
    %mul3A_1403 = arith.mulf %mul3A_1402, %max3A_1030 : vector<1024x128xf32>
    %add3A_1404 = arith.addf %add3A_1398, %mul3A_1403 : vector<1024x128xf32>
    %get3A_1405 = arith.constant 5 : index
    %get3A_1406 = memref.load %arg5[%get3A_1405] : memref<10xf32, #tpu.memory_space<smem>>
    %add3A_1407 = vector.broadcast %get3A_1406 : f32 to vector<1024x128xf32>
    %add3A_1408 = arith.addf %add3A_1404, %add3A_1407 : vector<1024x128xf32>
    %get3A_1409 = arith.constant 6 : index
    %get3A_1410 = arith.constant 0 : index
    %get3A_1411 = memref.load %arg4[%get3A_1409, %get3A_1410] : memref<10x10xf32, #tpu.memory_space<smem>>
    %mul3A_1412 = vector.broadcast %get3A_1411 : f32 to vector<1024x128xf32>
    %mul3A_1413 = arith.mulf %mul3A_1412, %max3A_670 : vector<1024x128xf32>
    %get3A_1414 = arith.constant 6 : index
    %get3A_1415 = arith.constant 1 : index
    %get3A_1416 = memref.load %arg4[%get3A_1414, %get3A_1415] : memref<10x10xf32, #tpu.memory_space<smem>>
    %mul3A_1417 = vector.broadcast %get3A_1416 : f32 to vector<1024x128xf32>
    %mul3A_1418 = arith.mulf %mul3A_1417, %max3A_710 : vector<1024x128xf32>
    %add3A_1419 = arith.addf %mul3A_1413, %mul3A_1418 : vector<1024x128xf32>
    %get3A_1420 = arith.constant 6 : index
    %get3A_1421 = arith.constant 2 : index
    %get3A_1422 = memref.load %arg4[%get3A_1420, %get3A_1421] : memref<10x10xf32, #tpu.memory_space<smem>>
    %mul3A_1423 = vector.broadcast %get3A_1422 : f32 to vector<1024x128xf32>
    %mul3A_1424 = arith.mulf %mul3A_1423, %max3A_750 : vector<1024x128xf32>
    %add3A_1425 = arith.addf %add3A_1419, %mul3A_1424 : vector<1024x128xf32>
    %get3A_1426 = arith.constant 6 : index
    %get3A_1427 = arith.constant 3 : index
    %get3A_1428 = memref.load %arg4[%get3A_1426, %get3A_1427] : memref<10x10xf32, #tpu.memory_space<smem>>
    %mul3A_1429 = vector.broadcast %get3A_1428 : f32 to vector<1024x128xf32>
    %mul3A_1430 = arith.mulf %mul3A_1429, %max3A_790 : vector<1024x128xf32>
    %add3A_1431 = arith.addf %add3A_1425, %mul3A_1430 : vector<1024x128xf32>
    %get3A_1432 = arith.constant 6 : index
    %get3A_1433 = arith.constant 4 : index
    %get3A_1434 = memref.load %arg4[%get3A_1432, %get3A_1433] : memref<10x10xf32, #tpu.memory_space<smem>>
    %mul3A_1435 = vector.broadcast %get3A_1434 : f32 to vector<1024x128xf32>
    %mul3A_1436 = arith.mulf %mul3A_1435, %max3A_830 : vector<1024x128xf32>
    %add3A_1437 = arith.addf %add3A_1431, %mul3A_1436 : vector<1024x128xf32>
    %get3A_1438 = arith.constant 6 : index
    %get3A_1439 = arith.constant 5 : index
    %get3A_1440 = memref.load %arg4[%get3A_1438, %get3A_1439] : memref<10x10xf32, #tpu.memory_space<smem>>
    %mul3A_1441 = vector.broadcast %get3A_1440 : f32 to vector<1024x128xf32>
    %mul3A_1442 = arith.mulf %mul3A_1441, %max3A_870 : vector<1024x128xf32>
    %add3A_1443 = arith.addf %add3A_1437, %mul3A_1442 : vector<1024x128xf32>
    %get3A_1444 = arith.constant 6 : index
    %get3A_1445 = arith.constant 6 : index
    %get3A_1446 = memref.load %arg4[%get3A_1444, %get3A_1445] : memref<10x10xf32, #tpu.memory_space<smem>>
    %mul3A_1447 = vector.broadcast %get3A_1446 : f32 to vector<1024x128xf32>
    %mul3A_1448 = arith.mulf %mul3A_1447, %max3A_910 : vector<1024x128xf32>
    %add3A_1449 = arith.addf %add3A_1443, %mul3A_1448 : vector<1024x128xf32>
    %get3A_1450 = arith.constant 6 : index
    %get3A_1451 = arith.constant 7 : index
    %get3A_1452 = memref.load %arg4[%get3A_1450, %get3A_1451] : memref<10x10xf32, #tpu.memory_space<smem>>
    %mul3A_1453 = vector.broadcast %get3A_1452 : f32 to vector<1024x128xf32>
    %mul3A_1454 = arith.mulf %mul3A_1453, %max3A_950 : vector<1024x128xf32>
    %add3A_1455 = arith.addf %add3A_1449, %mul3A_1454 : vector<1024x128xf32>
    %get3A_1456 = arith.constant 6 : index
    %get3A_1457 = arith.constant 8 : index
    %get3A_1458 = memref.load %arg4[%get3A_1456, %get3A_1457] : memref<10x10xf32, #tpu.memory_space<smem>>
    %mul3A_1459 = vector.broadcast %get3A_1458 : f32 to vector<1024x128xf32>
    %mul3A_1460 = arith.mulf %mul3A_1459, %max3A_990 : vector<1024x128xf32>
    %add3A_1461 = arith.addf %add3A_1455, %mul3A_1460 : vector<1024x128xf32>
    %get3A_1462 = arith.constant 6 : index
    %get3A_1463 = arith.constant 9 : index
    %get3A_1464 = memref.load %arg4[%get3A_1462, %get3A_1463] : memref<10x10xf32, #tpu.memory_space<smem>>
    %mul3A_1465 = vector.broadcast %get3A_1464 : f32 to vector<1024x128xf32>
    %mul3A_1466 = arith.mulf %mul3A_1465, %max3A_1030 : vector<1024x128xf32>
    %add3A_1467 = arith.addf %add3A_1461, %mul3A_1466 : vector<1024x128xf32>
    %get3A_1468 = arith.constant 6 : index
    %get3A_1469 = memref.load %arg5[%get3A_1468] : memref<10xf32, #tpu.memory_space<smem>>
    %add3A_1470 = vector.broadcast %get3A_1469 : f32 to vector<1024x128xf32>
    %add3A_1471 = arith.addf %add3A_1467, %add3A_1470 : vector<1024x128xf32>
    %get3A_1472 = arith.constant 7 : index
    %get3A_1473 = arith.constant 0 : index
    %get3A_1474 = memref.load %arg4[%get3A_1472, %get3A_1473] : memref<10x10xf32, #tpu.memory_space<smem>>
    %mul3A_1475 = vector.broadcast %get3A_1474 : f32 to vector<1024x128xf32>
    %mul3A_1476 = arith.mulf %mul3A_1475, %max3A_670 : vector<1024x128xf32>
    %get3A_1477 = arith.constant 7 : index
    %get3A_1478 = arith.constant 1 : index
    %get3A_1479 = memref.load %arg4[%get3A_1477, %get3A_1478] : memref<10x10xf32, #tpu.memory_space<smem>>
    %mul3A_1480 = vector.broadcast %get3A_1479 : f32 to vector<1024x128xf32>
    %mul3A_1481 = arith.mulf %mul3A_1480, %max3A_710 : vector<1024x128xf32>
    %add3A_1482 = arith.addf %mul3A_1476, %mul3A_1481 : vector<1024x128xf32>
    %get3A_1483 = arith.constant 7 : index
    %get3A_1484 = arith.constant 2 : index
    %get3A_1485 = memref.load %arg4[%get3A_1483, %get3A_1484] : memref<10x10xf32, #tpu.memory_space<smem>>
    %mul3A_1486 = vector.broadcast %get3A_1485 : f32 to vector<1024x128xf32>
    %mul3A_1487 = arith.mulf %mul3A_1486, %max3A_750 : vector<1024x128xf32>
    %add3A_1488 = arith.addf %add3A_1482, %mul3A_1487 : vector<1024x128xf32>
    %get3A_1489 = arith.constant 7 : index
    %get3A_1490 = arith.constant 3 : index
    %get3A_1491 = memref.load %arg4[%get3A_1489, %get3A_1490] : memref<10x10xf32, #tpu.memory_space<smem>>
    %mul3A_1492 = vector.broadcast %get3A_1491 : f32 to vector<1024x128xf32>
    %mul3A_1493 = arith.mulf %mul3A_1492, %max3A_790 : vector<1024x128xf32>
    %add3A_1494 = arith.addf %add3A_1488, %mul3A_1493 : vector<1024x128xf32>
    %get3A_1495 = arith.constant 7 : index
    %get3A_1496 = arith.constant 4 : index
    %get3A_1497 = memref.load %arg4[%get3A_1495, %get3A_1496] : memref<10x10xf32, #tpu.memory_space<smem>>
    %mul3A_1498 = vector.broadcast %get3A_1497 : f32 to vector<1024x128xf32>
    %mul3A_1499 = arith.mulf %mul3A_1498, %max3A_830 : vector<1024x128xf32>
    %add3A_1500 = arith.addf %add3A_1494, %mul3A_1499 : vector<1024x128xf32>
    %get3A_1501 = arith.constant 7 : index
    %get3A_1502 = arith.constant 5 : index
    %get3A_1503 = memref.load %arg4[%get3A_1501, %get3A_1502] : memref<10x10xf32, #tpu.memory_space<smem>>
    %mul3A_1504 = vector.broadcast %get3A_1503 : f32 to vector<1024x128xf32>
    %mul3A_1505 = arith.mulf %mul3A_1504, %max3A_870 : vector<1024x128xf32>
    %add3A_1506 = arith.addf %add3A_1500, %mul3A_1505 : vector<1024x128xf32>
    %get3A_1507 = arith.constant 7 : index
    %get3A_1508 = arith.constant 6 : index
    %get3A_1509 = memref.load %arg4[%get3A_1507, %get3A_1508] : memref<10x10xf32, #tpu.memory_space<smem>>
    %mul3A_1510 = vector.broadcast %get3A_1509 : f32 to vector<1024x128xf32>
    %mul3A_1511 = arith.mulf %mul3A_1510, %max3A_910 : vector<1024x128xf32>
    %add3A_1512 = arith.addf %add3A_1506, %mul3A_1511 : vector<1024x128xf32>
    %get3A_1513 = arith.constant 7 : index
    %get3A_1514 = arith.constant 7 : index
    %get3A_1515 = memref.load %arg4[%get3A_1513, %get3A_1514] : memref<10x10xf32, #tpu.memory_space<smem>>
    %mul3A_1516 = vector.broadcast %get3A_1515 : f32 to vector<1024x128xf32>
    %mul3A_1517 = arith.mulf %mul3A_1516, %max3A_950 : vector<1024x128xf32>
    %add3A_1518 = arith.addf %add3A_1512, %mul3A_1517 : vector<1024x128xf32>
    %get3A_1519 = arith.constant 7 : index
    %get3A_1520 = arith.constant 8 : index
    %get3A_1521 = memref.load %arg4[%get3A_1519, %get3A_1520] : memref<10x10xf32, #tpu.memory_space<smem>>
    %mul3A_1522 = vector.broadcast %get3A_1521 : f32 to vector<1024x128xf32>
    %mul3A_1523 = arith.mulf %mul3A_1522, %max3A_990 : vector<1024x128xf32>
    %add3A_1524 = arith.addf %add3A_1518, %mul3A_1523 : vector<1024x128xf32>
    %get3A_1525 = arith.constant 7 : index
    %get3A_1526 = arith.constant 9 : index
    %get3A_1527 = memref.load %arg4[%get3A_1525, %get3A_1526] : memref<10x10xf32, #tpu.memory_space<smem>>
    %mul3A_1528 = vector.broadcast %get3A_1527 : f32 to vector<1024x128xf32>
    %mul3A_1529 = arith.mulf %mul3A_1528, %max3A_1030 : vector<1024x128xf32>
    %add3A_1530 = arith.addf %add3A_1524, %mul3A_1529 : vector<1024x128xf32>
    %get3A_1531 = arith.constant 7 : index
    %get3A_1532 = memref.load %arg5[%get3A_1531] : memref<10xf32, #tpu.memory_space<smem>>
    %add3A_1533 = vector.broadcast %get3A_1532 : f32 to vector<1024x128xf32>
    %add3A_1534 = arith.addf %add3A_1530, %add3A_1533 : vector<1024x128xf32>
    %get3A_1535 = arith.constant 8 : index
    %get3A_1536 = arith.constant 0 : index
    %get3A_1537 = memref.load %arg4[%get3A_1535, %get3A_1536] : memref<10x10xf32, #tpu.memory_space<smem>>
    %mul3A_1538 = vector.broadcast %get3A_1537 : f32 to vector<1024x128xf32>
    %mul3A_1539 = arith.mulf %mul3A_1538, %max3A_670 : vector<1024x128xf32>
    %get3A_1540 = arith.constant 8 : index
    %get3A_1541 = arith.constant 1 : index
    %get3A_1542 = memref.load %arg4[%get3A_1540, %get3A_1541] : memref<10x10xf32, #tpu.memory_space<smem>>
    %mul3A_1543 = vector.broadcast %get3A_1542 : f32 to vector<1024x128xf32>
    %mul3A_1544 = arith.mulf %mul3A_1543, %max3A_710 : vector<1024x128xf32>
    %add3A_1545 = arith.addf %mul3A_1539, %mul3A_1544 : vector<1024x128xf32>
    %get3A_1546 = arith.constant 8 : index
    %get3A_1547 = arith.constant 2 : index
    %get3A_1548 = memref.load %arg4[%get3A_1546, %get3A_1547] : memref<10x10xf32, #tpu.memory_space<smem>>
    %mul3A_1549 = vector.broadcast %get3A_1548 : f32 to vector<1024x128xf32>
    %mul3A_1550 = arith.mulf %mul3A_1549, %max3A_750 : vector<1024x128xf32>
    %add3A_1551 = arith.addf %add3A_1545, %mul3A_1550 : vector<1024x128xf32>
    %get3A_1552 = arith.constant 8 : index
    %get3A_1553 = arith.constant 3 : index
    %get3A_1554 = memref.load %arg4[%get3A_1552, %get3A_1553] : memref<10x10xf32, #tpu.memory_space<smem>>
    %mul3A_1555 = vector.broadcast %get3A_1554 : f32 to vector<1024x128xf32>
    %mul3A_1556 = arith.mulf %mul3A_1555, %max3A_790 : vector<1024x128xf32>
    %add3A_1557 = arith.addf %add3A_1551, %mul3A_1556 : vector<1024x128xf32>
    %get3A_1558 = arith.constant 8 : index
    %get3A_1559 = arith.constant 4 : index
    %get3A_1560 = memref.load %arg4[%get3A_1558, %get3A_1559] : memref<10x10xf32, #tpu.memory_space<smem>>
    %mul3A_1561 = vector.broadcast %get3A_1560 : f32 to vector<1024x128xf32>
    %mul3A_1562 = arith.mulf %mul3A_1561, %max3A_830 : vector<1024x128xf32>
    %add3A_1563 = arith.addf %add3A_1557, %mul3A_1562 : vector<1024x128xf32>
    %get3A_1564 = arith.constant 8 : index
    %get3A_1565 = arith.constant 5 : index
    %get3A_1566 = memref.load %arg4[%get3A_1564, %get3A_1565] : memref<10x10xf32, #tpu.memory_space<smem>>
    %mul3A_1567 = vector.broadcast %get3A_1566 : f32 to vector<1024x128xf32>
    %mul3A_1568 = arith.mulf %mul3A_1567, %max3A_870 : vector<1024x128xf32>
    %add3A_1569 = arith.addf %add3A_1563, %mul3A_1568 : vector<1024x128xf32>
    %get3A_1570 = arith.constant 8 : index
    %get3A_1571 = arith.constant 6 : index
    %get3A_1572 = memref.load %arg4[%get3A_1570, %get3A_1571] : memref<10x10xf32, #tpu.memory_space<smem>>
    %mul3A_1573 = vector.broadcast %get3A_1572 : f32 to vector<1024x128xf32>
    %mul3A_1574 = arith.mulf %mul3A_1573, %max3A_910 : vector<1024x128xf32>
    %add3A_1575 = arith.addf %add3A_1569, %mul3A_1574 : vector<1024x128xf32>
    %get3A_1576 = arith.constant 8 : index
    %get3A_1577 = arith.constant 7 : index
    %get3A_1578 = memref.load %arg4[%get3A_1576, %get3A_1577] : memref<10x10xf32, #tpu.memory_space<smem>>
    %mul3A_1579 = vector.broadcast %get3A_1578 : f32 to vector<1024x128xf32>
    %mul3A_1580 = arith.mulf %mul3A_1579, %max3A_950 : vector<1024x128xf32>
    %add3A_1581 = arith.addf %add3A_1575, %mul3A_1580 : vector<1024x128xf32>
    %get3A_1582 = arith.constant 8 : index
    %get3A_1583 = arith.constant 8 : index
    %get3A_1584 = memref.load %arg4[%get3A_1582, %get3A_1583] : memref<10x10xf32, #tpu.memory_space<smem>>
    %mul3A_1585 = vector.broadcast %get3A_1584 : f32 to vector<1024x128xf32>
    %mul3A_1586 = arith.mulf %mul3A_1585, %max3A_990 : vector<1024x128xf32>
    %add3A_1587 = arith.addf %add3A_1581, %mul3A_1586 : vector<1024x128xf32>
    %get3A_1588 = arith.constant 8 : index
    %get3A_1589 = arith.constant 9 : index
    %get3A_1590 = memref.load %arg4[%get3A_1588, %get3A_1589] : memref<10x10xf32, #tpu.memory_space<smem>>
    %mul3A_1591 = vector.broadcast %get3A_1590 : f32 to vector<1024x128xf32>
    %mul3A_1592 = arith.mulf %mul3A_1591, %max3A_1030 : vector<1024x128xf32>
    %add3A_1593 = arith.addf %add3A_1587, %mul3A_1592 : vector<1024x128xf32>
    %get3A_1594 = arith.constant 8 : index
    %get3A_1595 = memref.load %arg5[%get3A_1594] : memref<10xf32, #tpu.memory_space<smem>>
    %add3A_1596 = vector.broadcast %get3A_1595 : f32 to vector<1024x128xf32>
    %add3A_1597 = arith.addf %add3A_1593, %add3A_1596 : vector<1024x128xf32>
    %get3A_1598 = arith.constant 9 : index
    %get3A_1599 = arith.constant 0 : index
    %get3A_1600 = memref.load %arg4[%get3A_1598, %get3A_1599] : memref<10x10xf32, #tpu.memory_space<smem>>
    %mul3A_1601 = vector.broadcast %get3A_1600 : f32 to vector<1024x128xf32>
    %mul3A_1602 = arith.mulf %mul3A_1601, %max3A_670 : vector<1024x128xf32>
    %get3A_1603 = arith.constant 9 : index
    %get3A_1604 = arith.constant 1 : index
    %get3A_1605 = memref.load %arg4[%get3A_1603, %get3A_1604] : memref<10x10xf32, #tpu.memory_space<smem>>
    %mul3A_1606 = vector.broadcast %get3A_1605 : f32 to vector<1024x128xf32>
    %mul3A_1607 = arith.mulf %mul3A_1606, %max3A_710 : vector<1024x128xf32>
    %add3A_1608 = arith.addf %mul3A_1602, %mul3A_1607 : vector<1024x128xf32>
    %get3A_1609 = arith.constant 9 : index
    %get3A_1610 = arith.constant 2 : index
    %get3A_1611 = memref.load %arg4[%get3A_1609, %get3A_1610] : memref<10x10xf32, #tpu.memory_space<smem>>
    %mul3A_1612 = vector.broadcast %get3A_1611 : f32 to vector<1024x128xf32>
    %mul3A_1613 = arith.mulf %mul3A_1612, %max3A_750 : vector<1024x128xf32>
    %add3A_1614 = arith.addf %add3A_1608, %mul3A_1613 : vector<1024x128xf32>
    %get3A_1615 = arith.constant 9 : index
    %get3A_1616 = arith.constant 3 : index
    %get3A_1617 = memref.load %arg4[%get3A_1615, %get3A_1616] : memref<10x10xf32, #tpu.memory_space<smem>>
    %mul3A_1618 = vector.broadcast %get3A_1617 : f32 to vector<1024x128xf32>
    %mul3A_1619 = arith.mulf %mul3A_1618, %max3A_790 : vector<1024x128xf32>
    %add3A_1620 = arith.addf %add3A_1614, %mul3A_1619 : vector<1024x128xf32>
    %get3A_1621 = arith.constant 9 : index
    %get3A_1622 = arith.constant 4 : index
    %get3A_1623 = memref.load %arg4[%get3A_1621, %get3A_1622] : memref<10x10xf32, #tpu.memory_space<smem>>
    %mul3A_1624 = vector.broadcast %get3A_1623 : f32 to vector<1024x128xf32>
    %mul3A_1625 = arith.mulf %mul3A_1624, %max3A_830 : vector<1024x128xf32>
    %add3A_1626 = arith.addf %add3A_1620, %mul3A_1625 : vector<1024x128xf32>
    %get3A_1627 = arith.constant 9 : index
    %get3A_1628 = arith.constant 5 : index
    %get3A_1629 = memref.load %arg4[%get3A_1627, %get3A_1628] : memref<10x10xf32, #tpu.memory_space<smem>>
    %mul3A_1630 = vector.broadcast %get3A_1629 : f32 to vector<1024x128xf32>
    %mul3A_1631 = arith.mulf %mul3A_1630, %max3A_870 : vector<1024x128xf32>
    %add3A_1632 = arith.addf %add3A_1626, %mul3A_1631 : vector<1024x128xf32>
    %get3A_1633 = arith.constant 9 : index
    %get3A_1634 = arith.constant 6 : index
    %get3A_1635 = memref.load %arg4[%get3A_1633, %get3A_1634] : memref<10x10xf32, #tpu.memory_space<smem>>
    %mul3A_1636 = vector.broadcast %get3A_1635 : f32 to vector<1024x128xf32>
    %mul3A_1637 = arith.mulf %mul3A_1636, %max3A_910 : vector<1024x128xf32>
    %add3A_1638 = arith.addf %add3A_1632, %mul3A_1637 : vector<1024x128xf32>
    %get3A_1639 = arith.constant 9 : index
    %get3A_1640 = arith.constant 7 : index
    %get3A_1641 = memref.load %arg4[%get3A_1639, %get3A_1640] : memref<10x10xf32, #tpu.memory_space<smem>>
    %mul3A_1642 = vector.broadcast %get3A_1641 : f32 to vector<1024x128xf32>
    %mul3A_1643 = arith.mulf %mul3A_1642, %max3A_950 : vector<1024x128xf32>
    %add3A_1644 = arith.addf %add3A_1638, %mul3A_1643 : vector<1024x128xf32>
    %get3A_1645 = arith.constant 9 : index
    %get3A_1646 = arith.constant 8 : index
    %get3A_1647 = memref.load %arg4[%get3A_1645, %get3A_1646] : memref<10x10xf32, #tpu.memory_space<smem>>
    %mul3A_1648 = vector.broadcast %get3A_1647 : f32 to vector<1024x128xf32>
    %mul3A_1649 = arith.mulf %mul3A_1648, %max3A_990 : vector<1024x128xf32>
    %add3A_1650 = arith.addf %add3A_1644, %mul3A_1649 : vector<1024x128xf32>
    %get3A_1651 = arith.constant 9 : index
    %get3A_1652 = arith.constant 9 : index
    %get3A_1653 = memref.load %arg4[%get3A_1651, %get3A_1652] : memref<10x10xf32, #tpu.memory_space<smem>>
    %mul3A_1654 = vector.broadcast %get3A_1653 : f32 to vector<1024x128xf32>
    %mul3A_1655 = arith.mulf %mul3A_1654, %max3A_1030 : vector<1024x128xf32>
    %add3A_1656 = arith.addf %add3A_1650, %mul3A_1655 : vector<1024x128xf32>
    %get3A_1657 = arith.constant 9 : index
    %get3A_1658 = memref.load %arg5[%get3A_1657] : memref<10xf32, #tpu.memory_space<smem>>
    %add3A_1659 = vector.broadcast %get3A_1658 : f32 to vector<1024x128xf32>
    %add3A_1660 = arith.addf %add3A_1656, %add3A_1659 : vector<1024x128xf32>
    %reduce_sum3A_1661 = arith.constant dense<0.000000e+00> : vector<1024xf32>
    %reduce_sum3A_1662 = vector.multi_reduction <add>, %add3A_1093, %reduce_sum3A_1661 [1] : vector<1024x128xf32> to vector<1024xf32>
    %broadcast_in_dim3A_1663 = vector.shape_cast %reduce_sum3A_1662 : vector<1024xf32> to vector<1024x1xf32>
    %reduce_sum3A_1664 = arith.constant dense<0.000000e+00> : vector<1xf32>
    %reduce_sum3A_1665 = vector.multi_reduction <add>, %broadcast_in_dim3A_1663, %reduce_sum3A_1664 [0] : vector<1024x1xf32> to vector<1xf32>
    %broadcast_in_dim3A_1666 = vector.shape_cast %reduce_sum3A_1665 : vector<1xf32> to vector<1x1xf32>
    %mul3A_1667 = arith.mulf %add3A_1093, %add3A_1093 : vector<1024x128xf32>
    %reduce_sum3A_1668 = arith.constant dense<0.000000e+00> : vector<1024xf32>
    %reduce_sum3A_1669 = vector.multi_reduction <add>, %mul3A_1667, %reduce_sum3A_1668 [1] : vector<1024x128xf32> to vector<1024xf32>
    %broadcast_in_dim3A_1670 = vector.shape_cast %reduce_sum3A_1669 : vector<1024xf32> to vector<1024x1xf32>
    %reduce_sum3A_1671 = arith.constant dense<0.000000e+00> : vector<1xf32>
    %reduce_sum3A_1672 = vector.multi_reduction <add>, %broadcast_in_dim3A_1670, %reduce_sum3A_1671 [0] : vector<1024x1xf32> to vector<1xf32>
    %broadcast_in_dim3A_1673 = vector.shape_cast %reduce_sum3A_1672 : vector<1xf32> to vector<1x1xf32>
    %mul3A_1674 = arith.constant 7.62939453E-6 : f32
    %mul3A_1675 = vector.broadcast %mul3A_1674 : f32 to vector<1x1xf32>
    %mul3A_1676 = arith.mulf %broadcast_in_dim3A_1666, %mul3A_1675 : vector<1x1xf32>
    %mul3A_1677 = arith.constant 7.62939453E-6 : f32
    %mul3A_1678 = vector.broadcast %mul3A_1677 : f32 to vector<1x1xf32>
    %mul3A_1679 = arith.mulf %broadcast_in_dim3A_1673, %mul3A_1678 : vector<1x1xf32>
    %mul3A_1680 = arith.mulf %mul3A_1676, %mul3A_1676 : vector<1x1xf32>
    %sub3A_1681 = arith.subf %mul3A_1679, %mul3A_1680 : vector<1x1xf32>
    %sub3A_1682 = vector.broadcast %mul3A_1676 : vector<1x1xf32> to vector<1024x128xf32>
    %sub3A_1683 = arith.subf %add3A_1093, %sub3A_1682 : vector<1024x128xf32>
    %add3A_1684 = arith.constant 9.99999974E-6 : f32
    %add3A_1685 = vector.broadcast %add3A_1684 : f32 to vector<1x1xf32>
    %add3A_1686 = arith.addf %sub3A_1681, %add3A_1685 : vector<1x1xf32>
    %sqrt3A_1687 = math.sqrt %add3A_1686 : vector<1x1xf32>
    %div3A_1688 = vector.broadcast %sqrt3A_1687 : vector<1x1xf32> to vector<1024x128xf32>
    %div3A_1689 = arith.divf %sub3A_1683, %div3A_1688 : vector<1024x128xf32>
    %get3A_1690 = arith.constant 0 : index
    %get3A_1691 = memref.load %arg6[%get3A_1690] : memref<10xf32, #tpu.memory_space<smem>>
    %mul3A_1692 = vector.broadcast %get3A_1691 : f32 to vector<1024x128xf32>
    %mul3A_1693 = arith.mulf %div3A_1689, %mul3A_1692 : vector<1024x128xf32>
    %get3A_1694 = arith.constant 0 : index
    %get3A_1695 = memref.load %arg7[%get3A_1694] : memref<10xf32, #tpu.memory_space<smem>>
    %add3A_1696 = vector.broadcast %get3A_1695 : f32 to vector<1024x128xf32>
    %add3A_1697 = arith.addf %mul3A_1693, %add3A_1696 : vector<1024x128xf32>
    %max3A_1698 = arith.constant 0.000000e+00 : f32
    %max3A_1699 = vector.broadcast %max3A_1698 : f32 to vector<1024x128xf32>
    %max3A_1700 = arith.maximumf %add3A_1697, %max3A_1699 : vector<1024x128xf32>
    %reduce_sum3A_1701 = arith.constant dense<0.000000e+00> : vector<1024xf32>
    %reduce_sum3A_1702 = vector.multi_reduction <add>, %add3A_1156, %reduce_sum3A_1701 [1] : vector<1024x128xf32> to vector<1024xf32>
    %broadcast_in_dim3A_1703 = vector.shape_cast %reduce_sum3A_1702 : vector<1024xf32> to vector<1024x1xf32>
    %reduce_sum3A_1704 = arith.constant dense<0.000000e+00> : vector<1xf32>
    %reduce_sum3A_1705 = vector.multi_reduction <add>, %broadcast_in_dim3A_1703, %reduce_sum3A_1704 [0] : vector<1024x1xf32> to vector<1xf32>
    %broadcast_in_dim3A_1706 = vector.shape_cast %reduce_sum3A_1705 : vector<1xf32> to vector<1x1xf32>
    %mul3A_1707 = arith.mulf %add3A_1156, %add3A_1156 : vector<1024x128xf32>
    %reduce_sum3A_1708 = arith.constant dense<0.000000e+00> : vector<1024xf32>
    %reduce_sum3A_1709 = vector.multi_reduction <add>, %mul3A_1707, %reduce_sum3A_1708 [1] : vector<1024x128xf32> to vector<1024xf32>
    %broadcast_in_dim3A_1710 = vector.shape_cast %reduce_sum3A_1709 : vector<1024xf32> to vector<1024x1xf32>
    %reduce_sum3A_1711 = arith.constant dense<0.000000e+00> : vector<1xf32>
    %reduce_sum3A_1712 = vector.multi_reduction <add>, %broadcast_in_dim3A_1710, %reduce_sum3A_1711 [0] : vector<1024x1xf32> to vector<1xf32>
    %broadcast_in_dim3A_1713 = vector.shape_cast %reduce_sum3A_1712 : vector<1xf32> to vector<1x1xf32>
    %mul3A_1714 = arith.constant 7.62939453E-6 : f32
    %mul3A_1715 = vector.broadcast %mul3A_1714 : f32 to vector<1x1xf32>
    %mul3A_1716 = arith.mulf %broadcast_in_dim3A_1706, %mul3A_1715 : vector<1x1xf32>
    %mul3A_1717 = arith.constant 7.62939453E-6 : f32
    %mul3A_1718 = vector.broadcast %mul3A_1717 : f32 to vector<1x1xf32>
    %mul3A_1719 = arith.mulf %broadcast_in_dim3A_1713, %mul3A_1718 : vector<1x1xf32>
    %mul3A_1720 = arith.mulf %mul3A_1716, %mul3A_1716 : vector<1x1xf32>
    %sub3A_1721 = arith.subf %mul3A_1719, %mul3A_1720 : vector<1x1xf32>
    %sub3A_1722 = vector.broadcast %mul3A_1716 : vector<1x1xf32> to vector<1024x128xf32>
    %sub3A_1723 = arith.subf %add3A_1156, %sub3A_1722 : vector<1024x128xf32>
    %add3A_1724 = arith.constant 9.99999974E-6 : f32
    %add3A_1725 = vector.broadcast %add3A_1724 : f32 to vector<1x1xf32>
    %add3A_1726 = arith.addf %sub3A_1721, %add3A_1725 : vector<1x1xf32>
    %sqrt3A_1727 = math.sqrt %add3A_1726 : vector<1x1xf32>
    %div3A_1728 = vector.broadcast %sqrt3A_1727 : vector<1x1xf32> to vector<1024x128xf32>
    %div3A_1729 = arith.divf %sub3A_1723, %div3A_1728 : vector<1024x128xf32>
    %get3A_1730 = arith.constant 1 : index
    %get3A_1731 = memref.load %arg6[%get3A_1730] : memref<10xf32, #tpu.memory_space<smem>>
    %mul3A_1732 = vector.broadcast %get3A_1731 : f32 to vector<1024x128xf32>
    %mul3A_1733 = arith.mulf %div3A_1729, %mul3A_1732 : vector<1024x128xf32>
    %get3A_1734 = arith.constant 1 : index
    %get3A_1735 = memref.load %arg7[%get3A_1734] : memref<10xf32, #tpu.memory_space<smem>>
    %add3A_1736 = vector.broadcast %get3A_1735 : f32 to vector<1024x128xf32>
    %add3A_1737 = arith.addf %mul3A_1733, %add3A_1736 : vector<1024x128xf32>
    %max3A_1738 = arith.constant 0.000000e+00 : f32
    %max3A_1739 = vector.broadcast %max3A_1738 : f32 to vector<1024x128xf32>
    %max3A_1740 = arith.maximumf %add3A_1737, %max3A_1739 : vector<1024x128xf32>
    %reduce_sum3A_1741 = arith.constant dense<0.000000e+00> : vector<1024xf32>
    %reduce_sum3A_1742 = vector.multi_reduction <add>, %add3A_1219, %reduce_sum3A_1741 [1] : vector<1024x128xf32> to vector<1024xf32>
    %broadcast_in_dim3A_1743 = vector.shape_cast %reduce_sum3A_1742 : vector<1024xf32> to vector<1024x1xf32>
    %reduce_sum3A_1744 = arith.constant dense<0.000000e+00> : vector<1xf32>
    %reduce_sum3A_1745 = vector.multi_reduction <add>, %broadcast_in_dim3A_1743, %reduce_sum3A_1744 [0] : vector<1024x1xf32> to vector<1xf32>
    %broadcast_in_dim3A_1746 = vector.shape_cast %reduce_sum3A_1745 : vector<1xf32> to vector<1x1xf32>
    %mul3A_1747 = arith.mulf %add3A_1219, %add3A_1219 : vector<1024x128xf32>
    %reduce_sum3A_1748 = arith.constant dense<0.000000e+00> : vector<1024xf32>
    %reduce_sum3A_1749 = vector.multi_reduction <add>, %mul3A_1747, %reduce_sum3A_1748 [1] : vector<1024x128xf32> to vector<1024xf32>
    %broadcast_in_dim3A_1750 = vector.shape_cast %reduce_sum3A_1749 : vector<1024xf32> to vector<1024x1xf32>
    %reduce_sum3A_1751 = arith.constant dense<0.000000e+00> : vector<1xf32>
    %reduce_sum3A_1752 = vector.multi_reduction <add>, %broadcast_in_dim3A_1750, %reduce_sum3A_1751 [0] : vector<1024x1xf32> to vector<1xf32>
    %broadcast_in_dim3A_1753 = vector.shape_cast %reduce_sum3A_1752 : vector<1xf32> to vector<1x1xf32>
    %mul3A_1754 = arith.constant 7.62939453E-6 : f32
    %mul3A_1755 = vector.broadcast %mul3A_1754 : f32 to vector<1x1xf32>
    %mul3A_1756 = arith.mulf %broadcast_in_dim3A_1746, %mul3A_1755 : vector<1x1xf32>
    %mul3A_1757 = arith.constant 7.62939453E-6 : f32
    %mul3A_1758 = vector.broadcast %mul3A_1757 : f32 to vector<1x1xf32>
    %mul3A_1759 = arith.mulf %broadcast_in_dim3A_1753, %mul3A_1758 : vector<1x1xf32>
    %mul3A_1760 = arith.mulf %mul3A_1756, %mul3A_1756 : vector<1x1xf32>
    %sub3A_1761 = arith.subf %mul3A_1759, %mul3A_1760 : vector<1x1xf32>
    %sub3A_1762 = vector.broadcast %mul3A_1756 : vector<1x1xf32> to vector<1024x128xf32>
    %sub3A_1763 = arith.subf %add3A_1219, %sub3A_1762 : vector<1024x128xf32>
    %add3A_1764 = arith.constant 9.99999974E-6 : f32
    %add3A_1765 = vector.broadcast %add3A_1764 : f32 to vector<1x1xf32>
    %add3A_1766 = arith.addf %sub3A_1761, %add3A_1765 : vector<1x1xf32>
    %sqrt3A_1767 = math.sqrt %add3A_1766 : vector<1x1xf32>
    %div3A_1768 = vector.broadcast %sqrt3A_1767 : vector<1x1xf32> to vector<1024x128xf32>
    %div3A_1769 = arith.divf %sub3A_1763, %div3A_1768 : vector<1024x128xf32>
    %get3A_1770 = arith.constant 2 : index
    %get3A_1771 = memref.load %arg6[%get3A_1770] : memref<10xf32, #tpu.memory_space<smem>>
    %mul3A_1772 = vector.broadcast %get3A_1771 : f32 to vector<1024x128xf32>
    %mul3A_1773 = arith.mulf %div3A_1769, %mul3A_1772 : vector<1024x128xf32>
    %get3A_1774 = arith.constant 2 : index
    %get3A_1775 = memref.load %arg7[%get3A_1774] : memref<10xf32, #tpu.memory_space<smem>>
    %add3A_1776 = vector.broadcast %get3A_1775 : f32 to vector<1024x128xf32>
    %add3A_1777 = arith.addf %mul3A_1773, %add3A_1776 : vector<1024x128xf32>
    %max3A_1778 = arith.constant 0.000000e+00 : f32
    %max3A_1779 = vector.broadcast %max3A_1778 : f32 to vector<1024x128xf32>
    %max3A_1780 = arith.maximumf %add3A_1777, %max3A_1779 : vector<1024x128xf32>
    %reduce_sum3A_1781 = arith.constant dense<0.000000e+00> : vector<1024xf32>
    %reduce_sum3A_1782 = vector.multi_reduction <add>, %add3A_1282, %reduce_sum3A_1781 [1] : vector<1024x128xf32> to vector<1024xf32>
    %broadcast_in_dim3A_1783 = vector.shape_cast %reduce_sum3A_1782 : vector<1024xf32> to vector<1024x1xf32>
    %reduce_sum3A_1784 = arith.constant dense<0.000000e+00> : vector<1xf32>
    %reduce_sum3A_1785 = vector.multi_reduction <add>, %broadcast_in_dim3A_1783, %reduce_sum3A_1784 [0] : vector<1024x1xf32> to vector<1xf32>
    %broadcast_in_dim3A_1786 = vector.shape_cast %reduce_sum3A_1785 : vector<1xf32> to vector<1x1xf32>
    %mul3A_1787 = arith.mulf %add3A_1282, %add3A_1282 : vector<1024x128xf32>
    %reduce_sum3A_1788 = arith.constant dense<0.000000e+00> : vector<1024xf32>
    %reduce_sum3A_1789 = vector.multi_reduction <add>, %mul3A_1787, %reduce_sum3A_1788 [1] : vector<1024x128xf32> to vector<1024xf32>
    %broadcast_in_dim3A_1790 = vector.shape_cast %reduce_sum3A_1789 : vector<1024xf32> to vector<1024x1xf32>
    %reduce_sum3A_1791 = arith.constant dense<0.000000e+00> : vector<1xf32>
    %reduce_sum3A_1792 = vector.multi_reduction <add>, %broadcast_in_dim3A_1790, %reduce_sum3A_1791 [0] : vector<1024x1xf32> to vector<1xf32>
    %broadcast_in_dim3A_1793 = vector.shape_cast %reduce_sum3A_1792 : vector<1xf32> to vector<1x1xf32>
    %mul3A_1794 = arith.constant 7.62939453E-6 : f32
    %mul3A_1795 = vector.broadcast %mul3A_1794 : f32 to vector<1x1xf32>
    %mul3A_1796 = arith.mulf %broadcast_in_dim3A_1786, %mul3A_1795 : vector<1x1xf32>
    %mul3A_1797 = arith.constant 7.62939453E-6 : f32
    %mul3A_1798 = vector.broadcast %mul3A_1797 : f32 to vector<1x1xf32>
    %mul3A_1799 = arith.mulf %broadcast_in_dim3A_1793, %mul3A_1798 : vector<1x1xf32>
    %mul3A_1800 = arith.mulf %mul3A_1796, %mul3A_1796 : vector<1x1xf32>
    %sub3A_1801 = arith.subf %mul3A_1799, %mul3A_1800 : vector<1x1xf32>
    %sub3A_1802 = vector.broadcast %mul3A_1796 : vector<1x1xf32> to vector<1024x128xf32>
    %sub3A_1803 = arith.subf %add3A_1282, %sub3A_1802 : vector<1024x128xf32>
    %add3A_1804 = arith.constant 9.99999974E-6 : f32
    %add3A_1805 = vector.broadcast %add3A_1804 : f32 to vector<1x1xf32>
    %add3A_1806 = arith.addf %sub3A_1801, %add3A_1805 : vector<1x1xf32>
    %sqrt3A_1807 = math.sqrt %add3A_1806 : vector<1x1xf32>
    %div3A_1808 = vector.broadcast %sqrt3A_1807 : vector<1x1xf32> to vector<1024x128xf32>
    %div3A_1809 = arith.divf %sub3A_1803, %div3A_1808 : vector<1024x128xf32>
    %get3A_1810 = arith.constant 3 : index
    %get3A_1811 = memref.load %arg6[%get3A_1810] : memref<10xf32, #tpu.memory_space<smem>>
    %mul3A_1812 = vector.broadcast %get3A_1811 : f32 to vector<1024x128xf32>
    %mul3A_1813 = arith.mulf %div3A_1809, %mul3A_1812 : vector<1024x128xf32>
    %get3A_1814 = arith.constant 3 : index
    %get3A_1815 = memref.load %arg7[%get3A_1814] : memref<10xf32, #tpu.memory_space<smem>>
    %add3A_1816 = vector.broadcast %get3A_1815 : f32 to vector<1024x128xf32>
    %add3A_1817 = arith.addf %mul3A_1813, %add3A_1816 : vector<1024x128xf32>
    %max3A_1818 = arith.constant 0.000000e+00 : f32
    %max3A_1819 = vector.broadcast %max3A_1818 : f32 to vector<1024x128xf32>
    %max3A_1820 = arith.maximumf %add3A_1817, %max3A_1819 : vector<1024x128xf32>
    %reduce_sum3A_1821 = arith.constant dense<0.000000e+00> : vector<1024xf32>
    %reduce_sum3A_1822 = vector.multi_reduction <add>, %add3A_1345, %reduce_sum3A_1821 [1] : vector<1024x128xf32> to vector<1024xf32>
    %broadcast_in_dim3A_1823 = vector.shape_cast %reduce_sum3A_1822 : vector<1024xf32> to vector<1024x1xf32>
    %reduce_sum3A_1824 = arith.constant dense<0.000000e+00> : vector<1xf32>
    %reduce_sum3A_1825 = vector.multi_reduction <add>, %broadcast_in_dim3A_1823, %reduce_sum3A_1824 [0] : vector<1024x1xf32> to vector<1xf32>
    %broadcast_in_dim3A_1826 = vector.shape_cast %reduce_sum3A_1825 : vector<1xf32> to vector<1x1xf32>
    %mul3A_1827 = arith.mulf %add3A_1345, %add3A_1345 : vector<1024x128xf32>
    %reduce_sum3A_1828 = arith.constant dense<0.000000e+00> : vector<1024xf32>
    %reduce_sum3A_1829 = vector.multi_reduction <add>, %mul3A_1827, %reduce_sum3A_1828 [1] : vector<1024x128xf32> to vector<1024xf32>
    %broadcast_in_dim3A_1830 = vector.shape_cast %reduce_sum3A_1829 : vector<1024xf32> to vector<1024x1xf32>
    %reduce_sum3A_1831 = arith.constant dense<0.000000e+00> : vector<1xf32>
    %reduce_sum3A_1832 = vector.multi_reduction <add>, %broadcast_in_dim3A_1830, %reduce_sum3A_1831 [0] : vector<1024x1xf32> to vector<1xf32>
    %broadcast_in_dim3A_1833 = vector.shape_cast %reduce_sum3A_1832 : vector<1xf32> to vector<1x1xf32>
    %mul3A_1834 = arith.constant 7.62939453E-6 : f32
    %mul3A_1835 = vector.broadcast %mul3A_1834 : f32 to vector<1x1xf32>
    %mul3A_1836 = arith.mulf %broadcast_in_dim3A_1826, %mul3A_1835 : vector<1x1xf32>
    %mul3A_1837 = arith.constant 7.62939453E-6 : f32
    %mul3A_1838 = vector.broadcast %mul3A_1837 : f32 to vector<1x1xf32>
    %mul3A_1839 = arith.mulf %broadcast_in_dim3A_1833, %mul3A_1838 : vector<1x1xf32>
    %mul3A_1840 = arith.mulf %mul3A_1836, %mul3A_1836 : vector<1x1xf32>
    %sub3A_1841 = arith.subf %mul3A_1839, %mul3A_1840 : vector<1x1xf32>
    %sub3A_1842 = vector.broadcast %mul3A_1836 : vector<1x1xf32> to vector<1024x128xf32>
    %sub3A_1843 = arith.subf %add3A_1345, %sub3A_1842 : vector<1024x128xf32>
    %add3A_1844 = arith.constant 9.99999974E-6 : f32
    %add3A_1845 = vector.broadcast %add3A_1844 : f32 to vector<1x1xf32>
    %add3A_1846 = arith.addf %sub3A_1841, %add3A_1845 : vector<1x1xf32>
    %sqrt3A_1847 = math.sqrt %add3A_1846 : vector<1x1xf32>
    %div3A_1848 = vector.broadcast %sqrt3A_1847 : vector<1x1xf32> to vector<1024x128xf32>
    %div3A_1849 = arith.divf %sub3A_1843, %div3A_1848 : vector<1024x128xf32>
    %get3A_1850 = arith.constant 4 : index
    %get3A_1851 = memref.load %arg6[%get3A_1850] : memref<10xf32, #tpu.memory_space<smem>>
    %mul3A_1852 = vector.broadcast %get3A_1851 : f32 to vector<1024x128xf32>
    %mul3A_1853 = arith.mulf %div3A_1849, %mul3A_1852 : vector<1024x128xf32>
    %get3A_1854 = arith.constant 4 : index
    %get3A_1855 = memref.load %arg7[%get3A_1854] : memref<10xf32, #tpu.memory_space<smem>>
    %add3A_1856 = vector.broadcast %get3A_1855 : f32 to vector<1024x128xf32>
    %add3A_1857 = arith.addf %mul3A_1853, %add3A_1856 : vector<1024x128xf32>
    %max3A_1858 = arith.constant 0.000000e+00 : f32
    %max3A_1859 = vector.broadcast %max3A_1858 : f32 to vector<1024x128xf32>
    %max3A_1860 = arith.maximumf %add3A_1857, %max3A_1859 : vector<1024x128xf32>
    %reduce_sum3A_1861 = arith.constant dense<0.000000e+00> : vector<1024xf32>
    %reduce_sum3A_1862 = vector.multi_reduction <add>, %add3A_1408, %reduce_sum3A_1861 [1] : vector<1024x128xf32> to vector<1024xf32>
    %broadcast_in_dim3A_1863 = vector.shape_cast %reduce_sum3A_1862 : vector<1024xf32> to vector<1024x1xf32>
    %reduce_sum3A_1864 = arith.constant dense<0.000000e+00> : vector<1xf32>
    %reduce_sum3A_1865 = vector.multi_reduction <add>, %broadcast_in_dim3A_1863, %reduce_sum3A_1864 [0] : vector<1024x1xf32> to vector<1xf32>
    %broadcast_in_dim3A_1866 = vector.shape_cast %reduce_sum3A_1865 : vector<1xf32> to vector<1x1xf32>
    %mul3A_1867 = arith.mulf %add3A_1408, %add3A_1408 : vector<1024x128xf32>
    %reduce_sum3A_1868 = arith.constant dense<0.000000e+00> : vector<1024xf32>
    %reduce_sum3A_1869 = vector.multi_reduction <add>, %mul3A_1867, %reduce_sum3A_1868 [1] : vector<1024x128xf32> to vector<1024xf32>
    %broadcast_in_dim3A_1870 = vector.shape_cast %reduce_sum3A_1869 : vector<1024xf32> to vector<1024x1xf32>
    %reduce_sum3A_1871 = arith.constant dense<0.000000e+00> : vector<1xf32>
    %reduce_sum3A_1872 = vector.multi_reduction <add>, %broadcast_in_dim3A_1870, %reduce_sum3A_1871 [0] : vector<1024x1xf32> to vector<1xf32>
    %broadcast_in_dim3A_1873 = vector.shape_cast %reduce_sum3A_1872 : vector<1xf32> to vector<1x1xf32>
    %mul3A_1874 = arith.constant 7.62939453E-6 : f32
    %mul3A_1875 = vector.broadcast %mul3A_1874 : f32 to vector<1x1xf32>
    %mul3A_1876 = arith.mulf %broadcast_in_dim3A_1866, %mul3A_1875 : vector<1x1xf32>
    %mul3A_1877 = arith.constant 7.62939453E-6 : f32
    %mul3A_1878 = vector.broadcast %mul3A_1877 : f32 to vector<1x1xf32>
    %mul3A_1879 = arith.mulf %broadcast_in_dim3A_1873, %mul3A_1878 : vector<1x1xf32>
    %mul3A_1880 = arith.mulf %mul3A_1876, %mul3A_1876 : vector<1x1xf32>
    %sub3A_1881 = arith.subf %mul3A_1879, %mul3A_1880 : vector<1x1xf32>
    %sub3A_1882 = vector.broadcast %mul3A_1876 : vector<1x1xf32> to vector<1024x128xf32>
    %sub3A_1883 = arith.subf %add3A_1408, %sub3A_1882 : vector<1024x128xf32>
    %add3A_1884 = arith.constant 9.99999974E-6 : f32
    %add3A_1885 = vector.broadcast %add3A_1884 : f32 to vector<1x1xf32>
    %add3A_1886 = arith.addf %sub3A_1881, %add3A_1885 : vector<1x1xf32>
    %sqrt3A_1887 = math.sqrt %add3A_1886 : vector<1x1xf32>
    %div3A_1888 = vector.broadcast %sqrt3A_1887 : vector<1x1xf32> to vector<1024x128xf32>
    %div3A_1889 = arith.divf %sub3A_1883, %div3A_1888 : vector<1024x128xf32>
    %get3A_1890 = arith.constant 5 : index
    %get3A_1891 = memref.load %arg6[%get3A_1890] : memref<10xf32, #tpu.memory_space<smem>>
    %mul3A_1892 = vector.broadcast %get3A_1891 : f32 to vector<1024x128xf32>
    %mul3A_1893 = arith.mulf %div3A_1889, %mul3A_1892 : vector<1024x128xf32>
    %get3A_1894 = arith.constant 5 : index
    %get3A_1895 = memref.load %arg7[%get3A_1894] : memref<10xf32, #tpu.memory_space<smem>>
    %add3A_1896 = vector.broadcast %get3A_1895 : f32 to vector<1024x128xf32>
    %add3A_1897 = arith.addf %mul3A_1893, %add3A_1896 : vector<1024x128xf32>
    %max3A_1898 = arith.constant 0.000000e+00 : f32
    %max3A_1899 = vector.broadcast %max3A_1898 : f32 to vector<1024x128xf32>
    %max3A_1900 = arith.maximumf %add3A_1897, %max3A_1899 : vector<1024x128xf32>
    %reduce_sum3A_1901 = arith.constant dense<0.000000e+00> : vector<1024xf32>
    %reduce_sum3A_1902 = vector.multi_reduction <add>, %add3A_1471, %reduce_sum3A_1901 [1] : vector<1024x128xf32> to vector<1024xf32>
    %broadcast_in_dim3A_1903 = vector.shape_cast %reduce_sum3A_1902 : vector<1024xf32> to vector<1024x1xf32>
    %reduce_sum3A_1904 = arith.constant dense<0.000000e+00> : vector<1xf32>
    %reduce_sum3A_1905 = vector.multi_reduction <add>, %broadcast_in_dim3A_1903, %reduce_sum3A_1904 [0] : vector<1024x1xf32> to vector<1xf32>
    %broadcast_in_dim3A_1906 = vector.shape_cast %reduce_sum3A_1905 : vector<1xf32> to vector<1x1xf32>
    %mul3A_1907 = arith.mulf %add3A_1471, %add3A_1471 : vector<1024x128xf32>
    %reduce_sum3A_1908 = arith.constant dense<0.000000e+00> : vector<1024xf32>
    %reduce_sum3A_1909 = vector.multi_reduction <add>, %mul3A_1907, %reduce_sum3A_1908 [1] : vector<1024x128xf32> to vector<1024xf32>
    %broadcast_in_dim3A_1910 = vector.shape_cast %reduce_sum3A_1909 : vector<1024xf32> to vector<1024x1xf32>
    %reduce_sum3A_1911 = arith.constant dense<0.000000e+00> : vector<1xf32>
    %reduce_sum3A_1912 = vector.multi_reduction <add>, %broadcast_in_dim3A_1910, %reduce_sum3A_1911 [0] : vector<1024x1xf32> to vector<1xf32>
    %broadcast_in_dim3A_1913 = vector.shape_cast %reduce_sum3A_1912 : vector<1xf32> to vector<1x1xf32>
    %mul3A_1914 = arith.constant 7.62939453E-6 : f32
    %mul3A_1915 = vector.broadcast %mul3A_1914 : f32 to vector<1x1xf32>
    %mul3A_1916 = arith.mulf %broadcast_in_dim3A_1906, %mul3A_1915 : vector<1x1xf32>
    %mul3A_1917 = arith.constant 7.62939453E-6 : f32
    %mul3A_1918 = vector.broadcast %mul3A_1917 : f32 to vector<1x1xf32>
    %mul3A_1919 = arith.mulf %broadcast_in_dim3A_1913, %mul3A_1918 : vector<1x1xf32>
    %mul3A_1920 = arith.mulf %mul3A_1916, %mul3A_1916 : vector<1x1xf32>
    %sub3A_1921 = arith.subf %mul3A_1919, %mul3A_1920 : vector<1x1xf32>
    %sub3A_1922 = vector.broadcast %mul3A_1916 : vector<1x1xf32> to vector<1024x128xf32>
    %sub3A_1923 = arith.subf %add3A_1471, %sub3A_1922 : vector<1024x128xf32>
    %add3A_1924 = arith.constant 9.99999974E-6 : f32
    %add3A_1925 = vector.broadcast %add3A_1924 : f32 to vector<1x1xf32>
    %add3A_1926 = arith.addf %sub3A_1921, %add3A_1925 : vector<1x1xf32>
    %sqrt3A_1927 = math.sqrt %add3A_1926 : vector<1x1xf32>
    %div3A_1928 = vector.broadcast %sqrt3A_1927 : vector<1x1xf32> to vector<1024x128xf32>
    %div3A_1929 = arith.divf %sub3A_1923, %div3A_1928 : vector<1024x128xf32>
    %get3A_1930 = arith.constant 6 : index
    %get3A_1931 = memref.load %arg6[%get3A_1930] : memref<10xf32, #tpu.memory_space<smem>>
    %mul3A_1932 = vector.broadcast %get3A_1931 : f32 to vector<1024x128xf32>
    %mul3A_1933 = arith.mulf %div3A_1929, %mul3A_1932 : vector<1024x128xf32>
    %get3A_1934 = arith.constant 6 : index
    %get3A_1935 = memref.load %arg7[%get3A_1934] : memref<10xf32, #tpu.memory_space<smem>>
    %add3A_1936 = vector.broadcast %get3A_1935 : f32 to vector<1024x128xf32>
    %add3A_1937 = arith.addf %mul3A_1933, %add3A_1936 : vector<1024x128xf32>
    %max3A_1938 = arith.constant 0.000000e+00 : f32
    %max3A_1939 = vector.broadcast %max3A_1938 : f32 to vector<1024x128xf32>
    %max3A_1940 = arith.maximumf %add3A_1937, %max3A_1939 : vector<1024x128xf32>
    %reduce_sum3A_1941 = arith.constant dense<0.000000e+00> : vector<1024xf32>
    %reduce_sum3A_1942 = vector.multi_reduction <add>, %add3A_1534, %reduce_sum3A_1941 [1] : vector<1024x128xf32> to vector<1024xf32>
    %broadcast_in_dim3A_1943 = vector.shape_cast %reduce_sum3A_1942 : vector<1024xf32> to vector<1024x1xf32>
    %reduce_sum3A_1944 = arith.constant dense<0.000000e+00> : vector<1xf32>
    %reduce_sum3A_1945 = vector.multi_reduction <add>, %broadcast_in_dim3A_1943, %reduce_sum3A_1944 [0] : vector<1024x1xf32> to vector<1xf32>
    %broadcast_in_dim3A_1946 = vector.shape_cast %reduce_sum3A_1945 : vector<1xf32> to vector<1x1xf32>
    %mul3A_1947 = arith.mulf %add3A_1534, %add3A_1534 : vector<1024x128xf32>
    %reduce_sum3A_1948 = arith.constant dense<0.000000e+00> : vector<1024xf32>
    %reduce_sum3A_1949 = vector.multi_reduction <add>, %mul3A_1947, %reduce_sum3A_1948 [1] : vector<1024x128xf32> to vector<1024xf32>
    %broadcast_in_dim3A_1950 = vector.shape_cast %reduce_sum3A_1949 : vector<1024xf32> to vector<1024x1xf32>
    %reduce_sum3A_1951 = arith.constant dense<0.000000e+00> : vector<1xf32>
    %reduce_sum3A_1952 = vector.multi_reduction <add>, %broadcast_in_dim3A_1950, %reduce_sum3A_1951 [0] : vector<1024x1xf32> to vector<1xf32>
    %broadcast_in_dim3A_1953 = vector.shape_cast %reduce_sum3A_1952 : vector<1xf32> to vector<1x1xf32>
    %mul3A_1954 = arith.constant 7.62939453E-6 : f32
    %mul3A_1955 = vector.broadcast %mul3A_1954 : f32 to vector<1x1xf32>
    %mul3A_1956 = arith.mulf %broadcast_in_dim3A_1946, %mul3A_1955 : vector<1x1xf32>
    %mul3A_1957 = arith.constant 7.62939453E-6 : f32
    %mul3A_1958 = vector.broadcast %mul3A_1957 : f32 to vector<1x1xf32>
    %mul3A_1959 = arith.mulf %broadcast_in_dim3A_1953, %mul3A_1958 : vector<1x1xf32>
    %mul3A_1960 = arith.mulf %mul3A_1956, %mul3A_1956 : vector<1x1xf32>
    %sub3A_1961 = arith.subf %mul3A_1959, %mul3A_1960 : vector<1x1xf32>
    %sub3A_1962 = vector.broadcast %mul3A_1956 : vector<1x1xf32> to vector<1024x128xf32>
    %sub3A_1963 = arith.subf %add3A_1534, %sub3A_1962 : vector<1024x128xf32>
    %add3A_1964 = arith.constant 9.99999974E-6 : f32
    %add3A_1965 = vector.broadcast %add3A_1964 : f32 to vector<1x1xf32>
    %add3A_1966 = arith.addf %sub3A_1961, %add3A_1965 : vector<1x1xf32>
    %sqrt3A_1967 = math.sqrt %add3A_1966 : vector<1x1xf32>
    %div3A_1968 = vector.broadcast %sqrt3A_1967 : vector<1x1xf32> to vector<1024x128xf32>
    %div3A_1969 = arith.divf %sub3A_1963, %div3A_1968 : vector<1024x128xf32>
    %get3A_1970 = arith.constant 7 : index
    %get3A_1971 = memref.load %arg6[%get3A_1970] : memref<10xf32, #tpu.memory_space<smem>>
    %mul3A_1972 = vector.broadcast %get3A_1971 : f32 to vector<1024x128xf32>
    %mul3A_1973 = arith.mulf %div3A_1969, %mul3A_1972 : vector<1024x128xf32>
    %get3A_1974 = arith.constant 7 : index
    %get3A_1975 = memref.load %arg7[%get3A_1974] : memref<10xf32, #tpu.memory_space<smem>>
    %add3A_1976 = vector.broadcast %get3A_1975 : f32 to vector<1024x128xf32>
    %add3A_1977 = arith.addf %mul3A_1973, %add3A_1976 : vector<1024x128xf32>
    %max3A_1978 = arith.constant 0.000000e+00 : f32
    %max3A_1979 = vector.broadcast %max3A_1978 : f32 to vector<1024x128xf32>
    %max3A_1980 = arith.maximumf %add3A_1977, %max3A_1979 : vector<1024x128xf32>
    %reduce_sum3A_1981 = arith.constant dense<0.000000e+00> : vector<1024xf32>
    %reduce_sum3A_1982 = vector.multi_reduction <add>, %add3A_1597, %reduce_sum3A_1981 [1] : vector<1024x128xf32> to vector<1024xf32>
    %broadcast_in_dim3A_1983 = vector.shape_cast %reduce_sum3A_1982 : vector<1024xf32> to vector<1024x1xf32>
    %reduce_sum3A_1984 = arith.constant dense<0.000000e+00> : vector<1xf32>
    %reduce_sum3A_1985 = vector.multi_reduction <add>, %broadcast_in_dim3A_1983, %reduce_sum3A_1984 [0] : vector<1024x1xf32> to vector<1xf32>
    %broadcast_in_dim3A_1986 = vector.shape_cast %reduce_sum3A_1985 : vector<1xf32> to vector<1x1xf32>
    %mul3A_1987 = arith.mulf %add3A_1597, %add3A_1597 : vector<1024x128xf32>
    %reduce_sum3A_1988 = arith.constant dense<0.000000e+00> : vector<1024xf32>
    %reduce_sum3A_1989 = vector.multi_reduction <add>, %mul3A_1987, %reduce_sum3A_1988 [1] : vector<1024x128xf32> to vector<1024xf32>
    %broadcast_in_dim3A_1990 = vector.shape_cast %reduce_sum3A_1989 : vector<1024xf32> to vector<1024x1xf32>
    %reduce_sum3A_1991 = arith.constant dense<0.000000e+00> : vector<1xf32>
    %reduce_sum3A_1992 = vector.multi_reduction <add>, %broadcast_in_dim3A_1990, %reduce_sum3A_1991 [0] : vector<1024x1xf32> to vector<1xf32>
    %broadcast_in_dim3A_1993 = vector.shape_cast %reduce_sum3A_1992 : vector<1xf32> to vector<1x1xf32>
    %mul3A_1994 = arith.constant 7.62939453E-6 : f32
    %mul3A_1995 = vector.broadcast %mul3A_1994 : f32 to vector<1x1xf32>
    %mul3A_1996 = arith.mulf %broadcast_in_dim3A_1986, %mul3A_1995 : vector<1x1xf32>
    %mul3A_1997 = arith.constant 7.62939453E-6 : f32
    %mul3A_1998 = vector.broadcast %mul3A_1997 : f32 to vector<1x1xf32>
    %mul3A_1999 = arith.mulf %broadcast_in_dim3A_1993, %mul3A_1998 : vector<1x1xf32>
    %mul3A_2000 = arith.mulf %mul3A_1996, %mul3A_1996 : vector<1x1xf32>
    %sub3A_2001 = arith.subf %mul3A_1999, %mul3A_2000 : vector<1x1xf32>
    %sub3A_2002 = vector.broadcast %mul3A_1996 : vector<1x1xf32> to vector<1024x128xf32>
    %sub3A_2003 = arith.subf %add3A_1597, %sub3A_2002 : vector<1024x128xf32>
    %add3A_2004 = arith.constant 9.99999974E-6 : f32
    %add3A_2005 = vector.broadcast %add3A_2004 : f32 to vector<1x1xf32>
    %add3A_2006 = arith.addf %sub3A_2001, %add3A_2005 : vector<1x1xf32>
    %sqrt3A_2007 = math.sqrt %add3A_2006 : vector<1x1xf32>
    %div3A_2008 = vector.broadcast %sqrt3A_2007 : vector<1x1xf32> to vector<1024x128xf32>
    %div3A_2009 = arith.divf %sub3A_2003, %div3A_2008 : vector<1024x128xf32>
    %get3A_2010 = arith.constant 8 : index
    %get3A_2011 = memref.load %arg6[%get3A_2010] : memref<10xf32, #tpu.memory_space<smem>>
    %mul3A_2012 = vector.broadcast %get3A_2011 : f32 to vector<1024x128xf32>
    %mul3A_2013 = arith.mulf %div3A_2009, %mul3A_2012 : vector<1024x128xf32>
    %get3A_2014 = arith.constant 8 : index
    %get3A_2015 = memref.load %arg7[%get3A_2014] : memref<10xf32, #tpu.memory_space<smem>>
    %add3A_2016 = vector.broadcast %get3A_2015 : f32 to vector<1024x128xf32>
    %add3A_2017 = arith.addf %mul3A_2013, %add3A_2016 : vector<1024x128xf32>
    %max3A_2018 = arith.constant 0.000000e+00 : f32
    %max3A_2019 = vector.broadcast %max3A_2018 : f32 to vector<1024x128xf32>
    %max3A_2020 = arith.maximumf %add3A_2017, %max3A_2019 : vector<1024x128xf32>
    %reduce_sum3A_2021 = arith.constant dense<0.000000e+00> : vector<1024xf32>
    %reduce_sum3A_2022 = vector.multi_reduction <add>, %add3A_1660, %reduce_sum3A_2021 [1] : vector<1024x128xf32> to vector<1024xf32>
    %broadcast_in_dim3A_2023 = vector.shape_cast %reduce_sum3A_2022 : vector<1024xf32> to vector<1024x1xf32>
    %reduce_sum3A_2024 = arith.constant dense<0.000000e+00> : vector<1xf32>
    %reduce_sum3A_2025 = vector.multi_reduction <add>, %broadcast_in_dim3A_2023, %reduce_sum3A_2024 [0] : vector<1024x1xf32> to vector<1xf32>
    %broadcast_in_dim3A_2026 = vector.shape_cast %reduce_sum3A_2025 : vector<1xf32> to vector<1x1xf32>
    %mul3A_2027 = arith.mulf %add3A_1660, %add3A_1660 : vector<1024x128xf32>
    %reduce_sum3A_2028 = arith.constant dense<0.000000e+00> : vector<1024xf32>
    %reduce_sum3A_2029 = vector.multi_reduction <add>, %mul3A_2027, %reduce_sum3A_2028 [1] : vector<1024x128xf32> to vector<1024xf32>
    %broadcast_in_dim3A_2030 = vector.shape_cast %reduce_sum3A_2029 : vector<1024xf32> to vector<1024x1xf32>
    %reduce_sum3A_2031 = arith.constant dense<0.000000e+00> : vector<1xf32>
    %reduce_sum3A_2032 = vector.multi_reduction <add>, %broadcast_in_dim3A_2030, %reduce_sum3A_2031 [0] : vector<1024x1xf32> to vector<1xf32>
    %broadcast_in_dim3A_2033 = vector.shape_cast %reduce_sum3A_2032 : vector<1xf32> to vector<1x1xf32>
    %mul3A_2034 = arith.constant 7.62939453E-6 : f32
    %mul3A_2035 = vector.broadcast %mul3A_2034 : f32 to vector<1x1xf32>
    %mul3A_2036 = arith.mulf %broadcast_in_dim3A_2026, %mul3A_2035 : vector<1x1xf32>
    %mul3A_2037 = arith.constant 7.62939453E-6 : f32
    %mul3A_2038 = vector.broadcast %mul3A_2037 : f32 to vector<1x1xf32>
    %mul3A_2039 = arith.mulf %broadcast_in_dim3A_2033, %mul3A_2038 : vector<1x1xf32>
    %mul3A_2040 = arith.mulf %mul3A_2036, %mul3A_2036 : vector<1x1xf32>
    %sub3A_2041 = arith.subf %mul3A_2039, %mul3A_2040 : vector<1x1xf32>
    %sub3A_2042 = vector.broadcast %mul3A_2036 : vector<1x1xf32> to vector<1024x128xf32>
    %sub3A_2043 = arith.subf %add3A_1660, %sub3A_2042 : vector<1024x128xf32>
    %add3A_2044 = arith.constant 9.99999974E-6 : f32
    %add3A_2045 = vector.broadcast %add3A_2044 : f32 to vector<1x1xf32>
    %add3A_2046 = arith.addf %sub3A_2041, %add3A_2045 : vector<1x1xf32>
    %sqrt3A_2047 = math.sqrt %add3A_2046 : vector<1x1xf32>
    %div3A_2048 = vector.broadcast %sqrt3A_2047 : vector<1x1xf32> to vector<1024x128xf32>
    %div3A_2049 = arith.divf %sub3A_2043, %div3A_2048 : vector<1024x128xf32>
    %get3A_2050 = arith.constant 9 : index
    %get3A_2051 = memref.load %arg6[%get3A_2050] : memref<10xf32, #tpu.memory_space<smem>>
    %mul3A_2052 = vector.broadcast %get3A_2051 : f32 to vector<1024x128xf32>
    %mul3A_2053 = arith.mulf %div3A_2049, %mul3A_2052 : vector<1024x128xf32>
    %get3A_2054 = arith.constant 9 : index
    %get3A_2055 = memref.load %arg7[%get3A_2054] : memref<10xf32, #tpu.memory_space<smem>>
    %add3A_2056 = vector.broadcast %get3A_2055 : f32 to vector<1024x128xf32>
    %add3A_2057 = arith.addf %mul3A_2053, %add3A_2056 : vector<1024x128xf32>
    %max3A_2058 = arith.constant 0.000000e+00 : f32
    %max3A_2059 = vector.broadcast %max3A_2058 : f32 to vector<1024x128xf32>
    %max3A_2060 = arith.maximumf %add3A_2057, %max3A_2059 : vector<1024x128xf32>
    %get3A_2061 = arith.constant 0 : index
    %get3A_2062 = arith.constant 0 : index
    %get3A_2063 = memref.load %arg8[%get3A_2061, %get3A_2062] : memref<10x10xf32, #tpu.memory_space<smem>>
    %mul3A_2064 = vector.broadcast %get3A_2063 : f32 to vector<1024x128xf32>
    %mul3A_2065 = arith.mulf %mul3A_2064, %max3A_1700 : vector<1024x128xf32>
    %get3A_2066 = arith.constant 0 : index
    %get3A_2067 = arith.constant 1 : index
    %get3A_2068 = memref.load %arg8[%get3A_2066, %get3A_2067] : memref<10x10xf32, #tpu.memory_space<smem>>
    %mul3A_2069 = vector.broadcast %get3A_2068 : f32 to vector<1024x128xf32>
    %mul3A_2070 = arith.mulf %mul3A_2069, %max3A_1740 : vector<1024x128xf32>
    %add3A_2071 = arith.addf %mul3A_2065, %mul3A_2070 : vector<1024x128xf32>
    %get3A_2072 = arith.constant 0 : index
    %get3A_2073 = arith.constant 2 : index
    %get3A_2074 = memref.load %arg8[%get3A_2072, %get3A_2073] : memref<10x10xf32, #tpu.memory_space<smem>>
    %mul3A_2075 = vector.broadcast %get3A_2074 : f32 to vector<1024x128xf32>
    %mul3A_2076 = arith.mulf %mul3A_2075, %max3A_1780 : vector<1024x128xf32>
    %add3A_2077 = arith.addf %add3A_2071, %mul3A_2076 : vector<1024x128xf32>
    %get3A_2078 = arith.constant 0 : index
    %get3A_2079 = arith.constant 3 : index
    %get3A_2080 = memref.load %arg8[%get3A_2078, %get3A_2079] : memref<10x10xf32, #tpu.memory_space<smem>>
    %mul3A_2081 = vector.broadcast %get3A_2080 : f32 to vector<1024x128xf32>
    %mul3A_2082 = arith.mulf %mul3A_2081, %max3A_1820 : vector<1024x128xf32>
    %add3A_2083 = arith.addf %add3A_2077, %mul3A_2082 : vector<1024x128xf32>
    %get3A_2084 = arith.constant 0 : index
    %get3A_2085 = arith.constant 4 : index
    %get3A_2086 = memref.load %arg8[%get3A_2084, %get3A_2085] : memref<10x10xf32, #tpu.memory_space<smem>>
    %mul3A_2087 = vector.broadcast %get3A_2086 : f32 to vector<1024x128xf32>
    %mul3A_2088 = arith.mulf %mul3A_2087, %max3A_1860 : vector<1024x128xf32>
    %add3A_2089 = arith.addf %add3A_2083, %mul3A_2088 : vector<1024x128xf32>
    %get3A_2090 = arith.constant 0 : index
    %get3A_2091 = arith.constant 5 : index
    %get3A_2092 = memref.load %arg8[%get3A_2090, %get3A_2091] : memref<10x10xf32, #tpu.memory_space<smem>>
    %mul3A_2093 = vector.broadcast %get3A_2092 : f32 to vector<1024x128xf32>
    %mul3A_2094 = arith.mulf %mul3A_2093, %max3A_1900 : vector<1024x128xf32>
    %add3A_2095 = arith.addf %add3A_2089, %mul3A_2094 : vector<1024x128xf32>
    %get3A_2096 = arith.constant 0 : index
    %get3A_2097 = arith.constant 6 : index
    %get3A_2098 = memref.load %arg8[%get3A_2096, %get3A_2097] : memref<10x10xf32, #tpu.memory_space<smem>>
    %mul3A_2099 = vector.broadcast %get3A_2098 : f32 to vector<1024x128xf32>
    %mul3A_2100 = arith.mulf %mul3A_2099, %max3A_1940 : vector<1024x128xf32>
    %add3A_2101 = arith.addf %add3A_2095, %mul3A_2100 : vector<1024x128xf32>
    %get3A_2102 = arith.constant 0 : index
    %get3A_2103 = arith.constant 7 : index
    %get3A_2104 = memref.load %arg8[%get3A_2102, %get3A_2103] : memref<10x10xf32, #tpu.memory_space<smem>>
    %mul3A_2105 = vector.broadcast %get3A_2104 : f32 to vector<1024x128xf32>
    %mul3A_2106 = arith.mulf %mul3A_2105, %max3A_1980 : vector<1024x128xf32>
    %add3A_2107 = arith.addf %add3A_2101, %mul3A_2106 : vector<1024x128xf32>
    %get3A_2108 = arith.constant 0 : index
    %get3A_2109 = arith.constant 8 : index
    %get3A_2110 = memref.load %arg8[%get3A_2108, %get3A_2109] : memref<10x10xf32, #tpu.memory_space<smem>>
    %mul3A_2111 = vector.broadcast %get3A_2110 : f32 to vector<1024x128xf32>
    %mul3A_2112 = arith.mulf %mul3A_2111, %max3A_2020 : vector<1024x128xf32>
    %add3A_2113 = arith.addf %add3A_2107, %mul3A_2112 : vector<1024x128xf32>
    %get3A_2114 = arith.constant 0 : index
    %get3A_2115 = arith.constant 9 : index
    %get3A_2116 = memref.load %arg8[%get3A_2114, %get3A_2115] : memref<10x10xf32, #tpu.memory_space<smem>>
    %mul3A_2117 = vector.broadcast %get3A_2116 : f32 to vector<1024x128xf32>
    %mul3A_2118 = arith.mulf %mul3A_2117, %max3A_2060 : vector<1024x128xf32>
    %add3A_2119 = arith.addf %add3A_2113, %mul3A_2118 : vector<1024x128xf32>
    %get3A_2120 = arith.constant 0 : index
    %get3A_2121 = memref.load %arg9[%get3A_2120] : memref<10xf32, #tpu.memory_space<smem>>
    %add3A_2122 = vector.broadcast %get3A_2121 : f32 to vector<1024x128xf32>
    %add3A_2123 = arith.addf %add3A_2119, %add3A_2122 : vector<1024x128xf32>
    %get3A_2124 = arith.constant 1 : index
    %get3A_2125 = arith.constant 0 : index
    %get3A_2126 = memref.load %arg8[%get3A_2124, %get3A_2125] : memref<10x10xf32, #tpu.memory_space<smem>>
    %mul3A_2127 = vector.broadcast %get3A_2126 : f32 to vector<1024x128xf32>
    %mul3A_2128 = arith.mulf %mul3A_2127, %max3A_1700 : vector<1024x128xf32>
    %get3A_2129 = arith.constant 1 : index
    %get3A_2130 = arith.constant 1 : index
    %get3A_2131 = memref.load %arg8[%get3A_2129, %get3A_2130] : memref<10x10xf32, #tpu.memory_space<smem>>
    %mul3A_2132 = vector.broadcast %get3A_2131 : f32 to vector<1024x128xf32>
    %mul3A_2133 = arith.mulf %mul3A_2132, %max3A_1740 : vector<1024x128xf32>
    %add3A_2134 = arith.addf %mul3A_2128, %mul3A_2133 : vector<1024x128xf32>
    %get3A_2135 = arith.constant 1 : index
    %get3A_2136 = arith.constant 2 : index
    %get3A_2137 = memref.load %arg8[%get3A_2135, %get3A_2136] : memref<10x10xf32, #tpu.memory_space<smem>>
    %mul3A_2138 = vector.broadcast %get3A_2137 : f32 to vector<1024x128xf32>
    %mul3A_2139 = arith.mulf %mul3A_2138, %max3A_1780 : vector<1024x128xf32>
    %add3A_2140 = arith.addf %add3A_2134, %mul3A_2139 : vector<1024x128xf32>
    %get3A_2141 = arith.constant 1 : index
    %get3A_2142 = arith.constant 3 : index
    %get3A_2143 = memref.load %arg8[%get3A_2141, %get3A_2142] : memref<10x10xf32, #tpu.memory_space<smem>>
    %mul3A_2144 = vector.broadcast %get3A_2143 : f32 to vector<1024x128xf32>
    %mul3A_2145 = arith.mulf %mul3A_2144, %max3A_1820 : vector<1024x128xf32>
    %add3A_2146 = arith.addf %add3A_2140, %mul3A_2145 : vector<1024x128xf32>
    %get3A_2147 = arith.constant 1 : index
    %get3A_2148 = arith.constant 4 : index
    %get3A_2149 = memref.load %arg8[%get3A_2147, %get3A_2148] : memref<10x10xf32, #tpu.memory_space<smem>>
    %mul3A_2150 = vector.broadcast %get3A_2149 : f32 to vector<1024x128xf32>
    %mul3A_2151 = arith.mulf %mul3A_2150, %max3A_1860 : vector<1024x128xf32>
    %add3A_2152 = arith.addf %add3A_2146, %mul3A_2151 : vector<1024x128xf32>
    %get3A_2153 = arith.constant 1 : index
    %get3A_2154 = arith.constant 5 : index
    %get3A_2155 = memref.load %arg8[%get3A_2153, %get3A_2154] : memref<10x10xf32, #tpu.memory_space<smem>>
    %mul3A_2156 = vector.broadcast %get3A_2155 : f32 to vector<1024x128xf32>
    %mul3A_2157 = arith.mulf %mul3A_2156, %max3A_1900 : vector<1024x128xf32>
    %add3A_2158 = arith.addf %add3A_2152, %mul3A_2157 : vector<1024x128xf32>
    %get3A_2159 = arith.constant 1 : index
    %get3A_2160 = arith.constant 6 : index
    %get3A_2161 = memref.load %arg8[%get3A_2159, %get3A_2160] : memref<10x10xf32, #tpu.memory_space<smem>>
    %mul3A_2162 = vector.broadcast %get3A_2161 : f32 to vector<1024x128xf32>
    %mul3A_2163 = arith.mulf %mul3A_2162, %max3A_1940 : vector<1024x128xf32>
    %add3A_2164 = arith.addf %add3A_2158, %mul3A_2163 : vector<1024x128xf32>
    %get3A_2165 = arith.constant 1 : index
    %get3A_2166 = arith.constant 7 : index
    %get3A_2167 = memref.load %arg8[%get3A_2165, %get3A_2166] : memref<10x10xf32, #tpu.memory_space<smem>>
    %mul3A_2168 = vector.broadcast %get3A_2167 : f32 to vector<1024x128xf32>
    %mul3A_2169 = arith.mulf %mul3A_2168, %max3A_1980 : vector<1024x128xf32>
    %add3A_2170 = arith.addf %add3A_2164, %mul3A_2169 : vector<1024x128xf32>
    %get3A_2171 = arith.constant 1 : index
    %get3A_2172 = arith.constant 8 : index
    %get3A_2173 = memref.load %arg8[%get3A_2171, %get3A_2172] : memref<10x10xf32, #tpu.memory_space<smem>>
    %mul3A_2174 = vector.broadcast %get3A_2173 : f32 to vector<1024x128xf32>
    %mul3A_2175 = arith.mulf %mul3A_2174, %max3A_2020 : vector<1024x128xf32>
    %add3A_2176 = arith.addf %add3A_2170, %mul3A_2175 : vector<1024x128xf32>
    %get3A_2177 = arith.constant 1 : index
    %get3A_2178 = arith.constant 9 : index
    %get3A_2179 = memref.load %arg8[%get3A_2177, %get3A_2178] : memref<10x10xf32, #tpu.memory_space<smem>>
    %mul3A_2180 = vector.broadcast %get3A_2179 : f32 to vector<1024x128xf32>
    %mul3A_2181 = arith.mulf %mul3A_2180, %max3A_2060 : vector<1024x128xf32>
    %add3A_2182 = arith.addf %add3A_2176, %mul3A_2181 : vector<1024x128xf32>
    %get3A_2183 = arith.constant 1 : index
    %get3A_2184 = memref.load %arg9[%get3A_2183] : memref<10xf32, #tpu.memory_space<smem>>
    %add3A_2185 = vector.broadcast %get3A_2184 : f32 to vector<1024x128xf32>
    %add3A_2186 = arith.addf %add3A_2182, %add3A_2185 : vector<1024x128xf32>
    %get3A_2187 = arith.constant 2 : index
    %get3A_2188 = arith.constant 0 : index
    %get3A_2189 = memref.load %arg8[%get3A_2187, %get3A_2188] : memref<10x10xf32, #tpu.memory_space<smem>>
    %mul3A_2190 = vector.broadcast %get3A_2189 : f32 to vector<1024x128xf32>
    %mul3A_2191 = arith.mulf %mul3A_2190, %max3A_1700 : vector<1024x128xf32>
    %get3A_2192 = arith.constant 2 : index
    %get3A_2193 = arith.constant 1 : index
    %get3A_2194 = memref.load %arg8[%get3A_2192, %get3A_2193] : memref<10x10xf32, #tpu.memory_space<smem>>
    %mul3A_2195 = vector.broadcast %get3A_2194 : f32 to vector<1024x128xf32>
    %mul3A_2196 = arith.mulf %mul3A_2195, %max3A_1740 : vector<1024x128xf32>
    %add3A_2197 = arith.addf %mul3A_2191, %mul3A_2196 : vector<1024x128xf32>
    %get3A_2198 = arith.constant 2 : index
    %get3A_2199 = arith.constant 2 : index
    %get3A_2200 = memref.load %arg8[%get3A_2198, %get3A_2199] : memref<10x10xf32, #tpu.memory_space<smem>>
    %mul3A_2201 = vector.broadcast %get3A_2200 : f32 to vector<1024x128xf32>
    %mul3A_2202 = arith.mulf %mul3A_2201, %max3A_1780 : vector<1024x128xf32>
    %add3A_2203 = arith.addf %add3A_2197, %mul3A_2202 : vector<1024x128xf32>
    %get3A_2204 = arith.constant 2 : index
    %get3A_2205 = arith.constant 3 : index
    %get3A_2206 = memref.load %arg8[%get3A_2204, %get3A_2205] : memref<10x10xf32, #tpu.memory_space<smem>>
    %mul3A_2207 = vector.broadcast %get3A_2206 : f32 to vector<1024x128xf32>
    %mul3A_2208 = arith.mulf %mul3A_2207, %max3A_1820 : vector<1024x128xf32>
    %add3A_2209 = arith.addf %add3A_2203, %mul3A_2208 : vector<1024x128xf32>
    %get3A_2210 = arith.constant 2 : index
    %get3A_2211 = arith.constant 4 : index
    %get3A_2212 = memref.load %arg8[%get3A_2210, %get3A_2211] : memref<10x10xf32, #tpu.memory_space<smem>>
    %mul3A_2213 = vector.broadcast %get3A_2212 : f32 to vector<1024x128xf32>
    %mul3A_2214 = arith.mulf %mul3A_2213, %max3A_1860 : vector<1024x128xf32>
    %add3A_2215 = arith.addf %add3A_2209, %mul3A_2214 : vector<1024x128xf32>
    %get3A_2216 = arith.constant 2 : index
    %get3A_2217 = arith.constant 5 : index
    %get3A_2218 = memref.load %arg8[%get3A_2216, %get3A_2217] : memref<10x10xf32, #tpu.memory_space<smem>>
    %mul3A_2219 = vector.broadcast %get3A_2218 : f32 to vector<1024x128xf32>
    %mul3A_2220 = arith.mulf %mul3A_2219, %max3A_1900 : vector<1024x128xf32>
    %add3A_2221 = arith.addf %add3A_2215, %mul3A_2220 : vector<1024x128xf32>
    %get3A_2222 = arith.constant 2 : index
    %get3A_2223 = arith.constant 6 : index
    %get3A_2224 = memref.load %arg8[%get3A_2222, %get3A_2223] : memref<10x10xf32, #tpu.memory_space<smem>>
    %mul3A_2225 = vector.broadcast %get3A_2224 : f32 to vector<1024x128xf32>
    %mul3A_2226 = arith.mulf %mul3A_2225, %max3A_1940 : vector<1024x128xf32>
    %add3A_2227 = arith.addf %add3A_2221, %mul3A_2226 : vector<1024x128xf32>
    %get3A_2228 = arith.constant 2 : index
    %get3A_2229 = arith.constant 7 : index
    %get3A_2230 = memref.load %arg8[%get3A_2228, %get3A_2229] : memref<10x10xf32, #tpu.memory_space<smem>>
    %mul3A_2231 = vector.broadcast %get3A_2230 : f32 to vector<1024x128xf32>
    %mul3A_2232 = arith.mulf %mul3A_2231, %max3A_1980 : vector<1024x128xf32>
    %add3A_2233 = arith.addf %add3A_2227, %mul3A_2232 : vector<1024x128xf32>
    %get3A_2234 = arith.constant 2 : index
    %get3A_2235 = arith.constant 8 : index
    %get3A_2236 = memref.load %arg8[%get3A_2234, %get3A_2235] : memref<10x10xf32, #tpu.memory_space<smem>>
    %mul3A_2237 = vector.broadcast %get3A_2236 : f32 to vector<1024x128xf32>
    %mul3A_2238 = arith.mulf %mul3A_2237, %max3A_2020 : vector<1024x128xf32>
    %add3A_2239 = arith.addf %add3A_2233, %mul3A_2238 : vector<1024x128xf32>
    %get3A_2240 = arith.constant 2 : index
    %get3A_2241 = arith.constant 9 : index
    %get3A_2242 = memref.load %arg8[%get3A_2240, %get3A_2241] : memref<10x10xf32, #tpu.memory_space<smem>>
    %mul3A_2243 = vector.broadcast %get3A_2242 : f32 to vector<1024x128xf32>
    %mul3A_2244 = arith.mulf %mul3A_2243, %max3A_2060 : vector<1024x128xf32>
    %add3A_2245 = arith.addf %add3A_2239, %mul3A_2244 : vector<1024x128xf32>
    %get3A_2246 = arith.constant 2 : index
    %get3A_2247 = memref.load %arg9[%get3A_2246] : memref<10xf32, #tpu.memory_space<smem>>
    %add3A_2248 = vector.broadcast %get3A_2247 : f32 to vector<1024x128xf32>
    %add3A_2249 = arith.addf %add3A_2245, %add3A_2248 : vector<1024x128xf32>
    %get3A_2250 = arith.constant 3 : index
    %get3A_2251 = arith.constant 0 : index
    %get3A_2252 = memref.load %arg8[%get3A_2250, %get3A_2251] : memref<10x10xf32, #tpu.memory_space<smem>>
    %mul3A_2253 = vector.broadcast %get3A_2252 : f32 to vector<1024x128xf32>
    %mul3A_2254 = arith.mulf %mul3A_2253, %max3A_1700 : vector<1024x128xf32>
    %get3A_2255 = arith.constant 3 : index
    %get3A_2256 = arith.constant 1 : index
    %get3A_2257 = memref.load %arg8[%get3A_2255, %get3A_2256] : memref<10x10xf32, #tpu.memory_space<smem>>
    %mul3A_2258 = vector.broadcast %get3A_2257 : f32 to vector<1024x128xf32>
    %mul3A_2259 = arith.mulf %mul3A_2258, %max3A_1740 : vector<1024x128xf32>
    %add3A_2260 = arith.addf %mul3A_2254, %mul3A_2259 : vector<1024x128xf32>
    %get3A_2261 = arith.constant 3 : index
    %get3A_2262 = arith.constant 2 : index
    %get3A_2263 = memref.load %arg8[%get3A_2261, %get3A_2262] : memref<10x10xf32, #tpu.memory_space<smem>>
    %mul3A_2264 = vector.broadcast %get3A_2263 : f32 to vector<1024x128xf32>
    %mul3A_2265 = arith.mulf %mul3A_2264, %max3A_1780 : vector<1024x128xf32>
    %add3A_2266 = arith.addf %add3A_2260, %mul3A_2265 : vector<1024x128xf32>
    %get3A_2267 = arith.constant 3 : index
    %get3A_2268 = arith.constant 3 : index
    %get3A_2269 = memref.load %arg8[%get3A_2267, %get3A_2268] : memref<10x10xf32, #tpu.memory_space<smem>>
    %mul3A_2270 = vector.broadcast %get3A_2269 : f32 to vector<1024x128xf32>
    %mul3A_2271 = arith.mulf %mul3A_2270, %max3A_1820 : vector<1024x128xf32>
    %add3A_2272 = arith.addf %add3A_2266, %mul3A_2271 : vector<1024x128xf32>
    %get3A_2273 = arith.constant 3 : index
    %get3A_2274 = arith.constant 4 : index
    %get3A_2275 = memref.load %arg8[%get3A_2273, %get3A_2274] : memref<10x10xf32, #tpu.memory_space<smem>>
    %mul3A_2276 = vector.broadcast %get3A_2275 : f32 to vector<1024x128xf32>
    %mul3A_2277 = arith.mulf %mul3A_2276, %max3A_1860 : vector<1024x128xf32>
    %add3A_2278 = arith.addf %add3A_2272, %mul3A_2277 : vector<1024x128xf32>
    %get3A_2279 = arith.constant 3 : index
    %get3A_2280 = arith.constant 5 : index
    %get3A_2281 = memref.load %arg8[%get3A_2279, %get3A_2280] : memref<10x10xf32, #tpu.memory_space<smem>>
    %mul3A_2282 = vector.broadcast %get3A_2281 : f32 to vector<1024x128xf32>
    %mul3A_2283 = arith.mulf %mul3A_2282, %max3A_1900 : vector<1024x128xf32>
    %add3A_2284 = arith.addf %add3A_2278, %mul3A_2283 : vector<1024x128xf32>
    %get3A_2285 = arith.constant 3 : index
    %get3A_2286 = arith.constant 6 : index
    %get3A_2287 = memref.load %arg8[%get3A_2285, %get3A_2286] : memref<10x10xf32, #tpu.memory_space<smem>>
    %mul3A_2288 = vector.broadcast %get3A_2287 : f32 to vector<1024x128xf32>
    %mul3A_2289 = arith.mulf %mul3A_2288, %max3A_1940 : vector<1024x128xf32>
    %add3A_2290 = arith.addf %add3A_2284, %mul3A_2289 : vector<1024x128xf32>
    %get3A_2291 = arith.constant 3 : index
    %get3A_2292 = arith.constant 7 : index
    %get3A_2293 = memref.load %arg8[%get3A_2291, %get3A_2292] : memref<10x10xf32, #tpu.memory_space<smem>>
    %mul3A_2294 = vector.broadcast %get3A_2293 : f32 to vector<1024x128xf32>
    %mul3A_2295 = arith.mulf %mul3A_2294, %max3A_1980 : vector<1024x128xf32>
    %add3A_2296 = arith.addf %add3A_2290, %mul3A_2295 : vector<1024x128xf32>
    %get3A_2297 = arith.constant 3 : index
    %get3A_2298 = arith.constant 8 : index
    %get3A_2299 = memref.load %arg8[%get3A_2297, %get3A_2298] : memref<10x10xf32, #tpu.memory_space<smem>>
    %mul3A_2300 = vector.broadcast %get3A_2299 : f32 to vector<1024x128xf32>
    %mul3A_2301 = arith.mulf %mul3A_2300, %max3A_2020 : vector<1024x128xf32>
    %add3A_2302 = arith.addf %add3A_2296, %mul3A_2301 : vector<1024x128xf32>
    %get3A_2303 = arith.constant 3 : index
    %get3A_2304 = arith.constant 9 : index
    %get3A_2305 = memref.load %arg8[%get3A_2303, %get3A_2304] : memref<10x10xf32, #tpu.memory_space<smem>>
    %mul3A_2306 = vector.broadcast %get3A_2305 : f32 to vector<1024x128xf32>
    %mul3A_2307 = arith.mulf %mul3A_2306, %max3A_2060 : vector<1024x128xf32>
    %add3A_2308 = arith.addf %add3A_2302, %mul3A_2307 : vector<1024x128xf32>
    %get3A_2309 = arith.constant 3 : index
    %get3A_2310 = memref.load %arg9[%get3A_2309] : memref<10xf32, #tpu.memory_space<smem>>
    %add3A_2311 = vector.broadcast %get3A_2310 : f32 to vector<1024x128xf32>
    %add3A_2312 = arith.addf %add3A_2308, %add3A_2311 : vector<1024x128xf32>
    %get3A_2313 = arith.constant 4 : index
    %get3A_2314 = arith.constant 0 : index
    %get3A_2315 = memref.load %arg8[%get3A_2313, %get3A_2314] : memref<10x10xf32, #tpu.memory_space<smem>>
    %mul3A_2316 = vector.broadcast %get3A_2315 : f32 to vector<1024x128xf32>
    %mul3A_2317 = arith.mulf %mul3A_2316, %max3A_1700 : vector<1024x128xf32>
    %get3A_2318 = arith.constant 4 : index
    %get3A_2319 = arith.constant 1 : index
    %get3A_2320 = memref.load %arg8[%get3A_2318, %get3A_2319] : memref<10x10xf32, #tpu.memory_space<smem>>
    %mul3A_2321 = vector.broadcast %get3A_2320 : f32 to vector<1024x128xf32>
    %mul3A_2322 = arith.mulf %mul3A_2321, %max3A_1740 : vector<1024x128xf32>
    %add3A_2323 = arith.addf %mul3A_2317, %mul3A_2322 : vector<1024x128xf32>
    %get3A_2324 = arith.constant 4 : index
    %get3A_2325 = arith.constant 2 : index
    %get3A_2326 = memref.load %arg8[%get3A_2324, %get3A_2325] : memref<10x10xf32, #tpu.memory_space<smem>>
    %mul3A_2327 = vector.broadcast %get3A_2326 : f32 to vector<1024x128xf32>
    %mul3A_2328 = arith.mulf %mul3A_2327, %max3A_1780 : vector<1024x128xf32>
    %add3A_2329 = arith.addf %add3A_2323, %mul3A_2328 : vector<1024x128xf32>
    %get3A_2330 = arith.constant 4 : index
    %get3A_2331 = arith.constant 3 : index
    %get3A_2332 = memref.load %arg8[%get3A_2330, %get3A_2331] : memref<10x10xf32, #tpu.memory_space<smem>>
    %mul3A_2333 = vector.broadcast %get3A_2332 : f32 to vector<1024x128xf32>
    %mul3A_2334 = arith.mulf %mul3A_2333, %max3A_1820 : vector<1024x128xf32>
    %add3A_2335 = arith.addf %add3A_2329, %mul3A_2334 : vector<1024x128xf32>
    %get3A_2336 = arith.constant 4 : index
    %get3A_2337 = arith.constant 4 : index
    %get3A_2338 = memref.load %arg8[%get3A_2336, %get3A_2337] : memref<10x10xf32, #tpu.memory_space<smem>>
    %mul3A_2339 = vector.broadcast %get3A_2338 : f32 to vector<1024x128xf32>
    %mul3A_2340 = arith.mulf %mul3A_2339, %max3A_1860 : vector<1024x128xf32>
    %add3A_2341 = arith.addf %add3A_2335, %mul3A_2340 : vector<1024x128xf32>
    %get3A_2342 = arith.constant 4 : index
    %get3A_2343 = arith.constant 5 : index
    %get3A_2344 = memref.load %arg8[%get3A_2342, %get3A_2343] : memref<10x10xf32, #tpu.memory_space<smem>>
    %mul3A_2345 = vector.broadcast %get3A_2344 : f32 to vector<1024x128xf32>
    %mul3A_2346 = arith.mulf %mul3A_2345, %max3A_1900 : vector<1024x128xf32>
    %add3A_2347 = arith.addf %add3A_2341, %mul3A_2346 : vector<1024x128xf32>
    %get3A_2348 = arith.constant 4 : index
    %get3A_2349 = arith.constant 6 : index
    %get3A_2350 = memref.load %arg8[%get3A_2348, %get3A_2349] : memref<10x10xf32, #tpu.memory_space<smem>>
    %mul3A_2351 = vector.broadcast %get3A_2350 : f32 to vector<1024x128xf32>
    %mul3A_2352 = arith.mulf %mul3A_2351, %max3A_1940 : vector<1024x128xf32>
    %add3A_2353 = arith.addf %add3A_2347, %mul3A_2352 : vector<1024x128xf32>
    %get3A_2354 = arith.constant 4 : index
    %get3A_2355 = arith.constant 7 : index
    %get3A_2356 = memref.load %arg8[%get3A_2354, %get3A_2355] : memref<10x10xf32, #tpu.memory_space<smem>>
    %mul3A_2357 = vector.broadcast %get3A_2356 : f32 to vector<1024x128xf32>
    %mul3A_2358 = arith.mulf %mul3A_2357, %max3A_1980 : vector<1024x128xf32>
    %add3A_2359 = arith.addf %add3A_2353, %mul3A_2358 : vector<1024x128xf32>
    %get3A_2360 = arith.constant 4 : index
    %get3A_2361 = arith.constant 8 : index
    %get3A_2362 = memref.load %arg8[%get3A_2360, %get3A_2361] : memref<10x10xf32, #tpu.memory_space<smem>>
    %mul3A_2363 = vector.broadcast %get3A_2362 : f32 to vector<1024x128xf32>
    %mul3A_2364 = arith.mulf %mul3A_2363, %max3A_2020 : vector<1024x128xf32>
    %add3A_2365 = arith.addf %add3A_2359, %mul3A_2364 : vector<1024x128xf32>
    %get3A_2366 = arith.constant 4 : index
    %get3A_2367 = arith.constant 9 : index
    %get3A_2368 = memref.load %arg8[%get3A_2366, %get3A_2367] : memref<10x10xf32, #tpu.memory_space<smem>>
    %mul3A_2369 = vector.broadcast %get3A_2368 : f32 to vector<1024x128xf32>
    %mul3A_2370 = arith.mulf %mul3A_2369, %max3A_2060 : vector<1024x128xf32>
    %add3A_2371 = arith.addf %add3A_2365, %mul3A_2370 : vector<1024x128xf32>
    %get3A_2372 = arith.constant 4 : index
    %get3A_2373 = memref.load %arg9[%get3A_2372] : memref<10xf32, #tpu.memory_space<smem>>
    %add3A_2374 = vector.broadcast %get3A_2373 : f32 to vector<1024x128xf32>
    %add3A_2375 = arith.addf %add3A_2371, %add3A_2374 : vector<1024x128xf32>
    %get3A_2376 = arith.constant 5 : index
    %get3A_2377 = arith.constant 0 : index
    %get3A_2378 = memref.load %arg8[%get3A_2376, %get3A_2377] : memref<10x10xf32, #tpu.memory_space<smem>>
    %mul3A_2379 = vector.broadcast %get3A_2378 : f32 to vector<1024x128xf32>
    %mul3A_2380 = arith.mulf %mul3A_2379, %max3A_1700 : vector<1024x128xf32>
    %get3A_2381 = arith.constant 5 : index
    %get3A_2382 = arith.constant 1 : index
    %get3A_2383 = memref.load %arg8[%get3A_2381, %get3A_2382] : memref<10x10xf32, #tpu.memory_space<smem>>
    %mul3A_2384 = vector.broadcast %get3A_2383 : f32 to vector<1024x128xf32>
    %mul3A_2385 = arith.mulf %mul3A_2384, %max3A_1740 : vector<1024x128xf32>
    %add3A_2386 = arith.addf %mul3A_2380, %mul3A_2385 : vector<1024x128xf32>
    %get3A_2387 = arith.constant 5 : index
    %get3A_2388 = arith.constant 2 : index
    %get3A_2389 = memref.load %arg8[%get3A_2387, %get3A_2388] : memref<10x10xf32, #tpu.memory_space<smem>>
    %mul3A_2390 = vector.broadcast %get3A_2389 : f32 to vector<1024x128xf32>
    %mul3A_2391 = arith.mulf %mul3A_2390, %max3A_1780 : vector<1024x128xf32>
    %add3A_2392 = arith.addf %add3A_2386, %mul3A_2391 : vector<1024x128xf32>
    %get3A_2393 = arith.constant 5 : index
    %get3A_2394 = arith.constant 3 : index
    %get3A_2395 = memref.load %arg8[%get3A_2393, %get3A_2394] : memref<10x10xf32, #tpu.memory_space<smem>>
    %mul3A_2396 = vector.broadcast %get3A_2395 : f32 to vector<1024x128xf32>
    %mul3A_2397 = arith.mulf %mul3A_2396, %max3A_1820 : vector<1024x128xf32>
    %add3A_2398 = arith.addf %add3A_2392, %mul3A_2397 : vector<1024x128xf32>
    %get3A_2399 = arith.constant 5 : index
    %get3A_2400 = arith.constant 4 : index
    %get3A_2401 = memref.load %arg8[%get3A_2399, %get3A_2400] : memref<10x10xf32, #tpu.memory_space<smem>>
    %mul3A_2402 = vector.broadcast %get3A_2401 : f32 to vector<1024x128xf32>
    %mul3A_2403 = arith.mulf %mul3A_2402, %max3A_1860 : vector<1024x128xf32>
    %add3A_2404 = arith.addf %add3A_2398, %mul3A_2403 : vector<1024x128xf32>
    %get3A_2405 = arith.constant 5 : index
    %get3A_2406 = arith.constant 5 : index
    %get3A_2407 = memref.load %arg8[%get3A_2405, %get3A_2406] : memref<10x10xf32, #tpu.memory_space<smem>>
    %mul3A_2408 = vector.broadcast %get3A_2407 : f32 to vector<1024x128xf32>
    %mul3A_2409 = arith.mulf %mul3A_2408, %max3A_1900 : vector<1024x128xf32>
    %add3A_2410 = arith.addf %add3A_2404, %mul3A_2409 : vector<1024x128xf32>
    %get3A_2411 = arith.constant 5 : index
    %get3A_2412 = arith.constant 6 : index
    %get3A_2413 = memref.load %arg8[%get3A_2411, %get3A_2412] : memref<10x10xf32, #tpu.memory_space<smem>>
    %mul3A_2414 = vector.broadcast %get3A_2413 : f32 to vector<1024x128xf32>
    %mul3A_2415 = arith.mulf %mul3A_2414, %max3A_1940 : vector<1024x128xf32>
    %add3A_2416 = arith.addf %add3A_2410, %mul3A_2415 : vector<1024x128xf32>
    %get3A_2417 = arith.constant 5 : index
    %get3A_2418 = arith.constant 7 : index
    %get3A_2419 = memref.load %arg8[%get3A_2417, %get3A_2418] : memref<10x10xf32, #tpu.memory_space<smem>>
    %mul3A_2420 = vector.broadcast %get3A_2419 : f32 to vector<1024x128xf32>
    %mul3A_2421 = arith.mulf %mul3A_2420, %max3A_1980 : vector<1024x128xf32>
    %add3A_2422 = arith.addf %add3A_2416, %mul3A_2421 : vector<1024x128xf32>
    %get3A_2423 = arith.constant 5 : index
    %get3A_2424 = arith.constant 8 : index
    %get3A_2425 = memref.load %arg8[%get3A_2423, %get3A_2424] : memref<10x10xf32, #tpu.memory_space<smem>>
    %mul3A_2426 = vector.broadcast %get3A_2425 : f32 to vector<1024x128xf32>
    %mul3A_2427 = arith.mulf %mul3A_2426, %max3A_2020 : vector<1024x128xf32>
    %add3A_2428 = arith.addf %add3A_2422, %mul3A_2427 : vector<1024x128xf32>
    %get3A_2429 = arith.constant 5 : index
    %get3A_2430 = arith.constant 9 : index
    %get3A_2431 = memref.load %arg8[%get3A_2429, %get3A_2430] : memref<10x10xf32, #tpu.memory_space<smem>>
    %mul3A_2432 = vector.broadcast %get3A_2431 : f32 to vector<1024x128xf32>
    %mul3A_2433 = arith.mulf %mul3A_2432, %max3A_2060 : vector<1024x128xf32>
    %add3A_2434 = arith.addf %add3A_2428, %mul3A_2433 : vector<1024x128xf32>
    %get3A_2435 = arith.constant 5 : index
    %get3A_2436 = memref.load %arg9[%get3A_2435] : memref<10xf32, #tpu.memory_space<smem>>
    %add3A_2437 = vector.broadcast %get3A_2436 : f32 to vector<1024x128xf32>
    %add3A_2438 = arith.addf %add3A_2434, %add3A_2437 : vector<1024x128xf32>
    %get3A_2439 = arith.constant 6 : index
    %get3A_2440 = arith.constant 0 : index
    %get3A_2441 = memref.load %arg8[%get3A_2439, %get3A_2440] : memref<10x10xf32, #tpu.memory_space<smem>>
    %mul3A_2442 = vector.broadcast %get3A_2441 : f32 to vector<1024x128xf32>
    %mul3A_2443 = arith.mulf %mul3A_2442, %max3A_1700 : vector<1024x128xf32>
    %get3A_2444 = arith.constant 6 : index
    %get3A_2445 = arith.constant 1 : index
    %get3A_2446 = memref.load %arg8[%get3A_2444, %get3A_2445] : memref<10x10xf32, #tpu.memory_space<smem>>
    %mul3A_2447 = vector.broadcast %get3A_2446 : f32 to vector<1024x128xf32>
    %mul3A_2448 = arith.mulf %mul3A_2447, %max3A_1740 : vector<1024x128xf32>
    %add3A_2449 = arith.addf %mul3A_2443, %mul3A_2448 : vector<1024x128xf32>
    %get3A_2450 = arith.constant 6 : index
    %get3A_2451 = arith.constant 2 : index
    %get3A_2452 = memref.load %arg8[%get3A_2450, %get3A_2451] : memref<10x10xf32, #tpu.memory_space<smem>>
    %mul3A_2453 = vector.broadcast %get3A_2452 : f32 to vector<1024x128xf32>
    %mul3A_2454 = arith.mulf %mul3A_2453, %max3A_1780 : vector<1024x128xf32>
    %add3A_2455 = arith.addf %add3A_2449, %mul3A_2454 : vector<1024x128xf32>
    %get3A_2456 = arith.constant 6 : index
    %get3A_2457 = arith.constant 3 : index
    %get3A_2458 = memref.load %arg8[%get3A_2456, %get3A_2457] : memref<10x10xf32, #tpu.memory_space<smem>>
    %mul3A_2459 = vector.broadcast %get3A_2458 : f32 to vector<1024x128xf32>
    %mul3A_2460 = arith.mulf %mul3A_2459, %max3A_1820 : vector<1024x128xf32>
    %add3A_2461 = arith.addf %add3A_2455, %mul3A_2460 : vector<1024x128xf32>
    %get3A_2462 = arith.constant 6 : index
    %get3A_2463 = arith.constant 4 : index
    %get3A_2464 = memref.load %arg8[%get3A_2462, %get3A_2463] : memref<10x10xf32, #tpu.memory_space<smem>>
    %mul3A_2465 = vector.broadcast %get3A_2464 : f32 to vector<1024x128xf32>
    %mul3A_2466 = arith.mulf %mul3A_2465, %max3A_1860 : vector<1024x128xf32>
    %add3A_2467 = arith.addf %add3A_2461, %mul3A_2466 : vector<1024x128xf32>
    %get3A_2468 = arith.constant 6 : index
    %get3A_2469 = arith.constant 5 : index
    %get3A_2470 = memref.load %arg8[%get3A_2468, %get3A_2469] : memref<10x10xf32, #tpu.memory_space<smem>>
    %mul3A_2471 = vector.broadcast %get3A_2470 : f32 to vector<1024x128xf32>
    %mul3A_2472 = arith.mulf %mul3A_2471, %max3A_1900 : vector<1024x128xf32>
    %add3A_2473 = arith.addf %add3A_2467, %mul3A_2472 : vector<1024x128xf32>
    %get3A_2474 = arith.constant 6 : index
    %get3A_2475 = arith.constant 6 : index
    %get3A_2476 = memref.load %arg8[%get3A_2474, %get3A_2475] : memref<10x10xf32, #tpu.memory_space<smem>>
    %mul3A_2477 = vector.broadcast %get3A_2476 : f32 to vector<1024x128xf32>
    %mul3A_2478 = arith.mulf %mul3A_2477, %max3A_1940 : vector<1024x128xf32>
    %add3A_2479 = arith.addf %add3A_2473, %mul3A_2478 : vector<1024x128xf32>
    %get3A_2480 = arith.constant 6 : index
    %get3A_2481 = arith.constant 7 : index
    %get3A_2482 = memref.load %arg8[%get3A_2480, %get3A_2481] : memref<10x10xf32, #tpu.memory_space<smem>>
    %mul3A_2483 = vector.broadcast %get3A_2482 : f32 to vector<1024x128xf32>
    %mul3A_2484 = arith.mulf %mul3A_2483, %max3A_1980 : vector<1024x128xf32>
    %add3A_2485 = arith.addf %add3A_2479, %mul3A_2484 : vector<1024x128xf32>
    %get3A_2486 = arith.constant 6 : index
    %get3A_2487 = arith.constant 8 : index
    %get3A_2488 = memref.load %arg8[%get3A_2486, %get3A_2487] : memref<10x10xf32, #tpu.memory_space<smem>>
    %mul3A_2489 = vector.broadcast %get3A_2488 : f32 to vector<1024x128xf32>
    %mul3A_2490 = arith.mulf %mul3A_2489, %max3A_2020 : vector<1024x128xf32>
    %add3A_2491 = arith.addf %add3A_2485, %mul3A_2490 : vector<1024x128xf32>
    %get3A_2492 = arith.constant 6 : index
    %get3A_2493 = arith.constant 9 : index
    %get3A_2494 = memref.load %arg8[%get3A_2492, %get3A_2493] : memref<10x10xf32, #tpu.memory_space<smem>>
    %mul3A_2495 = vector.broadcast %get3A_2494 : f32 to vector<1024x128xf32>
    %mul3A_2496 = arith.mulf %mul3A_2495, %max3A_2060 : vector<1024x128xf32>
    %add3A_2497 = arith.addf %add3A_2491, %mul3A_2496 : vector<1024x128xf32>
    %get3A_2498 = arith.constant 6 : index
    %get3A_2499 = memref.load %arg9[%get3A_2498] : memref<10xf32, #tpu.memory_space<smem>>
    %add3A_2500 = vector.broadcast %get3A_2499 : f32 to vector<1024x128xf32>
    %add3A_2501 = arith.addf %add3A_2497, %add3A_2500 : vector<1024x128xf32>
    %get3A_2502 = arith.constant 7 : index
    %get3A_2503 = arith.constant 0 : index
    %get3A_2504 = memref.load %arg8[%get3A_2502, %get3A_2503] : memref<10x10xf32, #tpu.memory_space<smem>>
    %mul3A_2505 = vector.broadcast %get3A_2504 : f32 to vector<1024x128xf32>
    %mul3A_2506 = arith.mulf %mul3A_2505, %max3A_1700 : vector<1024x128xf32>
    %get3A_2507 = arith.constant 7 : index
    %get3A_2508 = arith.constant 1 : index
    %get3A_2509 = memref.load %arg8[%get3A_2507, %get3A_2508] : memref<10x10xf32, #tpu.memory_space<smem>>
    %mul3A_2510 = vector.broadcast %get3A_2509 : f32 to vector<1024x128xf32>
    %mul3A_2511 = arith.mulf %mul3A_2510, %max3A_1740 : vector<1024x128xf32>
    %add3A_2512 = arith.addf %mul3A_2506, %mul3A_2511 : vector<1024x128xf32>
    %get3A_2513 = arith.constant 7 : index
    %get3A_2514 = arith.constant 2 : index
    %get3A_2515 = memref.load %arg8[%get3A_2513, %get3A_2514] : memref<10x10xf32, #tpu.memory_space<smem>>
    %mul3A_2516 = vector.broadcast %get3A_2515 : f32 to vector<1024x128xf32>
    %mul3A_2517 = arith.mulf %mul3A_2516, %max3A_1780 : vector<1024x128xf32>
    %add3A_2518 = arith.addf %add3A_2512, %mul3A_2517 : vector<1024x128xf32>
    %get3A_2519 = arith.constant 7 : index
    %get3A_2520 = arith.constant 3 : index
    %get3A_2521 = memref.load %arg8[%get3A_2519, %get3A_2520] : memref<10x10xf32, #tpu.memory_space<smem>>
    %mul3A_2522 = vector.broadcast %get3A_2521 : f32 to vector<1024x128xf32>
    %mul3A_2523 = arith.mulf %mul3A_2522, %max3A_1820 : vector<1024x128xf32>
    %add3A_2524 = arith.addf %add3A_2518, %mul3A_2523 : vector<1024x128xf32>
    %get3A_2525 = arith.constant 7 : index
    %get3A_2526 = arith.constant 4 : index
    %get3A_2527 = memref.load %arg8[%get3A_2525, %get3A_2526] : memref<10x10xf32, #tpu.memory_space<smem>>
    %mul3A_2528 = vector.broadcast %get3A_2527 : f32 to vector<1024x128xf32>
    %mul3A_2529 = arith.mulf %mul3A_2528, %max3A_1860 : vector<1024x128xf32>
    %add3A_2530 = arith.addf %add3A_2524, %mul3A_2529 : vector<1024x128xf32>
    %get3A_2531 = arith.constant 7 : index
    %get3A_2532 = arith.constant 5 : index
    %get3A_2533 = memref.load %arg8[%get3A_2531, %get3A_2532] : memref<10x10xf32, #tpu.memory_space<smem>>
    %mul3A_2534 = vector.broadcast %get3A_2533 : f32 to vector<1024x128xf32>
    %mul3A_2535 = arith.mulf %mul3A_2534, %max3A_1900 : vector<1024x128xf32>
    %add3A_2536 = arith.addf %add3A_2530, %mul3A_2535 : vector<1024x128xf32>
    %get3A_2537 = arith.constant 7 : index
    %get3A_2538 = arith.constant 6 : index
    %get3A_2539 = memref.load %arg8[%get3A_2537, %get3A_2538] : memref<10x10xf32, #tpu.memory_space<smem>>
    %mul3A_2540 = vector.broadcast %get3A_2539 : f32 to vector<1024x128xf32>
    %mul3A_2541 = arith.mulf %mul3A_2540, %max3A_1940 : vector<1024x128xf32>
    %add3A_2542 = arith.addf %add3A_2536, %mul3A_2541 : vector<1024x128xf32>
    %get3A_2543 = arith.constant 7 : index
    %get3A_2544 = arith.constant 7 : index
    %get3A_2545 = memref.load %arg8[%get3A_2543, %get3A_2544] : memref<10x10xf32, #tpu.memory_space<smem>>
    %mul3A_2546 = vector.broadcast %get3A_2545 : f32 to vector<1024x128xf32>
    %mul3A_2547 = arith.mulf %mul3A_2546, %max3A_1980 : vector<1024x128xf32>
    %add3A_2548 = arith.addf %add3A_2542, %mul3A_2547 : vector<1024x128xf32>
    %get3A_2549 = arith.constant 7 : index
    %get3A_2550 = arith.constant 8 : index
    %get3A_2551 = memref.load %arg8[%get3A_2549, %get3A_2550] : memref<10x10xf32, #tpu.memory_space<smem>>
    %mul3A_2552 = vector.broadcast %get3A_2551 : f32 to vector<1024x128xf32>
    %mul3A_2553 = arith.mulf %mul3A_2552, %max3A_2020 : vector<1024x128xf32>
    %add3A_2554 = arith.addf %add3A_2548, %mul3A_2553 : vector<1024x128xf32>
    %get3A_2555 = arith.constant 7 : index
    %get3A_2556 = arith.constant 9 : index
    %get3A_2557 = memref.load %arg8[%get3A_2555, %get3A_2556] : memref<10x10xf32, #tpu.memory_space<smem>>
    %mul3A_2558 = vector.broadcast %get3A_2557 : f32 to vector<1024x128xf32>
    %mul3A_2559 = arith.mulf %mul3A_2558, %max3A_2060 : vector<1024x128xf32>
    %add3A_2560 = arith.addf %add3A_2554, %mul3A_2559 : vector<1024x128xf32>
    %get3A_2561 = arith.constant 7 : index
    %get3A_2562 = memref.load %arg9[%get3A_2561] : memref<10xf32, #tpu.memory_space<smem>>
    %add3A_2563 = vector.broadcast %get3A_2562 : f32 to vector<1024x128xf32>
    %add3A_2564 = arith.addf %add3A_2560, %add3A_2563 : vector<1024x128xf32>
    %get3A_2565 = arith.constant 8 : index
    %get3A_2566 = arith.constant 0 : index
    %get3A_2567 = memref.load %arg8[%get3A_2565, %get3A_2566] : memref<10x10xf32, #tpu.memory_space<smem>>
    %mul3A_2568 = vector.broadcast %get3A_2567 : f32 to vector<1024x128xf32>
    %mul3A_2569 = arith.mulf %mul3A_2568, %max3A_1700 : vector<1024x128xf32>
    %get3A_2570 = arith.constant 8 : index
    %get3A_2571 = arith.constant 1 : index
    %get3A_2572 = memref.load %arg8[%get3A_2570, %get3A_2571] : memref<10x10xf32, #tpu.memory_space<smem>>
    %mul3A_2573 = vector.broadcast %get3A_2572 : f32 to vector<1024x128xf32>
    %mul3A_2574 = arith.mulf %mul3A_2573, %max3A_1740 : vector<1024x128xf32>
    %add3A_2575 = arith.addf %mul3A_2569, %mul3A_2574 : vector<1024x128xf32>
    %get3A_2576 = arith.constant 8 : index
    %get3A_2577 = arith.constant 2 : index
    %get3A_2578 = memref.load %arg8[%get3A_2576, %get3A_2577] : memref<10x10xf32, #tpu.memory_space<smem>>
    %mul3A_2579 = vector.broadcast %get3A_2578 : f32 to vector<1024x128xf32>
    %mul3A_2580 = arith.mulf %mul3A_2579, %max3A_1780 : vector<1024x128xf32>
    %add3A_2581 = arith.addf %add3A_2575, %mul3A_2580 : vector<1024x128xf32>
    %get3A_2582 = arith.constant 8 : index
    %get3A_2583 = arith.constant 3 : index
    %get3A_2584 = memref.load %arg8[%get3A_2582, %get3A_2583] : memref<10x10xf32, #tpu.memory_space<smem>>
    %mul3A_2585 = vector.broadcast %get3A_2584 : f32 to vector<1024x128xf32>
    %mul3A_2586 = arith.mulf %mul3A_2585, %max3A_1820 : vector<1024x128xf32>
    %add3A_2587 = arith.addf %add3A_2581, %mul3A_2586 : vector<1024x128xf32>
    %get3A_2588 = arith.constant 8 : index
    %get3A_2589 = arith.constant 4 : index
    %get3A_2590 = memref.load %arg8[%get3A_2588, %get3A_2589] : memref<10x10xf32, #tpu.memory_space<smem>>
    %mul3A_2591 = vector.broadcast %get3A_2590 : f32 to vector<1024x128xf32>
    %mul3A_2592 = arith.mulf %mul3A_2591, %max3A_1860 : vector<1024x128xf32>
    %add3A_2593 = arith.addf %add3A_2587, %mul3A_2592 : vector<1024x128xf32>
    %get3A_2594 = arith.constant 8 : index
    %get3A_2595 = arith.constant 5 : index
    %get3A_2596 = memref.load %arg8[%get3A_2594, %get3A_2595] : memref<10x10xf32, #tpu.memory_space<smem>>
    %mul3A_2597 = vector.broadcast %get3A_2596 : f32 to vector<1024x128xf32>
    %mul3A_2598 = arith.mulf %mul3A_2597, %max3A_1900 : vector<1024x128xf32>
    %add3A_2599 = arith.addf %add3A_2593, %mul3A_2598 : vector<1024x128xf32>
    %get3A_2600 = arith.constant 8 : index
    %get3A_2601 = arith.constant 6 : index
    %get3A_2602 = memref.load %arg8[%get3A_2600, %get3A_2601] : memref<10x10xf32, #tpu.memory_space<smem>>
    %mul3A_2603 = vector.broadcast %get3A_2602 : f32 to vector<1024x128xf32>
    %mul3A_2604 = arith.mulf %mul3A_2603, %max3A_1940 : vector<1024x128xf32>
    %add3A_2605 = arith.addf %add3A_2599, %mul3A_2604 : vector<1024x128xf32>
    %get3A_2606 = arith.constant 8 : index
    %get3A_2607 = arith.constant 7 : index
    %get3A_2608 = memref.load %arg8[%get3A_2606, %get3A_2607] : memref<10x10xf32, #tpu.memory_space<smem>>
    %mul3A_2609 = vector.broadcast %get3A_2608 : f32 to vector<1024x128xf32>
    %mul3A_2610 = arith.mulf %mul3A_2609, %max3A_1980 : vector<1024x128xf32>
    %add3A_2611 = arith.addf %add3A_2605, %mul3A_2610 : vector<1024x128xf32>
    %get3A_2612 = arith.constant 8 : index
    %get3A_2613 = arith.constant 8 : index
    %get3A_2614 = memref.load %arg8[%get3A_2612, %get3A_2613] : memref<10x10xf32, #tpu.memory_space<smem>>
    %mul3A_2615 = vector.broadcast %get3A_2614 : f32 to vector<1024x128xf32>
    %mul3A_2616 = arith.mulf %mul3A_2615, %max3A_2020 : vector<1024x128xf32>
    %add3A_2617 = arith.addf %add3A_2611, %mul3A_2616 : vector<1024x128xf32>
    %get3A_2618 = arith.constant 8 : index
    %get3A_2619 = arith.constant 9 : index
    %get3A_2620 = memref.load %arg8[%get3A_2618, %get3A_2619] : memref<10x10xf32, #tpu.memory_space<smem>>
    %mul3A_2621 = vector.broadcast %get3A_2620 : f32 to vector<1024x128xf32>
    %mul3A_2622 = arith.mulf %mul3A_2621, %max3A_2060 : vector<1024x128xf32>
    %add3A_2623 = arith.addf %add3A_2617, %mul3A_2622 : vector<1024x128xf32>
    %get3A_2624 = arith.constant 8 : index
    %get3A_2625 = memref.load %arg9[%get3A_2624] : memref<10xf32, #tpu.memory_space<smem>>
    %add3A_2626 = vector.broadcast %get3A_2625 : f32 to vector<1024x128xf32>
    %add3A_2627 = arith.addf %add3A_2623, %add3A_2626 : vector<1024x128xf32>
    %get3A_2628 = arith.constant 9 : index
    %get3A_2629 = arith.constant 0 : index
    %get3A_2630 = memref.load %arg8[%get3A_2628, %get3A_2629] : memref<10x10xf32, #tpu.memory_space<smem>>
    %mul3A_2631 = vector.broadcast %get3A_2630 : f32 to vector<1024x128xf32>
    %mul3A_2632 = arith.mulf %mul3A_2631, %max3A_1700 : vector<1024x128xf32>
    %get3A_2633 = arith.constant 9 : index
    %get3A_2634 = arith.constant 1 : index
    %get3A_2635 = memref.load %arg8[%get3A_2633, %get3A_2634] : memref<10x10xf32, #tpu.memory_space<smem>>
    %mul3A_2636 = vector.broadcast %get3A_2635 : f32 to vector<1024x128xf32>
    %mul3A_2637 = arith.mulf %mul3A_2636, %max3A_1740 : vector<1024x128xf32>
    %add3A_2638 = arith.addf %mul3A_2632, %mul3A_2637 : vector<1024x128xf32>
    %get3A_2639 = arith.constant 9 : index
    %get3A_2640 = arith.constant 2 : index
    %get3A_2641 = memref.load %arg8[%get3A_2639, %get3A_2640] : memref<10x10xf32, #tpu.memory_space<smem>>
    %mul3A_2642 = vector.broadcast %get3A_2641 : f32 to vector<1024x128xf32>
    %mul3A_2643 = arith.mulf %mul3A_2642, %max3A_1780 : vector<1024x128xf32>
    %add3A_2644 = arith.addf %add3A_2638, %mul3A_2643 : vector<1024x128xf32>
    %get3A_2645 = arith.constant 9 : index
    %get3A_2646 = arith.constant 3 : index
    %get3A_2647 = memref.load %arg8[%get3A_2645, %get3A_2646] : memref<10x10xf32, #tpu.memory_space<smem>>
    %mul3A_2648 = vector.broadcast %get3A_2647 : f32 to vector<1024x128xf32>
    %mul3A_2649 = arith.mulf %mul3A_2648, %max3A_1820 : vector<1024x128xf32>
    %add3A_2650 = arith.addf %add3A_2644, %mul3A_2649 : vector<1024x128xf32>
    %get3A_2651 = arith.constant 9 : index
    %get3A_2652 = arith.constant 4 : index
    %get3A_2653 = memref.load %arg8[%get3A_2651, %get3A_2652] : memref<10x10xf32, #tpu.memory_space<smem>>
    %mul3A_2654 = vector.broadcast %get3A_2653 : f32 to vector<1024x128xf32>
    %mul3A_2655 = arith.mulf %mul3A_2654, %max3A_1860 : vector<1024x128xf32>
    %add3A_2656 = arith.addf %add3A_2650, %mul3A_2655 : vector<1024x128xf32>
    %get3A_2657 = arith.constant 9 : index
    %get3A_2658 = arith.constant 5 : index
    %get3A_2659 = memref.load %arg8[%get3A_2657, %get3A_2658] : memref<10x10xf32, #tpu.memory_space<smem>>
    %mul3A_2660 = vector.broadcast %get3A_2659 : f32 to vector<1024x128xf32>
    %mul3A_2661 = arith.mulf %mul3A_2660, %max3A_1900 : vector<1024x128xf32>
    %add3A_2662 = arith.addf %add3A_2656, %mul3A_2661 : vector<1024x128xf32>
    %get3A_2663 = arith.constant 9 : index
    %get3A_2664 = arith.constant 6 : index
    %get3A_2665 = memref.load %arg8[%get3A_2663, %get3A_2664] : memref<10x10xf32, #tpu.memory_space<smem>>
    %mul3A_2666 = vector.broadcast %get3A_2665 : f32 to vector<1024x128xf32>
    %mul3A_2667 = arith.mulf %mul3A_2666, %max3A_1940 : vector<1024x128xf32>
    %add3A_2668 = arith.addf %add3A_2662, %mul3A_2667 : vector<1024x128xf32>
    %get3A_2669 = arith.constant 9 : index
    %get3A_2670 = arith.constant 7 : index
    %get3A_2671 = memref.load %arg8[%get3A_2669, %get3A_2670] : memref<10x10xf32, #tpu.memory_space<smem>>
    %mul3A_2672 = vector.broadcast %get3A_2671 : f32 to vector<1024x128xf32>
    %mul3A_2673 = arith.mulf %mul3A_2672, %max3A_1980 : vector<1024x128xf32>
    %add3A_2674 = arith.addf %add3A_2668, %mul3A_2673 : vector<1024x128xf32>
    %get3A_2675 = arith.constant 9 : index
    %get3A_2676 = arith.constant 8 : index
    %get3A_2677 = memref.load %arg8[%get3A_2675, %get3A_2676] : memref<10x10xf32, #tpu.memory_space<smem>>
    %mul3A_2678 = vector.broadcast %get3A_2677 : f32 to vector<1024x128xf32>
    %mul3A_2679 = arith.mulf %mul3A_2678, %max3A_2020 : vector<1024x128xf32>
    %add3A_2680 = arith.addf %add3A_2674, %mul3A_2679 : vector<1024x128xf32>
    %get3A_2681 = arith.constant 9 : index
    %get3A_2682 = arith.constant 9 : index
    %get3A_2683 = memref.load %arg8[%get3A_2681, %get3A_2682] : memref<10x10xf32, #tpu.memory_space<smem>>
    %mul3A_2684 = vector.broadcast %get3A_2683 : f32 to vector<1024x128xf32>
    %mul3A_2685 = arith.mulf %mul3A_2684, %max3A_2060 : vector<1024x128xf32>
    %add3A_2686 = arith.addf %add3A_2680, %mul3A_2685 : vector<1024x128xf32>
    %get3A_2687 = arith.constant 9 : index
    %get3A_2688 = memref.load %arg9[%get3A_2687] : memref<10xf32, #tpu.memory_space<smem>>
    %add3A_2689 = vector.broadcast %get3A_2688 : f32 to vector<1024x128xf32>
    %add3A_2690 = arith.addf %add3A_2686, %add3A_2689 : vector<1024x128xf32>
    %reshape3A = vector.shape_cast %add3A_2123 : vector<1024x128xf32> to vector<4x8x32x128xf32>
    %reduce_sum3A_2691 = arith.constant dense<0.000000e+00> : vector<4x32x128xf32>
    %reduce_sum3A_2692 = vector.multi_reduction <add>, %reshape3A, %reduce_sum3A_2691 [1] : vector<4x8x32x128xf32> to vector<4x32x128xf32>
    %swap3A = arith.constant 0 : index
    %swap3A_2693 = arith.constant 0 : index
    %swap3A_2694 = arith.constant 0 : index
    %swap3A_2695 = arith.constant 0 : index
    %swap3A_2696 = vector.load %arg10[%swap3A, %swap3A_2693, %swap3A_2694, %swap3A_2695] : memref<10x4x32x128xf32, #tpu.memory_space<vmem>>, vector<1x4x32x128xf32>
    %swap3A_2697 = vector.shape_cast %swap3A_2696 : vector<1x4x32x128xf32> to vector<4x32x128xf32>
    %swap3A_2698 = vector.shape_cast %reduce_sum3A_2692 : vector<4x32x128xf32> to vector<1x4x32x128xf32>
    tpu.vector_store %arg10[%swap3A, %swap3A_2693, %swap3A_2694, %swap3A_2695], %swap3A_2698 {strides = array<i32>} : memref<10x4x32x128xf32, #tpu.memory_space<vmem>>, vector<1x4x32x128xf32>,
    %reshape3A_2699 = vector.shape_cast %add3A_2186 : vector<1024x128xf32> to vector<4x8x32x128xf32>
    %reduce_sum3A_2700 = arith.constant dense<0.000000e+00> : vector<4x32x128xf32>
    %reduce_sum3A_2701 = vector.multi_reduction <add>, %reshape3A_2699, %reduce_sum3A_2700 [1] : vector<4x8x32x128xf32> to vector<4x32x128xf32>
    %swap3A_2702 = arith.constant 1 : index
    %swap3A_2703 = arith.constant 0 : index
    %swap3A_2704 = arith.constant 0 : index
    %swap3A_2705 = arith.constant 0 : index
    %swap3A_2706 = vector.load %arg10[%swap3A_2702, %swap3A_2703, %swap3A_2704, %swap3A_2705] : memref<10x4x32x128xf32, #tpu.memory_space<vmem>>, vector<1x4x32x128xf32>
    %swap3A_2707 = vector.shape_cast %swap3A_2706 : vector<1x4x32x128xf32> to vector<4x32x128xf32>
    %swap3A_2708 = vector.shape_cast %reduce_sum3A_2701 : vector<4x32x128xf32> to vector<1x4x32x128xf32>
    tpu.vector_store %arg10[%swap3A_2702, %swap3A_2703, %swap3A_2704, %swap3A_2705], %swap3A_2708 {strides = array<i32>} : memref<10x4x32x128xf32, #tpu.memory_space<vmem>>, vector<1x4x32x128xf32>,
    %reshape3A_2709 = vector.shape_cast %add3A_2249 : vector<1024x128xf32> to vector<4x8x32x128xf32>
    %reduce_sum3A_2710 = arith.constant dense<0.000000e+00> : vector<4x32x128xf32>
    %reduce_sum3A_2711 = vector.multi_reduction <add>, %reshape3A_2709, %reduce_sum3A_2710 [1] : vector<4x8x32x128xf32> to vector<4x32x128xf32>
    %swap3A_2712 = arith.constant 2 : index
    %swap3A_2713 = arith.constant 0 : index
    %swap3A_2714 = arith.constant 0 : index
    %swap3A_2715 = arith.constant 0 : index
    %swap3A_2716 = vector.load %arg10[%swap3A_2712, %swap3A_2713, %swap3A_2714, %swap3A_2715] : memref<10x4x32x128xf32, #tpu.memory_space<vmem>>, vector<1x4x32x128xf32>
    %swap3A_2717 = vector.shape_cast %swap3A_2716 : vector<1x4x32x128xf32> to vector<4x32x128xf32>
    %swap3A_2718 = vector.shape_cast %reduce_sum3A_2711 : vector<4x32x128xf32> to vector<1x4x32x128xf32>
    tpu.vector_store %arg10[%swap3A_2712, %swap3A_2713, %swap3A_2714, %swap3A_2715], %swap3A_2718 {strides = array<i32>} : memref<10x4x32x128xf32, #tpu.memory_space<vmem>>, vector<1x4x32x128xf32>,
    %reshape3A_2719 = vector.shape_cast %add3A_2312 : vector<1024x128xf32> to vector<4x8x32x128xf32>
    %reduce_sum3A_2720 = arith.constant dense<0.000000e+00> : vector<4x32x128xf32>
    %reduce_sum3A_2721 = vector.multi_reduction <add>, %reshape3A_2719, %reduce_sum3A_2720 [1] : vector<4x8x32x128xf32> to vector<4x32x128xf32>
    %swap3A_2722 = arith.constant 3 : index
    %swap3A_2723 = arith.constant 0 : index
    %swap3A_2724 = arith.constant 0 : index
    %swap3A_2725 = arith.constant 0 : index
    %swap3A_2726 = vector.load %arg10[%swap3A_2722, %swap3A_2723, %swap3A_2724, %swap3A_2725] : memref<10x4x32x128xf32, #tpu.memory_space<vmem>>, vector<1x4x32x128xf32>
    %swap3A_2727 = vector.shape_cast %swap3A_2726 : vector<1x4x32x128xf32> to vector<4x32x128xf32>
    %swap3A_2728 = vector.shape_cast %reduce_sum3A_2721 : vector<4x32x128xf32> to vector<1x4x32x128xf32>
    tpu.vector_store %arg10[%swap3A_2722, %swap3A_2723, %swap3A_2724, %swap3A_2725], %swap3A_2728 {strides = array<i32>} : memref<10x4x32x128xf32, #tpu.memory_space<vmem>>, vector<1x4x32x128xf32>,
    %reshape3A_2729 = vector.shape_cast %add3A_2375 : vector<1024x128xf32> to vector<4x8x32x128xf32>
    %reduce_sum3A_2730 = arith.constant dense<0.000000e+00> : vector<4x32x128xf32>
    %reduce_sum3A_2731 = vector.multi_reduction <add>, %reshape3A_2729, %reduce_sum3A_2730 [1] : vector<4x8x32x128xf32> to vector<4x32x128xf32>
    %swap3A_2732 = arith.constant 4 : index
    %swap3A_2733 = arith.constant 0 : index
    %swap3A_2734 = arith.constant 0 : index
    %swap3A_2735 = arith.constant 0 : index
    %swap3A_2736 = vector.load %arg10[%swap3A_2732, %swap3A_2733, %swap3A_2734, %swap3A_2735] : memref<10x4x32x128xf32, #tpu.memory_space<vmem>>, vector<1x4x32x128xf32>
    %swap3A_2737 = vector.shape_cast %swap3A_2736 : vector<1x4x32x128xf32> to vector<4x32x128xf32>
    %swap3A_2738 = vector.shape_cast %reduce_sum3A_2731 : vector<4x32x128xf32> to vector<1x4x32x128xf32>
    tpu.vector_store %arg10[%swap3A_2732, %swap3A_2733, %swap3A_2734, %swap3A_2735], %swap3A_2738 {strides = array<i32>} : memref<10x4x32x128xf32, #tpu.memory_space<vmem>>, vector<1x4x32x128xf32>,
    %reshape3A_2739 = vector.shape_cast %add3A_2438 : vector<1024x128xf32> to vector<4x8x32x128xf32>
    %reduce_sum3A_2740 = arith.constant dense<0.000000e+00> : vector<4x32x128xf32>
    %reduce_sum3A_2741 = vector.multi_reduction <add>, %reshape3A_2739, %reduce_sum3A_2740 [1] : vector<4x8x32x128xf32> to vector<4x32x128xf32>
    %swap3A_2742 = arith.constant 5 : index
    %swap3A_2743 = arith.constant 0 : index
    %swap3A_2744 = arith.constant 0 : index
    %swap3A_2745 = arith.constant 0 : index
    %swap3A_2746 = vector.load %arg10[%swap3A_2742, %swap3A_2743, %swap3A_2744, %swap3A_2745] : memref<10x4x32x128xf32, #tpu.memory_space<vmem>>, vector<1x4x32x128xf32>
    %swap3A_2747 = vector.shape_cast %swap3A_2746 : vector<1x4x32x128xf32> to vector<4x32x128xf32>
    %swap3A_2748 = vector.shape_cast %reduce_sum3A_2741 : vector<4x32x128xf32> to vector<1x4x32x128xf32>
    tpu.vector_store %arg10[%swap3A_2742, %swap3A_2743, %swap3A_2744, %swap3A_2745], %swap3A_2748 {strides = array<i32>} : memref<10x4x32x128xf32, #tpu.memory_space<vmem>>, vector<1x4x32x128xf32>,
    %reshape3A_2749 = vector.shape_cast %add3A_2501 : vector<1024x128xf32> to vector<4x8x32x128xf32>
    %reduce_sum3A_2750 = arith.constant dense<0.000000e+00> : vector<4x32x128xf32>
    %reduce_sum3A_2751 = vector.multi_reduction <add>, %reshape3A_2749, %reduce_sum3A_2750 [1] : vector<4x8x32x128xf32> to vector<4x32x128xf32>
    %swap3A_2752 = arith.constant 6 : index
    %swap3A_2753 = arith.constant 0 : index
    %swap3A_2754 = arith.constant 0 : index
    %swap3A_2755 = arith.constant 0 : index
    %swap3A_2756 = vector.load %arg10[%swap3A_2752, %swap3A_2753, %swap3A_2754, %swap3A_2755] : memref<10x4x32x128xf32, #tpu.memory_space<vmem>>, vector<1x4x32x128xf32>
    %swap3A_2757 = vector.shape_cast %swap3A_2756 : vector<1x4x32x128xf32> to vector<4x32x128xf32>
    %swap3A_2758 = vector.shape_cast %reduce_sum3A_2751 : vector<4x32x128xf32> to vector<1x4x32x128xf32>
    tpu.vector_store %arg10[%swap3A_2752, %swap3A_2753, %swap3A_2754, %swap3A_2755], %swap3A_2758 {strides = array<i32>} : memref<10x4x32x128xf32, #tpu.memory_space<vmem>>, vector<1x4x32x128xf32>,
    %reshape3A_2759 = vector.shape_cast %add3A_2564 : vector<1024x128xf32> to vector<4x8x32x128xf32>
    %reduce_sum3A_2760 = arith.constant dense<0.000000e+00> : vector<4x32x128xf32>
    %reduce_sum3A_2761 = vector.multi_reduction <add>, %reshape3A_2759, %reduce_sum3A_2760 [1] : vector<4x8x32x128xf32> to vector<4x32x128xf32>
    %swap3A_2762 = arith.constant 7 : index
    %swap3A_2763 = arith.constant 0 : index
    %swap3A_2764 = arith.constant 0 : index
    %swap3A_2765 = arith.constant 0 : index
    %swap3A_2766 = vector.load %arg10[%swap3A_2762, %swap3A_2763, %swap3A_2764, %swap3A_2765] : memref<10x4x32x128xf32, #tpu.memory_space<vmem>>, vector<1x4x32x128xf32>
    %swap3A_2767 = vector.shape_cast %swap3A_2766 : vector<1x4x32x128xf32> to vector<4x32x128xf32>
    %swap3A_2768 = vector.shape_cast %reduce_sum3A_2761 : vector<4x32x128xf32> to vector<1x4x32x128xf32>
    tpu.vector_store %arg10[%swap3A_2762, %swap3A_2763, %swap3A_2764, %swap3A_2765], %swap3A_2768 {strides = array<i32>} : memref<10x4x32x128xf32, #tpu.memory_space<vmem>>, vector<1x4x32x128xf32>,
    %reshape3A_2769 = vector.shape_cast %add3A_2627 : vector<1024x128xf32> to vector<4x8x32x128xf32>
    %reduce_sum3A_2770 = arith.constant dense<0.000000e+00> : vector<4x32x128xf32>
    %reduce_sum3A_2771 = vector.multi_reduction <add>, %reshape3A_2769, %reduce_sum3A_2770 [1] : vector<4x8x32x128xf32> to vector<4x32x128xf32>
    %swap3A_2772 = arith.constant 8 : index
    %swap3A_2773 = arith.constant 0 : index
    %swap3A_2774 = arith.constant 0 : index
    %swap3A_2775 = arith.constant 0 : index
    %swap3A_2776 = vector.load %arg10[%swap3A_2772, %swap3A_2773, %swap3A_2774, %swap3A_2775] : memref<10x4x32x128xf32, #tpu.memory_space<vmem>>, vector<1x4x32x128xf32>
    %swap3A_2777 = vector.shape_cast %swap3A_2776 : vector<1x4x32x128xf32> to vector<4x32x128xf32>
    %swap3A_2778 = vector.shape_cast %reduce_sum3A_2771 : vector<4x32x128xf32> to vector<1x4x32x128xf32>
    tpu.vector_store %arg10[%swap3A_2772, %swap3A_2773, %swap3A_2774, %swap3A_2775], %swap3A_2778 {strides = array<i32>} : memref<10x4x32x128xf32, #tpu.memory_space<vmem>>, vector<1x4x32x128xf32>,
    %reshape3A_2779 = vector.shape_cast %add3A_2690 : vector<1024x128xf32> to vector<4x8x32x128xf32>
    %reduce_sum3A_2780 = arith.constant dense<0.000000e+00> : vector<4x32x128xf32>
    %reduce_sum3A_2781 = vector.multi_reduction <add>, %reshape3A_2779, %reduce_sum3A_2780 [1] : vector<4x8x32x128xf32> to vector<4x32x128xf32>
    %swap3A_2782 = arith.constant 9 : index
    %swap3A_2783 = arith.constant 0 : index
    %swap3A_2784 = arith.constant 0 : index
    %swap3A_2785 = arith.constant 0 : index
    %swap3A_2786 = vector.load %arg10[%swap3A_2782, %swap3A_2783, %swap3A_2784, %swap3A_2785] : memref<10x4x32x128xf32, #tpu.memory_space<vmem>>, vector<1x4x32x128xf32>
    %swap3A_2787 = vector.shape_cast %swap3A_2786 : vector<1x4x32x128xf32> to vector<4x32x128xf32>
    %swap3A_2788 = vector.shape_cast %reduce_sum3A_2781 : vector<4x32x128xf32> to vector<1x4x32x128xf32>
    tpu.vector_store %arg10[%swap3A_2782, %swap3A_2783, %swap3A_2784, %swap3A_2785], %swap3A_2788 {strides = array<i32>} : memref<10x4x32x128xf32, #tpu.memory_space<vmem>>, vector<1x4x32x128xf32>,
    return
  }
}

</mosaic_0001>

<sc_bundles>
// kernel: kernel.6.cloned.1.call-start
scs
__scs_entry_jumppad:
0x0: {  	(pc) =	sbr.rel $0x88, $3  }
0x1: {  	(tag) =	ssettag $0x0;
	lr =	simm.s32 $0x1  }
0x2: {  	[smem:$0x3F97] =	sst lr;
	_ =	strace $0xD0000000  }
0x3: {  	_ = 	snop  }
0x4: {  	_ = 	snop  }
0x5: {  	_ = 	snop  }
0x6: {  	_ = 	snop  }
0x7: {  	_ = 	snop  }
__scs_overlays_trampoline_lowered:
0x8: {  	[smem:$0x3FA6] =	sst s0  }
0x9: {  	[smem:$0x3FA7] =	sst s1  }
0xa: {  	[smem:$0x3FA8] =	sst s2  }
0xb: {  	[smem:$0x3FA9] =	sst s3  }
0xc: {  	[smem:$0x3FAA] =	sst s4  }
0xd: {  	[smem:$0x3FAB] =	sst s5  }
0xe: {  	[smem:$0x3FAC] =	sst s6  }
0xf: {  	[smem:$0x3FAD] =	sst s7  }
0x10: {  	[smem:$0x3FAE] =	sst s8  }
0x11: {  	[smem:$0x3FAF] =	sst s9;
	s0 =	simm.s32 @!p0 $0x0  }
0x12: {  	s1 =	sld [smem:$0x3F95];
	s0 =	simm.s32 @p0 $0x1  }
0x13: {  	[smem:$0x3FB0] =	sst s0;
	s0 =	simm.s32 @!p1 $0x0  }
0x14: {  	s2 =	sld [smem:$0x3F94];
	s0 =	simm.s32 @p1 $0x1  }
0x15: {  	[smem:$0x3FB1] =	sst s0;
	s0 =	simm.s32 @!p2 $0x0  }
0x16: {  	s3 =	sld [smem:$0x3FDB];
	s0 =	simm.s32 @p2 $0x1  }
0x17: {  	s4 =	simm.s32 $0x1BF5;
	[smem:$0x3FB3] =	sst s0  }
0x18: {  	s0 =	sld [smem:$0x3F96];
	_ =	swait.ge [sflag:s4], $0x0  }
0x19: {  	s7 =	sld [smem:$0x3F97]  }
0x1a: {  	s8 =	sadd.s32 $0xFFFFE003, lr  }
0x1b: {  	s9 =	sadd.s32 $0xFFFFFEF7, lr;
	s5 =	simm.s32 $0xFFFFFFFF;
	p2 =	slt.u32 s8, $0xFFFFF086  }
0x1c: {  	p1 =	slt.u32 s9, $0xF7A;
	s5 =	simm.s32 @!p2 $0x0  }
0x1d: {  	s5 =	simm.s32 @p1 $0x1;
	p0 =	seq.s32 s7, s2  }
0x1e: {  	s7 =	smul.u32 @!p0 $0xF7A, s2;
	p2 =	seq.s32 @!p0 s5, $0x0  }
0x1f: {  	s9 =	smul.u32 $0xF7A, s1;
	s8 =	simm.s32 @!p0 $0x1BF5;
	p2 =	por !p2, p0  }
0x20: {  	[sflag:s8] =	ssyncset.s32 @!p0 $0xFFFFF086;
	s6 =	sadd.s32 @!p0 s3, s7;
	s7 =	simm.s32 @!p0 $0x108  }
0x21: {  	s3 =	sadd.s32 s3, s9;
	s6 =	sadd.s32 @!p0 $0x88, s6;
	s7 =	simm.s32 @p2 $0x1082  }
0x22: {  	[simem:s7], [sflag:s8] =	dma.local @!p0 [hbm:s6], $0xF7A  }
0x23: {  	s9 =	sor.u32 $0xD0000000, s2;
	s6 =	simm.s32 $0x108;
	_ =	swait.ge @!p0 [sflag:s8], $0x0  }
0x24: {  	s3 =	sadd.s32 $0x88, s3;
	s6 =	simm.s32 @!p1 $0x1082;
	[sflag:s4] =	ssyncset.s32 $0xFFFFF086  }
0x25: {  	[simem:s6], [sflag:s4] =	dma.local [hbm:s3], $0xF7A  }
0x26: {  	[smem:$0x3F97] =	sst s1;
	(tag) =	ssettag s2;
	_ =	strace s9  }
0x27: {  	s1 =	sld [smem:$0x3FA7]  }
0x28: {  	s2 =	sld [smem:$0x3FA8]  }
0x29: {  	s4 =	sld [smem:$0x3FAA]  }
0x2a: {  	p0 =	seq.s32 s5, $0x0;
	s5 =	sld [smem:$0x3FAB]  }
0x2b: {  	s6 =	sld [smem:$0x3FAC]  }
0x2c: {  	s7 =	sld [smem:$0x3FAD]  }
0x2d: {  	s3 =	simm.s32 $0x108;
	s8 =	sld [smem:$0x3FAE]  }
0x2e: {  	s3 =	simm.s32 @!p0 $0x1082;
	s9 =	sld [smem:$0x3FAF]  }
0x2f: {  	lr =	sadd.s32 s0, s3;
	s0 =	sld [smem:$0x3FA6]  }
0x30: {  	s3 =	sld [smem:$0x3FA9]  }
0x31: {  	[smem:$0x3FB2] =	sst s10  }
0x32: {  	s10 =	sld [smem:$0x3FB0];
	_ =	sdelay $0x3  }
0x33: {  	p0 =	seq.s32 s10, $0x1;
	s10 =	sld [smem:$0x3FB2];
	_ =	sdelay $0x3  }
0x34: {  	[smem:$0x3FB2] =	sst s10  }
0x35: {  	s10 =	sld [smem:$0x3FB1];
	_ =	sdelay $0x3  }
0x36: {  	p1 =	seq.s32 s10, $0x1;
	s10 =	sld [smem:$0x3FB2];
	_ =	sdelay $0x3  }
0x37: {  	[smem:$0x3FB2] =	sst s10  }
0x38: {  	s10 =	sld [smem:$0x3FB3]  }
0x39: {  	_ = 	snop;
	(pc) =	sbr.ind lr, $3  }
0x3a: {  	_ = 	snop  }
0x3b: {  	_ = 	snop  }
0x3c: {  	p2 =	seq.s32 s10, $0x1;
	s10 =	sld [smem:$0x3FB2]  }
0x3d: {  	_ =	shalt  }
0x3e: {  	_ =	shalt  }
0x3f: {  	_ =	shalt  }
0x40: {  	_ =	shalt  }
0x41: {  	_ =	shalt  }
0x42: {  	_ =	shalt  }
0x43: {  	_ =	shalt  }
0x44: {  	_ =	shalt  }
0x45: {  	_ =	shalt  }
0x46: {  	_ =	shalt  }
0x47: {  	_ =	shalt  }
0x48: {  	_ =	shalt  }
0x49: {  	_ =	shalt  }
0x4a: {  	_ =	shalt  }
0x4b: {  	_ =	shalt  }
0x4c: {  	_ =	shalt  }
0x4d: {  	_ =	shalt  }
0x4e: {  	_ =	shalt  }
0x4f: {  	_ =	shalt  }
0x50: {  	_ =	shalt  }
0x51: {  	_ =	shalt  }
0x52: {  	_ =	shalt  }
0x53: {  	_ =	shalt  }
0x54: {  	_ =	shalt  }
0x55: {  	_ =	shalt  }
0x56: {  	_ =	shalt  }
0x57: {  	_ =	shalt  }
0x58: {  	_ =	shalt  }
0x59: {  	_ =	shalt  }
0x5a: {  	_ =	shalt  }
0x5b: {  	_ =	shalt  }
0x5c: {  	_ =	shalt  }
0x5d: {  	_ =	shalt  }
0x5e: {  	_ =	shalt  }
0x5f: {  	_ =	shalt  }
0x60: {  	_ =	shalt  }
0x61: {  	_ =	shalt  }
0x62: {  	_ =	shalt  }
0x63: {  	_ =	shalt  }
0x64: {  	_ =	shalt  }
0x65: {  	_ =	shalt  }
0x66: {  	_ =	shalt  }
0x67: {  	_ =	shalt  }
0x68: {  	_ =	shalt  }
0x69: {  	_ =	shalt  }
0x6a: {  	_ =	shalt  }
0x6b: {  	_ =	shalt  }
0x6c: {  	_ =	shalt  }
0x6d: {  	_ =	shalt  }
0x6e: {  	_ =	shalt  }
0x6f: {  	_ =	shalt  }
0x70: {  	_ =	shalt  }
0x71: {  	_ =	shalt  }
0x72: {  	_ =	shalt  }
0x73: {  	_ =	shalt  }
0x74: {  	_ =	shalt  }
0x75: {  	_ =	shalt  }
0x76: {  	_ =	shalt  }
0x77: {  	_ =	shalt  }
0x78: {  	_ =	shalt  }
0x79: {  	_ =	shalt  }
0x7a: {  	_ =	shalt  }
0x7b: {  	_ =	shalt  }
0x7c: {  	_ =	shalt  }
0x7d: {  	_ =	shalt  }
0x7e: {  	_ =	shalt  }
0x7f: {  	_ =	shalt  }
0x80: {  	_ =	shalt  }
0x81: {  	_ =	shalt  }
0x82: {  	_ =	shalt  }
0x83: {  	_ =	shalt  }
0x84: {  	_ =	shalt  }
0x85: {  	_ =	shalt  }
0x86: {  	_ =	shalt  }
0x87: {  	_ =	shalt  }
.Lfunc_end0:
.L_simem_size_0:
called_computation_lowered:
.L_overlay_start_0:
0x88: {  	s2 =	sld [smem:$0x3FD9]  }
0x89: {  	s3 =	sld [smem:$0x3FFE];
	_ =	sdelay $0x1  }
0x8a: {  	s1 =	srdreg.scid  }
0x8b: {  	s0 =	sand.u32 $0x1, s1  }
0x8c: {  	s17 =	sshll.u32 s0, $0xA;
	s2 =	sadd.s32 s3, s2  }
0x8d: {  	s2 =	sadd.s32 s2, s17  }
0x8e: {  	[smem:$0x3FBE] =	sst s2  }
0x8f: {  	_ = 	snop  }
0x90: {  	s2 =	sld [smem:$0x3FD0];
	(tm) =	ssettm $0x1  }
0x91: {  	s18 =	sld [smem:$0x3FFB];
	_ =	sdelay $0x3  }
0x92: {  	_ =	strace s18  }
0x93: {  	s3 =	sld [smem:$0x3FFC];
	_ =	sdelay $0x3  }
0x94: {  	_ =	strace s3  }
0x95: {  	s3 =	sld [smem:$0x3FFD];
	_ =	sdelay $0x3  }
0x96: {  	_ =	strace s3  }
0x97: {  	_ =	strace $0x8FFFFFFF  }
0x98: {  	s19 =	sld [smem:$0x3FDB];
	_ =	sdelay $0x1  }
0x99: {  	s4 =	simm.s32 $_scs_section_size  }
0x9a: {  	s5 =	simm.s32 $_size__tile_overlayer_lowered;
	s6 =	simm.s32 $_tile_overlayer_lowered  }
0x9b: {  	s22 =	simm.s32 $0x1BFF;
	s21 =	sshll.u32 s6, $0x1;
	s3 =	sadd.s32 s4, s19  }
0x9c: {  	s7 =	simm.s32 $0x0;
	s20 =	sshll.u32 s5, $0x1;
	s5 =	sadd.s32 s21, s3  }
0x9d: {  	[timem:s7], [sflag:s22] =	dma.local [hbm:s5], s20  }
0x9e: {  	_ =	swait.ge [sflag:s22], s20  }
0x9f: {  	s4 =	ssub.s32 $0x0, s20;
	[sflag:s22] =	ssyncset.done $0x0  }
0xa0: {  	[sflag:s22] =	ssyncadd.s32 s4;
	_ =	sdelay $0x1  }
0xa1: {  	s23 =	simm.s32 $0x1B8B  }
0xa2: {  	_ =	swait.ge [sflag:s23], $0x1  }
0xa3: {  	[sflag:s23] =	ssyncset.done $0x0  }
0xa4: {  	s25 =	simm.s32 $0x1B8E;
	s24 =	sld [smem:$0x3FFE];
	[sflag:s23] =	ssyncadd.s32 $0xFFFFFFFF  }
0xa5: {  	s26 =	simm.s32 $execute0_lowered;
	[smem:$0x3FD2] =	sst s25  }
0xa6: {  	s5 =	sshll.u32 s26, $0x1;
	_ =	strace $0x80000046;
	[dreg:$0x1] =	wrdreg $0xFFFFFFFF  }
0xa7: {  	s28 =	simm.s32 $_size_execute0_lowered;
	s3 =	sadd.s32 s3, s5;
	[dreg:$0x0] =	wrdreg $0x0  }
0xa8: {  	s5 =	sshll.u32 s28, $0x1;
	[dreg:$0x2] =	wrdreg s3  }
0xa9: {  	[dreg:$0x3] =	wrdreg s5  }
0xaa: {  	[dreg:$0x4] =	wrdreg $0xC0  }
0xab: {  	_ =	task [dreg:s7], $0x5FFFF  }
0xac: {  	[dreg:$0x1] =	wrdreg $0xFFFFFFFF  }
0xad: {  	[dreg:$0x0] =	wrdreg $0x60  }
0xae: {  	[dreg:$0x2] =	wrdreg s24  }
0xaf: {  	[dreg:$0x3] =	wrdreg s2  }
0xb0: {  	[dreg:$0x4] =	wrdreg $0x9  }
0xb1: {  	_ =	task.clear_ibuf [dreg:s7], $0x5FFFF;
	_ =	strace $0x90000046  }
0xb2: {  	s29 =	simm.s32 $0x9;
	_ =	strace $0x80000048  }
0xb3: {  	_ =	swait.ge [sflag:s29], $0x1  }
0xb4: {  	[sflag:s29] =	ssyncadd.s32 $0xFFFFFFFF  }
0xb5: {  	_ =	strace $0x90000048  }
0xb6: {  	_ =	sfence  }
0xb7: {  	s30 =	sld [smem:$0x0];
	_ =	sdelay $0x2  }
0xb8: {  	s31 =	sshll.u32 s1, $0xD;
	s1 =	sshrl.u32 s1, $0x2  }
0xb9: {  	s3 =	sand.u32 $0x4000, s31;
	s1 =	sadd.s32 s1, s30  }
0xba: {  	s0 =	sor.u32 s3, s0;
	s1 =	sshll.u32 s1, $0x11  }
0xbb: {  	s0 =	sor.u32 s1, s0  }
0xbc: {  	s0 =	sadd.s32 $0x8F2B, s0  }
0xbd: {  	[sflag:s0] =	ssyncadd.remote.s32 $0x1  }
0xbe: {  	_ =	sfence.sel $0xFFFF  }
0xbf: {  	[dreg:$0x0] =	wrdreg $0xFFFFFFFF;
	(pc) =	sbr.abs _section_cstart, $3  }
0xc0: {  	[dreg:$0x1] =	wrdreg $0xFFFFFFFF  }
0xc1: {  	_ =	task.clear_ibuf [dreg:s7], $0x2FFFF;
	_ =	strace $0x9FFFFFFF  }
0xc2: {  	(tm) =	ssettm $0x7FFFFFFF  }
0xc3: {  	_ =	shalt  }
tec
execute0_lowered:
.L_overlay_start_1:
0x0: {  	(tag) =	ssettag $0x1  }
0x1: {  	s3 =	rddreg [dreg:$0x0]  }
0x2: {  	s0 =	stileid.u32;
	s1 =	srdreg.scid  }
0x3: {  	s4 =	rddreg [dreg:$0x1];
	s2 =	simm.s32 $0x0;
	s10 =	simm.s32 $0x3000  }
0x4: {  	s11 =	simm.s32 $0x4000;
	s5 =	sand.u32 $0x1, s1;
	s1 =	rddreg [dreg:$0x2]  }
0x5: {  	s12 =	simm.s32 $0x0;
	s6 =	sshll.u32 s0, $0x1;
	[smem:$0x7FF] =	sst s2  }
0x6: {  	s7 =	sshll.u32 s0, $0x2;
	s6 =	sor.u32 s5, s6;
	_ =	strace $0x80000047  }
0x7: {  	s7 =	sand.u32 $0x30, s7;
	s5 =	ssub.s32 $0x2, s5;
	s8 =	smul.u32 $0x600, s6  }
0x8: {  	s7 =	sadd.s32 s7, s3;
	s30 =	sshrl.u32 s5, $0x1;
	s31 =	sshll.u32 s6, $0x9  }
0x9: {  	s9 =	ssub.s32 s5, s30;
	s4 =	sadd.s32 s4, s31;
	s8 =	sadd.s32 s8, s3  }
0xa: {  	s3 =	sadd.s32 $0x1800, s7;
	s6 =	smax.u32 s9, $0x1;
	s7 =	simm.s32 $0x80  }
0xb: {  	s9 =	simm.s32 $0x1;
	s5 =	sadd.s32 $0x3000, s8;
	s8 =	simm.s32 $0x200  }
.LBB2_1:
0xc: {  	[tilespmem:s2], [sflag:$0x1] =	stream.strided.gather [hbm4b:s3+s7], $0x3000, s8, s7, $0x38;
	[tilespmem:$0x7000] =	vst v63  }
0xd: {  	_ =	swait.ge [sflag:s9], $0x3000  }
0xe: {  	[sflag:s9] =	ssyncset.done $0x0  }
0xf: {  	[sflag:s9] =	ssyncadd.s32 $0xFFFFD000  }
0x10: {  	[tilespmem:s10], [sflag:$0x1] =	stream.linear.gather [hbm4b:s4+s2], $0x1000, $0x38;
	[tilespmem:$0x7000] =	vst v63  }
0x11: {  	_ =	swait.ge [sflag:s9], $0x1000  }
0x12: {  	s13 =	sand.u32 $0x70, s2;
	s14 =	sand.u32 $0xC00, s2;
	[sflag:s9] =	ssyncset.done $0x0  }
0x13: {  	s13 =	sor.u32 s13, s14;
	[sflag:s9] =	ssyncadd.s32 $0xFFFFF000  }
0x14: {  	v0 =	vld [tilespmem:s13+$0x3000];
	_ =	sdelay $0x7  }
0x15: {  	v1 =	vld.idx.msk [tilespmem:v0+s2+$0x0], $0xffff  }
0x16: {  	v2 =	vadd.s32 $0x1, v0;
	_ =	sdelay $0x3  }
0x17: {  	[tilespmem:s13+$0x4000] =	vst v1  }
0x18: {  	v1 =	vld.idx.msk [tilespmem:v2+s2+$0x0], $0xffff;
	_ =	sdelay $0x1  }
0x19: {  	v0 =	vadd.s32 $0x2, v0;
	_ =	sdelay $0x2  }
0x1a: {  	[tilespmem:s13+$0x5000] =	vst v1;
	v1 =	vld [tilespmem:s13+$0x3080];
	_ =	sdelay $0x1  }
0x1b: {  	v0 =	vld.idx.msk [tilespmem:v0+s2+$0x0], $0xffff;
	_ =	sdelay $0x4  }
0x1c: {  	[tilespmem:s13+$0x6000] =	vst v0  }
0x1d: {  	v0 =	vld.idx.msk [tilespmem:v1+s2+$0x0], $0xffff  }
0x1e: {  	v2 =	vadd.s32 $0x1, v1;
	_ =	sdelay $0x3  }
0x1f: {  	[tilespmem:s13+$0x4080] =	vst v0  }
0x20: {  	v0 =	vld.idx.msk [tilespmem:v2+s2+$0x0], $0xffff;
	_ =	sdelay $0x1  }
0x21: {  	v1 =	vadd.s32 $0x2, v1;
	_ =	sdelay $0x2  }
0x22: {  	[tilespmem:s13+$0x5080] =	vst v0;
	v0 =	vld [tilespmem:s13+$0x3100];
	_ =	sdelay $0x1  }
0x23: {  	v1 =	vld.idx.msk [tilespmem:v1+s2+$0x0], $0xffff;
	_ =	sdelay $0x4  }
0x24: {  	[tilespmem:s13+$0x6080] =	vst v1  }
0x25: {  	v1 =	vld.idx.msk [tilespmem:v0+s2+$0x0], $0xffff  }
0x26: {  	v2 =	vadd.s32 $0x1, v0;
	_ =	sdelay $0x3  }
0x27: {  	[tilespmem:s13+$0x4100] =	vst v1  }
0x28: {  	v1 =	vld.idx.msk [tilespmem:v2+s2+$0x0], $0xffff  }
0x29: {  	v0 =	vadd.s32 $0x2, v0;
	_ =	sdelay $0x3  }
0x2a: {  	[tilespmem:s13+$0x5100] =	vst v1  }
0x2b: {  	v0 =	vld.idx.msk [tilespmem:v0+s2+$0x0], $0xffff;
	_ =	sdelay $0x3  }
0x2c: {  	s14 =	sor.u32 s14, s2  }
0x2d: {  	s14 =	sor.u32 $0x180, s14;
	[tilespmem:s13+$0x6100] =	vst v0  }
0x2e: {  	v0 =	vld [tilespmem:s14+$0x3000];
	_ =	sdelay $0x7  }
0x2f: {  	v1 =	vld.idx.msk [tilespmem:v0+s2+$0x0], $0xffff  }
0x30: {  	v2 =	vadd.s32 $0x1, v0;
	_ =	sdelay $0x3  }
0x31: {  	[tilespmem:s14+$0x4000] =	vst v1  }
0x32: {  	v1 =	vld.idx.msk [tilespmem:v2+s2+$0x0], $0xffff;
	_ =	sdelay $0x1  }
0x33: {  	v0 =	vadd.s32 $0x2, v0;
	_ =	sdelay $0x2  }
0x34: {  	[tilespmem:s13+$0x5180] =	vst v1;
	v1 =	vld [tilespmem:s13+$0x3200];
	_ =	sdelay $0x1  }
0x35: {  	v0 =	vld.idx.msk [tilespmem:v0+s2+$0x0], $0xffff;
	_ =	sdelay $0x4  }
0x36: {  	[tilespmem:s13+$0x6180] =	vst v0  }
0x37: {  	v0 =	vld.idx.msk [tilespmem:v1+s2+$0x0], $0xffff  }
0x38: {  	v2 =	vadd.s32 $0x1, v1;
	_ =	sdelay $0x3  }
0x39: {  	[tilespmem:s13+$0x4200] =	vst v0  }
0x3a: {  	v0 =	vld.idx.msk [tilespmem:v2+s2+$0x0], $0xffff;
	_ =	sdelay $0x1  }
0x3b: {  	v1 =	vadd.s32 $0x2, v1;
	_ =	sdelay $0x2  }
0x3c: {  	[tilespmem:s13+$0x5200] =	vst v0;
	v0 =	vld [tilespmem:s13+$0x3280];
	_ =	sdelay $0x1  }
0x3d: {  	v1 =	vld.idx.msk [tilespmem:v1+s2+$0x0], $0xffff;
	_ =	sdelay $0x4  }
0x3e: {  	[tilespmem:s13+$0x6200] =	vst v1  }
0x3f: {  	v1 =	vld.idx.msk [tilespmem:v0+s2+$0x0], $0xffff  }
0x40: {  	v2 =	vadd.s32 $0x1, v0;
	_ =	sdelay $0x3  }
0x41: {  	[tilespmem:s13+$0x4280] =	vst v1  }
0x42: {  	v1 =	vld.idx.msk [tilespmem:v2+s2+$0x0], $0xffff;
	_ =	sdelay $0x1  }
0x43: {  	v0 =	vadd.s32 $0x2, v0;
	_ =	sdelay $0x2  }
0x44: {  	[tilespmem:s13+$0x5280] =	vst v1;
	v1 =	vld [tilespmem:s13+$0x3300];
	_ =	sdelay $0x1  }
0x45: {  	v0 =	vld.idx.msk [tilespmem:v0+s2+$0x0], $0xffff;
	_ =	sdelay $0x4  }
0x46: {  	[tilespmem:s13+$0x6280] =	vst v0  }
0x47: {  	v0 =	vld.idx.msk [tilespmem:v1+s2+$0x0], $0xffff  }
0x48: {  	v2 =	vadd.s32 $0x1, v1;
	_ =	sdelay $0x3  }
0x49: {  	[tilespmem:s13+$0x4300] =	vst v0  }
0x4a: {  	v0 =	vld.idx.msk [tilespmem:v2+s2+$0x0], $0xffff  }
0x4b: {  	v1 =	vadd.s32 $0x2, v1;
	_ =	sdelay $0x3  }
0x4c: {  	[tilespmem:s13+$0x5300] =	vst v0  }
0x4d: {  	v0 =	vld.idx.msk [tilespmem:v1+s2+$0x0], $0xffff;
	_ =	sdelay $0x3  }
0x4e: {  	s30 =	sor.u32 s2, s2  }
0x4f: {  	s16 =	sor.u32 $0x380, s30;
	[tilespmem:s13+$0x6300] =	vst v0  }
0x50: {  	v0 =	vld [tilespmem:s16+$0x3000];
	_ =	sdelay $0x7  }
0x51: {  	v1 =	vld.idx.msk [tilespmem:v0+s2+$0x0], $0xffff  }
0x52: {  	v2 =	vadd.s32 $0x1, v0;
	_ =	sdelay $0x3  }
0x53: {  	[tilespmem:s16+$0x4000] =	vst v1  }
0x54: {  	v2 =	vld.idx.msk [tilespmem:v2+s2+$0x0], $0xffff  }
0x55: {  	s15 =	simm.s32 $0x80;
	s14 =	simm.s32 $0x10;
	v0 =	vadd.s32 $0x2, v0  }
0x56: {  	s17 =	sand.u32 $0xC00, s15;
	s31 =	sand.u32 $0x70, s14  }
0x57: {  	s19 =	sor.u32 s31, s17  }
0x58: {  	v1 =	vld [tilespmem:s19+$0x3000]  }
0x59: {  	[tilespmem:s13+$0x5380] =	vst v2  }
0x5a: {  	v3 =	vld.idx.msk [tilespmem:v0+s2+$0x0], $0xffff;
	_ =	sdelay $0x2  }
0x5b: {  	s18 =	sor.u32 s17, s14;
	s16 =	simm.s32 $0x20;
	v2 =	vadd.s32 $0x1, v1;
	v0 =	vadd.s32 $0x2, v1  }
.LBB2_2:
0x5c: {  	_ = 	snop  }
0x5d: {  	p0 =	sne.s32 s16, $0x1F0;
	[tilespmem:s13+$0x6380] =	vst v3;
	s17 =	smov.u32 s16;
	s16 =	sadd.s32 $0x10, s16  }
0x5e: {  	s13 =	smov.u32 s19;
	v1 =	vld.idx.msk [tilespmem:v1+s2+$0x0], $0xffff;
	_ =	sdelay $0x5  }
0x5f: {  	[tilespmem:s13+$0x4000] =	vst v1  }
0x60: {  	v1 =	vld.idx.msk [tilespmem:v2+s2+$0x0], $0xffff;
	_ =	sdelay $0x5  }
0x61: {  	[tilespmem:s13+$0x5000] =	vst v1;
	v1 =	vld [tilespmem:s13+$0x3080]  }
0x62: {  	v0 =	vld.idx.msk [tilespmem:v0+s2+$0x0], $0xffff;
	_ =	sdelay $0x3  }
0x63: {  	v2 =	vadd.s32 $0x1, v1;
	v3 =	vadd.s32 $0x2, v1;
	_ =	sdelay $0x1  }
0x64: {  	[tilespmem:s13+$0x6000] =	vst v0  }
0x65: {  	v0 =	vld.idx.msk [tilespmem:v1+s2+$0x0], $0xffff;
	_ =	sdelay $0x5  }
0x66: {  	[tilespmem:s13+$0x4080] =	vst v0  }
0x67: {  	v0 =	vld.idx.msk [tilespmem:v2+s2+$0x0], $0xffff;
	_ =	sdelay $0x5  }
0x68: {  	[tilespmem:s13+$0x5080] =	vst v0;
	v0 =	vld [tilespmem:s13+$0x3100]  }
0x69: {  	v1 =	vld.idx.msk [tilespmem:v3+s2+$0x0], $0xffff;
	_ =	sdelay $0x5  }
0x6a: {  	[tilespmem:s13+$0x6080] =	vst v1  }
0x6b: {  	v1 =	vld.idx.msk [tilespmem:v0+s2+$0x0], $0xffff;
	_ =	sdelay $0x1  }
0x6c: {  	v2 =	vadd.s32 $0x1, v0;
	_ =	sdelay $0x3  }
0x6d: {  	[tilespmem:s13+$0x4100] =	vst v1  }
0x6e: {  	v1 =	vld.idx.msk [tilespmem:v2+s2+$0x0], $0xffff;
	_ =	sdelay $0x1  }
0x6f: {  	v0 =	vadd.s32 $0x2, v0;
	_ =	sdelay $0x3  }
0x70: {  	[tilespmem:s13+$0x5100] =	vst v1  }
0x71: {  	v0 =	vld.idx.msk [tilespmem:v0+s2+$0x0], $0xffff;
	_ =	sdelay $0x5  }
0x72: {  	s18 =	sor.u32 $0x180, s18;
	[tilespmem:s13+$0x6100] =	vst v0  }
0x73: {  	v0 =	vld [tilespmem:s18+$0x3000];
	_ =	sdelay $0x4  }
0x74: {  	v1 =	vadd.s32 $0x1, v0;
	v2 =	vadd.s32 $0x2, v0;
	_ =	sdelay $0x2  }
0x75: {  	v0 =	vld.idx.msk [tilespmem:v0+s2+$0x0], $0xffff;
	_ =	sdelay $0x5  }
0x76: {  	[tilespmem:s18+$0x4000] =	vst v0  }
0x77: {  	v0 =	vld.idx.msk [tilespmem:v1+s2+$0x0], $0xffff;
	_ =	sdelay $0x5  }
0x78: {  	[tilespmem:s13+$0x5180] =	vst v0;
	v0 =	vld [tilespmem:s13+$0x3200]  }
0x79: {  	v1 =	vld.idx.msk [tilespmem:v2+s2+$0x0], $0xffff;
	_ =	sdelay $0x5  }
0x7a: {  	[tilespmem:s13+$0x6180] =	vst v1  }
0x7b: {  	v1 =	vld.idx.msk [tilespmem:v0+s2+$0x0], $0xffff;
	_ =	sdelay $0x1  }
0x7c: {  	v2 =	vadd.s32 $0x1, v0;
	_ =	sdelay $0x3  }
0x7d: {  	[tilespmem:s13+$0x4200] =	vst v1  }
0x7e: {  	v1 =	vld.idx.msk [tilespmem:v2+s2+$0x0], $0xffff;
	_ =	sdelay $0x1  }
0x7f: {  	v0 =	vadd.s32 $0x2, v0;
	_ =	sdelay $0x3  }
0x80: {  	[tilespmem:s13+$0x5200] =	vst v1;
	v1 =	vld [tilespmem:s13+$0x3280]  }
0x81: {  	v0 =	vld.idx.msk [tilespmem:v0+s2+$0x0], $0xffff;
	_ =	sdelay $0x5  }
0x82: {  	[tilespmem:s13+$0x6200] =	vst v0  }
0x83: {  	v0 =	vld.idx.msk [tilespmem:v1+s2+$0x0], $0xffff;
	_ =	sdelay $0x1  }
0x84: {  	v2 =	vadd.s32 $0x1, v1;
	_ =	sdelay $0x3  }
0x85: {  	[tilespmem:s13+$0x4280] =	vst v0  }
0x86: {  	v0 =	vld.idx.msk [tilespmem:v2+s2+$0x0], $0xffff;
	_ =	sdelay $0x1  }
0x87: {  	v1 =	vadd.s32 $0x2, v1;
	_ =	sdelay $0x3  }
0x88: {  	[tilespmem:s13+$0x5280] =	vst v0;
	v0 =	vld [tilespmem:s13+$0x3300]  }
0x89: {  	v1 =	vld.idx.msk [tilespmem:v1+s2+$0x0], $0xffff;
	_ =	sdelay $0x5  }
0x8a: {  	[tilespmem:s13+$0x6280] =	vst v1  }
0x8b: {  	v1 =	vld.idx.msk [tilespmem:v0+s2+$0x0], $0xffff;
	_ =	sdelay $0x1  }
0x8c: {  	v2 =	vadd.s32 $0x1, v0;
	_ =	sdelay $0x3  }
0x8d: {  	[tilespmem:s13+$0x4300] =	vst v1  }
0x8e: {  	v1 =	vld.idx.msk [tilespmem:v2+s2+$0x0], $0xffff;
	_ =	sdelay $0x1  }
0x8f: {  	v0 =	vadd.s32 $0x2, v0;
	_ =	sdelay $0x3  }
0x90: {  	[tilespmem:s13+$0x5300] =	vst v1  }
0x91: {  	v0 =	vld.idx.msk [tilespmem:v0+s2+$0x0], $0xffff;
	_ =	sdelay $0x4  }
0x92: {  	s18 =	sor.u32 s15, s14;
	s14 =	smov.u32 s17  }
0x93: {  	s17 =	sor.u32 $0x380, s18;
	[tilespmem:s13+$0x6300] =	vst v0  }
0x94: {  	v0 =	vld [tilespmem:s17+$0x3000];
	_ =	sdelay $0x4  }
0x95: {  	v2 =	vadd.s32 $0x2, v0;
	_ =	sdelay $0x2  }
0x96: {  	v1 =	vld.idx.msk [tilespmem:v0+s2+$0x0], $0xffff;
	_ =	sdelay $0x1  }
0x97: {  	v0 =	vadd.s32 $0x1, v0;
	_ =	sdelay $0x3  }
0x98: {  	[tilespmem:s17+$0x4000] =	vst v1  }
0x99: {  	v0 =	vld.idx.msk [tilespmem:v0+s2+$0x0], $0xffff;
	_ =	sdelay $0x2  }
0x9a: {  	s15 =	sadd.s32 $0x80, s15  }
0x9b: {  	s18 =	sand.u32 $0xC00, s15;
	s17 =	sand.u32 $0x70, s14  }
0x9c: {  	s19 =	sor.u32 s17, s18;
	s18 =	sor.u32 s18, s14  }
0x9d: {  	v1 =	vld [tilespmem:s19+$0x3000];
	[tilespmem:s13+$0x5380] =	vst v0  }
.Ltmp0:
0x9e: {  	v3 =	vld.idx.msk [tilespmem:v2+s2+$0x0], $0xffff;
	(pc) =	sbr.rel @p0 .LBB2_2-.Ltmp0, $2  }
0x9f: {  	_ =	sdelay $0x2  }
0xa0: {  	v2 =	vadd.s32 $0x1, v1;
	v0 =	vadd.s32 $0x2, v1  }
0xa1: {  	_ =	sdelay $0x2  }
0xa2: {  	[tilespmem:s13+$0x6380] =	vst v3  }
0xa3: {  	v1 =	vld.idx.msk [tilespmem:v1+s2+$0x0], $0xffff;
	_ =	sdelay $0x4  }
0xa4: {  	[tilespmem:s19+$0x4000] =	vst v1  }
0xa5: {  	v1 =	vld.idx.msk [tilespmem:v2+s2+$0x0], $0xffff;
	_ =	sdelay $0x3  }
0xa6: {  	v51 =	vld [tilespmem:s19+$0x3080]  }
0xa7: {  	[tilespmem:s19+$0x5000] =	vst v1  }
0xa8: {  	v0 =	vld.idx.msk [tilespmem:v0+s2+$0x0], $0xffff;
	_ =	sdelay $0x4  }
0xa9: {  	[tilespmem:s19+$0x6000] =	vst v0  }
0xaa: {  	v0 =	vld.idx.msk [tilespmem:v51+s2+$0x0], $0xffff  }
0xab: {  	v52 =	vadd.s32 $0x1, v51;
	_ =	sdelay $0x3  }
0xac: {  	[tilespmem:s19+$0x4080] =	vst v0  }
0xad: {  	v0 =	vld.idx.msk [tilespmem:v52+s2+$0x0], $0xffff  }
0xae: {  	v1 =	vadd.s32 $0x2, v51;
	_ =	sdelay $0x2  }
0xaf: {  	v53 =	vld [tilespmem:s19+$0x3100]  }
0xb0: {  	[tilespmem:s19+$0x5080] =	vst v0  }
0xb1: {  	v1 =	vld.idx.msk [tilespmem:v1+s2+$0x0], $0xffff;
	_ =	sdelay $0x4  }
0xb2: {  	[tilespmem:s19+$0x6080] =	vst v1  }
0xb3: {  	v1 =	vld.idx.msk [tilespmem:v53+s2+$0x0], $0xffff  }
0xb4: {  	v54 =	vadd.s32 $0x1, v53;
	_ =	sdelay $0x3  }
0xb5: {  	[tilespmem:s19+$0x4100] =	vst v1  }
0xb6: {  	v1 =	vld.idx.msk [tilespmem:v54+s2+$0x0], $0xffff  }
0xb7: {  	v0 =	vadd.s32 $0x2, v53;
	_ =	sdelay $0x3  }
0xb8: {  	[tilespmem:s19+$0x5100] =	vst v1  }
0xb9: {  	v0 =	vld.idx.msk [tilespmem:v0+s2+$0x0], $0xffff;
	_ =	sdelay $0x4  }
0xba: {  	s30 =	sor.u32 $0x180, s18;
	[tilespmem:s19+$0x6100] =	vst v0  }
0xbb: {  	v0 =	vld [tilespmem:s30+$0x3000];
	_ =	sdelay $0x7  }
0xbc: {  	v1 =	vld.idx.msk [tilespmem:v0+s2+$0x0], $0xffff  }
0xbd: {  	v55 =	vadd.s32 $0x1, v0;
	_ =	sdelay $0x3  }
0xbe: {  	[tilespmem:s30+$0x4000] =	vst v1  }
0xbf: {  	v1 =	vld.idx.msk [tilespmem:v55+s2+$0x0], $0xffff  }
0xc0: {  	v0 =	vadd.s32 $0x2, v0;
	_ =	sdelay $0x2  }
0xc1: {  	v56 =	vld [tilespmem:s19+$0x3200]  }
0xc2: {  	[tilespmem:s19+$0x5180] =	vst v1  }
0xc3: {  	v0 =	vld.idx.msk [tilespmem:v0+s2+$0x0], $0xffff;
	_ =	sdelay $0x4  }
0xc4: {  	[tilespmem:s19+$0x6180] =	vst v0  }
0xc5: {  	v0 =	vld.idx.msk [tilespmem:v56+s2+$0x0], $0xffff  }
0xc6: {  	v57 =	vadd.s32 $0x1, v56;
	_ =	sdelay $0x3  }
0xc7: {  	[tilespmem:s19+$0x4200] =	vst v0  }
0xc8: {  	v0 =	vld.idx.msk [tilespmem:v57+s2+$0x0], $0xffff  }
0xc9: {  	v1 =	vadd.s32 $0x2, v56;
	_ =	sdelay $0x2  }
0xca: {  	v58 =	vld [tilespmem:s19+$0x3280]  }
0xcb: {  	[tilespmem:s19+$0x5200] =	vst v0  }
0xcc: {  	v1 =	vld.idx.msk [tilespmem:v1+s2+$0x0], $0xffff;
	_ =	sdelay $0x4  }
0xcd: {  	[tilespmem:s19+$0x6200] =	vst v1  }
0xce: {  	v1 =	vld.idx.msk [tilespmem:v58+s2+$0x0], $0xffff  }
0xcf: {  	v59 =	vadd.s32 $0x1, v58;
	_ =	sdelay $0x3  }
0xd0: {  	[tilespmem:s19+$0x4280] =	vst v1  }
0xd1: {  	v1 =	vld.idx.msk [tilespmem:v59+s2+$0x0], $0xffff  }
0xd2: {  	v0 =	vadd.s32 $0x2, v58;
	_ =	sdelay $0x2  }
0xd3: {  	v60 =	vld [tilespmem:s19+$0x3300]  }
0xd4: {  	[tilespmem:s19+$0x5280] =	vst v1  }
0xd5: {  	v0 =	vld.idx.msk [tilespmem:v0+s2+$0x0], $0xffff;
	_ =	sdelay $0x4  }
0xd6: {  	[tilespmem:s19+$0x6280] =	vst v0  }
0xd7: {  	v0 =	vld.idx.msk [tilespmem:v60+s2+$0x0], $0xffff  }
0xd8: {  	v61 =	vadd.s32 $0x1, v60;
	_ =	sdelay $0x3  }
0xd9: {  	[tilespmem:s19+$0x4300] =	vst v0  }
0xda: {  	v0 =	vld.idx.msk [tilespmem:v61+s2+$0x0], $0xffff  }
0xdb: {  	v1 =	vadd.s32 $0x2, v60;
	_ =	sdelay $0x3  }
0xdc: {  	[tilespmem:s19+$0x5300] =	vst v0  }
0xdd: {  	v0 =	vld.idx.msk [tilespmem:v1+s2+$0x0], $0xffff;
	_ =	sdelay $0x3  }
0xde: {  	s31 =	sor.u32 s15, s14  }
0xdf: {  	s13 =	sor.u32 $0x380, s31;
	[tilespmem:s19+$0x6300] =	vst v0  }
0xe0: {  	v0 =	vld [tilespmem:s13+$0x3000];
	_ =	sdelay $0x7  }
0xe1: {  	v62 =	vld.idx.msk [tilespmem:v0+s2+$0x0], $0xffff  }
0xe2: {  	v63 =	vadd.s32 $0x1, v0;
	_ =	sdelay $0x3  }
0xe3: {  	[tilespmem:s13+$0x4000] =	vst v62  }
0xe4: {  	v1 =	vld.idx.msk [tilespmem:v63+s2+$0x0], $0xffff  }
0xe5: {  	v0 =	vadd.s32 $0x2, v0;
	_ =	sdelay $0x3  }
0xe6: {  	[tilespmem:s19+$0x5380] =	vst v1  }
0xe7: {  	v0 =	vld.idx.msk [tilespmem:v0+s2+$0x0], $0xffff;
	_ =	sdelay $0x2  }
0xe8: {  	s12 =	sadd.s32 $0x1, s12  }
0xe9: {  	p0 =	sne.s32 s12, s6  }
.Ltmp1:
0xea: {  	[tilespmem:s19+$0x6380] =	vst v0;
	(pc) =	sbr.rel @p0 .LBB2_1-.Ltmp1, $4  }
0xeb: {  	[hbm4b:s5+s2] =	stream.linear.scatter [tilespmem:s11], [sflag:$0x1], $0x3000, $0x38;
	[tilespmem:$0x7000] =	vst v63  }
0xec: {  	_ =	swait.ge [sflag:s9], $0x3000  }
0xed: {  	[sflag:s9] =	ssyncset.done $0x0  }
0xee: {  	[sflag:s9] =	ssyncadd.s32 $0xFFFFD000  }
0xef: {  	_ =	sfence.sel $0x180000  }
0xf0: {  	[bflag:$0x0] =	sbarrier.arrive $0xFFFF  }
0xf1: {  	p0 =	sne.s32 s0, $0x0;
	_ =	strace $0x90000047  }
0xf2: {  	s0 =	sadd.s32 @!p0 $0x100000, s1;
	[bflag:$0x2] =	sbarrier.arrive $0xFFFF  }
0xf3: {  	[sflag:s0] =	ssyncadd.tile.s32 @!p0 $0x1;
	_ =	shalt  }
.Lfunc_end2:
_tile_overlayer_lowered:
.L_overlay_start_2:
0xf4: {  	(tag) =	ssettag $0x2  }
0xf5: {  	s0 =	rddreg [dreg:$0x0];
	s2 =	stileid.u32  }
0xf6: {  	s1 =	rddreg [dreg:$0x1];
	p0 =	sne.s32 s2, $0x0  }
0xf7: {  	s3 =	rddreg [dreg:$0x2];
	[bflag:$0x3] =	sbarrier.arrive $0xFFFF;
	s2 =	simm.s32 @!p0 $0x1C01  }
0xf8: {  	[timem:s3], [sflag:s2] =	dma.local @!p0 [hbm:s0], s1  }
0xf9: {  	s0 =	simm.s32 @!p0 $0x1  }
0xfa: {  	_ =	swait.ge @!p0 [sflag:s0], s1  }
0xfb: {  	s1 =	ssub.s32 @!p0 $0x0, s1;
	[sflag:s0] =	ssyncset.done @!p0 $0x0  }
0xfc: {  	[sflag:s0] =	ssyncadd.s32 @!p0 s1  }
0xfd: {  	[bflag:$0x3] =	sbarrier.arrive $0xFFFF  }
0xfe: {  	_ =	shalt  }

</sc_bundles>
